<compile_context>
chip_gen: v7x
topology: tpu7x:2x2x1
jax: 0.10.2.dev20260603
libtpu: 0.0.44.dev20260713+nightly
codegen_flags: <defaults>
</compile_context>

<pallas_src>
import jax
import jax.numpy as jnp
from jax import lax
from jax.experimental import pallas as pl
from jax.experimental.pallas import tpu as pltpu
from jax.experimental.pallas import tpu_sc as plsc

N = 100000
B = 32768
D_MEM = 128
D_MSG = 16
D_TIME = 32
D_OUT = 128

_BLK = 2048


def _dense_body(mem_src_ref, mem_dst_ref, msg_ref, t_ref, lu_src_ref,
                w_t_ref, b_t_ref, W_nbr_ref, W_upd_ref,
                m_ref, upd_ref):
    mem_src = mem_src_ref[...]
    mem_dst = mem_dst_ref[...]
    msg = msg_ref[...]
    rel = lu_src_ref[...] - t_ref[...]
    w_t = w_t_ref[...]
    b_t = b_t_ref[...]
    enc_rel = jnp.cos(rel * w_t + b_t)
    enc_t = jnp.cos((-rel) * w_t + b_t)
    nbr_in = jnp.concatenate([mem_src, msg, enc_rel], axis=1)
    m_ref[...] = jax.nn.relu(
        jax.lax.dot(nbr_in, W_nbr_ref[...],
                    preferred_element_type=jnp.float32))
    upd_in = jnp.concatenate([mem_src, mem_dst, msg, enc_t], axis=1)
    upd_ref[...] = jnp.tanh(
        jax.lax.dot(upd_in, W_upd_ref[...],
                    preferred_element_type=jnp.float32))


def _dense(mem_src, mem_dst, msg, t, lu_src, w_t, b_t, W_nbr, W_upd):
    grid = (B // _BLK,)
    row_spec = lambda d: pl.BlockSpec((_BLK, d), lambda i: (i, 0))
    full = lambda a, b: pl.BlockSpec((a, b), lambda i: (0, 0))
    return pl.pallas_call(
        _dense_body,
        grid=grid,
        in_specs=[
            row_spec(D_MEM), row_spec(D_MEM), row_spec(D_MSG),
            row_spec(1), row_spec(1),
            full(1, D_TIME), full(1, D_TIME),
            full(D_MEM + D_MSG + D_TIME, D_OUT),
            full(2 * D_MEM + D_MSG + D_TIME, D_MEM),
        ],
        out_specs=[row_spec(D_OUT), row_spec(D_MEM)],
        out_shape=[
            jax.ShapeDtypeStruct((B, D_OUT), jnp.float32),
            jax.ShapeDtypeStruct((B, D_MEM), jnp.float32),
        ],
    )(mem_src, mem_dst, msg, t, lu_src, w_t, b_t, W_nbr, W_upd)


def _head_body(mem_src_ref, mem_dst_ref, as_ref, ad_ref, W_self_ref,
               hs_ref, hd_ref):
    W_self = W_self_ref[...]
    hs_ref[...] = jax.nn.relu(
        jax.lax.dot(mem_src_ref[...], W_self,
                    preferred_element_type=jnp.float32) + as_ref[...])
    hd_ref[...] = jax.nn.relu(
        jax.lax.dot(mem_dst_ref[...], W_self,
                    preferred_element_type=jnp.float32) + ad_ref[...])


def _head(mem_src, mem_dst, agg_src, agg_dst, W_self):
    grid = (B // _BLK,)
    row_spec = lambda d: pl.BlockSpec((_BLK, d), lambda i: (i, 0))
    full = lambda a, b: pl.BlockSpec((a, b), lambda i: (0, 0))
    return pl.pallas_call(
        _head_body,
        grid=grid,
        in_specs=[row_spec(D_MEM), row_spec(D_MEM),
                  row_spec(D_OUT), row_spec(D_OUT),
                  full(D_MEM, D_OUT)],
        out_specs=[row_spec(D_OUT), row_spec(D_OUT)],
        out_shape=[
            jax.ShapeDtypeStruct((B, D_OUT), jnp.float32),
            jax.ShapeDtypeStruct((B, D_OUT), jnp.float32),
        ],
    )(mem_src, mem_dst, agg_src, agg_dst, W_self)


_INFO = plsc.get_sparse_core_info()
_NC, _NS = _INFO.num_cores, _INFO.num_subcores
_NW = _NC * _NS
_EV_W = B // _NW
_CH = 512


def _gather_body(mem_hbm, ei_hbm, lu_hbm, ms_out, md_out, lus_out,
                 idx_v, rows_v, lu_v, sem):
    wid = lax.axis_index("s") * _NC + lax.axis_index("c")
    base = wid * _EV_W
    pltpu.sync_copy(ei_hbm.at[0, pl.ds(base, _EV_W)], idx_v)
    pltpu.async_copy(lu_hbm.at[idx_v], lu_v, sem).wait()
    pltpu.sync_copy(lu_v, lus_out.at[pl.ds(base, _EV_W)])
    for half in range(_EV_W // _CH):
        off = half * _CH
        pltpu.async_copy(mem_hbm.at[idx_v.at[pl.ds(off, _CH)]], rows_v,
                         sem).wait()
        pltpu.sync_copy(rows_v, ms_out.at[pl.ds(base + off, _CH)])
    pltpu.sync_copy(ei_hbm.at[1, pl.ds(base, _EV_W)], idx_v)
    for half in range(_EV_W // _CH):
        off = half * _CH
        pltpu.async_copy(mem_hbm.at[idx_v.at[pl.ds(off, _CH)]], rows_v,
                         sem).wait()
        pltpu.sync_copy(rows_v, md_out.at[pl.ds(base + off, _CH)])


_sc_gather = pl.kernel(
    _gather_body,
    out_type=[
        jax.ShapeDtypeStruct((B, D_MEM), jnp.float32),
        jax.ShapeDtypeStruct((B, D_MEM), jnp.float32),
        jax.ShapeDtypeStruct((B,), jnp.float32),
    ],
    mesh=plsc.VectorSubcoreMesh(core_axis_name="c", subcore_axis_name="s"),
    scratch_types=[
        pltpu.VMEM((_EV_W,), jnp.int32),
        pltpu.VMEM((_CH, D_MEM), jnp.float32),
        pltpu.VMEM((_EV_W,), jnp.float32),
        pltpu.SemaphoreType.DMA,
    ],
)


_AGG_R = 13055
_AGG_PASSES = (N + 2 * _AGG_R - 1) // (2 * _AGG_R)
_EV_T = B // _NS
_ACH = 64
_CROWS = (_EV_T + _ACH - 1) // _ACH + 1
_ZSH = (_AGG_R + 1) // _NS
_ZCH = 48


def _agg_compact(ev_ref, base, iota, cv, cb, sid):
    def compact(j, off):
        v = ev_ref[pl.ds(j * 16, 16)]
        rel = v - base
        m_in = (rel >= 0) & (rel < _AGG_R)
        bv = sid * _EV_T + j * 16 + iota
        plsc.store_compressed(cv.at[pl.ds(off, 16)], rel, mask=m_in)
        plsc.store_compressed(cb.at[pl.ds(off, 16)], bv, mask=m_in)
        return off + jnp.sum(m_in.astype(jnp.int32))
    return lax.fori_loop(0, _EV_T // 16, compact, jnp.int32(0))


def _agg_pad(cv, cb, off, iota, padv, padb):
    nch = (off + _ACH - 1) // _ACH

    def pad(j, _):
        mval = (j * 16 + iota) < off
        cv[pl.ds(j * 16, 16)] = jnp.where(mval, cv[pl.ds(j * 16, 16)], padv)
        cb[pl.ds(j * 16, 16)] = jnp.where(mval, cb[pl.ds(j * 16, 16)], padb)
        return 0
    lax.fori_loop(off // 16, nch * (_ACH // 16), pad, 0)
    return nch


def _agg_tocol(cv, cv2, nch):
    vpr = _ACH // 16

    def tocol(j, _):
        cv2[j // vpr, pl.ds((j % vpr) * 16, 16)] = cv[pl.ds(j * 16, 16)]
        return 0
    lax.fori_loop(0, nch * vpr, tocol, 0)


def _agg_body(ei_hbm, m_hbm, as_hbm, ad_hbm,
              ev_src, ev_dst, cvd, cbd, cvs, cbs, cv2, rows,
              shared, sem):
    sid = lax.axis_index("s")
    core = lax.axis_index("c")
    iota = lax.iota(jnp.int32, 16)
    z16 = jnp.zeros((16,), jnp.float32)
    pltpu.sync_copy(ei_hbm.at[0, pl.ds(sid * _EV_T, _EV_T)], ev_src)
    pltpu.sync_copy(ei_hbm.at[1, pl.ds(sid * _EV_T, _EV_T)], ev_dst)

    def one_pass(r, _):
        base = r * (2 * _AGG_R) + core * _AGG_R

        def zb(i, _):
            rows[i // 8, pl.ds((i % 8) * 16, 16)] = z16
            return 0
        lax.fori_loop(0, _ACH * 8, zb, 0)

        def zero(q, _):
            pltpu.sync_copy(rows.at[pl.ds(0, _ZCH)],
                            shared.at[pl.ds(sid * _ZSH + q * _ZCH, _ZCH)])
            return 0
        lax.fori_loop(0, _ZSH // _ZCH, zero, 0)
        plsc.subcore_barrier()

        offd = _agg_compact(ev_dst, base, iota, cvd, cbd, sid)
        nchd = _agg_pad(cvd, cbd, offd, iota,
                        jnp.zeros((16,), jnp.int32) + _AGG_R,
                        jnp.zeros((16,), jnp.int32))
        _agg_tocol(cvd, cv2, nchd)

        def add_chunk(c, _):
            pltpu.async_copy(m_hbm.at[cbd.at[pl.ds(c * _ACH, _ACH)]], rows,
                             sem).wait()
            pltpu.sync_copy(rows, shared.at[cv2.at[c]], add=True)
            return 0
        lax.fori_loop(0, nchd, add_chunk, 0)
        plsc.subcore_barrier()

        def emit(cv, cb, off, out_hbm):
            @pl.when(off > 0)
            def _():
                lastv = plsc.load_gather(cv, [iota * 0 + off - 1])
                lastb = plsc.load_gather(cb, [iota * 0 + off - 1])
                nch = _agg_pad(cv, cb, off, iota, lastv, lastb)
                _agg_tocol(cb, cv2, nch)

                def out_chunk(c, _):
                    pltpu.async_copy(
                        shared.at[cv.at[pl.ds(c * _ACH, _ACH)]], rows,
                        sem).wait()
                    pltpu.sync_copy(rows, out_hbm.at[cv2.at[c]])
                    return 0
                lax.fori_loop(0, nch, out_chunk, 0)

        offs = _agg_compact(ev_src, base, iota, cvs, cbs, sid)
        emit(cvs, cbs, offs, as_hbm)
        emit(cvd, cbd, offd, ad_hbm)
        plsc.subcore_barrier()
        return 0
    lax.fori_loop(0, _AGG_PASSES, one_pass, 0)


_sc_agg = pl.kernel(
    _agg_body,
    out_type=[
        jax.ShapeDtypeStruct((B, D_OUT), jnp.float32),
        jax.ShapeDtypeStruct((B, D_OUT), jnp.float32),
    ],
    mesh=plsc.VectorSubcoreMesh(core_axis_name="c", subcore_axis_name="s"),
    scratch_types=[
        pltpu.VMEM((_EV_T,), jnp.int32),
        pltpu.VMEM((_EV_T,), jnp.int32),
        pltpu.VMEM((_EV_T + 16,), jnp.int32),
        pltpu.VMEM((_EV_T + 16,), jnp.int32),
        pltpu.VMEM((_EV_T + 16,), jnp.int32),
        pltpu.VMEM((_EV_T + 16,), jnp.int32),
        pltpu.VMEM((_CROWS, _ACH), jnp.int32),
        pltpu.VMEM((_ACH, D_OUT), jnp.float32),
        pltpu.VMEM_SHARED((_AGG_R + 1, D_OUT), jnp.float32),
        pltpu.SemaphoreType.DMA,
    ],
    compiler_params=pltpu.CompilerParams(needs_layout_passes=False),
)


_CHK = 128
_OWN = 3200
_LAST = N - (_NW - 1) * _OWN
_PCAP = _OWN
_STRIP = 2048
_NSTRIP = B // _STRIP


def _update_body(mem_hbm, ei_hbm, t_hbm, lu_hbm, upd_hbm,
                 newmem_hbm, newlu_hbm,
                 ss, cv, cb, pos, wn1, wp1, wn2, wrows, bufa, bufb, luv, twv,
                 sem, seml, sems):
    wid = lax.axis_index("s") * _NC + lax.axis_index("c")
    base = wid * _OWN
    iota = lax.iota(jnp.int32, 16)
    neg1 = jnp.zeros((16,), jnp.int32) - 1

    nch = (jnp.minimum(jnp.int32(_OWN), jnp.int32(N) - base)) // _CHK
    pltpu.async_copy(mem_hbm.at[pl.ds(base, _CHK)], bufa, seml)

    def p1(i, _):
        pos[pl.ds(i * 16, 16)] = neg1
        return 0
    lax.fori_loop(0, _PCAP // 16, p1, 0)

    def p2(s, _):
        pltpu.sync_copy(ei_hbm.at[0, pl.ds(s * _STRIP, _STRIP)], ss)

        def compact(j, off):
            v = ss[pl.ds(j * 16, 16)]
            slot = v - base
            own = (slot >= 0) & (slot < _OWN)
            bv = s * _STRIP + j * 16 + iota
            plsc.store_compressed(cv.at[pl.ds(off, 16)], slot, mask=own)
            plsc.store_compressed(cb.at[pl.ds(off, 16)], bv, mask=own)
            return off + jnp.sum(own.astype(jnp.int32))
        off = lax.fori_loop(0, _STRIP // 16, compact, jnp.int32(0))

        def scat(k, _):
            sl = cv[pl.ds(k * 16, 16)]
            bvv = cb[pl.ds(k * 16, 16)]
            valid = (k * 16 + iota) < off
            _, lastm = plsc.scan_count(sl, valid)
            plsc.store_scatter(pos, [sl], bvv, mask=lastm & valid)
            return 0
        lax.fori_loop(0, (off + 15) // 16, scat, 0)
        return 0
    lax.fori_loop(0, _NSTRIP, p2, 0)

    def p3(j, w):
        p = pos[pl.ds(j * 16, 16)]
        m = p >= 0
        node = base + j * 16 + iota
        plsc.store_compressed(wn1.at[pl.ds(w, 16)], node, mask=m)
        plsc.store_compressed(wp1.at[pl.ds(w, 16)], p, mask=m)
        return w + jnp.sum(m.astype(jnp.int32))
    w_cnt = lax.fori_loop(0, _PCAP // 16, p3, jnp.int32(0))

    n_wchunk = (w_cnt + _CHK - 1) // _CHK

    @pl.when(w_cnt > 0)
    def _():
        z16 = jnp.zeros((16,), jnp.int32)
        padn = plsc.load_gather(wn1, [z16])
        padp = plsc.load_gather(wp1, [z16])

        def pad(j, _):
            mval = (j * 16 + iota) < w_cnt
            wn1[pl.ds(j * 16, 16)] = jnp.where(mval, wn1[pl.ds(j * 16, 16)],
                                               padn)
            wp1[pl.ds(j * 16, 16)] = jnp.where(mval, wp1[pl.ds(j * 16, 16)],
                                               padp)
            return 0
        lax.fori_loop(w_cnt // 16, n_wchunk * (_CHK // 16), pad, 0)

        def tocol(j, _):
            wn2[j // 8, pl.ds((j % 8) * 16, 16)] = wn1[pl.ds(j * 16, 16)]
            return 0
        lax.fori_loop(0, n_wchunk * (_CHK // 16), tocol, 0)

    def _stage(cur, other, k):
        @pl.when(k >= 1)
        def _():
            pltpu.make_async_copy(
                other, newmem_hbm.at[pl.ds(base + (k - 1) * _CHK, _CHK)],
                sems).wait()

        @pl.when(k + 1 < nch)
        def _():
            pltpu.async_copy(mem_hbm.at[pl.ds(base + (k + 1) * _CHK, _CHK)],
                             other, seml)
        pltpu.make_async_copy(mem_hbm.at[pl.ds(base + k * _CHK, _CHK)], cur,
                              seml).wait()
        pltpu.async_copy(cur, newmem_hbm.at[pl.ds(base + k * _CHK, _CHK)],
                         sems)

    def copy_body(k, _):
        @pl.when(k % 2 == 0)
        def _():
            _stage(bufa, bufb, k)

        @pl.when(k % 2 == 1)
        def _():
            _stage(bufb, bufa, k)
        return 0
    lax.fori_loop(0, nch, copy_body, 0)
    pltpu.make_async_copy(bufa, newmem_hbm.at[pl.ds(base, _CHK)], sems).wait()

    @pl.when(wid == _NW - 1)
    def _():
        lb = (_NW - 1) * _OWN + (_LAST // _CHK) * _CHK
        pltpu.sync_copy(mem_hbm.at[pl.ds(lb, N - lb)],
                        bufa.at[pl.ds(0, N - lb)])
        pltpu.sync_copy(bufa.at[pl.ds(0, N - lb)],
                        newmem_hbm.at[pl.ds(lb, N - lb)])

    @pl.when(wid < _NW - 1)
    def _():
        pltpu.sync_copy(lu_hbm.at[pl.ds(base, _OWN)], luv)
        pltpu.sync_copy(luv, newlu_hbm.at[pl.ds(base, _OWN)])

    @pl.when(wid == _NW - 1)
    def _():
        lb = (_NW - 1) * _OWN
        pltpu.sync_copy(lu_hbm.at[pl.ds(lb, _LAST)], luv.at[pl.ds(0, _LAST)])
        pltpu.sync_copy(luv.at[pl.ds(0, _LAST)], newlu_hbm.at[pl.ds(lb, _LAST)])

    def winner_chunk(c2, _):
        pltpu.async_copy(upd_hbm.at[wp1.at[pl.ds(c2 * _CHK, _CHK)]], wrows,
                         sem).wait()
        pltpu.sync_copy(wrows, newmem_hbm.at[wn2.at[c2]])
        pltpu.async_copy(t_hbm.at[wp1.at[pl.ds(c2 * _CHK, _CHK)]], twv,
                         sem).wait()
        pltpu.sync_copy(twv, newlu_hbm.at[wn2.at[c2]])
        return 0
    lax.fori_loop(0, n_wchunk, winner_chunk, 0)


_sc_update = pl.kernel(
    _update_body,
    out_type=[
        jax.ShapeDtypeStruct((N, D_MEM), jnp.float32),
        jax.ShapeDtypeStruct((N,), jnp.float32),
    ],
    mesh=plsc.VectorSubcoreMesh(core_axis_name="c", subcore_axis_name="s"),
    scratch_types=[
        pltpu.VMEM((_STRIP,), jnp.int32),
        pltpu.VMEM((_STRIP + 16,), jnp.int32),
        pltpu.VMEM((_STRIP + 16,), jnp.int32),
        pltpu.VMEM((_PCAP,), jnp.int32),
        pltpu.VMEM((_PCAP + 16,), jnp.int32),
        pltpu.VMEM((_PCAP + 16,), jnp.int32),
        pltpu.VMEM((_PCAP // _CHK, _CHK), jnp.int32),
        pltpu.VMEM((_CHK, D_MEM), jnp.float32),
        pltpu.VMEM((_CHK, D_MEM), jnp.float32),
        pltpu.VMEM((_CHK, D_MEM), jnp.float32),
        pltpu.VMEM((_OWN,), jnp.float32),
        pltpu.VMEM((_CHK,), jnp.float32),
        pltpu.SemaphoreType.DMA,
        pltpu.SemaphoreType.DMA,
        pltpu.SemaphoreType.DMA,
    ],
    compiler_params=pltpu.CompilerParams(needs_layout_passes=False),
)


def kernel(edge_index, t, msg, memory, last_update, w_t, b_t, W_nbr, W_self, W_upd):
    src, dst = edge_index[0], edge_index[1]
    mem_src, mem_dst, lu_src = _sc_gather(memory, edge_index, last_update)
    t2 = t[:, None]
    lu2 = lu_src[:, None]
    m, upd = _dense(
        mem_src, mem_dst, msg, t2, lu2, w_t, b_t.reshape(1, D_TIME),
        W_nbr, W_upd)
    agg_src, agg_dst = _sc_agg(edge_index, m)
    new_memory, new_last_update = _sc_update(
        memory, edge_index, t, last_update, upd)
    h_src, h_dst = _head(mem_src, mem_dst, agg_src, agg_dst, W_self)
    return (h_src, h_dst, new_memory, new_last_update)

# --- scband reference (transcript-rebuilt; emitter-appended) ---
"""Pipeline reference for scband-tgnencoder-24747601560062 (READ-ONLY COPY).

The authoritative reference and input builder live on the scoring server;
editing this copy changes nothing except your own understanding.
"""

import jax, jax.numpy as jnp
import numpy as np

N = 100000
B = 32768
D_MEM = 128
D_MSG = 16
D_TIME = 32
D_OUT = 128


def setup_inputs(seed: int = 0) -> dict:
    key = jax.random.key(seed)
    ks = jax.random.split(key, 12)
    edge_index = jax.random.randint(ks[0], (2, B), 0, N, dtype=jnp.int32)
    t = jax.random.uniform(ks[1], (B,), dtype=jnp.float32) * 1000.0
    msg = jax.random.normal(ks[2], (B, D_MSG), dtype=jnp.float32)
    memory = jax.random.normal(ks[3], (N, D_MEM), dtype=jnp.float32) * 0.1
    last_update = jax.random.uniform(ks[4], (N,), dtype=jnp.float32) * 1000.0
    w_t = jax.random.normal(ks[5], (1, D_TIME), dtype=jnp.float32) * 0.1
    b_t = jax.random.normal(ks[6], (D_TIME,), dtype=jnp.float32) * 0.1
    W_nbr = jax.random.normal(ks[7], (D_MEM + D_MSG + D_TIME, D_OUT), dtype=jnp.float32) * 0.05
    W_self = jax.random.normal(ks[8], (D_MEM, D_OUT), dtype=jnp.float32) * 0.05
    W_upd = jax.random.normal(ks[9], (2 * D_MEM + D_MSG + D_TIME, D_MEM), dtype=jnp.float32) * 0.05
    return {"edge_index": edge_index, "t": t, "msg": msg, "memory": memory,
            "last_update": last_update, "w_t": w_t, "b_t": b_t,
            "W_nbr": W_nbr, "W_self": W_self, "W_upd": W_upd}


def reference(edge_index, t, msg, memory, last_update, w_t, b_t, W_nbr, W_self, W_upd):
    src, dst = edge_index[0], edge_index[1]
    # neighbor_loader (simplified): local subgraph = current event batch
    n_id = jnp.unique(jnp.concatenate([src, dst]), size=2 * B, fill_value=0)
    num_local = n_id.shape[0]
    # assoc: global node id -> local index (scatter overwrite into assoc table)
    assoc = jnp.zeros((N,), dtype=jnp.int32).at[n_id].set(jnp.arange(num_local, dtype=jnp.int32))
    # memory gather: h, last_update = self.memory(n_id)
    h = memory[n_id]
    lu = last_update[n_id]
    src_l = assoc[src]
    dst_l = assoc[dst]
    # edge feats: msg + time encoding
    rel_t = lu[src_l] - t
    rel_t_enc = jnp.cos(rel_t[:, None] * w_t + b_t)
    edge_feats = jnp.concatenate([msg, rel_t_enc], axis=-1)
    # encoder: one message-passing layer
    m = jax.nn.relu(jnp.concatenate([h[src_l], edge_feats], axis=-1) @ W_nbr)
    agg = jax.ops.segment_sum(m, dst_l, num_segments=num_local)
    h_out = jax.nn.relu(h @ W_self + agg)
    h_src = h_out[src_l]
    h_dst = h_out[dst_l]
    # memory.update_state(src, dst, t, msg): scatter-overwrite memory rows (detached in training)
    t_enc_src = jnp.cos((t - last_update[src])[:, None] * w_t + b_t)
    upd_in = jnp.concatenate([memory[src], memory[dst], msg, t_enc_src], axis=-1)
    new_mem_src = jnp.tanh(upd_in @ W_upd)
    new_memory = memory.at[src].set(new_mem_src)
    new_last_update = last_update.at[src].set(t)
    return (h_src, h_dst, new_memory, new_last_update)

if __name__ == "__main__":
    import jax
    _d = setup_inputs()
    print(jax.jit(kernel)(*tuple(_d.values())))

</pallas_src>

<mosaic_0001>
#map = affine_map<(d0, d1) -> (0, 0)>
#map1 = affine_map<(d0, d1) -> (0)>
module attributes {stable_mosaic.version = 14 : i64} {
  func.func @_update_body(%arg0: i32, %arg1: i32, %arg2: memref<100000x128xf32, #tpu.memory_space<hbm>>, %arg3: memref<2x32768xi32, #tpu.memory_space<hbm>>, %arg4: memref<32768xf32, #tpu.memory_space<hbm>>, %arg5: memref<100000xf32, #tpu.memory_space<hbm>>, %arg6: memref<32768x128xf32, #tpu.memory_space<hbm>>, %arg7: memref<100000x128xf32, #tpu.memory_space<hbm>>, %arg8: memref<100000xf32, #tpu.memory_space<hbm>>, %arg9: memref<2048xi32, #tpu.memory_space<vmem>>, %arg10: memref<2064xi32, #tpu.memory_space<vmem>>, %arg11: memref<2064xi32, #tpu.memory_space<vmem>>, %arg12: memref<3200xi32, #tpu.memory_space<vmem>>, %arg13: memref<3216xi32, #tpu.memory_space<vmem>>, %arg14: memref<3216xi32, #tpu.memory_space<vmem>>, %arg15: memref<25x128xi32, #tpu.memory_space<vmem>>, %arg16: memref<128x128xf32, #tpu.memory_space<vmem>>, %arg17: memref<128x128xf32, #tpu.memory_space<vmem>>, %arg18: memref<128x128xf32, #tpu.memory_space<vmem>>, %arg19: memref<3200xf32, #tpu.memory_space<vmem>>, %arg20: memref<128xf32, #tpu.memory_space<vmem>>, %arg21: memref<!tpu.dma_semaphore, #tpu.memory_space<semaphore_mem>>, %arg22: memref<!tpu.dma_semaphore, #tpu.memory_space<semaphore_mem>>, %arg23: memref<!tpu.dma_semaphore, #tpu.memory_space<semaphore_mem>>) attributes {dimension_semantics = [#tpu.dimension_semantics<core_parallel>, #tpu.dimension_semantics<subcore_parallel>], iteration_bounds = array<i64: 2, 16>, scalar_prefetch = 0 : i64, scratch_operands = 15 : i64, tpu.core_type = #tpu.core_type<sc_vector_subcore>, window_params = [{transform_indices = #map}, {transform_indices = #map}, {transform_indices = #map1}, {transform_indices = #map1}, {transform_indices = #map}, {transform_indices = #map}, {transform_indices = #map1}]} {
    %mul3A = arith.constant 2 : i32
    %mul3A_0 = arith.muli %arg1, %mul3A : i32
    %add3A = arith.addi %mul3A_0, %arg0 : i32
    %mul3A_1 = arith.constant 3200 : i32
    %mul3A_2 = arith.muli %add3A, %mul3A_1 : i32
    %iota3A = tpu.iota {dimensions = array<i32: 0>} : vector<16xi32>
    %broadcast_in_dim3A = arith.constant 0 : i32
    %broadcast_in_dim3A_3 = vector.broadcast %broadcast_in_dim3A : i32 to vector<16xi32>
    %sub3A = arith.constant 1 : i32
    %sub3A_4 = vector.broadcast %sub3A : i32 to vector<16xi32>
    %sub3A_5 = arith.subi %broadcast_in_dim3A_3, %sub3A_4 : vector<16xi32>
    %sub3A_6 = arith.constant 100000 : i32
    %sub3A_7 = arith.subi %sub3A_6, %mul3A_2 : i32
    %min3A = arith.constant 3200 : i32
    %min3A_8 = arith.minsi %min3A, %sub3A_7 : i32
    %jit3A = arith.constant 128 : i32
    %div3A = arith.divsi %min3A_8, %jit3A : i32
    %sign3A = arith.constant 0 : i32
    %sign3A_9 = arith.cmpi sgt, %min3A_8, %sign3A : i32
    %sign3A_10 = arith.extui %sign3A_9 : i1 to i32
    %sign3A_11 = arith.constant 0 : i32
    %sign3A_12 = arith.cmpi slt, %min3A_8, %sign3A_11 : i32
    %sign3A_13 = arith.extui %sign3A_12 : i1 to i32
    %sign3A_14 = arith.subi %sign3A_10, %sign3A_13 : i32
    %sign3A_15 = arith.constant 0 : i32
    %sign3A_16 = arith.cmpi sgt, %jit3A, %sign3A_15 : i32
    %sign3A_17 = arith.extui %sign3A_16 : i1 to i32
    %sign3A_18 = arith.constant 0 : i32
    %sign3A_19 = arith.cmpi slt, %jit3A, %sign3A_18 : i32
    %sign3A_20 = arith.extui %sign3A_19 : i1 to i32
    %sign3A_21 = arith.subi %sign3A_17, %sign3A_20 : i32
    %ne3A = arith.cmpi ne, %sign3A_14, %sign3A_21 : i32
    %rem3A = arith.remsi %min3A_8, %jit3A : i32
    %ne3A_22 = arith.constant 0 : i32
    %ne3A_23 = arith.cmpi ne, %rem3A, %ne3A_22 : i32
    %and3A = arith.andi %ne3A, %ne3A_23 : i1
    %sub3A_24 = arith.constant 1 : i32
    %sub3A_25 = arith.subi %div3A, %sub3A_24 : i32
    %select_n3A = arith.select %and3A, %sub3A_25, %div3A : i32
    %dma_start3A = arith.constant 0 : i32
    %dma_start3A_26 = tpu.memref_slice %arg2[%mul3A_2, %dma_start3A] : memref<100000x128xf32, #tpu.memory_space<hbm>> -> memref<128x128xf32, #tpu.memory_space<hbm>>
    %dma_start3A_27 = arith.constant 0 : i32
    %dma_start3A_28 = tpu.memref_slice %arg2[%mul3A_2, %dma_start3A_27] : memref<100000x128xf32, #tpu.memory_space<hbm>> -> memref<128x128xf32, #tpu.memory_space<hbm>>
    tpu.enqueue_dma source(%dma_start3A_28 : memref<128x128xf32, #tpu.memory_space<hbm>>) target(%arg17 : memref<128x128xf32, #tpu.memory_space<vmem>>) target_semaphore(%arg22 : memref<!tpu.dma_semaphore, #tpu.memory_space<semaphore_mem>>)
    %scan3A = arith.constant 0 : i32
    %scan3A_29 = arith.constant 0 : i32
    %scan3A_30 = arith.constant 200 : i32
    %scan3A_31 = arith.addi %scan3A_29, %scan3A_30 : i32
    %scan3A_32 = arith.constant 1 : i32
    %scan3A_33 = scf.for %scan3A_118 = %scan3A_29 to %scan3A_31 step %scan3A_32 iter_args(%scan3A_119 = %scan3A) -> (i32)  : i32 {
      %mul3A_120 = arith.constant 16 : i32
      %mul3A_121 = arith.muli %scan3A_118, %mul3A_120 : i32
      %swap3A = arith.index_cast %mul3A_121 : i32 to index
      %swap3A_122 = tpu.vector_load %arg12[%swap3A] {strides = array<i32>} : memref<3200xi32, #tpu.memory_space<vmem>>, vector<16xi32>,
      tpu.vector_store %arg12[%swap3A], %sub3A_5 {strides = array<i32>} : memref<3200xi32, #tpu.memory_space<vmem>>, vector<16xi32>,
      %scan3A_123 = arith.constant 0 : i32
      scf.yield %scan3A_123 : i32
    }
    %scan3A_34 = arith.constant 200 : i32
    %scan3A_35 = arith.constant 0 : i32
    %scan3A_36 = arith.constant 0 : i32
    %scan3A_37 = arith.constant 16 : i32
    %scan3A_38 = arith.addi %scan3A_36, %scan3A_37 : i32
    %scan3A_39 = arith.constant 1 : i32
    %scan3A_40 = scf.for %scan3A_118 = %scan3A_36 to %scan3A_38 step %scan3A_39 iter_args(%scan3A_119 = %scan3A_35) -> (i32)  : i32 {
      %mul3A_120 = arith.constant 2048 : i32
      %mul3A_121 = arith.muli %scan3A_118, %mul3A_120 : i32
      %run_scoped3A = arith.constant 0 : i32
      "tpu.region"() ({
        %run_scoped3A_168 = tpu.sem_alloc : memref<!tpu.dma_semaphore, #tpu.memory_space<semaphore_mem>>
        %dma_start3A_169 = tpu.memref_slice %arg3[%run_scoped3A, %mul3A_121] : memref<2x32768xi32, #tpu.memory_space<hbm>> -> memref<1x2048xi32, #tpu.memory_space<hbm>>
        %dma_start3A_170 = tpu.memref_squeeze %dma_start3A_169 : memref<1x2048xi32, #tpu.memory_space<hbm>> -> memref<2048xi32, #tpu.memory_space<hbm>>
        %dma_start3A_171 = tpu.memref_slice %arg3[%run_scoped3A, %mul3A_121] : memref<2x32768xi32, #tpu.memory_space<hbm>> -> memref<1x2048xi32, #tpu.memory_space<hbm>>
        %dma_start3A_172 = tpu.memref_squeeze %dma_start3A_171 : memref<1x2048xi32, #tpu.memory_space<hbm>> -> memref<2048xi32, #tpu.memory_space<hbm>>
        tpu.enqueue_dma source(%dma_start3A_172 : memref<2048xi32, #tpu.memory_space<hbm>>) target(%arg9 : memref<2048xi32, #tpu.memory_space<vmem>>) target_semaphore(%run_scoped3A_168 : memref<!tpu.dma_semaphore, #tpu.memory_space<semaphore_mem>>)
        %dma_wait3A_173 = tpu.memref_slice %arg3[%run_scoped3A, %mul3A_121] : memref<2x32768xi32, #tpu.memory_space<hbm>> -> memref<1x2048xi32, #tpu.memory_space<hbm>>
        %dma_wait3A_174 = tpu.memref_squeeze %dma_wait3A_173 : memref<1x2048xi32, #tpu.memory_space<hbm>> -> memref<2048xi32, #tpu.memory_space<hbm>>
        %dma_wait3A_175 = tpu.memref_slice %arg3[%run_scoped3A, %mul3A_121] : memref<2x32768xi32, #tpu.memory_space<hbm>> -> memref<1x2048xi32, #tpu.memory_space<hbm>>
        %dma_wait3A_176 = tpu.memref_squeeze %dma_wait3A_175 : memref<1x2048xi32, #tpu.memory_space<hbm>> -> memref<2048xi32, #tpu.memory_space<hbm>>
        tpu.wait_dma2 semaphore(%run_scoped3A_168 : memref<!tpu.dma_semaphore, #tpu.memory_space<semaphore_mem>>) src(%dma_wait3A_176 : memref<2048xi32, #tpu.memory_space<hbm>>) dst(%arg9 : memref<2048xi32, #tpu.memory_space<vmem>>)
        tpu.yield
      }) : () -> ()
      %scan3A_122 = arith.constant 0 : i32
      %scan3A_123 = arith.constant 0 : i32
      %scan3A_124 = arith.constant 128 : i32
      %scan3A_125 = arith.addi %scan3A_123, %scan3A_124 : i32
      %scan3A_126 = arith.constant 1 : i32
      %scan3A_127 = scf.for %scan3A_168 = %scan3A_123 to %scan3A_125 step %scan3A_126 iter_args(%scan3A_169 = %scan3A_122) -> (i32)  : i32 {
        %mul3A_170 = arith.constant 16 : i32
        %mul3A_171 = arith.muli %scan3A_168, %mul3A_170 : i32
        %get3A = arith.index_cast %mul3A_171 : i32 to index
        %get3A_172 = tpu.vector_load %arg9[%get3A] {strides = array<i32>} : memref<2048xi32, #tpu.memory_space<vmem>>, vector<16xi32>,
        %sub3A_173 = vector.broadcast %mul3A_2 : i32 to vector<16xi32>
        %sub3A_174 = arith.subi %get3A_172, %sub3A_173 : vector<16xi32>
        %ge3A = arith.constant 0 : i32
        %ge3A_175 = vector.broadcast %ge3A : i32 to vector<16xi32>
        %ge3A_176 = arith.cmpi sge, %sub3A_174, %ge3A_175 : vector<16xi32>
        %lt3A_177 = arith.constant 3200 : i32
        %lt3A_178 = vector.broadcast %lt3A_177 : i32 to vector<16xi32>
        %lt3A_179 = arith.cmpi slt, %sub3A_174, %lt3A_178 : vector<16xi32>
        %and3A_180 = arith.andi %ge3A_176, %lt3A_179 : vector<16xi1>
        %mul3A_181 = arith.constant 2048 : i32
        %mul3A_182 = arith.muli %scan3A_118, %mul3A_181 : i32
        %mul3A_183 = arith.constant 16 : i32
        %mul3A_184 = arith.muli %scan3A_168, %mul3A_183 : i32
        %add3A_185 = arith.addi %mul3A_182, %mul3A_184 : i32
        %add3A_186 = vector.broadcast %add3A_185 : i32 to vector<16xi32>
        %add3A_187 = arith.addi %add3A_186, %iota3A : vector<16xi32>
        %swap3A = arith.index_cast %scan3A_169 : i32 to index
        %swap3A_188 = tpu.vector_load %arg10[%swap3A] masked %and3A_180 {strides = array<i32>} : memref<2064xi32, #tpu.memory_space<vmem>>, vector<16xi32>, vector<16xi1>
        tpu.vector_store %arg10[%swap3A], %sub3A_174 masked %and3A_180 {strides = array<i32>} : memref<2064xi32, #tpu.memory_space<vmem>>, vector<16xi32>, vector<16xi1>
        %swap3A_189 = arith.index_cast %scan3A_169 : i32 to index
        %swap3A_190 = tpu.vector_load %arg11[%swap3A_189] masked %and3A_180 {strides = array<i32>} : memref<2064xi32, #tpu.memory_space<vmem>>, vector<16xi32>, vector<16xi1>
        tpu.vector_store %arg11[%swap3A_189], %add3A_187 masked %and3A_180 {strides = array<i32>} : memref<2064xi32, #tpu.memory_space<vmem>>, vector<16xi32>, vector<16xi1>
        %convert_element_type3A_191 = arith.extui %and3A_180 : vector<16xi1> to vector<16xi32>
        %reduce_sum3A = arith.constant true
        %reduce_sum3A_192 = vector.broadcast %reduce_sum3A : i1 to vector<16xi1>
        %reduce_sum3A_193 = tpu.scan <sum>, %convert_element_type3A_191 masked %reduce_sum3A_192 : vector<16xi32>, vector<16xi1> -> vector<16xi32>
        %reduce_sum3A_194 = vector.extract %reduce_sum3A_193[15] : i32 from vector<16xi32>
        %add3A_195 = arith.addi %scan3A_169, %reduce_sum3A_194 : i32
        scf.yield %add3A_195 : i32
      }
      %scan3A_128 = arith.constant 128 : i32
      %add3A_129 = arith.constant 15 : i32
      %add3A_130 = arith.addi %scan3A_127, %add3A_129 : i32
      %jit3A_131 = arith.constant 16 : i32
      %div3A_132 = arith.divsi %add3A_130, %jit3A_131 : i32
      %sign3A_133 = arith.constant 0 : i32
      %sign3A_134 = arith.cmpi sgt, %add3A_130, %sign3A_133 : i32
      %sign3A_135 = arith.extui %sign3A_134 : i1 to i32
      %sign3A_136 = arith.constant 0 : i32
      %sign3A_137 = arith.cmpi slt, %add3A_130, %sign3A_136 : i32
      %sign3A_138 = arith.extui %sign3A_137 : i1 to i32
      %sign3A_139 = arith.subi %sign3A_135, %sign3A_138 : i32
      %sign3A_140 = arith.constant 0 : i32
      %sign3A_141 = arith.cmpi sgt, %jit3A_131, %sign3A_140 : i32
      %sign3A_142 = arith.extui %sign3A_141 : i1 to i32
      %sign3A_143 = arith.constant 0 : i32
      %sign3A_144 = arith.cmpi slt, %jit3A_131, %sign3A_143 : i32
      %sign3A_145 = arith.extui %sign3A_144 : i1 to i32
      %sign3A_146 = arith.subi %sign3A_142, %sign3A_145 : i32
      %ne3A_147 = arith.cmpi ne, %sign3A_139, %sign3A_146 : i32
      %rem3A_148 = arith.remsi %add3A_130, %jit3A_131 : i32
      %ne3A_149 = arith.constant 0 : i32
      %ne3A_150 = arith.cmpi ne, %rem3A_148, %ne3A_149 : i32
      %and3A_151 = arith.andi %ne3A_147, %ne3A_150 : i1
      %sub3A_152 = arith.constant 1 : i32
      %sub3A_153 = arith.subi %div3A_132, %sub3A_152 : i32
      %select_n3A_154 = arith.select %and3A_151, %sub3A_153, %div3A_132 : i32
      %while3A_155 = arith.constant 0 : i32
      %while3A_156 = arith.constant 0 : i32
      %while3A_157 = arith.subi %select_n3A_154, %while3A_155 : i32
      %while3A_158 = arith.addi %while3A_155, %while3A_157 : i32
      %while3A_159 = arith.constant 1 : i32
      %while3A_160 = arith.divsi %while3A_157, %while3A_159 : i32
      %while3A_161 = arith.muli %while3A_160, %while3A_159 : i32
      %while3A_162 = arith.addi %while3A_155, %while3A_161 : i32
      %while3A_163 = arith.constant 1 : i32
      %while3A_164 = scf.for %while3A_168 = %while3A_155 to %while3A_162 step %while3A_163 iter_args(%while3A_169 = %while3A_156) -> (i32)  : i32 {
        %mul3A_170 = arith.constant 16 : i32
        %mul3A_171 = arith.muli %while3A_168, %mul3A_170 : i32
        %get3A = arith.index_cast %mul3A_171 : i32 to index
        %get3A_172 = tpu.vector_load %arg10[%get3A] {strides = array<i32>} : memref<2064xi32, #tpu.memory_space<vmem>>, vector<16xi32>,
        %mul3A_173 = arith.constant 16 : i32
        %mul3A_174 = arith.muli %while3A_168, %mul3A_173 : i32
        %get3A_175 = arith.index_cast %mul3A_174 : i32 to index
        %get3A_176 = tpu.vector_load %arg11[%get3A_175] {strides = array<i32>} : memref<2064xi32, #tpu.memory_space<vmem>>, vector<16xi32>,
        %mul3A_177 = arith.constant 16 : i32
        %mul3A_178 = arith.muli %while3A_168, %mul3A_177 : i32
        %add3A_179 = vector.broadcast %mul3A_178 : i32 to vector<16xi32>
        %add3A_180 = arith.addi %add3A_179, %iota3A : vector<16xi32>
        %lt3A_181 = vector.broadcast %scan3A_127 : i32 to vector<16xi32>
        %lt3A_182 = arith.cmpi slt, %add3A_180, %lt3A_181 : vector<16xi32>
        %unique3A, %unique3A_183 = tpu.scan_count mask(%lt3A_182 : vector<16xi1>) value(%get3A_172 : vector<16xi32>) : vector<16xi1>, vector<16xi32>
        %and3A_184 = arith.andi %unique3A, %lt3A_182 : vector<16xi1>
        tpu.vector_store_idx %arg12[%get3A_172], %get3A_176 masked %and3A_184 : memref<3200xi32, #tpu.memory_space<vmem>>[vector<16xi32>], vector<16xi32>, vector<16xi1>
        %while3A_185 = arith.constant 0 : i32
        scf.yield %while3A_185 : i32
      }
      %while3A_165 = arith.constant 1 : i32
      %while3A_166 = scf.for %while3A_168 = %while3A_162 to %while3A_158 step %while3A_165 iter_args(%while3A_169 = %while3A_164) -> (i32)  : i32 {
        %mul3A_170 = arith.constant 16 : i32
        %mul3A_171 = arith.muli %while3A_168, %mul3A_170 : i32
        %get3A = arith.index_cast %mul3A_171 : i32 to index
        %get3A_172 = tpu.vector_load %arg10[%get3A] {strides = array<i32>} : memref<2064xi32, #tpu.memory_space<vmem>>, vector<16xi32>,
        %mul3A_173 = arith.constant 16 : i32
        %mul3A_174 = arith.muli %while3A_168, %mul3A_173 : i32
        %get3A_175 = arith.index_cast %mul3A_174 : i32 to index
        %get3A_176 = tpu.vector_load %arg11[%get3A_175] {strides = array<i32>} : memref<2064xi32, #tpu.memory_space<vmem>>, vector<16xi32>,
        %mul3A_177 = arith.constant 16 : i32
        %mul3A_178 = arith.muli %while3A_168, %mul3A_177 : i32
        %add3A_179 = vector.broadcast %mul3A_178 : i32 to vector<16xi32>
        %add3A_180 = arith.addi %add3A_179, %iota3A : vector<16xi32>
        %lt3A_181 = vector.broadcast %scan3A_127 : i32 to vector<16xi32>
        %lt3A_182 = arith.cmpi slt, %add3A_180, %lt3A_181 : vector<16xi32>
        %unique3A, %unique3A_183 = tpu.scan_count mask(%lt3A_182 : vector<16xi1>) value(%get3A_172 : vector<16xi32>) : vector<16xi1>, vector<16xi32>
        %and3A_184 = arith.andi %unique3A, %lt3A_182 : vector<16xi1>
        tpu.vector_store_idx %arg12[%get3A_172], %get3A_176 masked %and3A_184 : memref<3200xi32, #tpu.memory_space<vmem>>[vector<16xi32>], vector<16xi32>, vector<16xi1>
        %while3A_185 = arith.constant 0 : i32
        scf.yield %while3A_185 : i32
      }
      %scan3A_167 = arith.constant 0 : i32
      scf.yield %scan3A_167 : i32
    }
    %scan3A_41 = arith.constant 16 : i32
    %scan3A_42 = arith.constant 0 : i32
    %scan3A_43 = arith.constant 0 : i32
    %scan3A_44 = arith.constant 200 : i32
    %scan3A_45 = arith.addi %scan3A_43, %scan3A_44 : i32
    %scan3A_46 = arith.constant 1 : i32
    %scan3A_47 = scf.for %scan3A_118 = %scan3A_43 to %scan3A_45 step %scan3A_46 iter_args(%scan3A_119 = %scan3A_42) -> (i32)  : i32 {
      %mul3A_120 = arith.constant 16 : i32
      %mul3A_121 = arith.muli %scan3A_118, %mul3A_120 : i32
      %get3A = arith.index_cast %mul3A_121 : i32 to index
      %get3A_122 = tpu.vector_load %arg12[%get3A] {strides = array<i32>} : memref<3200xi32, #tpu.memory_space<vmem>>, vector<16xi32>,
      %ge3A = arith.constant 0 : i32
      %ge3A_123 = vector.broadcast %ge3A : i32 to vector<16xi32>
      %ge3A_124 = arith.cmpi sge, %get3A_122, %ge3A_123 : vector<16xi32>
      %mul3A_125 = arith.constant 16 : i32
      %mul3A_126 = arith.muli %scan3A_118, %mul3A_125 : i32
      %add3A_127 = arith.addi %mul3A_2, %mul3A_126 : i32
      %add3A_128 = vector.broadcast %add3A_127 : i32 to vector<16xi32>
      %add3A_129 = arith.addi %add3A_128, %iota3A : vector<16xi32>
      %swap3A = arith.index_cast %scan3A_119 : i32 to index
      %swap3A_130 = tpu.vector_load %arg13[%swap3A] masked %ge3A_124 {strides = array<i32>} : memref<3216xi32, #tpu.memory_space<vmem>>, vector<16xi32>, vector<16xi1>
      tpu.vector_store %arg13[%swap3A], %add3A_129 masked %ge3A_124 {strides = array<i32>} : memref<3216xi32, #tpu.memory_space<vmem>>, vector<16xi32>, vector<16xi1>
      %swap3A_131 = arith.index_cast %scan3A_119 : i32 to index
      %swap3A_132 = tpu.vector_load %arg14[%swap3A_131] masked %ge3A_124 {strides = array<i32>} : memref<3216xi32, #tpu.memory_space<vmem>>, vector<16xi32>, vector<16xi1>
      tpu.vector_store %arg14[%swap3A_131], %get3A_122 masked %ge3A_124 {strides = array<i32>} : memref<3216xi32, #tpu.memory_space<vmem>>, vector<16xi32>, vector<16xi1>
      %convert_element_type3A_133 = arith.extui %ge3A_124 : vector<16xi1> to vector<16xi32>
      %reduce_sum3A = arith.constant true
      %reduce_sum3A_134 = vector.broadcast %reduce_sum3A : i1 to vector<16xi1>
      %reduce_sum3A_135 = tpu.scan <sum>, %convert_element_type3A_133 masked %reduce_sum3A_134 : vector<16xi32>, vector<16xi1> -> vector<16xi32>
      %reduce_sum3A_136 = vector.extract %reduce_sum3A_135[15] : i32 from vector<16xi32>
      %add3A_137 = arith.addi %scan3A_119, %reduce_sum3A_136 : i32
      scf.yield %add3A_137 : i32
    }
    %scan3A_48 = arith.constant 200 : i32
    %add3A_49 = arith.constant 128 : i32
    %add3A_50 = arith.addi %scan3A_47, %add3A_49 : i32
    %sub3A_51 = arith.constant 1 : i32
    %sub3A_52 = arith.subi %add3A_50, %sub3A_51 : i32
    %jit3A_53 = arith.constant 128 : i32
    %div3A_54 = arith.divsi %sub3A_52, %jit3A_53 : i32
    %sign3A_55 = arith.constant 0 : i32
    %sign3A_56 = arith.cmpi sgt, %sub3A_52, %sign3A_55 : i32
    %sign3A_57 = arith.extui %sign3A_56 : i1 to i32
    %sign3A_58 = arith.constant 0 : i32
    %sign3A_59 = arith.cmpi slt, %sub3A_52, %sign3A_58 : i32
    %sign3A_60 = arith.extui %sign3A_59 : i1 to i32
    %sign3A_61 = arith.subi %sign3A_57, %sign3A_60 : i32
    %sign3A_62 = arith.constant 0 : i32
    %sign3A_63 = arith.cmpi sgt, %jit3A_53, %sign3A_62 : i32
    %sign3A_64 = arith.extui %sign3A_63 : i1 to i32
    %sign3A_65 = arith.constant 0 : i32
    %sign3A_66 = arith.cmpi slt, %jit3A_53, %sign3A_65 : i32
    %sign3A_67 = arith.extui %sign3A_66 : i1 to i32
    %sign3A_68 = arith.subi %sign3A_64, %sign3A_67 : i32
    %ne3A_69 = arith.cmpi ne, %sign3A_61, %sign3A_68 : i32
    %rem3A_70 = arith.remsi %sub3A_52, %jit3A_53 : i32
    %ne3A_71 = arith.constant 0 : i32
    %ne3A_72 = arith.cmpi ne, %rem3A_70, %ne3A_71 : i32
    %and3A_73 = arith.andi %ne3A_69, %ne3A_72 : i1
    %sub3A_74 = arith.constant 1 : i32
    %sub3A_75 = arith.subi %div3A_54, %sub3A_74 : i32
    %select_n3A_76 = arith.select %and3A_73, %sub3A_75, %div3A_54 : i32
    %gt3A = arith.constant 0 : i32
    %gt3A_77 = arith.cmpi sgt, %scan3A_47, %gt3A : i32
    %convert_element_type3A = arith.extui %gt3A_77 : i1 to i32
    %cond3A = arith.constant 0 : i32
    %cond3A_78 = arith.cmpi ne, %convert_element_type3A, %cond3A : i32
    scf.if %cond3A_78 {
      %broadcast_in_dim3A_118 = arith.constant 0 : i32
      %broadcast_in_dim3A_119 = vector.broadcast %broadcast_in_dim3A_118 : i32 to vector<16xi32>
      %gather3A = tpu.vector_load_idx %arg13[%broadcast_in_dim3A_119] : memref<3216xi32, #tpu.memory_space<vmem>>[vector<16xi32>], vector<16xi32>,
      %gather3A_120 = tpu.vector_load_idx %arg14[%broadcast_in_dim3A_119] : memref<3216xi32, #tpu.memory_space<vmem>>[vector<16xi32>], vector<16xi32>,
      %jit3A_121 = arith.constant 16 : i32
      %div3A_122 = arith.divsi %scan3A_47, %jit3A_121 : i32
      %sign3A_123 = arith.constant 0 : i32
      %sign3A_124 = arith.cmpi sgt, %scan3A_47, %sign3A_123 : i32
      %sign3A_125 = arith.extui %sign3A_124 : i1 to i32
      %sign3A_126 = arith.constant 0 : i32
      %sign3A_127 = arith.cmpi slt, %scan3A_47, %sign3A_126 : i32
      %sign3A_128 = arith.extui %sign3A_127 : i1 to i32
      %sign3A_129 = arith.subi %sign3A_125, %sign3A_128 : i32
      %sign3A_130 = arith.constant 0 : i32
      %sign3A_131 = arith.cmpi sgt, %jit3A_121, %sign3A_130 : i32
      %sign3A_132 = arith.extui %sign3A_131 : i1 to i32
      %sign3A_133 = arith.constant 0 : i32
      %sign3A_134 = arith.cmpi slt, %jit3A_121, %sign3A_133 : i32
      %sign3A_135 = arith.extui %sign3A_134 : i1 to i32
      %sign3A_136 = arith.subi %sign3A_132, %sign3A_135 : i32
      %ne3A_137 = arith.cmpi ne, %sign3A_129, %sign3A_136 : i32
      %rem3A_138 = arith.remsi %scan3A_47, %jit3A_121 : i32
      %ne3A_139 = arith.constant 0 : i32
      %ne3A_140 = arith.cmpi ne, %rem3A_138, %ne3A_139 : i32
      %and3A_141 = arith.andi %ne3A_137, %ne3A_140 : i1
      %sub3A_142 = arith.constant 1 : i32
      %sub3A_143 = arith.subi %div3A_122, %sub3A_142 : i32
      %select_n3A_144 = arith.select %and3A_141, %sub3A_143, %div3A_122 : i32
      %mul3A_145 = arith.constant 8 : i32
      %mul3A_146 = arith.muli %select_n3A_76, %mul3A_145 : i32
      %while3A_147 = arith.constant 0 : i32
      %while3A_148 = arith.subi %mul3A_146, %select_n3A_144 : i32
      %while3A_149 = arith.addi %select_n3A_144, %while3A_148 : i32
      %while3A_150 = arith.constant 1 : i32
      %while3A_151 = arith.divsi %while3A_148, %while3A_150 : i32
      %while3A_152 = arith.muli %while3A_151, %while3A_150 : i32
      %while3A_153 = arith.addi %select_n3A_144, %while3A_152 : i32
      %while3A_154 = arith.constant 1 : i32
      %while3A_155 = scf.for %while3A_172 = %select_n3A_144 to %while3A_153 step %while3A_154 iter_args(%while3A_173 = %while3A_147) -> (i32)  : i32 {
        %mul3A_174 = arith.constant 16 : i32
        %mul3A_175 = arith.muli %while3A_172, %mul3A_174 : i32
        %add3A_176 = vector.broadcast %mul3A_175 : i32 to vector<16xi32>
        %add3A_177 = arith.addi %add3A_176, %iota3A : vector<16xi32>
        %lt3A_178 = vector.broadcast %scan3A_47 : i32 to vector<16xi32>
        %lt3A_179 = arith.cmpi slt, %add3A_177, %lt3A_178 : vector<16xi32>
        %mul3A_180 = arith.constant 16 : i32
        %mul3A_181 = arith.muli %while3A_172, %mul3A_180 : i32
        %get3A = arith.index_cast %mul3A_181 : i32 to index
        %get3A_182 = tpu.vector_load %arg13[%get3A] {strides = array<i32>} : memref<3216xi32, #tpu.memory_space<vmem>>, vector<16xi32>,
        %select_n3A_183 = arith.select %lt3A_179, %get3A_182, %gather3A : vector<16xi1>, vector<16xi32>
        %mul3A_184 = arith.constant 16 : i32
        %mul3A_185 = arith.muli %while3A_172, %mul3A_184 : i32
        %swap3A = arith.index_cast %mul3A_185 : i32 to index
        %swap3A_186 = tpu.vector_load %arg13[%swap3A] {strides = array<i32>} : memref<3216xi32, #tpu.memory_space<vmem>>, vector<16xi32>,
        tpu.vector_store %arg13[%swap3A], %select_n3A_183 {strides = array<i32>} : memref<3216xi32, #tpu.memory_space<vmem>>, vector<16xi32>,
        %mul3A_187 = arith.constant 16 : i32
        %mul3A_188 = arith.muli %while3A_172, %mul3A_187 : i32
        %get3A_189 = arith.index_cast %mul3A_188 : i32 to index
        %get3A_190 = tpu.vector_load %arg14[%get3A_189] {strides = array<i32>} : memref<3216xi32, #tpu.memory_space<vmem>>, vector<16xi32>,
        %select_n3A_191 = arith.select %lt3A_179, %get3A_190, %gather3A_120 : vector<16xi1>, vector<16xi32>
        %mul3A_192 = arith.constant 16 : i32
        %mul3A_193 = arith.muli %while3A_172, %mul3A_192 : i32
        %swap3A_194 = arith.index_cast %mul3A_193 : i32 to index
        %swap3A_195 = tpu.vector_load %arg14[%swap3A_194] {strides = array<i32>} : memref<3216xi32, #tpu.memory_space<vmem>>, vector<16xi32>,
        tpu.vector_store %arg14[%swap3A_194], %select_n3A_191 {strides = array<i32>} : memref<3216xi32, #tpu.memory_space<vmem>>, vector<16xi32>,
        %while3A_196 = arith.constant 0 : i32
        scf.yield %while3A_196 : i32
      }
      %while3A_156 = arith.constant 1 : i32
      %while3A_157 = scf.for %while3A_172 = %while3A_153 to %while3A_149 step %while3A_156 iter_args(%while3A_173 = %while3A_155) -> (i32)  : i32 {
        %mul3A_174 = arith.constant 16 : i32
        %mul3A_175 = arith.muli %while3A_172, %mul3A_174 : i32
        %add3A_176 = vector.broadcast %mul3A_175 : i32 to vector<16xi32>
        %add3A_177 = arith.addi %add3A_176, %iota3A : vector<16xi32>
        %lt3A_178 = vector.broadcast %scan3A_47 : i32 to vector<16xi32>
        %lt3A_179 = arith.cmpi slt, %add3A_177, %lt3A_178 : vector<16xi32>
        %mul3A_180 = arith.constant 16 : i32
        %mul3A_181 = arith.muli %while3A_172, %mul3A_180 : i32
        %get3A = arith.index_cast %mul3A_181 : i32 to index
        %get3A_182 = tpu.vector_load %arg13[%get3A] {strides = array<i32>} : memref<3216xi32, #tpu.memory_space<vmem>>, vector<16xi32>,
        %select_n3A_183 = arith.select %lt3A_179, %get3A_182, %gather3A : vector<16xi1>, vector<16xi32>
        %mul3A_184 = arith.constant 16 : i32
        %mul3A_185 = arith.muli %while3A_172, %mul3A_184 : i32
        %swap3A = arith.index_cast %mul3A_185 : i32 to index
        %swap3A_186 = tpu.vector_load %arg13[%swap3A] {strides = array<i32>} : memref<3216xi32, #tpu.memory_space<vmem>>, vector<16xi32>,
        tpu.vector_store %arg13[%swap3A], %select_n3A_183 {strides = array<i32>} : memref<3216xi32, #tpu.memory_space<vmem>>, vector<16xi32>,
        %mul3A_187 = arith.constant 16 : i32
        %mul3A_188 = arith.muli %while3A_172, %mul3A_187 : i32
        %get3A_189 = arith.index_cast %mul3A_188 : i32 to index
        %get3A_190 = tpu.vector_load %arg14[%get3A_189] {strides = array<i32>} : memref<3216xi32, #tpu.memory_space<vmem>>, vector<16xi32>,
        %select_n3A_191 = arith.select %lt3A_179, %get3A_190, %gather3A_120 : vector<16xi1>, vector<16xi32>
        %mul3A_192 = arith.constant 16 : i32
        %mul3A_193 = arith.muli %while3A_172, %mul3A_192 : i32
        %swap3A_194 = arith.index_cast %mul3A_193 : i32 to index
        %swap3A_195 = tpu.vector_load %arg14[%swap3A_194] {strides = array<i32>} : memref<3216xi32, #tpu.memory_space<vmem>>, vector<16xi32>,
        tpu.vector_store %arg14[%swap3A_194], %select_n3A_191 {strides = array<i32>} : memref<3216xi32, #tpu.memory_space<vmem>>, vector<16xi32>,
        %while3A_196 = arith.constant 0 : i32
        scf.yield %while3A_196 : i32
      }
      %mul3A_158 = arith.constant 8 : i32
      %mul3A_159 = arith.muli %select_n3A_76, %mul3A_158 : i32
      %while3A_160 = arith.constant 0 : i32
      %while3A_161 = arith.constant 0 : i32
      %while3A_162 = arith.subi %mul3A_159, %while3A_160 : i32
      %while3A_163 = arith.addi %while3A_160, %while3A_162 : i32
      %while3A_164 = arith.constant 1 : i32
      %while3A_165 = arith.divsi %while3A_162, %while3A_164 : i32
      %while3A_166 = arith.muli %while3A_165, %while3A_164 : i32
      %while3A_167 = arith.addi %while3A_160, %while3A_166 : i32
      %while3A_168 = arith.constant 1 : i32
      %while3A_169 = scf.for %while3A_172 = %while3A_160 to %while3A_167 step %while3A_168 iter_args(%while3A_173 = %while3A_161) -> (i32)  : i32 {
        %mul3A_174 = arith.constant 16 : i32
        %mul3A_175 = arith.muli %while3A_172, %mul3A_174 : i32
        %get3A = arith.index_cast %mul3A_175 : i32 to index
        %get3A_176 = tpu.vector_load %arg13[%get3A] {strides = array<i32>} : memref<3216xi32, #tpu.memory_space<vmem>>, vector<16xi32>,
        %jit3A_177 = arith.constant 8 : i32
        %div3A_178 = arith.divsi %while3A_172, %jit3A_177 : i32
        %sign3A_179 = arith.constant 0 : i32
        %sign3A_180 = arith.cmpi sgt, %while3A_172, %sign3A_179 : i32
        %sign3A_181 = arith.extui %sign3A_180 : i1 to i32
        %sign3A_182 = arith.constant 0 : i32
        %sign3A_183 = arith.cmpi slt, %while3A_172, %sign3A_182 : i32
        %sign3A_184 = arith.extui %sign3A_183 : i1 to i32
        %sign3A_185 = arith.subi %sign3A_181, %sign3A_184 : i32
        %sign3A_186 = arith.constant 0 : i32
        %sign3A_187 = arith.cmpi sgt, %jit3A_177, %sign3A_186 : i32
        %sign3A_188 = arith.extui %sign3A_187 : i1 to i32
        %sign3A_189 = arith.constant 0 : i32
        %sign3A_190 = arith.cmpi slt, %jit3A_177, %sign3A_189 : i32
        %sign3A_191 = arith.extui %sign3A_190 : i1 to i32
        %sign3A_192 = arith.subi %sign3A_188, %sign3A_191 : i32
        %ne3A_193 = arith.cmpi ne, %sign3A_185, %sign3A_192 : i32
        %rem3A_194 = arith.remsi %while3A_172, %jit3A_177 : i32
        %ne3A_195 = arith.constant 0 : i32
        %ne3A_196 = arith.cmpi ne, %rem3A_194, %ne3A_195 : i32
        %and3A_197 = arith.andi %ne3A_193, %ne3A_196 : i1
        %sub3A_198 = arith.constant 1 : i32
        %sub3A_199 = arith.subi %div3A_178, %sub3A_198 : i32
        %select_n3A_200 = arith.select %and3A_197, %sub3A_199, %div3A_178 : i32
        %jit3A_201 = arith.constant 8 : i32
        %eq3A_202 = arith.constant 0 : i32
        %eq3A_203 = arith.cmpi eq, %jit3A_201, %eq3A_202 : i32
        %jit3A_204 = arith.constant 1 : i32
        %select_n3A_205 = arith.select %eq3A_203, %jit3A_204, %jit3A_201 : i32
        %rem3A_206 = arith.remsi %while3A_172, %select_n3A_205 : i32
        %ne3A_207 = arith.constant 0 : i32
        %ne3A_208 = arith.cmpi ne, %rem3A_206, %ne3A_207 : i32
        %lt3A_209 = arith.constant 0 : i32
        %lt3A_210 = arith.cmpi slt, %rem3A_206, %lt3A_209 : i32
        %lt3A_211 = arith.constant 0 : i32
        %lt3A_212 = arith.cmpi slt, %select_n3A_205, %lt3A_211 : i32
        %ne3A_213 = arith.xori %lt3A_210, %lt3A_212 : i1
        %and3A_214 = arith.andi %ne3A_213, %ne3A_208 : i1
        %add3A_215 = arith.addi %rem3A_206, %select_n3A_205 : i32
        %select_n3A_216 = arith.select %and3A_214, %add3A_215, %rem3A_206 : i32
        %mul3A_217 = arith.constant 16 : i32
        %mul3A_218 = arith.muli %select_n3A_216, %mul3A_217 : i32
        %swap3A = arith.index_cast %select_n3A_200 : i32 to index
        %swap3A_219 = arith.index_cast %mul3A_218 : i32 to index
        %swap3A_220 = tpu.vector_load %arg15[%swap3A, %swap3A_219] {strides = array<i32>} : memref<25x128xi32, #tpu.memory_space<vmem>>, vector<16xi32>,
        tpu.vector_store %arg15[%swap3A, %swap3A_219], %get3A_176 {strides = array<i32>} : memref<25x128xi32, #tpu.memory_space<vmem>>, vector<16xi32>,
        %while3A_221 = arith.constant 0 : i32
        scf.yield %while3A_221 : i32
      }
      %while3A_170 = arith.constant 1 : i32
      %while3A_171 = scf.for %while3A_172 = %while3A_167 to %while3A_163 step %while3A_170 iter_args(%while3A_173 = %while3A_169) -> (i32)  : i32 {
        %mul3A_174 = arith.constant 16 : i32
        %mul3A_175 = arith.muli %while3A_172, %mul3A_174 : i32
        %get3A = arith.index_cast %mul3A_175 : i32 to index
        %get3A_176 = tpu.vector_load %arg13[%get3A] {strides = array<i32>} : memref<3216xi32, #tpu.memory_space<vmem>>, vector<16xi32>,
        %jit3A_177 = arith.constant 8 : i32
        %div3A_178 = arith.divsi %while3A_172, %jit3A_177 : i32
        %sign3A_179 = arith.constant 0 : i32
        %sign3A_180 = arith.cmpi sgt, %while3A_172, %sign3A_179 : i32
        %sign3A_181 = arith.extui %sign3A_180 : i1 to i32
        %sign3A_182 = arith.constant 0 : i32
        %sign3A_183 = arith.cmpi slt, %while3A_172, %sign3A_182 : i32
        %sign3A_184 = arith.extui %sign3A_183 : i1 to i32
        %sign3A_185 = arith.subi %sign3A_181, %sign3A_184 : i32
        %sign3A_186 = arith.constant 0 : i32
        %sign3A_187 = arith.cmpi sgt, %jit3A_177, %sign3A_186 : i32
        %sign3A_188 = arith.extui %sign3A_187 : i1 to i32
        %sign3A_189 = arith.constant 0 : i32
        %sign3A_190 = arith.cmpi slt, %jit3A_177, %sign3A_189 : i32
        %sign3A_191 = arith.extui %sign3A_190 : i1 to i32
        %sign3A_192 = arith.subi %sign3A_188, %sign3A_191 : i32
        %ne3A_193 = arith.cmpi ne, %sign3A_185, %sign3A_192 : i32
        %rem3A_194 = arith.remsi %while3A_172, %jit3A_177 : i32
        %ne3A_195 = arith.constant 0 : i32
        %ne3A_196 = arith.cmpi ne, %rem3A_194, %ne3A_195 : i32
        %and3A_197 = arith.andi %ne3A_193, %ne3A_196 : i1
        %sub3A_198 = arith.constant 1 : i32
        %sub3A_199 = arith.subi %div3A_178, %sub3A_198 : i32
        %select_n3A_200 = arith.select %and3A_197, %sub3A_199, %div3A_178 : i32
        %jit3A_201 = arith.constant 8 : i32
        %eq3A_202 = arith.constant 0 : i32
        %eq3A_203 = arith.cmpi eq, %jit3A_201, %eq3A_202 : i32
        %jit3A_204 = arith.constant 1 : i32
        %select_n3A_205 = arith.select %eq3A_203, %jit3A_204, %jit3A_201 : i32
        %rem3A_206 = arith.remsi %while3A_172, %select_n3A_205 : i32
        %ne3A_207 = arith.constant 0 : i32
        %ne3A_208 = arith.cmpi ne, %rem3A_206, %ne3A_207 : i32
        %lt3A_209 = arith.constant 0 : i32
        %lt3A_210 = arith.cmpi slt, %rem3A_206, %lt3A_209 : i32
        %lt3A_211 = arith.constant 0 : i32
        %lt3A_212 = arith.cmpi slt, %select_n3A_205, %lt3A_211 : i32
        %ne3A_213 = arith.xori %lt3A_210, %lt3A_212 : i1
        %and3A_214 = arith.andi %ne3A_213, %ne3A_208 : i1
        %add3A_215 = arith.addi %rem3A_206, %select_n3A_205 : i32
        %select_n3A_216 = arith.select %and3A_214, %add3A_215, %rem3A_206 : i32
        %mul3A_217 = arith.constant 16 : i32
        %mul3A_218 = arith.muli %select_n3A_216, %mul3A_217 : i32
        %swap3A = arith.index_cast %select_n3A_200 : i32 to index
        %swap3A_219 = arith.index_cast %mul3A_218 : i32 to index
        %swap3A_220 = tpu.vector_load %arg15[%swap3A, %swap3A_219] {strides = array<i32>} : memref<25x128xi32, #tpu.memory_space<vmem>>, vector<16xi32>,
        tpu.vector_store %arg15[%swap3A, %swap3A_219], %get3A_176 {strides = array<i32>} : memref<25x128xi32, #tpu.memory_space<vmem>>, vector<16xi32>,
        %while3A_221 = arith.constant 0 : i32
        scf.yield %while3A_221 : i32
      }
    } else {
    }
    %while3A = arith.constant 0 : i32
    %while3A_79 = arith.constant 0 : i32
    %while3A_80 = arith.subi %select_n3A, %while3A : i32
    %while3A_81 = arith.addi %while3A, %while3A_80 : i32
    %while3A_82 = arith.constant 1 : i32
    %while3A_83 = arith.divsi %while3A_80, %while3A_82 : i32
    %while3A_84 = arith.muli %while3A_83, %while3A_82 : i32
    %while3A_85 = arith.addi %while3A, %while3A_84 : i32
    %while3A_86 = arith.constant 1 : i32
    %while3A_87 = scf.for %while3A_118 = %while3A to %while3A_85 step %while3A_86 iter_args(%while3A_119 = %while3A_79) -> (i32)  : i32 {
      %jit3A_120 = arith.constant 2 : i32
      %eq3A_121 = arith.constant 0 : i32
      %eq3A_122 = arith.cmpi eq, %jit3A_120, %eq3A_121 : i32
      %jit3A_123 = arith.constant 1 : i32
      %select_n3A_124 = arith.select %eq3A_122, %jit3A_123, %jit3A_120 : i32
      %rem3A_125 = arith.remsi %while3A_118, %select_n3A_124 : i32
      %ne3A_126 = arith.constant 0 : i32
      %ne3A_127 = arith.cmpi ne, %rem3A_125, %ne3A_126 : i32
      %lt3A_128 = arith.constant 0 : i32
      %lt3A_129 = arith.cmpi slt, %rem3A_125, %lt3A_128 : i32
      %lt3A_130 = arith.constant 0 : i32
      %lt3A_131 = arith.cmpi slt, %select_n3A_124, %lt3A_130 : i32
      %ne3A_132 = arith.xori %lt3A_129, %lt3A_131 : i1
      %and3A_133 = arith.andi %ne3A_132, %ne3A_127 : i1
      %add3A_134 = arith.addi %rem3A_125, %select_n3A_124 : i32
      %select_n3A_135 = arith.select %and3A_133, %add3A_134, %rem3A_125 : i32
      %eq3A_136 = arith.constant 0 : i32
      %eq3A_137 = arith.cmpi eq, %select_n3A_135, %eq3A_136 : i32
      %convert_element_type3A_138 = arith.extui %eq3A_137 : i1 to i32
      %cond3A_139 = arith.constant 0 : i32
      %cond3A_140 = arith.cmpi ne, %convert_element_type3A_138, %cond3A_139 : i32
      scf.if %cond3A_140 {
        %ge3A = arith.constant 1 : i32
        %ge3A_163 = arith.cmpi sge, %while3A_118, %ge3A : i32
        %convert_element_type3A_164 = arith.extui %ge3A_163 : i1 to i32
        %cond3A_165 = arith.constant 0 : i32
        %cond3A_166 = arith.cmpi ne, %convert_element_type3A_164, %cond3A_165 : i32
        scf.if %cond3A_166 {
          %sub3A_187 = arith.constant 1 : i32
          %sub3A_188 = arith.subi %while3A_118, %sub3A_187 : i32
          %mul3A_189 = arith.constant 128 : i32
          %mul3A_190 = arith.muli %sub3A_188, %mul3A_189 : i32
          %add3A_191 = arith.addi %mul3A_2, %mul3A_190 : i32
          %dma_wait3A_192 = arith.constant 0 : i32
          %dma_wait3A_193 = tpu.memref_slice %arg7[%add3A_191, %dma_wait3A_192] : memref<100000x128xf32, #tpu.memory_space<hbm>> -> memref<128x128xf32, #tpu.memory_space<hbm>>
          %dma_wait3A_194 = arith.constant 0 : i32
          %dma_wait3A_195 = tpu.memref_slice %arg7[%add3A_191, %dma_wait3A_194] : memref<100000x128xf32, #tpu.memory_space<hbm>> -> memref<128x128xf32, #tpu.memory_space<hbm>>
          tpu.wait_dma2 semaphore(%arg23 : memref<!tpu.dma_semaphore, #tpu.memory_space<semaphore_mem>>) src(%arg18 : memref<128x128xf32, #tpu.memory_space<vmem>>) dst(%dma_wait3A_195 : memref<128x128xf32, #tpu.memory_space<hbm>>)
        } else {
        }
        %add3A_167 = arith.constant 1 : i32
        %add3A_168 = arith.addi %while3A_118, %add3A_167 : i32
        %lt3A_169 = arith.cmpi slt, %add3A_168, %select_n3A : i32
        %convert_element_type3A_170 = arith.extui %lt3A_169 : i1 to i32
        %cond3A_171 = arith.constant 0 : i32
        %cond3A_172 = arith.cmpi ne, %convert_element_type3A_170, %cond3A_171 : i32
        scf.if %cond3A_172 {
          %add3A_187 = arith.constant 1 : i32
          %add3A_188 = arith.addi %while3A_118, %add3A_187 : i32
          %mul3A_189 = arith.constant 128 : i32
          %mul3A_190 = arith.muli %add3A_188, %mul3A_189 : i32
          %add3A_191 = arith.addi %mul3A_2, %mul3A_190 : i32
          %dma_start3A_192 = arith.constant 0 : i32
          %dma_start3A_193 = tpu.memref_slice %arg2[%add3A_191, %dma_start3A_192] : memref<100000x128xf32, #tpu.memory_space<hbm>> -> memref<128x128xf32, #tpu.memory_space<hbm>>
          %dma_start3A_194 = arith.constant 0 : i32
          %dma_start3A_195 = tpu.memref_slice %arg2[%add3A_191, %dma_start3A_194] : memref<100000x128xf32, #tpu.memory_space<hbm>> -> memref<128x128xf32, #tpu.memory_space<hbm>>
          tpu.enqueue_dma source(%dma_start3A_195 : memref<128x128xf32, #tpu.memory_space<hbm>>) target(%arg18 : memref<128x128xf32, #tpu.memory_space<vmem>>) target_semaphore(%arg22 : memref<!tpu.dma_semaphore, #tpu.memory_space<semaphore_mem>>)
        } else {
        }
        %mul3A_173 = arith.constant 128 : i32
        %mul3A_174 = arith.muli %while3A_118, %mul3A_173 : i32
        %add3A_175 = arith.addi %mul3A_2, %mul3A_174 : i32
        %dma_wait3A_176 = arith.constant 0 : i32
        %dma_wait3A_177 = tpu.memref_slice %arg2[%add3A_175, %dma_wait3A_176] : memref<100000x128xf32, #tpu.memory_space<hbm>> -> memref<128x128xf32, #tpu.memory_space<hbm>>
        %dma_wait3A_178 = arith.constant 0 : i32
        %dma_wait3A_179 = tpu.memref_slice %arg2[%add3A_175, %dma_wait3A_178] : memref<100000x128xf32, #tpu.memory_space<hbm>> -> memref<128x128xf32, #tpu.memory_space<hbm>>
        tpu.wait_dma2 semaphore(%arg22 : memref<!tpu.dma_semaphore, #tpu.memory_space<semaphore_mem>>) src(%dma_wait3A_179 : memref<128x128xf32, #tpu.memory_space<hbm>>) dst(%arg17 : memref<128x128xf32, #tpu.memory_space<vmem>>)
        %mul3A_180 = arith.constant 128 : i32
        %mul3A_181 = arith.muli %while3A_118, %mul3A_180 : i32
        %add3A_182 = arith.addi %mul3A_2, %mul3A_181 : i32
        %dma_start3A_183 = arith.constant 0 : i32
        %dma_start3A_184 = tpu.memref_slice %arg7[%add3A_182, %dma_start3A_183] : memref<100000x128xf32, #tpu.memory_space<hbm>> -> memref<128x128xf32, #tpu.memory_space<hbm>>
        %dma_start3A_185 = arith.constant 0 : i32
        %dma_start3A_186 = tpu.memref_slice %arg7[%add3A_182, %dma_start3A_185] : memref<100000x128xf32, #tpu.memory_space<hbm>> -> memref<128x128xf32, #tpu.memory_space<hbm>>
        tpu.enqueue_dma source(%arg17 : memref<128x128xf32, #tpu.memory_space<vmem>>) target(%dma_start3A_186 : memref<128x128xf32, #tpu.memory_space<hbm>>) target_semaphore(%arg23 : memref<!tpu.dma_semaphore, #tpu.memory_space<semaphore_mem>>)
      } else {
      }
      %jit3A_141 = arith.constant 2 : i32
      %eq3A_142 = arith.constant 0 : i32
      %eq3A_143 = arith.cmpi eq, %jit3A_141, %eq3A_142 : i32
      %jit3A_144 = arith.constant 1 : i32
      %select_n3A_145 = arith.select %eq3A_143, %jit3A_144, %jit3A_141 : i32
      %rem3A_146 = arith.remsi %while3A_118, %select_n3A_145 : i32
      %ne3A_147 = arith.constant 0 : i32
      %ne3A_148 = arith.cmpi ne, %rem3A_146, %ne3A_147 : i32
      %lt3A_149 = arith.constant 0 : i32
      %lt3A_150 = arith.cmpi slt, %rem3A_146, %lt3A_149 : i32
      %lt3A_151 = arith.constant 0 : i32
      %lt3A_152 = arith.cmpi slt, %select_n3A_145, %lt3A_151 : i32
      %ne3A_153 = arith.xori %lt3A_150, %lt3A_152 : i1
      %and3A_154 = arith.andi %ne3A_153, %ne3A_148 : i1
      %add3A_155 = arith.addi %rem3A_146, %select_n3A_145 : i32
      %select_n3A_156 = arith.select %and3A_154, %add3A_155, %rem3A_146 : i32
      %eq3A_157 = arith.constant 1 : i32
      %eq3A_158 = arith.cmpi eq, %select_n3A_156, %eq3A_157 : i32
      %convert_element_type3A_159 = arith.extui %eq3A_158 : i1 to i32
      %cond3A_160 = arith.constant 0 : i32
      %cond3A_161 = arith.cmpi ne, %convert_element_type3A_159, %cond3A_160 : i32
      scf.if %cond3A_161 {
        %ge3A = arith.constant 1 : i32
        %ge3A_163 = arith.cmpi sge, %while3A_118, %ge3A : i32
        %convert_element_type3A_164 = arith.extui %ge3A_163 : i1 to i32
        %cond3A_165 = arith.constant 0 : i32
        %cond3A_166 = arith.cmpi ne, %convert_element_type3A_164, %cond3A_165 : i32
        scf.if %cond3A_166 {
          %sub3A_187 = arith.constant 1 : i32
          %sub3A_188 = arith.subi %while3A_118, %sub3A_187 : i32
          %mul3A_189 = arith.constant 128 : i32
          %mul3A_190 = arith.muli %sub3A_188, %mul3A_189 : i32
          %add3A_191 = arith.addi %mul3A_2, %mul3A_190 : i32
          %dma_wait3A_192 = arith.constant 0 : i32
          %dma_wait3A_193 = tpu.memref_slice %arg7[%add3A_191, %dma_wait3A_192] : memref<100000x128xf32, #tpu.memory_space<hbm>> -> memref<128x128xf32, #tpu.memory_space<hbm>>
          %dma_wait3A_194 = arith.constant 0 : i32
          %dma_wait3A_195 = tpu.memref_slice %arg7[%add3A_191, %dma_wait3A_194] : memref<100000x128xf32, #tpu.memory_space<hbm>> -> memref<128x128xf32, #tpu.memory_space<hbm>>
          tpu.wait_dma2 semaphore(%arg23 : memref<!tpu.dma_semaphore, #tpu.memory_space<semaphore_mem>>) src(%arg17 : memref<128x128xf32, #tpu.memory_space<vmem>>) dst(%dma_wait3A_195 : memref<128x128xf32, #tpu.memory_space<hbm>>)
        } else {
        }
        %add3A_167 = arith.constant 1 : i32
        %add3A_168 = arith.addi %while3A_118, %add3A_167 : i32
        %lt3A_169 = arith.cmpi slt, %add3A_168, %select_n3A : i32
        %convert_element_type3A_170 = arith.extui %lt3A_169 : i1 to i32
        %cond3A_171 = arith.constant 0 : i32
        %cond3A_172 = arith.cmpi ne, %convert_element_type3A_170, %cond3A_171 : i32
        scf.if %cond3A_172 {
          %add3A_187 = arith.constant 1 : i32
          %add3A_188 = arith.addi %while3A_118, %add3A_187 : i32
          %mul3A_189 = arith.constant 128 : i32
          %mul3A_190 = arith.muli %add3A_188, %mul3A_189 : i32
          %add3A_191 = arith.addi %mul3A_2, %mul3A_190 : i32
          %dma_start3A_192 = arith.constant 0 : i32
          %dma_start3A_193 = tpu.memref_slice %arg2[%add3A_191, %dma_start3A_192] : memref<100000x128xf32, #tpu.memory_space<hbm>> -> memref<128x128xf32, #tpu.memory_space<hbm>>
          %dma_start3A_194 = arith.constant 0 : i32
          %dma_start3A_195 = tpu.memref_slice %arg2[%add3A_191, %dma_start3A_194] : memref<100000x128xf32, #tpu.memory_space<hbm>> -> memref<128x128xf32, #tpu.memory_space<hbm>>
          tpu.enqueue_dma source(%dma_start3A_195 : memref<128x128xf32, #tpu.memory_space<hbm>>) target(%arg17 : memref<128x128xf32, #tpu.memory_space<vmem>>) target_semaphore(%arg22 : memref<!tpu.dma_semaphore, #tpu.memory_space<semaphore_mem>>)
        } else {
        }
        %mul3A_173 = arith.constant 128 : i32
        %mul3A_174 = arith.muli %while3A_118, %mul3A_173 : i32
        %add3A_175 = arith.addi %mul3A_2, %mul3A_174 : i32
        %dma_wait3A_176 = arith.constant 0 : i32
        %dma_wait3A_177 = tpu.memref_slice %arg2[%add3A_175, %dma_wait3A_176] : memref<100000x128xf32, #tpu.memory_space<hbm>> -> memref<128x128xf32, #tpu.memory_space<hbm>>
        %dma_wait3A_178 = arith.constant 0 : i32
        %dma_wait3A_179 = tpu.memref_slice %arg2[%add3A_175, %dma_wait3A_178] : memref<100000x128xf32, #tpu.memory_space<hbm>> -> memref<128x128xf32, #tpu.memory_space<hbm>>
        tpu.wait_dma2 semaphore(%arg22 : memref<!tpu.dma_semaphore, #tpu.memory_space<semaphore_mem>>) src(%dma_wait3A_179 : memref<128x128xf32, #tpu.memory_space<hbm>>) dst(%arg18 : memref<128x128xf32, #tpu.memory_space<vmem>>)
        %mul3A_180 = arith.constant 128 : i32
        %mul3A_181 = arith.muli %while3A_118, %mul3A_180 : i32
        %add3A_182 = arith.addi %mul3A_2, %mul3A_181 : i32
        %dma_start3A_183 = arith.constant 0 : i32
        %dma_start3A_184 = tpu.memref_slice %arg7[%add3A_182, %dma_start3A_183] : memref<100000x128xf32, #tpu.memory_space<hbm>> -> memref<128x128xf32, #tpu.memory_space<hbm>>
        %dma_start3A_185 = arith.constant 0 : i32
        %dma_start3A_186 = tpu.memref_slice %arg7[%add3A_182, %dma_start3A_185] : memref<100000x128xf32, #tpu.memory_space<hbm>> -> memref<128x128xf32, #tpu.memory_space<hbm>>
        tpu.enqueue_dma source(%arg18 : memref<128x128xf32, #tpu.memory_space<vmem>>) target(%dma_start3A_186 : memref<128x128xf32, #tpu.memory_space<hbm>>) target_semaphore(%arg23 : memref<!tpu.dma_semaphore, #tpu.memory_space<semaphore_mem>>)
      } else {
      }
      %while3A_162 = arith.constant 0 : i32
      scf.yield %while3A_162 : i32
    }
    %while3A_88 = arith.constant 1 : i32
    %while3A_89 = scf.for %while3A_118 = %while3A_85 to %while3A_81 step %while3A_88 iter_args(%while3A_119 = %while3A_87) -> (i32)  : i32 {
      %jit3A_120 = arith.constant 2 : i32
      %eq3A_121 = arith.constant 0 : i32
      %eq3A_122 = arith.cmpi eq, %jit3A_120, %eq3A_121 : i32
      %jit3A_123 = arith.constant 1 : i32
      %select_n3A_124 = arith.select %eq3A_122, %jit3A_123, %jit3A_120 : i32
      %rem3A_125 = arith.remsi %while3A_118, %select_n3A_124 : i32
      %ne3A_126 = arith.constant 0 : i32
      %ne3A_127 = arith.cmpi ne, %rem3A_125, %ne3A_126 : i32
      %lt3A_128 = arith.constant 0 : i32
      %lt3A_129 = arith.cmpi slt, %rem3A_125, %lt3A_128 : i32
      %lt3A_130 = arith.constant 0 : i32
      %lt3A_131 = arith.cmpi slt, %select_n3A_124, %lt3A_130 : i32
      %ne3A_132 = arith.xori %lt3A_129, %lt3A_131 : i1
      %and3A_133 = arith.andi %ne3A_132, %ne3A_127 : i1
      %add3A_134 = arith.addi %rem3A_125, %select_n3A_124 : i32
      %select_n3A_135 = arith.select %and3A_133, %add3A_134, %rem3A_125 : i32
      %eq3A_136 = arith.constant 0 : i32
      %eq3A_137 = arith.cmpi eq, %select_n3A_135, %eq3A_136 : i32
      %convert_element_type3A_138 = arith.extui %eq3A_137 : i1 to i32
      %cond3A_139 = arith.constant 0 : i32
      %cond3A_140 = arith.cmpi ne, %convert_element_type3A_138, %cond3A_139 : i32
      scf.if %cond3A_140 {
        %ge3A = arith.constant 1 : i32
        %ge3A_163 = arith.cmpi sge, %while3A_118, %ge3A : i32
        %convert_element_type3A_164 = arith.extui %ge3A_163 : i1 to i32
        %cond3A_165 = arith.constant 0 : i32
        %cond3A_166 = arith.cmpi ne, %convert_element_type3A_164, %cond3A_165 : i32
        scf.if %cond3A_166 {
          %sub3A_187 = arith.constant 1 : i32
          %sub3A_188 = arith.subi %while3A_118, %sub3A_187 : i32
          %mul3A_189 = arith.constant 128 : i32
          %mul3A_190 = arith.muli %sub3A_188, %mul3A_189 : i32
          %add3A_191 = arith.addi %mul3A_2, %mul3A_190 : i32
          %dma_wait3A_192 = arith.constant 0 : i32
          %dma_wait3A_193 = tpu.memref_slice %arg7[%add3A_191, %dma_wait3A_192] : memref<100000x128xf32, #tpu.memory_space<hbm>> -> memref<128x128xf32, #tpu.memory_space<hbm>>
          %dma_wait3A_194 = arith.constant 0 : i32
          %dma_wait3A_195 = tpu.memref_slice %arg7[%add3A_191, %dma_wait3A_194] : memref<100000x128xf32, #tpu.memory_space<hbm>> -> memref<128x128xf32, #tpu.memory_space<hbm>>
          tpu.wait_dma2 semaphore(%arg23 : memref<!tpu.dma_semaphore, #tpu.memory_space<semaphore_mem>>) src(%arg18 : memref<128x128xf32, #tpu.memory_space<vmem>>) dst(%dma_wait3A_195 : memref<128x128xf32, #tpu.memory_space<hbm>>)
        } else {
        }
        %add3A_167 = arith.constant 1 : i32
        %add3A_168 = arith.addi %while3A_118, %add3A_167 : i32
        %lt3A_169 = arith.cmpi slt, %add3A_168, %select_n3A : i32
        %convert_element_type3A_170 = arith.extui %lt3A_169 : i1 to i32
        %cond3A_171 = arith.constant 0 : i32
        %cond3A_172 = arith.cmpi ne, %convert_element_type3A_170, %cond3A_171 : i32
        scf.if %cond3A_172 {
          %add3A_187 = arith.constant 1 : i32
          %add3A_188 = arith.addi %while3A_118, %add3A_187 : i32
          %mul3A_189 = arith.constant 128 : i32
          %mul3A_190 = arith.muli %add3A_188, %mul3A_189 : i32
          %add3A_191 = arith.addi %mul3A_2, %mul3A_190 : i32
          %dma_start3A_192 = arith.constant 0 : i32
          %dma_start3A_193 = tpu.memref_slice %arg2[%add3A_191, %dma_start3A_192] : memref<100000x128xf32, #tpu.memory_space<hbm>> -> memref<128x128xf32, #tpu.memory_space<hbm>>
          %dma_start3A_194 = arith.constant 0 : i32
          %dma_start3A_195 = tpu.memref_slice %arg2[%add3A_191, %dma_start3A_194] : memref<100000x128xf32, #tpu.memory_space<hbm>> -> memref<128x128xf32, #tpu.memory_space<hbm>>
          tpu.enqueue_dma source(%dma_start3A_195 : memref<128x128xf32, #tpu.memory_space<hbm>>) target(%arg18 : memref<128x128xf32, #tpu.memory_space<vmem>>) target_semaphore(%arg22 : memref<!tpu.dma_semaphore, #tpu.memory_space<semaphore_mem>>)
        } else {
        }
        %mul3A_173 = arith.constant 128 : i32
        %mul3A_174 = arith.muli %while3A_118, %mul3A_173 : i32
        %add3A_175 = arith.addi %mul3A_2, %mul3A_174 : i32
        %dma_wait3A_176 = arith.constant 0 : i32
        %dma_wait3A_177 = tpu.memref_slice %arg2[%add3A_175, %dma_wait3A_176] : memref<100000x128xf32, #tpu.memory_space<hbm>> -> memref<128x128xf32, #tpu.memory_space<hbm>>
        %dma_wait3A_178 = arith.constant 0 : i32
        %dma_wait3A_179 = tpu.memref_slice %arg2[%add3A_175, %dma_wait3A_178] : memref<100000x128xf32, #tpu.memory_space<hbm>> -> memref<128x128xf32, #tpu.memory_space<hbm>>
        tpu.wait_dma2 semaphore(%arg22 : memref<!tpu.dma_semaphore, #tpu.memory_space<semaphore_mem>>) src(%dma_wait3A_179 : memref<128x128xf32, #tpu.memory_space<hbm>>) dst(%arg17 : memref<128x128xf32, #tpu.memory_space<vmem>>)
        %mul3A_180 = arith.constant 128 : i32
        %mul3A_181 = arith.muli %while3A_118, %mul3A_180 : i32
        %add3A_182 = arith.addi %mul3A_2, %mul3A_181 : i32
        %dma_start3A_183 = arith.constant 0 : i32
        %dma_start3A_184 = tpu.memref_slice %arg7[%add3A_182, %dma_start3A_183] : memref<100000x128xf32, #tpu.memory_space<hbm>> -> memref<128x128xf32, #tpu.memory_space<hbm>>
        %dma_start3A_185 = arith.constant 0 : i32
        %dma_start3A_186 = tpu.memref_slice %arg7[%add3A_182, %dma_start3A_185] : memref<100000x128xf32, #tpu.memory_space<hbm>> -> memref<128x128xf32, #tpu.memory_space<hbm>>
        tpu.enqueue_dma source(%arg17 : memref<128x128xf32, #tpu.memory_space<vmem>>) target(%dma_start3A_186 : memref<128x128xf32, #tpu.memory_space<hbm>>) target_semaphore(%arg23 : memref<!tpu.dma_semaphore, #tpu.memory_space<semaphore_mem>>)
      } else {
      }
      %jit3A_141 = arith.constant 2 : i32
      %eq3A_142 = arith.constant 0 : i32
      %eq3A_143 = arith.cmpi eq, %jit3A_141, %eq3A_142 : i32
      %jit3A_144 = arith.constant 1 : i32
      %select_n3A_145 = arith.select %eq3A_143, %jit3A_144, %jit3A_141 : i32
      %rem3A_146 = arith.remsi %while3A_118, %select_n3A_145 : i32
      %ne3A_147 = arith.constant 0 : i32
      %ne3A_148 = arith.cmpi ne, %rem3A_146, %ne3A_147 : i32
      %lt3A_149 = arith.constant 0 : i32
      %lt3A_150 = arith.cmpi slt, %rem3A_146, %lt3A_149 : i32
      %lt3A_151 = arith.constant 0 : i32
      %lt3A_152 = arith.cmpi slt, %select_n3A_145, %lt3A_151 : i32
      %ne3A_153 = arith.xori %lt3A_150, %lt3A_152 : i1
      %and3A_154 = arith.andi %ne3A_153, %ne3A_148 : i1
      %add3A_155 = arith.addi %rem3A_146, %select_n3A_145 : i32
      %select_n3A_156 = arith.select %and3A_154, %add3A_155, %rem3A_146 : i32
      %eq3A_157 = arith.constant 1 : i32
      %eq3A_158 = arith.cmpi eq, %select_n3A_156, %eq3A_157 : i32
      %convert_element_type3A_159 = arith.extui %eq3A_158 : i1 to i32
      %cond3A_160 = arith.constant 0 : i32
      %cond3A_161 = arith.cmpi ne, %convert_element_type3A_159, %cond3A_160 : i32
      scf.if %cond3A_161 {
        %ge3A = arith.constant 1 : i32
        %ge3A_163 = arith.cmpi sge, %while3A_118, %ge3A : i32
        %convert_element_type3A_164 = arith.extui %ge3A_163 : i1 to i32
        %cond3A_165 = arith.constant 0 : i32
        %cond3A_166 = arith.cmpi ne, %convert_element_type3A_164, %cond3A_165 : i32
        scf.if %cond3A_166 {
          %sub3A_187 = arith.constant 1 : i32
          %sub3A_188 = arith.subi %while3A_118, %sub3A_187 : i32
          %mul3A_189 = arith.constant 128 : i32
          %mul3A_190 = arith.muli %sub3A_188, %mul3A_189 : i32
          %add3A_191 = arith.addi %mul3A_2, %mul3A_190 : i32
          %dma_wait3A_192 = arith.constant 0 : i32
          %dma_wait3A_193 = tpu.memref_slice %arg7[%add3A_191, %dma_wait3A_192] : memref<100000x128xf32, #tpu.memory_space<hbm>> -> memref<128x128xf32, #tpu.memory_space<hbm>>
          %dma_wait3A_194 = arith.constant 0 : i32
          %dma_wait3A_195 = tpu.memref_slice %arg7[%add3A_191, %dma_wait3A_194] : memref<100000x128xf32, #tpu.memory_space<hbm>> -> memref<128x128xf32, #tpu.memory_space<hbm>>
          tpu.wait_dma2 semaphore(%arg23 : memref<!tpu.dma_semaphore, #tpu.memory_space<semaphore_mem>>) src(%arg17 : memref<128x128xf32, #tpu.memory_space<vmem>>) dst(%dma_wait3A_195 : memref<128x128xf32, #tpu.memory_space<hbm>>)
        } else {
        }
        %add3A_167 = arith.constant 1 : i32
        %add3A_168 = arith.addi %while3A_118, %add3A_167 : i32
        %lt3A_169 = arith.cmpi slt, %add3A_168, %select_n3A : i32
        %convert_element_type3A_170 = arith.extui %lt3A_169 : i1 to i32
        %cond3A_171 = arith.constant 0 : i32
        %cond3A_172 = arith.cmpi ne, %convert_element_type3A_170, %cond3A_171 : i32
        scf.if %cond3A_172 {
          %add3A_187 = arith.constant 1 : i32
          %add3A_188 = arith.addi %while3A_118, %add3A_187 : i32
          %mul3A_189 = arith.constant 128 : i32
          %mul3A_190 = arith.muli %add3A_188, %mul3A_189 : i32
          %add3A_191 = arith.addi %mul3A_2, %mul3A_190 : i32
          %dma_start3A_192 = arith.constant 0 : i32
          %dma_start3A_193 = tpu.memref_slice %arg2[%add3A_191, %dma_start3A_192] : memref<100000x128xf32, #tpu.memory_space<hbm>> -> memref<128x128xf32, #tpu.memory_space<hbm>>
          %dma_start3A_194 = arith.constant 0 : i32
          %dma_start3A_195 = tpu.memref_slice %arg2[%add3A_191, %dma_start3A_194] : memref<100000x128xf32, #tpu.memory_space<hbm>> -> memref<128x128xf32, #tpu.memory_space<hbm>>
          tpu.enqueue_dma source(%dma_start3A_195 : memref<128x128xf32, #tpu.memory_space<hbm>>) target(%arg17 : memref<128x128xf32, #tpu.memory_space<vmem>>) target_semaphore(%arg22 : memref<!tpu.dma_semaphore, #tpu.memory_space<semaphore_mem>>)
        } else {
        }
        %mul3A_173 = arith.constant 128 : i32
        %mul3A_174 = arith.muli %while3A_118, %mul3A_173 : i32
        %add3A_175 = arith.addi %mul3A_2, %mul3A_174 : i32
        %dma_wait3A_176 = arith.constant 0 : i32
        %dma_wait3A_177 = tpu.memref_slice %arg2[%add3A_175, %dma_wait3A_176] : memref<100000x128xf32, #tpu.memory_space<hbm>> -> memref<128x128xf32, #tpu.memory_space<hbm>>
        %dma_wait3A_178 = arith.constant 0 : i32
        %dma_wait3A_179 = tpu.memref_slice %arg2[%add3A_175, %dma_wait3A_178] : memref<100000x128xf32, #tpu.memory_space<hbm>> -> memref<128x128xf32, #tpu.memory_space<hbm>>
        tpu.wait_dma2 semaphore(%arg22 : memref<!tpu.dma_semaphore, #tpu.memory_space<semaphore_mem>>) src(%dma_wait3A_179 : memref<128x128xf32, #tpu.memory_space<hbm>>) dst(%arg18 : memref<128x128xf32, #tpu.memory_space<vmem>>)
        %mul3A_180 = arith.constant 128 : i32
        %mul3A_181 = arith.muli %while3A_118, %mul3A_180 : i32
        %add3A_182 = arith.addi %mul3A_2, %mul3A_181 : i32
        %dma_start3A_183 = arith.constant 0 : i32
        %dma_start3A_184 = tpu.memref_slice %arg7[%add3A_182, %dma_start3A_183] : memref<100000x128xf32, #tpu.memory_space<hbm>> -> memref<128x128xf32, #tpu.memory_space<hbm>>
        %dma_start3A_185 = arith.constant 0 : i32
        %dma_start3A_186 = tpu.memref_slice %arg7[%add3A_182, %dma_start3A_185] : memref<100000x128xf32, #tpu.memory_space<hbm>> -> memref<128x128xf32, #tpu.memory_space<hbm>>
        tpu.enqueue_dma source(%arg18 : memref<128x128xf32, #tpu.memory_space<vmem>>) target(%dma_start3A_186 : memref<128x128xf32, #tpu.memory_space<hbm>>) target_semaphore(%arg23 : memref<!tpu.dma_semaphore, #tpu.memory_space<semaphore_mem>>)
      } else {
      }
      %while3A_162 = arith.constant 0 : i32
      scf.yield %while3A_162 : i32
    }
    %dma_wait3A = arith.constant 0 : i32
    %dma_wait3A_90 = tpu.memref_slice %arg7[%mul3A_2, %dma_wait3A] : memref<100000x128xf32, #tpu.memory_space<hbm>> -> memref<128x128xf32, #tpu.memory_space<hbm>>
    %dma_wait3A_91 = arith.constant 0 : i32
    %dma_wait3A_92 = tpu.memref_slice %arg7[%mul3A_2, %dma_wait3A_91] : memref<100000x128xf32, #tpu.memory_space<hbm>> -> memref<128x128xf32, #tpu.memory_space<hbm>>
    tpu.wait_dma2 semaphore(%arg23 : memref<!tpu.dma_semaphore, #tpu.memory_space<semaphore_mem>>) src(%arg17 : memref<128x128xf32, #tpu.memory_space<vmem>>) dst(%dma_wait3A_92 : memref<128x128xf32, #tpu.memory_space<hbm>>)
    %eq3A = arith.constant 31 : i32
    %eq3A_93 = arith.cmpi eq, %add3A, %eq3A : i32
    %convert_element_type3A_94 = arith.extui %eq3A_93 : i1 to i32
    %cond3A_95 = arith.constant 0 : i32
    %cond3A_96 = arith.cmpi ne, %convert_element_type3A_94, %cond3A_95 : i32
    scf.if %cond3A_96 {
      "tpu.region"() ({
        %run_scoped3A = tpu.sem_alloc : memref<!tpu.dma_semaphore, #tpu.memory_space<semaphore_mem>>
        %dma_start3A_118 = arith.constant 0 : i32
        %dma_start3A_119 = arith.constant 0 : i32
        %dma_start3A_120 = tpu.memref_slice %arg17[%dma_start3A_118, %dma_start3A_119] : memref<128x128xf32, #tpu.memory_space<vmem>> -> memref<32x128xf32, #tpu.memory_space<vmem>>
        %dma_start3A_121 = arith.constant 99968 : i32
        %dma_start3A_122 = arith.constant 0 : i32
        %dma_start3A_123 = tpu.memref_slice %arg2[%dma_start3A_121, %dma_start3A_122] : memref<100000x128xf32, #tpu.memory_space<hbm>> -> memref<32x128xf32, #tpu.memory_space<hbm>>
        %dma_start3A_124 = arith.constant 0 : i32
        %dma_start3A_125 = arith.constant 0 : i32
        %dma_start3A_126 = tpu.memref_slice %arg17[%dma_start3A_124, %dma_start3A_125] : memref<128x128xf32, #tpu.memory_space<vmem>> -> memref<32x128xf32, #tpu.memory_space<vmem>>
        %dma_start3A_127 = arith.constant 99968 : i32
        %dma_start3A_128 = arith.constant 0 : i32
        %dma_start3A_129 = tpu.memref_slice %arg2[%dma_start3A_127, %dma_start3A_128] : memref<100000x128xf32, #tpu.memory_space<hbm>> -> memref<32x128xf32, #tpu.memory_space<hbm>>
        tpu.enqueue_dma source(%dma_start3A_129 : memref<32x128xf32, #tpu.memory_space<hbm>>) target(%dma_start3A_126 : memref<32x128xf32, #tpu.memory_space<vmem>>) target_semaphore(%run_scoped3A : memref<!tpu.dma_semaphore, #tpu.memory_space<semaphore_mem>>)
        %dma_wait3A_130 = arith.constant 0 : i32
        %dma_wait3A_131 = arith.constant 0 : i32
        %dma_wait3A_132 = tpu.memref_slice %arg17[%dma_wait3A_130, %dma_wait3A_131] : memref<128x128xf32, #tpu.memory_space<vmem>> -> memref<32x128xf32, #tpu.memory_space<vmem>>
        %dma_wait3A_133 = arith.constant 99968 : i32
        %dma_wait3A_134 = arith.constant 0 : i32
        %dma_wait3A_135 = tpu.memref_slice %arg2[%dma_wait3A_133, %dma_wait3A_134] : memref<100000x128xf32, #tpu.memory_space<hbm>> -> memref<32x128xf32, #tpu.memory_space<hbm>>
        %dma_wait3A_136 = arith.constant 0 : i32
        %dma_wait3A_137 = arith.constant 0 : i32
        %dma_wait3A_138 = tpu.memref_slice %arg17[%dma_wait3A_136, %dma_wait3A_137] : memref<128x128xf32, #tpu.memory_space<vmem>> -> memref<32x128xf32, #tpu.memory_space<vmem>>
        %dma_wait3A_139 = arith.constant 99968 : i32
        %dma_wait3A_140 = arith.constant 0 : i32
        %dma_wait3A_141 = tpu.memref_slice %arg2[%dma_wait3A_139, %dma_wait3A_140] : memref<100000x128xf32, #tpu.memory_space<hbm>> -> memref<32x128xf32, #tpu.memory_space<hbm>>
        tpu.wait_dma2 semaphore(%run_scoped3A : memref<!tpu.dma_semaphore, #tpu.memory_space<semaphore_mem>>) src(%dma_wait3A_141 : memref<32x128xf32, #tpu.memory_space<hbm>>) dst(%dma_wait3A_138 : memref<32x128xf32, #tpu.memory_space<vmem>>)
        tpu.yield
      }) : () -> ()
      "tpu.region"() ({
        %run_scoped3A = tpu.sem_alloc : memref<!tpu.dma_semaphore, #tpu.memory_space<semaphore_mem>>
        %dma_start3A_118 = arith.constant 0 : i32
        %dma_start3A_119 = arith.constant 0 : i32
        %dma_start3A_120 = tpu.memref_slice %arg17[%dma_start3A_118, %dma_start3A_119] : memref<128x128xf32, #tpu.memory_space<vmem>> -> memref<32x128xf32, #tpu.memory_space<vmem>>
        %dma_start3A_121 = arith.constant 99968 : i32
        %dma_start3A_122 = arith.constant 0 : i32
        %dma_start3A_123 = tpu.memref_slice %arg7[%dma_start3A_121, %dma_start3A_122] : memref<100000x128xf32, #tpu.memory_space<hbm>> -> memref<32x128xf32, #tpu.memory_space<hbm>>
        %dma_start3A_124 = arith.constant 99968 : i32
        %dma_start3A_125 = arith.constant 0 : i32
        %dma_start3A_126 = tpu.memref_slice %arg7[%dma_start3A_124, %dma_start3A_125] : memref<100000x128xf32, #tpu.memory_space<hbm>> -> memref<32x128xf32, #tpu.memory_space<hbm>>
        %dma_start3A_127 = arith.constant 0 : i32
        %dma_start3A_128 = arith.constant 0 : i32
        %dma_start3A_129 = tpu.memref_slice %arg17[%dma_start3A_127, %dma_start3A_128] : memref<128x128xf32, #tpu.memory_space<vmem>> -> memref<32x128xf32, #tpu.memory_space<vmem>>
        tpu.enqueue_dma source(%dma_start3A_129 : memref<32x128xf32, #tpu.memory_space<vmem>>) target(%dma_start3A_126 : memref<32x128xf32, #tpu.memory_space<hbm>>) target_semaphore(%run_scoped3A : memref<!tpu.dma_semaphore, #tpu.memory_space<semaphore_mem>>)
        %dma_wait3A_130 = arith.constant 0 : i32
        %dma_wait3A_131 = arith.constant 0 : i32
        %dma_wait3A_132 = tpu.memref_slice %arg17[%dma_wait3A_130, %dma_wait3A_131] : memref<128x128xf32, #tpu.memory_space<vmem>> -> memref<32x128xf32, #tpu.memory_space<vmem>>
        %dma_wait3A_133 = arith.constant 99968 : i32
        %dma_wait3A_134 = arith.constant 0 : i32
        %dma_wait3A_135 = tpu.memref_slice %arg7[%dma_wait3A_133, %dma_wait3A_134] : memref<100000x128xf32, #tpu.memory_space<hbm>> -> memref<32x128xf32, #tpu.memory_space<hbm>>
        %dma_wait3A_136 = arith.constant 99968 : i32
        %dma_wait3A_137 = arith.constant 0 : i32
        %dma_wait3A_138 = tpu.memref_slice %arg7[%dma_wait3A_136, %dma_wait3A_137] : memref<100000x128xf32, #tpu.memory_space<hbm>> -> memref<32x128xf32, #tpu.memory_space<hbm>>
        %dma_wait3A_139 = arith.constant 0 : i32
        %dma_wait3A_140 = arith.constant 0 : i32
        %dma_wait3A_141 = tpu.memref_slice %arg17[%dma_wait3A_139, %dma_wait3A_140] : memref<128x128xf32, #tpu.memory_space<vmem>> -> memref<32x128xf32, #tpu.memory_space<vmem>>
        tpu.wait_dma2 semaphore(%run_scoped3A : memref<!tpu.dma_semaphore, #tpu.memory_space<semaphore_mem>>) src(%dma_wait3A_141 : memref<32x128xf32, #tpu.memory_space<vmem>>) dst(%dma_wait3A_138 : memref<32x128xf32, #tpu.memory_space<hbm>>)
        tpu.yield
      }) : () -> ()
    } else {
    }
    %lt3A = arith.constant 31 : i32
    %lt3A_97 = arith.cmpi slt, %add3A, %lt3A : i32
    %convert_element_type3A_98 = arith.extui %lt3A_97 : i1 to i32
    %cond3A_99 = arith.constant 0 : i32
    %cond3A_100 = arith.cmpi ne, %convert_element_type3A_98, %cond3A_99 : i32
    scf.if %cond3A_100 {
      "tpu.region"() ({
        %run_scoped3A = tpu.sem_alloc : memref<!tpu.dma_semaphore, #tpu.memory_space<semaphore_mem>>
        %dma_start3A_118 = tpu.memref_slice %arg5[%mul3A_2] : memref<100000xf32, #tpu.memory_space<hbm>> -> memref<3200xf32, #tpu.memory_space<hbm>>
        %dma_start3A_119 = tpu.memref_slice %arg5[%mul3A_2] : memref<100000xf32, #tpu.memory_space<hbm>> -> memref<3200xf32, #tpu.memory_space<hbm>>
        tpu.enqueue_dma source(%dma_start3A_119 : memref<3200xf32, #tpu.memory_space<hbm>>) target(%arg19 : memref<3200xf32, #tpu.memory_space<vmem>>) target_semaphore(%run_scoped3A : memref<!tpu.dma_semaphore, #tpu.memory_space<semaphore_mem>>)
        %dma_wait3A_120 = tpu.memref_slice %arg5[%mul3A_2] : memref<100000xf32, #tpu.memory_space<hbm>> -> memref<3200xf32, #tpu.memory_space<hbm>>
        %dma_wait3A_121 = tpu.memref_slice %arg5[%mul3A_2] : memref<100000xf32, #tpu.memory_space<hbm>> -> memref<3200xf32, #tpu.memory_space<hbm>>
        tpu.wait_dma2 semaphore(%run_scoped3A : memref<!tpu.dma_semaphore, #tpu.memory_space<semaphore_mem>>) src(%dma_wait3A_121 : memref<3200xf32, #tpu.memory_space<hbm>>) dst(%arg19 : memref<3200xf32, #tpu.memory_space<vmem>>)
        tpu.yield
      }) : () -> ()
      "tpu.region"() ({
        %run_scoped3A = tpu.sem_alloc : memref<!tpu.dma_semaphore, #tpu.memory_space<semaphore_mem>>
        %dma_start3A_118 = tpu.memref_slice %arg8[%mul3A_2] : memref<100000xf32, #tpu.memory_space<hbm>> -> memref<3200xf32, #tpu.memory_space<hbm>>
        %dma_start3A_119 = tpu.memref_slice %arg8[%mul3A_2] : memref<100000xf32, #tpu.memory_space<hbm>> -> memref<3200xf32, #tpu.memory_space<hbm>>
        tpu.enqueue_dma source(%arg19 : memref<3200xf32, #tpu.memory_space<vmem>>) target(%dma_start3A_119 : memref<3200xf32, #tpu.memory_space<hbm>>) target_semaphore(%run_scoped3A : memref<!tpu.dma_semaphore, #tpu.memory_space<semaphore_mem>>)
        %dma_wait3A_120 = tpu.memref_slice %arg8[%mul3A_2] : memref<100000xf32, #tpu.memory_space<hbm>> -> memref<3200xf32, #tpu.memory_space<hbm>>
        %dma_wait3A_121 = tpu.memref_slice %arg8[%mul3A_2] : memref<100000xf32, #tpu.memory_space<hbm>> -> memref<3200xf32, #tpu.memory_space<hbm>>
        tpu.wait_dma2 semaphore(%run_scoped3A : memref<!tpu.dma_semaphore, #tpu.memory_space<semaphore_mem>>) src(%arg19 : memref<3200xf32, #tpu.memory_space<vmem>>) dst(%dma_wait3A_121 : memref<3200xf32, #tpu.memory_space<hbm>>)
        tpu.yield
      }) : () -> ()
    } else {
    }
    %eq3A_101 = arith.constant 31 : i32
    %eq3A_102 = arith.cmpi eq, %add3A, %eq3A_101 : i32
    %convert_element_type3A_103 = arith.extui %eq3A_102 : i1 to i32
    %cond3A_104 = arith.constant 0 : i32
    %cond3A_105 = arith.cmpi ne, %convert_element_type3A_103, %cond3A_104 : i32
    scf.if %cond3A_105 {
      "tpu.region"() ({
        %run_scoped3A = tpu.sem_alloc : memref<!tpu.dma_semaphore, #tpu.memory_space<semaphore_mem>>
        %dma_start3A_118 = arith.constant 0 : i32
        %dma_start3A_119 = tpu.memref_slice %arg19[%dma_start3A_118] : memref<3200xf32, #tpu.memory_space<vmem>> -> memref<800xf32, #tpu.memory_space<vmem>>
        %dma_start3A_120 = arith.constant 99200 : i32
        %dma_start3A_121 = tpu.memref_slice %arg5[%dma_start3A_120] : memref<100000xf32, #tpu.memory_space<hbm>> -> memref<800xf32, #tpu.memory_space<hbm>>
        %dma_start3A_122 = arith.constant 0 : i32
        %dma_start3A_123 = tpu.memref_slice %arg19[%dma_start3A_122] : memref<3200xf32, #tpu.memory_space<vmem>> -> memref<800xf32, #tpu.memory_space<vmem>>
        %dma_start3A_124 = arith.constant 99200 : i32
        %dma_start3A_125 = tpu.memref_slice %arg5[%dma_start3A_124] : memref<100000xf32, #tpu.memory_space<hbm>> -> memref<800xf32, #tpu.memory_space<hbm>>
        tpu.enqueue_dma source(%dma_start3A_125 : memref<800xf32, #tpu.memory_space<hbm>>) target(%dma_start3A_123 : memref<800xf32, #tpu.memory_space<vmem>>) target_semaphore(%run_scoped3A : memref<!tpu.dma_semaphore, #tpu.memory_space<semaphore_mem>>)
        %dma_wait3A_126 = arith.constant 0 : i32
        %dma_wait3A_127 = tpu.memref_slice %arg19[%dma_wait3A_126] : memref<3200xf32, #tpu.memory_space<vmem>> -> memref<800xf32, #tpu.memory_space<vmem>>
        %dma_wait3A_128 = arith.constant 99200 : i32
        %dma_wait3A_129 = tpu.memref_slice %arg5[%dma_wait3A_128] : memref<100000xf32, #tpu.memory_space<hbm>> -> memref<800xf32, #tpu.memory_space<hbm>>
        %dma_wait3A_130 = arith.constant 0 : i32
        %dma_wait3A_131 = tpu.memref_slice %arg19[%dma_wait3A_130] : memref<3200xf32, #tpu.memory_space<vmem>> -> memref<800xf32, #tpu.memory_space<vmem>>
        %dma_wait3A_132 = arith.constant 99200 : i32
        %dma_wait3A_133 = tpu.memref_slice %arg5[%dma_wait3A_132] : memref<100000xf32, #tpu.memory_space<hbm>> -> memref<800xf32, #tpu.memory_space<hbm>>
        tpu.wait_dma2 semaphore(%run_scoped3A : memref<!tpu.dma_semaphore, #tpu.memory_space<semaphore_mem>>) src(%dma_wait3A_133 : memref<800xf32, #tpu.memory_space<hbm>>) dst(%dma_wait3A_131 : memref<800xf32, #tpu.memory_space<vmem>>)
        tpu.yield
      }) : () -> ()
      "tpu.region"() ({
        %run_scoped3A = tpu.sem_alloc : memref<!tpu.dma_semaphore, #tpu.memory_space<semaphore_mem>>
        %dma_start3A_118 = arith.constant 0 : i32
        %dma_start3A_119 = tpu.memref_slice %arg19[%dma_start3A_118] : memref<3200xf32, #tpu.memory_space<vmem>> -> memref<800xf32, #tpu.memory_space<vmem>>
        %dma_start3A_120 = arith.constant 99200 : i32
        %dma_start3A_121 = tpu.memref_slice %arg8[%dma_start3A_120] : memref<100000xf32, #tpu.memory_space<hbm>> -> memref<800xf32, #tpu.memory_space<hbm>>
        %dma_start3A_122 = arith.constant 99200 : i32
        %dma_start3A_123 = tpu.memref_slice %arg8[%dma_start3A_122] : memref<100000xf32, #tpu.memory_space<hbm>> -> memref<800xf32, #tpu.memory_space<hbm>>
        %dma_start3A_124 = arith.constant 0 : i32
        %dma_start3A_125 = tpu.memref_slice %arg19[%dma_start3A_124] : memref<3200xf32, #tpu.memory_space<vmem>> -> memref<800xf32, #tpu.memory_space<vmem>>
        tpu.enqueue_dma source(%dma_start3A_125 : memref<800xf32, #tpu.memory_space<vmem>>) target(%dma_start3A_123 : memref<800xf32, #tpu.memory_space<hbm>>) target_semaphore(%run_scoped3A : memref<!tpu.dma_semaphore, #tpu.memory_space<semaphore_mem>>)
        %dma_wait3A_126 = arith.constant 0 : i32
        %dma_wait3A_127 = tpu.memref_slice %arg19[%dma_wait3A_126] : memref<3200xf32, #tpu.memory_space<vmem>> -> memref<800xf32, #tpu.memory_space<vmem>>
        %dma_wait3A_128 = arith.constant 99200 : i32
        %dma_wait3A_129 = tpu.memref_slice %arg8[%dma_wait3A_128] : memref<100000xf32, #tpu.memory_space<hbm>> -> memref<800xf32, #tpu.memory_space<hbm>>
        %dma_wait3A_130 = arith.constant 99200 : i32
        %dma_wait3A_131 = tpu.memref_slice %arg8[%dma_wait3A_130] : memref<100000xf32, #tpu.memory_space<hbm>> -> memref<800xf32, #tpu.memory_space<hbm>>
        %dma_wait3A_132 = arith.constant 0 : i32
        %dma_wait3A_133 = tpu.memref_slice %arg19[%dma_wait3A_132] : memref<3200xf32, #tpu.memory_space<vmem>> -> memref<800xf32, #tpu.memory_space<vmem>>
        tpu.wait_dma2 semaphore(%run_scoped3A : memref<!tpu.dma_semaphore, #tpu.memory_space<semaphore_mem>>) src(%dma_wait3A_133 : memref<800xf32, #tpu.memory_space<vmem>>) dst(%dma_wait3A_131 : memref<800xf32, #tpu.memory_space<hbm>>)
        tpu.yield
      }) : () -> ()
    } else {
    }
    %while3A_106 = arith.constant 0 : i32
    %while3A_107 = arith.constant 0 : i32
    %while3A_108 = arith.subi %select_n3A_76, %while3A_106 : i32
    %while3A_109 = arith.addi %while3A_106, %while3A_108 : i32
    %while3A_110 = arith.constant 1 : i32
    %while3A_111 = arith.divsi %while3A_108, %while3A_110 : i32
    %while3A_112 = arith.muli %while3A_111, %while3A_110 : i32
    %while3A_113 = arith.addi %while3A_106, %while3A_112 : i32
    %while3A_114 = arith.constant 1 : i32
    %while3A_115 = scf.for %while3A_118 = %while3A_106 to %while3A_113 step %while3A_114 iter_args(%while3A_119 = %while3A_107) -> (i32)  : i32 {
      %mul3A_120 = arith.constant 128 : i32
      %mul3A_121 = arith.muli %while3A_118, %mul3A_120 : i32
      %dma_start3A_122 = tpu.memref_slice %arg14[%mul3A_121] : memref<3216xi32, #tpu.memory_space<vmem>> -> memref<128xi32, #tpu.memory_space<vmem>>
      %dma_start3A_123 = arith.constant 0 : i32
      %dma_start3A_124 = arith.constant 0 : i32
      %dma_start3A_125 = tpu.memref_slice %arg6[%dma_start3A_123, %dma_start3A_124] : memref<32768x128xf32, #tpu.memory_space<hbm>> -> memref<32768x128xf32, #tpu.memory_space<hbm>>
      tpu.enqueue_indirect_dma source(%dma_start3A_125 : memref<32768x128xf32, #tpu.memory_space<hbm>>) target(%arg16 : memref<128x128xf32, #tpu.memory_space<vmem>>) offsets(%dma_start3A_122 : memref<128xi32, #tpu.memory_space<vmem>>) semaphore(%arg21 : memref<!tpu.dma_semaphore, #tpu.memory_space<semaphore_mem>>)
      %dma_wait3A_126 = tpu.memref_slice %arg14[%mul3A_121] : memref<3216xi32, #tpu.memory_space<vmem>> -> memref<128xi32, #tpu.memory_space<vmem>>
      %dma_wait3A_127 = arith.constant 0 : i32
      %dma_wait3A_128 = arith.constant 0 : i32
      %dma_wait3A_129 = tpu.memref_slice %arg6[%dma_wait3A_127, %dma_wait3A_128] : memref<32768x128xf32, #tpu.memory_space<hbm>> -> memref<32768x128xf32, #tpu.memory_space<hbm>>
      tpu.wait_indirect_dma semaphore(%arg21 : memref<!tpu.dma_semaphore, #tpu.memory_space<semaphore_mem>>) src(%dma_wait3A_129 : memref<32768x128xf32, #tpu.memory_space<hbm>>) dst(%arg16 : memref<128x128xf32, #tpu.memory_space<vmem>>)
      "tpu.region"() ({
        %run_scoped3A = tpu.sem_alloc : memref<!tpu.dma_semaphore, #tpu.memory_space<semaphore_mem>>
        %dma_start3A_139 = arith.constant 0 : i32
        %dma_start3A_140 = tpu.memref_slice %arg15[%while3A_118, %dma_start3A_139] : memref<25x128xi32, #tpu.memory_space<vmem>> -> memref<1x128xi32, #tpu.memory_space<vmem>>
        %dma_start3A_141 = tpu.memref_squeeze %dma_start3A_140 : memref<1x128xi32, #tpu.memory_space<vmem>> -> memref<128xi32, #tpu.memory_space<vmem>>
        %dma_start3A_142 = arith.constant 0 : i32
        %dma_start3A_143 = arith.constant 0 : i32
        %dma_start3A_144 = tpu.memref_slice %arg7[%dma_start3A_142, %dma_start3A_143] : memref<100000x128xf32, #tpu.memory_space<hbm>> -> memref<100000x128xf32, #tpu.memory_space<hbm>>
        tpu.enqueue_indirect_dma source(%arg16 : memref<128x128xf32, #tpu.memory_space<vmem>>) target(%dma_start3A_144 : memref<100000x128xf32, #tpu.memory_space<hbm>>) offsets(%dma_start3A_141 : memref<128xi32, #tpu.memory_space<vmem>>) semaphore(%run_scoped3A : memref<!tpu.dma_semaphore, #tpu.memory_space<semaphore_mem>>)
        %dma_wait3A_145 = arith.constant 0 : i32
        %dma_wait3A_146 = tpu.memref_slice %arg15[%while3A_118, %dma_wait3A_145] : memref<25x128xi32, #tpu.memory_space<vmem>> -> memref<1x128xi32, #tpu.memory_space<vmem>>
        %dma_wait3A_147 = tpu.memref_squeeze %dma_wait3A_146 : memref<1x128xi32, #tpu.memory_space<vmem>> -> memref<128xi32, #tpu.memory_space<vmem>>
        %dma_wait3A_148 = arith.constant 0 : i32
        %dma_wait3A_149 = arith.constant 0 : i32
        %dma_wait3A_150 = tpu.memref_slice %arg7[%dma_wait3A_148, %dma_wait3A_149] : memref<100000x128xf32, #tpu.memory_space<hbm>> -> memref<100000x128xf32, #tpu.memory_space<hbm>>
        tpu.wait_indirect_dma semaphore(%run_scoped3A : memref<!tpu.dma_semaphore, #tpu.memory_space<semaphore_mem>>) src(%arg16 : memref<128x128xf32, #tpu.memory_space<vmem>>) dst(%dma_wait3A_150 : memref<100000x128xf32, #tpu.memory_space<hbm>>)
        tpu.yield
      }) : () -> ()
      %mul3A_130 = arith.constant 128 : i32
      %mul3A_131 = arith.muli %while3A_118, %mul3A_130 : i32
      %dma_start3A_132 = tpu.memref_slice %arg14[%mul3A_131] : memref<3216xi32, #tpu.memory_space<vmem>> -> memref<128xi32, #tpu.memory_space<vmem>>
      %dma_start3A_133 = arith.constant 0 : i32
      %dma_start3A_134 = tpu.memref_slice %arg4[%dma_start3A_133] : memref<32768xf32, #tpu.memory_space<hbm>> -> memref<32768xf32, #tpu.memory_space<hbm>>
      tpu.enqueue_indirect_dma source(%dma_start3A_134 : memref<32768xf32, #tpu.memory_space<hbm>>) target(%arg20 : memref<128xf32, #tpu.memory_space<vmem>>) offsets(%dma_start3A_132 : memref<128xi32, #tpu.memory_space<vmem>>) semaphore(%arg21 : memref<!tpu.dma_semaphore, #tpu.memory_space<semaphore_mem>>)
      %dma_wait3A_135 = tpu.memref_slice %arg14[%mul3A_131] : memref<3216xi32, #tpu.memory_space<vmem>> -> memref<128xi32, #tpu.memory_space<vmem>>
      %dma_wait3A_136 = arith.constant 0 : i32
      %dma_wait3A_137 = tpu.memref_slice %arg4[%dma_wait3A_136] : memref<32768xf32, #tpu.memory_space<hbm>> -> memref<32768xf32, #tpu.memory_space<hbm>>
      tpu.wait_indirect_dma semaphore(%arg21 : memref<!tpu.dma_semaphore, #tpu.memory_space<semaphore_mem>>) src(%dma_wait3A_137 : memref<32768xf32, #tpu.memory_space<hbm>>) dst(%arg20 : memref<128xf32, #tpu.memory_space<vmem>>)
      "tpu.region"() ({
        %run_scoped3A = tpu.sem_alloc : memref<!tpu.dma_semaphore, #tpu.memory_space<semaphore_mem>>
        %dma_start3A_139 = arith.constant 0 : i32
        %dma_start3A_140 = tpu.memref_slice %arg15[%while3A_118, %dma_start3A_139] : memref<25x128xi32, #tpu.memory_space<vmem>> -> memref<1x128xi32, #tpu.memory_space<vmem>>
        %dma_start3A_141 = tpu.memref_squeeze %dma_start3A_140 : memref<1x128xi32, #tpu.memory_space<vmem>> -> memref<128xi32, #tpu.memory_space<vmem>>
        %dma_start3A_142 = arith.constant 0 : i32
        %dma_start3A_143 = tpu.memref_slice %arg8[%dma_start3A_142] : memref<100000xf32, #tpu.memory_space<hbm>> -> memref<100000xf32, #tpu.memory_space<hbm>>
        tpu.enqueue_indirect_dma source(%arg20 : memref<128xf32, #tpu.memory_space<vmem>>) target(%dma_start3A_143 : memref<100000xf32, #tpu.memory_space<hbm>>) offsets(%dma_start3A_141 : memref<128xi32, #tpu.memory_space<vmem>>) semaphore(%run_scoped3A : memref<!tpu.dma_semaphore, #tpu.memory_space<semaphore_mem>>)
        %dma_wait3A_144 = arith.constant 0 : i32
        %dma_wait3A_145 = tpu.memref_slice %arg15[%while3A_118, %dma_wait3A_144] : memref<25x128xi32, #tpu.memory_space<vmem>> -> memref<1x128xi32, #tpu.memory_space<vmem>>
        %dma_wait3A_146 = tpu.memref_squeeze %dma_wait3A_145 : memref<1x128xi32, #tpu.memory_space<vmem>> -> memref<128xi32, #tpu.memory_space<vmem>>
        %dma_wait3A_147 = arith.constant 0 : i32
        %dma_wait3A_148 = tpu.memref_slice %arg8[%dma_wait3A_147] : memref<100000xf32, #tpu.memory_space<hbm>> -> memref<100000xf32, #tpu.memory_space<hbm>>
        tpu.wait_indirect_dma semaphore(%run_scoped3A : memref<!tpu.dma_semaphore, #tpu.memory_space<semaphore_mem>>) src(%arg20 : memref<128xf32, #tpu.memory_space<vmem>>) dst(%dma_wait3A_148 : memref<100000xf32, #tpu.memory_space<hbm>>)
        tpu.yield
      }) : () -> ()
      %while3A_138 = arith.constant 0 : i32
      scf.yield %while3A_138 : i32
    }
    %while3A_116 = arith.constant 1 : i32
    %while3A_117 = scf.for %while3A_118 = %while3A_113 to %while3A_109 step %while3A_116 iter_args(%while3A_119 = %while3A_115) -> (i32)  : i32 {
      %mul3A_120 = arith.constant 128 : i32
      %mul3A_121 = arith.muli %while3A_118, %mul3A_120 : i32
      %dma_start3A_122 = tpu.memref_slice %arg14[%mul3A_121] : memref<3216xi32, #tpu.memory_space<vmem>> -> memref<128xi32, #tpu.memory_space<vmem>>
      %dma_start3A_123 = arith.constant 0 : i32
      %dma_start3A_124 = arith.constant 0 : i32
      %dma_start3A_125 = tpu.memref_slice %arg6[%dma_start3A_123, %dma_start3A_124] : memref<32768x128xf32, #tpu.memory_space<hbm>> -> memref<32768x128xf32, #tpu.memory_space<hbm>>
      tpu.enqueue_indirect_dma source(%dma_start3A_125 : memref<32768x128xf32, #tpu.memory_space<hbm>>) target(%arg16 : memref<128x128xf32, #tpu.memory_space<vmem>>) offsets(%dma_start3A_122 : memref<128xi32, #tpu.memory_space<vmem>>) semaphore(%arg21 : memref<!tpu.dma_semaphore, #tpu.memory_space<semaphore_mem>>)
      %dma_wait3A_126 = tpu.memref_slice %arg14[%mul3A_121] : memref<3216xi32, #tpu.memory_space<vmem>> -> memref<128xi32, #tpu.memory_space<vmem>>
      %dma_wait3A_127 = arith.constant 0 : i32
      %dma_wait3A_128 = arith.constant 0 : i32
      %dma_wait3A_129 = tpu.memref_slice %arg6[%dma_wait3A_127, %dma_wait3A_128] : memref<32768x128xf32, #tpu.memory_space<hbm>> -> memref<32768x128xf32, #tpu.memory_space<hbm>>
      tpu.wait_indirect_dma semaphore(%arg21 : memref<!tpu.dma_semaphore, #tpu.memory_space<semaphore_mem>>) src(%dma_wait3A_129 : memref<32768x128xf32, #tpu.memory_space<hbm>>) dst(%arg16 : memref<128x128xf32, #tpu.memory_space<vmem>>)
      "tpu.region"() ({
        %run_scoped3A = tpu.sem_alloc : memref<!tpu.dma_semaphore, #tpu.memory_space<semaphore_mem>>
        %dma_start3A_139 = arith.constant 0 : i32
        %dma_start3A_140 = tpu.memref_slice %arg15[%while3A_118, %dma_start3A_139] : memref<25x128xi32, #tpu.memory_space<vmem>> -> memref<1x128xi32, #tpu.memory_space<vmem>>
        %dma_start3A_141 = tpu.memref_squeeze %dma_start3A_140 : memref<1x128xi32, #tpu.memory_space<vmem>> -> memref<128xi32, #tpu.memory_space<vmem>>
        %dma_start3A_142 = arith.constant 0 : i32
        %dma_start3A_143 = arith.constant 0 : i32
        %dma_start3A_144 = tpu.memref_slice %arg7[%dma_start3A_142, %dma_start3A_143] : memref<100000x128xf32, #tpu.memory_space<hbm>> -> memref<100000x128xf32, #tpu.memory_space<hbm>>
        tpu.enqueue_indirect_dma source(%arg16 : memref<128x128xf32, #tpu.memory_space<vmem>>) target(%dma_start3A_144 : memref<100000x128xf32, #tpu.memory_space<hbm>>) offsets(%dma_start3A_141 : memref<128xi32, #tpu.memory_space<vmem>>) semaphore(%run_scoped3A : memref<!tpu.dma_semaphore, #tpu.memory_space<semaphore_mem>>)
        %dma_wait3A_145 = arith.constant 0 : i32
        %dma_wait3A_146 = tpu.memref_slice %arg15[%while3A_118, %dma_wait3A_145] : memref<25x128xi32, #tpu.memory_space<vmem>> -> memref<1x128xi32, #tpu.memory_space<vmem>>
        %dma_wait3A_147 = tpu.memref_squeeze %dma_wait3A_146 : memref<1x128xi32, #tpu.memory_space<vmem>> -> memref<128xi32, #tpu.memory_space<vmem>>
        %dma_wait3A_148 = arith.constant 0 : i32
        %dma_wait3A_149 = arith.constant 0 : i32
        %dma_wait3A_150 = tpu.memref_slice %arg7[%dma_wait3A_148, %dma_wait3A_149] : memref<100000x128xf32, #tpu.memory_space<hbm>> -> memref<100000x128xf32, #tpu.memory_space<hbm>>
        tpu.wait_indirect_dma semaphore(%run_scoped3A : memref<!tpu.dma_semaphore, #tpu.memory_space<semaphore_mem>>) src(%arg16 : memref<128x128xf32, #tpu.memory_space<vmem>>) dst(%dma_wait3A_150 : memref<100000x128xf32, #tpu.memory_space<hbm>>)
        tpu.yield
      }) : () -> ()
      %mul3A_130 = arith.constant 128 : i32
      %mul3A_131 = arith.muli %while3A_118, %mul3A_130 : i32
      %dma_start3A_132 = tpu.memref_slice %arg14[%mul3A_131] : memref<3216xi32, #tpu.memory_space<vmem>> -> memref<128xi32, #tpu.memory_space<vmem>>
      %dma_start3A_133 = arith.constant 0 : i32
      %dma_start3A_134 = tpu.memref_slice %arg4[%dma_start3A_133] : memref<32768xf32, #tpu.memory_space<hbm>> -> memref<32768xf32, #tpu.memory_space<hbm>>
      tpu.enqueue_indirect_dma source(%dma_start3A_134 : memref<32768xf32, #tpu.memory_space<hbm>>) target(%arg20 : memref<128xf32, #tpu.memory_space<vmem>>) offsets(%dma_start3A_132 : memref<128xi32, #tpu.memory_space<vmem>>) semaphore(%arg21 : memref<!tpu.dma_semaphore, #tpu.memory_space<semaphore_mem>>)
      %dma_wait3A_135 = tpu.memref_slice %arg14[%mul3A_131] : memref<3216xi32, #tpu.memory_space<vmem>> -> memref<128xi32, #tpu.memory_space<vmem>>
      %dma_wait3A_136 = arith.constant 0 : i32
      %dma_wait3A_137 = tpu.memref_slice %arg4[%dma_wait3A_136] : memref<32768xf32, #tpu.memory_space<hbm>> -> memref<32768xf32, #tpu.memory_space<hbm>>
      tpu.wait_indirect_dma semaphore(%arg21 : memref<!tpu.dma_semaphore, #tpu.memory_space<semaphore_mem>>) src(%dma_wait3A_137 : memref<32768xf32, #tpu.memory_space<hbm>>) dst(%arg20 : memref<128xf32, #tpu.memory_space<vmem>>)
      "tpu.region"() ({
        %run_scoped3A = tpu.sem_alloc : memref<!tpu.dma_semaphore, #tpu.memory_space<semaphore_mem>>
        %dma_start3A_139 = arith.constant 0 : i32
        %dma_start3A_140 = tpu.memref_slice %arg15[%while3A_118, %dma_start3A_139] : memref<25x128xi32, #tpu.memory_space<vmem>> -> memref<1x128xi32, #tpu.memory_space<vmem>>
        %dma_start3A_141 = tpu.memref_squeeze %dma_start3A_140 : memref<1x128xi32, #tpu.memory_space<vmem>> -> memref<128xi32, #tpu.memory_space<vmem>>
        %dma_start3A_142 = arith.constant 0 : i32
        %dma_start3A_143 = tpu.memref_slice %arg8[%dma_start3A_142] : memref<100000xf32, #tpu.memory_space<hbm>> -> memref<100000xf32, #tpu.memory_space<hbm>>
        tpu.enqueue_indirect_dma source(%arg20 : memref<128xf32, #tpu.memory_space<vmem>>) target(%dma_start3A_143 : memref<100000xf32, #tpu.memory_space<hbm>>) offsets(%dma_start3A_141 : memref<128xi32, #tpu.memory_space<vmem>>) semaphore(%run_scoped3A : memref<!tpu.dma_semaphore, #tpu.memory_space<semaphore_mem>>)
        %dma_wait3A_144 = arith.constant 0 : i32
        %dma_wait3A_145 = tpu.memref_slice %arg15[%while3A_118, %dma_wait3A_144] : memref<25x128xi32, #tpu.memory_space<vmem>> -> memref<1x128xi32, #tpu.memory_space<vmem>>
        %dma_wait3A_146 = tpu.memref_squeeze %dma_wait3A_145 : memref<1x128xi32, #tpu.memory_space<vmem>> -> memref<128xi32, #tpu.memory_space<vmem>>
        %dma_wait3A_147 = arith.constant 0 : i32
        %dma_wait3A_148 = tpu.memref_slice %arg8[%dma_wait3A_147] : memref<100000xf32, #tpu.memory_space<hbm>> -> memref<100000xf32, #tpu.memory_space<hbm>>
        tpu.wait_indirect_dma semaphore(%run_scoped3A : memref<!tpu.dma_semaphore, #tpu.memory_space<semaphore_mem>>) src(%arg20 : memref<128xf32, #tpu.memory_space<vmem>>) dst(%dma_wait3A_148 : memref<100000xf32, #tpu.memory_space<hbm>>)
        tpu.yield
      }) : () -> ()
      %while3A_138 = arith.constant 0 : i32
      scf.yield %while3A_138 : i32
    }
    return
  }
}

#map = affine_map<(d0, d1) -> (0, 0)>
module attributes {stable_mosaic.version = 14 : i64} {
  func.func @_agg_body(%arg0: i32, %arg1: i32, %arg2: memref<2x32768xi32, #tpu.memory_space<hbm>>, %arg3: memref<32768x128xf32, #tpu.memory_space<hbm>>, %arg4: memref<32768x128xf32, #tpu.memory_space<hbm>>, %arg5: memref<32768x128xf32, #tpu.memory_space<hbm>>, %arg6: memref<2048xi32, #tpu.memory_space<vmem>>, %arg7: memref<2048xi32, #tpu.memory_space<vmem>>, %arg8: memref<2064xi32, #tpu.memory_space<vmem>>, %arg9: memref<2064xi32, #tpu.memory_space<vmem>>, %arg10: memref<2064xi32, #tpu.memory_space<vmem>>, %arg11: memref<2064xi32, #tpu.memory_space<vmem>>, %arg12: memref<33x64xi32, #tpu.memory_space<vmem>>, %arg13: memref<64x128xf32, #tpu.memory_space<vmem>>, %arg14: memref<13056x128xf32, #tpu.memory_space<vmem_shared>>, %arg15: memref<!tpu.dma_semaphore, #tpu.memory_space<semaphore_mem>>) attributes {dimension_semantics = [#tpu.dimension_semantics<core_parallel>, #tpu.dimension_semantics<subcore_parallel>], iteration_bounds = array<i64: 2, 16>, scalar_prefetch = 0 : i64, scratch_operands = 10 : i64, tpu.core_type = #tpu.core_type<sc_vector_subcore>, window_params = [{transform_indices = #map}, {transform_indices = #map}, {transform_indices = #map}, {transform_indices = #map}]} {
    %iota3A = tpu.iota {dimensions = array<i32: 0>} : vector<16xi32>
    %broadcast_in_dim3A = arith.constant 0.000000e+00 : f32
    %broadcast_in_dim3A_0 = vector.broadcast %broadcast_in_dim3A : f32 to vector<16xf32>
    %mul3A = arith.constant 2048 : i32
    %mul3A_1 = arith.muli %arg1, %mul3A : i32
    %run_scoped3A = arith.constant 0 : i32
    "tpu.region"() ({
      %run_scoped3A_11 = tpu.sem_alloc : memref<!tpu.dma_semaphore, #tpu.memory_space<semaphore_mem>>
      %dma_start3A = tpu.memref_slice %arg2[%run_scoped3A, %mul3A_1] : memref<2x32768xi32, #tpu.memory_space<hbm>> -> memref<1x2048xi32, #tpu.memory_space<hbm>>
      %dma_start3A_12 = tpu.memref_squeeze %dma_start3A : memref<1x2048xi32, #tpu.memory_space<hbm>> -> memref<2048xi32, #tpu.memory_space<hbm>>
      %dma_start3A_13 = tpu.memref_slice %arg2[%run_scoped3A, %mul3A_1] : memref<2x32768xi32, #tpu.memory_space<hbm>> -> memref<1x2048xi32, #tpu.memory_space<hbm>>
      %dma_start3A_14 = tpu.memref_squeeze %dma_start3A_13 : memref<1x2048xi32, #tpu.memory_space<hbm>> -> memref<2048xi32, #tpu.memory_space<hbm>>
      tpu.enqueue_dma source(%dma_start3A_14 : memref<2048xi32, #tpu.memory_space<hbm>>) target(%arg6 : memref<2048xi32, #tpu.memory_space<vmem>>) target_semaphore(%run_scoped3A_11 : memref<!tpu.dma_semaphore, #tpu.memory_space<semaphore_mem>>)
      %dma_wait3A = tpu.memref_slice %arg2[%run_scoped3A, %mul3A_1] : memref<2x32768xi32, #tpu.memory_space<hbm>> -> memref<1x2048xi32, #tpu.memory_space<hbm>>
      %dma_wait3A_15 = tpu.memref_squeeze %dma_wait3A : memref<1x2048xi32, #tpu.memory_space<hbm>> -> memref<2048xi32, #tpu.memory_space<hbm>>
      %dma_wait3A_16 = tpu.memref_slice %arg2[%run_scoped3A, %mul3A_1] : memref<2x32768xi32, #tpu.memory_space<hbm>> -> memref<1x2048xi32, #tpu.memory_space<hbm>>
      %dma_wait3A_17 = tpu.memref_squeeze %dma_wait3A_16 : memref<1x2048xi32, #tpu.memory_space<hbm>> -> memref<2048xi32, #tpu.memory_space<hbm>>
      tpu.wait_dma2 semaphore(%run_scoped3A_11 : memref<!tpu.dma_semaphore, #tpu.memory_space<semaphore_mem>>) src(%dma_wait3A_17 : memref<2048xi32, #tpu.memory_space<hbm>>) dst(%arg6 : memref<2048xi32, #tpu.memory_space<vmem>>)
      tpu.yield
    }) : () -> ()
    %mul3A_2 = arith.constant 2048 : i32
    %mul3A_3 = arith.muli %arg1, %mul3A_2 : i32
    %run_scoped3A_4 = arith.constant 1 : i32
    "tpu.region"() ({
      %run_scoped3A_11 = tpu.sem_alloc : memref<!tpu.dma_semaphore, #tpu.memory_space<semaphore_mem>>
      %dma_start3A = tpu.memref_slice %arg2[%run_scoped3A_4, %mul3A_3] : memref<2x32768xi32, #tpu.memory_space<hbm>> -> memref<1x2048xi32, #tpu.memory_space<hbm>>
      %dma_start3A_12 = tpu.memref_squeeze %dma_start3A : memref<1x2048xi32, #tpu.memory_space<hbm>> -> memref<2048xi32, #tpu.memory_space<hbm>>
      %dma_start3A_13 = tpu.memref_slice %arg2[%run_scoped3A_4, %mul3A_3] : memref<2x32768xi32, #tpu.memory_space<hbm>> -> memref<1x2048xi32, #tpu.memory_space<hbm>>
      %dma_start3A_14 = tpu.memref_squeeze %dma_start3A_13 : memref<1x2048xi32, #tpu.memory_space<hbm>> -> memref<2048xi32, #tpu.memory_space<hbm>>
      tpu.enqueue_dma source(%dma_start3A_14 : memref<2048xi32, #tpu.memory_space<hbm>>) target(%arg7 : memref<2048xi32, #tpu.memory_space<vmem>>) target_semaphore(%run_scoped3A_11 : memref<!tpu.dma_semaphore, #tpu.memory_space<semaphore_mem>>)
      %dma_wait3A = tpu.memref_slice %arg2[%run_scoped3A_4, %mul3A_3] : memref<2x32768xi32, #tpu.memory_space<hbm>> -> memref<1x2048xi32, #tpu.memory_space<hbm>>
      %dma_wait3A_15 = tpu.memref_squeeze %dma_wait3A : memref<1x2048xi32, #tpu.memory_space<hbm>> -> memref<2048xi32, #tpu.memory_space<hbm>>
      %dma_wait3A_16 = tpu.memref_slice %arg2[%run_scoped3A_4, %mul3A_3] : memref<2x32768xi32, #tpu.memory_space<hbm>> -> memref<1x2048xi32, #tpu.memory_space<hbm>>
      %dma_wait3A_17 = tpu.memref_squeeze %dma_wait3A_16 : memref<1x2048xi32, #tpu.memory_space<hbm>> -> memref<2048xi32, #tpu.memory_space<hbm>>
      tpu.wait_dma2 semaphore(%run_scoped3A_11 : memref<!tpu.dma_semaphore, #tpu.memory_space<semaphore_mem>>) src(%dma_wait3A_17 : memref<2048xi32, #tpu.memory_space<hbm>>) dst(%arg7 : memref<2048xi32, #tpu.memory_space<vmem>>)
      tpu.yield
    }) : () -> ()
    %scan3A = arith.constant 0 : i32
    %scan3A_5 = arith.constant 0 : i32
    %scan3A_6 = arith.constant 4 : i32
    %scan3A_7 = arith.addi %scan3A_5, %scan3A_6 : i32
    %scan3A_8 = arith.constant 1 : i32
    %scan3A_9 = scf.for %scan3A_11 = %scan3A_5 to %scan3A_7 step %scan3A_8 iter_args(%scan3A_12 = %scan3A) -> (i32)  : i32 {
      %mul3A_13 = arith.constant 26110 : i32
      %mul3A_14 = arith.muli %scan3A_11, %mul3A_13 : i32
      %mul3A_15 = arith.constant 13055 : i32
      %mul3A_16 = arith.muli %arg0, %mul3A_15 : i32
      %add3A = arith.addi %mul3A_14, %mul3A_16 : i32
      %scan3A_17 = arith.constant 0 : i32
      %scan3A_18 = arith.constant 0 : i32
      %scan3A_19 = arith.constant 512 : i32
      %scan3A_20 = arith.addi %scan3A_18, %scan3A_19 : i32
      %scan3A_21 = arith.constant 1 : i32
      %scan3A_22 = scf.for %scan3A_144 = %scan3A_18 to %scan3A_20 step %scan3A_21 iter_args(%scan3A_145 = %scan3A_17) -> (i32)  : i32 {
        %jit3A_146 = arith.constant 8 : i32
        %div3A_147 = arith.divsi %scan3A_144, %jit3A_146 : i32
        %sign3A_148 = arith.constant 0 : i32
        %sign3A_149 = arith.cmpi sgt, %scan3A_144, %sign3A_148 : i32
        %sign3A_150 = arith.extui %sign3A_149 : i1 to i32
        %sign3A_151 = arith.constant 0 : i32
        %sign3A_152 = arith.cmpi slt, %scan3A_144, %sign3A_151 : i32
        %sign3A_153 = arith.extui %sign3A_152 : i1 to i32
        %sign3A_154 = arith.subi %sign3A_150, %sign3A_153 : i32
        %sign3A_155 = arith.constant 0 : i32
        %sign3A_156 = arith.cmpi sgt, %jit3A_146, %sign3A_155 : i32
        %sign3A_157 = arith.extui %sign3A_156 : i1 to i32
        %sign3A_158 = arith.constant 0 : i32
        %sign3A_159 = arith.cmpi slt, %jit3A_146, %sign3A_158 : i32
        %sign3A_160 = arith.extui %sign3A_159 : i1 to i32
        %sign3A_161 = arith.subi %sign3A_157, %sign3A_160 : i32
        %ne3A_162 = arith.cmpi ne, %sign3A_154, %sign3A_161 : i32
        %rem3A_163 = arith.remsi %scan3A_144, %jit3A_146 : i32
        %ne3A_164 = arith.constant 0 : i32
        %ne3A_165 = arith.cmpi ne, %rem3A_163, %ne3A_164 : i32
        %and3A_166 = arith.andi %ne3A_162, %ne3A_165 : i1
        %sub3A_167 = arith.constant 1 : i32
        %sub3A_168 = arith.subi %div3A_147, %sub3A_167 : i32
        %select_n3A_169 = arith.select %and3A_166, %sub3A_168, %div3A_147 : i32
        %jit3A_170 = arith.constant 8 : i32
        %eq3A = arith.constant 0 : i32
        %eq3A_171 = arith.cmpi eq, %jit3A_170, %eq3A : i32
        %jit3A_172 = arith.constant 1 : i32
        %select_n3A_173 = arith.select %eq3A_171, %jit3A_172, %jit3A_170 : i32
        %rem3A_174 = arith.remsi %scan3A_144, %select_n3A_173 : i32
        %ne3A_175 = arith.constant 0 : i32
        %ne3A_176 = arith.cmpi ne, %rem3A_174, %ne3A_175 : i32
        %lt3A = arith.constant 0 : i32
        %lt3A_177 = arith.cmpi slt, %rem3A_174, %lt3A : i32
        %lt3A_178 = arith.constant 0 : i32
        %lt3A_179 = arith.cmpi slt, %select_n3A_173, %lt3A_178 : i32
        %ne3A_180 = arith.xori %lt3A_177, %lt3A_179 : i1
        %and3A_181 = arith.andi %ne3A_180, %ne3A_176 : i1
        %add3A_182 = arith.addi %rem3A_174, %select_n3A_173 : i32
        %select_n3A_183 = arith.select %and3A_181, %add3A_182, %rem3A_174 : i32
        %mul3A_184 = arith.constant 16 : i32
        %mul3A_185 = arith.muli %select_n3A_183, %mul3A_184 : i32
        %swap3A = arith.index_cast %select_n3A_169 : i32 to index
        %swap3A_186 = arith.index_cast %mul3A_185 : i32 to index
        %swap3A_187 = tpu.vector_load %arg13[%swap3A, %swap3A_186] {strides = array<i32>} : memref<64x128xf32, #tpu.memory_space<vmem>>, vector<16xf32>,
        tpu.vector_store %arg13[%swap3A, %swap3A_186], %broadcast_in_dim3A_0 {strides = array<i32>} : memref<64x128xf32, #tpu.memory_space<vmem>>, vector<16xf32>,
        %scan3A_188 = arith.constant 0 : i32
        scf.yield %scan3A_188 : i32
      }
      %scan3A_23 = arith.constant 512 : i32
      %scan3A_24 = arith.constant 0 : i32
      %scan3A_25 = arith.constant 0 : i32
      %scan3A_26 = arith.constant 17 : i32
      %scan3A_27 = arith.addi %scan3A_25, %scan3A_26 : i32
      %scan3A_28 = arith.constant 1 : i32
      %scan3A_29 = scf.for %scan3A_144 = %scan3A_25 to %scan3A_27 step %scan3A_28 iter_args(%scan3A_145 = %scan3A_24) -> (i32)  : i32 {
        %mul3A_146 = arith.constant 816 : i32
        %mul3A_147 = arith.muli %arg1, %mul3A_146 : i32
        %mul3A_148 = arith.constant 48 : i32
        %mul3A_149 = arith.muli %scan3A_144, %mul3A_148 : i32
        %add3A_150 = arith.addi %mul3A_147, %mul3A_149 : i32
        "tpu.region"() ({
          %run_scoped3A_152 = tpu.sem_alloc : memref<!tpu.dma_semaphore, #tpu.memory_space<semaphore_mem>>
          %dma_start3A = arith.constant 0 : i32
          %dma_start3A_153 = arith.constant 0 : i32
          %dma_start3A_154 = tpu.memref_slice %arg13[%dma_start3A, %dma_start3A_153] : memref<64x128xf32, #tpu.memory_space<vmem>> -> memref<48x128xf32, #tpu.memory_space<vmem>>
          %dma_start3A_155 = arith.constant 0 : i32
          %dma_start3A_156 = tpu.memref_slice %arg14[%add3A_150, %dma_start3A_155] : memref<13056x128xf32, #tpu.memory_space<vmem_shared>> -> memref<48x128xf32, #tpu.memory_space<vmem_shared>>
          %dma_start3A_157 = arith.constant 0 : i32
          %dma_start3A_158 = tpu.memref_slice %arg14[%add3A_150, %dma_start3A_157] : memref<13056x128xf32, #tpu.memory_space<vmem_shared>> -> memref<48x128xf32, #tpu.memory_space<vmem_shared>>
          %dma_start3A_159 = arith.constant 0 : i32
          %dma_start3A_160 = arith.constant 0 : i32
          %dma_start3A_161 = tpu.memref_slice %arg13[%dma_start3A_159, %dma_start3A_160] : memref<64x128xf32, #tpu.memory_space<vmem>> -> memref<48x128xf32, #tpu.memory_space<vmem>>
          tpu.enqueue_dma source(%dma_start3A_161 : memref<48x128xf32, #tpu.memory_space<vmem>>) target(%dma_start3A_158 : memref<48x128xf32, #tpu.memory_space<vmem_shared>>) target_semaphore(%run_scoped3A_152 : memref<!tpu.dma_semaphore, #tpu.memory_space<semaphore_mem>>)
          %dma_wait3A = arith.constant 0 : i32
          %dma_wait3A_162 = arith.constant 0 : i32
          %dma_wait3A_163 = tpu.memref_slice %arg13[%dma_wait3A, %dma_wait3A_162] : memref<64x128xf32, #tpu.memory_space<vmem>> -> memref<48x128xf32, #tpu.memory_space<vmem>>
          %dma_wait3A_164 = arith.constant 0 : i32
          %dma_wait3A_165 = tpu.memref_slice %arg14[%add3A_150, %dma_wait3A_164] : memref<13056x128xf32, #tpu.memory_space<vmem_shared>> -> memref<48x128xf32, #tpu.memory_space<vmem_shared>>
          %dma_wait3A_166 = arith.constant 0 : i32
          %dma_wait3A_167 = tpu.memref_slice %arg14[%add3A_150, %dma_wait3A_166] : memref<13056x128xf32, #tpu.memory_space<vmem_shared>> -> memref<48x128xf32, #tpu.memory_space<vmem_shared>>
          %dma_wait3A_168 = arith.constant 0 : i32
          %dma_wait3A_169 = arith.constant 0 : i32
          %dma_wait3A_170 = tpu.memref_slice %arg13[%dma_wait3A_168, %dma_wait3A_169] : memref<64x128xf32, #tpu.memory_space<vmem>> -> memref<48x128xf32, #tpu.memory_space<vmem>>
          tpu.wait_dma2 semaphore(%run_scoped3A_152 : memref<!tpu.dma_semaphore, #tpu.memory_space<semaphore_mem>>) src(%dma_wait3A_170 : memref<48x128xf32, #tpu.memory_space<vmem>>) dst(%dma_wait3A_167 : memref<48x128xf32, #tpu.memory_space<vmem_shared>>)
          tpu.yield
        }) : () -> ()
        %scan3A_151 = arith.constant 0 : i32
        scf.yield %scan3A_151 : i32
      }
      %scan3A_30 = arith.constant 17 : i32
      %barrier3A = arith.constant 0 : index
      tpu.barrier barrier_id(%barrier3A)
      %scan3A_31 = arith.constant 0 : i32
      %scan3A_32 = arith.constant 0 : i32
      %scan3A_33 = arith.constant 128 : i32
      %scan3A_34 = arith.addi %scan3A_32, %scan3A_33 : i32
      %scan3A_35 = arith.constant 1 : i32
      %scan3A_36 = scf.for %scan3A_144 = %scan3A_32 to %scan3A_34 step %scan3A_35 iter_args(%scan3A_145 = %scan3A_31) -> (i32)  : i32 {
        %mul3A_146 = arith.constant 16 : i32
        %mul3A_147 = arith.muli %scan3A_144, %mul3A_146 : i32
        %get3A = arith.index_cast %mul3A_147 : i32 to index
        %get3A_148 = tpu.vector_load %arg7[%get3A] {strides = array<i32>} : memref<2048xi32, #tpu.memory_space<vmem>>, vector<16xi32>,
        %sub3A_149 = vector.broadcast %add3A : i32 to vector<16xi32>
        %sub3A_150 = arith.subi %get3A_148, %sub3A_149 : vector<16xi32>
        %ge3A = arith.constant 0 : i32
        %ge3A_151 = vector.broadcast %ge3A : i32 to vector<16xi32>
        %ge3A_152 = arith.cmpi sge, %sub3A_150, %ge3A_151 : vector<16xi32>
        %lt3A = arith.constant 13055 : i32
        %lt3A_153 = vector.broadcast %lt3A : i32 to vector<16xi32>
        %lt3A_154 = arith.cmpi slt, %sub3A_150, %lt3A_153 : vector<16xi32>
        %and3A_155 = arith.andi %ge3A_152, %lt3A_154 : vector<16xi1>
        %mul3A_156 = arith.constant 2048 : i32
        %mul3A_157 = arith.muli %arg1, %mul3A_156 : i32
        %mul3A_158 = arith.constant 16 : i32
        %mul3A_159 = arith.muli %scan3A_144, %mul3A_158 : i32
        %add3A_160 = arith.addi %mul3A_157, %mul3A_159 : i32
        %add3A_161 = vector.broadcast %add3A_160 : i32 to vector<16xi32>
        %add3A_162 = arith.addi %add3A_161, %iota3A : vector<16xi32>
        %swap3A = arith.index_cast %scan3A_145 : i32 to index
        %swap3A_163 = tpu.vector_load %arg8[%swap3A] masked %and3A_155 {strides = array<i32>} : memref<2064xi32, #tpu.memory_space<vmem>>, vector<16xi32>, vector<16xi1>
        tpu.vector_store %arg8[%swap3A], %sub3A_150 masked %and3A_155 {strides = array<i32>} : memref<2064xi32, #tpu.memory_space<vmem>>, vector<16xi32>, vector<16xi1>
        %swap3A_164 = arith.index_cast %scan3A_145 : i32 to index
        %swap3A_165 = tpu.vector_load %arg9[%swap3A_164] masked %and3A_155 {strides = array<i32>} : memref<2064xi32, #tpu.memory_space<vmem>>, vector<16xi32>, vector<16xi1>
        tpu.vector_store %arg9[%swap3A_164], %add3A_162 masked %and3A_155 {strides = array<i32>} : memref<2064xi32, #tpu.memory_space<vmem>>, vector<16xi32>, vector<16xi1>
        %convert_element_type3A_166 = arith.extui %and3A_155 : vector<16xi1> to vector<16xi32>
        %reduce_sum3A = arith.constant true
        %reduce_sum3A_167 = vector.broadcast %reduce_sum3A : i1 to vector<16xi1>
        %reduce_sum3A_168 = tpu.scan <sum>, %convert_element_type3A_166 masked %reduce_sum3A_167 : vector<16xi32>, vector<16xi1> -> vector<16xi32>
        %reduce_sum3A_169 = vector.extract %reduce_sum3A_168[15] : i32 from vector<16xi32>
        %add3A_170 = arith.addi %scan3A_145, %reduce_sum3A_169 : i32
        scf.yield %add3A_170 : i32
      }
      %scan3A_37 = arith.constant 128 : i32
      %broadcast_in_dim3A_38 = arith.constant 0 : i32
      %broadcast_in_dim3A_39 = vector.broadcast %broadcast_in_dim3A_38 : i32 to vector<16xi32>
      %add3A_40 = arith.constant 13055 : i32
      %add3A_41 = vector.broadcast %add3A_40 : i32 to vector<16xi32>
      %add3A_42 = arith.addi %broadcast_in_dim3A_39, %add3A_41 : vector<16xi32>
      %broadcast_in_dim3A_43 = arith.constant 0 : i32
      %broadcast_in_dim3A_44 = vector.broadcast %broadcast_in_dim3A_43 : i32 to vector<16xi32>
      %add3A_45 = arith.constant 64 : i32
      %add3A_46 = arith.addi %scan3A_36, %add3A_45 : i32
      %sub3A = arith.constant 1 : i32
      %sub3A_47 = arith.subi %add3A_46, %sub3A : i32
      %jit3A = arith.constant 64 : i32
      %div3A = arith.divsi %sub3A_47, %jit3A : i32
      %sign3A = arith.constant 0 : i32
      %sign3A_48 = arith.cmpi sgt, %sub3A_47, %sign3A : i32
      %sign3A_49 = arith.extui %sign3A_48 : i1 to i32
      %sign3A_50 = arith.constant 0 : i32
      %sign3A_51 = arith.cmpi slt, %sub3A_47, %sign3A_50 : i32
      %sign3A_52 = arith.extui %sign3A_51 : i1 to i32
      %sign3A_53 = arith.subi %sign3A_49, %sign3A_52 : i32
      %sign3A_54 = arith.constant 0 : i32
      %sign3A_55 = arith.cmpi sgt, %jit3A, %sign3A_54 : i32
      %sign3A_56 = arith.extui %sign3A_55 : i1 to i32
      %sign3A_57 = arith.constant 0 : i32
      %sign3A_58 = arith.cmpi slt, %jit3A, %sign3A_57 : i32
      %sign3A_59 = arith.extui %sign3A_58 : i1 to i32
      %sign3A_60 = arith.subi %sign3A_56, %sign3A_59 : i32
      %ne3A = arith.cmpi ne, %sign3A_53, %sign3A_60 : i32
      %rem3A = arith.remsi %sub3A_47, %jit3A : i32
      %ne3A_61 = arith.constant 0 : i32
      %ne3A_62 = arith.cmpi ne, %rem3A, %ne3A_61 : i32
      %and3A = arith.andi %ne3A, %ne3A_62 : i1
      %sub3A_63 = arith.constant 1 : i32
      %sub3A_64 = arith.subi %div3A, %sub3A_63 : i32
      %select_n3A = arith.select %and3A, %sub3A_64, %div3A : i32
      %jit3A_65 = arith.constant 16 : i32
      %div3A_66 = arith.divsi %scan3A_36, %jit3A_65 : i32
      %sign3A_67 = arith.constant 0 : i32
      %sign3A_68 = arith.cmpi sgt, %scan3A_36, %sign3A_67 : i32
      %sign3A_69 = arith.extui %sign3A_68 : i1 to i32
      %sign3A_70 = arith.constant 0 : i32
      %sign3A_71 = arith.cmpi slt, %scan3A_36, %sign3A_70 : i32
      %sign3A_72 = arith.extui %sign3A_71 : i1 to i32
      %sign3A_73 = arith.subi %sign3A_69, %sign3A_72 : i32
      %sign3A_74 = arith.constant 0 : i32
      %sign3A_75 = arith.cmpi sgt, %jit3A_65, %sign3A_74 : i32
      %sign3A_76 = arith.extui %sign3A_75 : i1 to i32
      %sign3A_77 = arith.constant 0 : i32
      %sign3A_78 = arith.cmpi slt, %jit3A_65, %sign3A_77 : i32
      %sign3A_79 = arith.extui %sign3A_78 : i1 to i32
      %sign3A_80 = arith.subi %sign3A_76, %sign3A_79 : i32
      %ne3A_81 = arith.cmpi ne, %sign3A_73, %sign3A_80 : i32
      %rem3A_82 = arith.remsi %scan3A_36, %jit3A_65 : i32
      %ne3A_83 = arith.constant 0 : i32
      %ne3A_84 = arith.cmpi ne, %rem3A_82, %ne3A_83 : i32
      %and3A_85 = arith.andi %ne3A_81, %ne3A_84 : i1
      %sub3A_86 = arith.constant 1 : i32
      %sub3A_87 = arith.subi %div3A_66, %sub3A_86 : i32
      %select_n3A_88 = arith.select %and3A_85, %sub3A_87, %div3A_66 : i32
      %mul3A_89 = arith.constant 4 : i32
      %mul3A_90 = arith.muli %select_n3A, %mul3A_89 : i32
      %while3A = arith.constant 0 : i32
      %while3A_91 = arith.subi %mul3A_90, %select_n3A_88 : i32
      %while3A_92 = arith.addi %select_n3A_88, %while3A_91 : i32
      %while3A_93 = arith.constant 1 : i32
      %while3A_94 = arith.divsi %while3A_91, %while3A_93 : i32
      %while3A_95 = arith.muli %while3A_94, %while3A_93 : i32
      %while3A_96 = arith.addi %select_n3A_88, %while3A_95 : i32
      %while3A_97 = arith.constant 1 : i32
      %while3A_98 = scf.for %while3A_144 = %select_n3A_88 to %while3A_96 step %while3A_97 iter_args(%while3A_145 = %while3A) -> (i32)  : i32 {
        %mul3A_146 = arith.constant 16 : i32
        %mul3A_147 = arith.muli %while3A_144, %mul3A_146 : i32
        %add3A_148 = vector.broadcast %mul3A_147 : i32 to vector<16xi32>
        %add3A_149 = arith.addi %add3A_148, %iota3A : vector<16xi32>
        %lt3A = vector.broadcast %scan3A_36 : i32 to vector<16xi32>
        %lt3A_150 = arith.cmpi slt, %add3A_149, %lt3A : vector<16xi32>
        %mul3A_151 = arith.constant 16 : i32
        %mul3A_152 = arith.muli %while3A_144, %mul3A_151 : i32
        %get3A = arith.index_cast %mul3A_152 : i32 to index
        %get3A_153 = tpu.vector_load %arg8[%get3A] {strides = array<i32>} : memref<2064xi32, #tpu.memory_space<vmem>>, vector<16xi32>,
        %select_n3A_154 = arith.select %lt3A_150, %get3A_153, %add3A_42 : vector<16xi1>, vector<16xi32>
        %mul3A_155 = arith.constant 16 : i32
        %mul3A_156 = arith.muli %while3A_144, %mul3A_155 : i32
        %swap3A = arith.index_cast %mul3A_156 : i32 to index
        %swap3A_157 = tpu.vector_load %arg8[%swap3A] {strides = array<i32>} : memref<2064xi32, #tpu.memory_space<vmem>>, vector<16xi32>,
        tpu.vector_store %arg8[%swap3A], %select_n3A_154 {strides = array<i32>} : memref<2064xi32, #tpu.memory_space<vmem>>, vector<16xi32>,
        %mul3A_158 = arith.constant 16 : i32
        %mul3A_159 = arith.muli %while3A_144, %mul3A_158 : i32
        %get3A_160 = arith.index_cast %mul3A_159 : i32 to index
        %get3A_161 = tpu.vector_load %arg9[%get3A_160] {strides = array<i32>} : memref<2064xi32, #tpu.memory_space<vmem>>, vector<16xi32>,
        %select_n3A_162 = arith.select %lt3A_150, %get3A_161, %broadcast_in_dim3A_44 : vector<16xi1>, vector<16xi32>
        %mul3A_163 = arith.constant 16 : i32
        %mul3A_164 = arith.muli %while3A_144, %mul3A_163 : i32
        %swap3A_165 = arith.index_cast %mul3A_164 : i32 to index
        %swap3A_166 = tpu.vector_load %arg9[%swap3A_165] {strides = array<i32>} : memref<2064xi32, #tpu.memory_space<vmem>>, vector<16xi32>,
        tpu.vector_store %arg9[%swap3A_165], %select_n3A_162 {strides = array<i32>} : memref<2064xi32, #tpu.memory_space<vmem>>, vector<16xi32>,
        %while3A_167 = arith.constant 0 : i32
        scf.yield %while3A_167 : i32
      }
      %while3A_99 = arith.constant 1 : i32
      %while3A_100 = scf.for %while3A_144 = %while3A_96 to %while3A_92 step %while3A_99 iter_args(%while3A_145 = %while3A_98) -> (i32)  : i32 {
        %mul3A_146 = arith.constant 16 : i32
        %mul3A_147 = arith.muli %while3A_144, %mul3A_146 : i32
        %add3A_148 = vector.broadcast %mul3A_147 : i32 to vector<16xi32>
        %add3A_149 = arith.addi %add3A_148, %iota3A : vector<16xi32>
        %lt3A = vector.broadcast %scan3A_36 : i32 to vector<16xi32>
        %lt3A_150 = arith.cmpi slt, %add3A_149, %lt3A : vector<16xi32>
        %mul3A_151 = arith.constant 16 : i32
        %mul3A_152 = arith.muli %while3A_144, %mul3A_151 : i32
        %get3A = arith.index_cast %mul3A_152 : i32 to index
        %get3A_153 = tpu.vector_load %arg8[%get3A] {strides = array<i32>} : memref<2064xi32, #tpu.memory_space<vmem>>, vector<16xi32>,
        %select_n3A_154 = arith.select %lt3A_150, %get3A_153, %add3A_42 : vector<16xi1>, vector<16xi32>
        %mul3A_155 = arith.constant 16 : i32
        %mul3A_156 = arith.muli %while3A_144, %mul3A_155 : i32
        %swap3A = arith.index_cast %mul3A_156 : i32 to index
        %swap3A_157 = tpu.vector_load %arg8[%swap3A] {strides = array<i32>} : memref<2064xi32, #tpu.memory_space<vmem>>, vector<16xi32>,
        tpu.vector_store %arg8[%swap3A], %select_n3A_154 {strides = array<i32>} : memref<2064xi32, #tpu.memory_space<vmem>>, vector<16xi32>,
        %mul3A_158 = arith.constant 16 : i32
        %mul3A_159 = arith.muli %while3A_144, %mul3A_158 : i32
        %get3A_160 = arith.index_cast %mul3A_159 : i32 to index
        %get3A_161 = tpu.vector_load %arg9[%get3A_160] {strides = array<i32>} : memref<2064xi32, #tpu.memory_space<vmem>>, vector<16xi32>,
        %select_n3A_162 = arith.select %lt3A_150, %get3A_161, %broadcast_in_dim3A_44 : vector<16xi1>, vector<16xi32>
        %mul3A_163 = arith.constant 16 : i32
        %mul3A_164 = arith.muli %while3A_144, %mul3A_163 : i32
        %swap3A_165 = arith.index_cast %mul3A_164 : i32 to index
        %swap3A_166 = tpu.vector_load %arg9[%swap3A_165] {strides = array<i32>} : memref<2064xi32, #tpu.memory_space<vmem>>, vector<16xi32>,
        tpu.vector_store %arg9[%swap3A_165], %select_n3A_162 {strides = array<i32>} : memref<2064xi32, #tpu.memory_space<vmem>>, vector<16xi32>,
        %while3A_167 = arith.constant 0 : i32
        scf.yield %while3A_167 : i32
      }
      %mul3A_101 = arith.constant 4 : i32
      %mul3A_102 = arith.muli %select_n3A, %mul3A_101 : i32
      %while3A_103 = arith.constant 0 : i32
      %while3A_104 = arith.constant 0 : i32
      %while3A_105 = arith.subi %mul3A_102, %while3A_103 : i32
      %while3A_106 = arith.addi %while3A_103, %while3A_105 : i32
      %while3A_107 = arith.constant 1 : i32
      %while3A_108 = arith.divsi %while3A_105, %while3A_107 : i32
      %while3A_109 = arith.muli %while3A_108, %while3A_107 : i32
      %while3A_110 = arith.addi %while3A_103, %while3A_109 : i32
      %while3A_111 = arith.constant 1 : i32
      %while3A_112 = scf.for %while3A_144 = %while3A_103 to %while3A_110 step %while3A_111 iter_args(%while3A_145 = %while3A_104) -> (i32)  : i32 {
        %mul3A_146 = arith.constant 16 : i32
        %mul3A_147 = arith.muli %while3A_144, %mul3A_146 : i32
        %get3A = arith.index_cast %mul3A_147 : i32 to index
        %get3A_148 = tpu.vector_load %arg8[%get3A] {strides = array<i32>} : memref<2064xi32, #tpu.memory_space<vmem>>, vector<16xi32>,
        %jit3A_149 = arith.constant 4 : i32
        %div3A_150 = arith.divsi %while3A_144, %jit3A_149 : i32
        %sign3A_151 = arith.constant 0 : i32
        %sign3A_152 = arith.cmpi sgt, %while3A_144, %sign3A_151 : i32
        %sign3A_153 = arith.extui %sign3A_152 : i1 to i32
        %sign3A_154 = arith.constant 0 : i32
        %sign3A_155 = arith.cmpi slt, %while3A_144, %sign3A_154 : i32
        %sign3A_156 = arith.extui %sign3A_155 : i1 to i32
        %sign3A_157 = arith.subi %sign3A_153, %sign3A_156 : i32
        %sign3A_158 = arith.constant 0 : i32
        %sign3A_159 = arith.cmpi sgt, %jit3A_149, %sign3A_158 : i32
        %sign3A_160 = arith.extui %sign3A_159 : i1 to i32
        %sign3A_161 = arith.constant 0 : i32
        %sign3A_162 = arith.cmpi slt, %jit3A_149, %sign3A_161 : i32
        %sign3A_163 = arith.extui %sign3A_162 : i1 to i32
        %sign3A_164 = arith.subi %sign3A_160, %sign3A_163 : i32
        %ne3A_165 = arith.cmpi ne, %sign3A_157, %sign3A_164 : i32
        %rem3A_166 = arith.remsi %while3A_144, %jit3A_149 : i32
        %ne3A_167 = arith.constant 0 : i32
        %ne3A_168 = arith.cmpi ne, %rem3A_166, %ne3A_167 : i32
        %and3A_169 = arith.andi %ne3A_165, %ne3A_168 : i1
        %sub3A_170 = arith.constant 1 : i32
        %sub3A_171 = arith.subi %div3A_150, %sub3A_170 : i32
        %select_n3A_172 = arith.select %and3A_169, %sub3A_171, %div3A_150 : i32
        %jit3A_173 = arith.constant 4 : i32
        %eq3A = arith.constant 0 : i32
        %eq3A_174 = arith.cmpi eq, %jit3A_173, %eq3A : i32
        %jit3A_175 = arith.constant 1 : i32
        %select_n3A_176 = arith.select %eq3A_174, %jit3A_175, %jit3A_173 : i32
        %rem3A_177 = arith.remsi %while3A_144, %select_n3A_176 : i32
        %ne3A_178 = arith.constant 0 : i32
        %ne3A_179 = arith.cmpi ne, %rem3A_177, %ne3A_178 : i32
        %lt3A = arith.constant 0 : i32
        %lt3A_180 = arith.cmpi slt, %rem3A_177, %lt3A : i32
        %lt3A_181 = arith.constant 0 : i32
        %lt3A_182 = arith.cmpi slt, %select_n3A_176, %lt3A_181 : i32
        %ne3A_183 = arith.xori %lt3A_180, %lt3A_182 : i1
        %and3A_184 = arith.andi %ne3A_183, %ne3A_179 : i1
        %add3A_185 = arith.addi %rem3A_177, %select_n3A_176 : i32
        %select_n3A_186 = arith.select %and3A_184, %add3A_185, %rem3A_177 : i32
        %mul3A_187 = arith.constant 16 : i32
        %mul3A_188 = arith.muli %select_n3A_186, %mul3A_187 : i32
        %swap3A = arith.index_cast %select_n3A_172 : i32 to index
        %swap3A_189 = arith.index_cast %mul3A_188 : i32 to index
        %swap3A_190 = tpu.vector_load %arg12[%swap3A, %swap3A_189] {strides = array<i32>} : memref<33x64xi32, #tpu.memory_space<vmem>>, vector<16xi32>,
        tpu.vector_store %arg12[%swap3A, %swap3A_189], %get3A_148 {strides = array<i32>} : memref<33x64xi32, #tpu.memory_space<vmem>>, vector<16xi32>,
        %while3A_191 = arith.constant 0 : i32
        scf.yield %while3A_191 : i32
      }
      %while3A_113 = arith.constant 1 : i32
      %while3A_114 = scf.for %while3A_144 = %while3A_110 to %while3A_106 step %while3A_113 iter_args(%while3A_145 = %while3A_112) -> (i32)  : i32 {
        %mul3A_146 = arith.constant 16 : i32
        %mul3A_147 = arith.muli %while3A_144, %mul3A_146 : i32
        %get3A = arith.index_cast %mul3A_147 : i32 to index
        %get3A_148 = tpu.vector_load %arg8[%get3A] {strides = array<i32>} : memref<2064xi32, #tpu.memory_space<vmem>>, vector<16xi32>,
        %jit3A_149 = arith.constant 4 : i32
        %div3A_150 = arith.divsi %while3A_144, %jit3A_149 : i32
        %sign3A_151 = arith.constant 0 : i32
        %sign3A_152 = arith.cmpi sgt, %while3A_144, %sign3A_151 : i32
        %sign3A_153 = arith.extui %sign3A_152 : i1 to i32
        %sign3A_154 = arith.constant 0 : i32
        %sign3A_155 = arith.cmpi slt, %while3A_144, %sign3A_154 : i32
        %sign3A_156 = arith.extui %sign3A_155 : i1 to i32
        %sign3A_157 = arith.subi %sign3A_153, %sign3A_156 : i32
        %sign3A_158 = arith.constant 0 : i32
        %sign3A_159 = arith.cmpi sgt, %jit3A_149, %sign3A_158 : i32
        %sign3A_160 = arith.extui %sign3A_159 : i1 to i32
        %sign3A_161 = arith.constant 0 : i32
        %sign3A_162 = arith.cmpi slt, %jit3A_149, %sign3A_161 : i32
        %sign3A_163 = arith.extui %sign3A_162 : i1 to i32
        %sign3A_164 = arith.subi %sign3A_160, %sign3A_163 : i32
        %ne3A_165 = arith.cmpi ne, %sign3A_157, %sign3A_164 : i32
        %rem3A_166 = arith.remsi %while3A_144, %jit3A_149 : i32
        %ne3A_167 = arith.constant 0 : i32
        %ne3A_168 = arith.cmpi ne, %rem3A_166, %ne3A_167 : i32
        %and3A_169 = arith.andi %ne3A_165, %ne3A_168 : i1
        %sub3A_170 = arith.constant 1 : i32
        %sub3A_171 = arith.subi %div3A_150, %sub3A_170 : i32
        %select_n3A_172 = arith.select %and3A_169, %sub3A_171, %div3A_150 : i32
        %jit3A_173 = arith.constant 4 : i32
        %eq3A = arith.constant 0 : i32
        %eq3A_174 = arith.cmpi eq, %jit3A_173, %eq3A : i32
        %jit3A_175 = arith.constant 1 : i32
        %select_n3A_176 = arith.select %eq3A_174, %jit3A_175, %jit3A_173 : i32
        %rem3A_177 = arith.remsi %while3A_144, %select_n3A_176 : i32
        %ne3A_178 = arith.constant 0 : i32
        %ne3A_179 = arith.cmpi ne, %rem3A_177, %ne3A_178 : i32
        %lt3A = arith.constant 0 : i32
        %lt3A_180 = arith.cmpi slt, %rem3A_177, %lt3A : i32
        %lt3A_181 = arith.constant 0 : i32
        %lt3A_182 = arith.cmpi slt, %select_n3A_176, %lt3A_181 : i32
        %ne3A_183 = arith.xori %lt3A_180, %lt3A_182 : i1
        %and3A_184 = arith.andi %ne3A_183, %ne3A_179 : i1
        %add3A_185 = arith.addi %rem3A_177, %select_n3A_176 : i32
        %select_n3A_186 = arith.select %and3A_184, %add3A_185, %rem3A_177 : i32
        %mul3A_187 = arith.constant 16 : i32
        %mul3A_188 = arith.muli %select_n3A_186, %mul3A_187 : i32
        %swap3A = arith.index_cast %select_n3A_172 : i32 to index
        %swap3A_189 = arith.index_cast %mul3A_188 : i32 to index
        %swap3A_190 = tpu.vector_load %arg12[%swap3A, %swap3A_189] {strides = array<i32>} : memref<33x64xi32, #tpu.memory_space<vmem>>, vector<16xi32>,
        tpu.vector_store %arg12[%swap3A, %swap3A_189], %get3A_148 {strides = array<i32>} : memref<33x64xi32, #tpu.memory_space<vmem>>, vector<16xi32>,
        %while3A_191 = arith.constant 0 : i32
        scf.yield %while3A_191 : i32
      }
      %while3A_115 = arith.constant 0 : i32
      %while3A_116 = arith.constant 0 : i32
      %while3A_117 = arith.subi %select_n3A, %while3A_115 : i32
      %while3A_118 = arith.addi %while3A_115, %while3A_117 : i32
      %while3A_119 = arith.constant 1 : i32
      %while3A_120 = arith.divsi %while3A_117, %while3A_119 : i32
      %while3A_121 = arith.muli %while3A_120, %while3A_119 : i32
      %while3A_122 = arith.addi %while3A_115, %while3A_121 : i32
      %while3A_123 = arith.constant 1 : i32
      %while3A_124 = scf.for %while3A_144 = %while3A_115 to %while3A_122 step %while3A_123 iter_args(%while3A_145 = %while3A_116) -> (i32)  : i32 {
        %mul3A_146 = arith.constant 64 : i32
        %mul3A_147 = arith.muli %while3A_144, %mul3A_146 : i32
        %dma_start3A = tpu.memref_slice %arg9[%mul3A_147] : memref<2064xi32, #tpu.memory_space<vmem>> -> memref<64xi32, #tpu.memory_space<vmem>>
        %dma_start3A_148 = arith.constant 0 : i32
        %dma_start3A_149 = arith.constant 0 : i32
        %dma_start3A_150 = tpu.memref_slice %arg3[%dma_start3A_148, %dma_start3A_149] : memref<32768x128xf32, #tpu.memory_space<hbm>> -> memref<32768x128xf32, #tpu.memory_space<hbm>>
        tpu.enqueue_indirect_dma source(%dma_start3A_150 : memref<32768x128xf32, #tpu.memory_space<hbm>>) target(%arg13 : memref<64x128xf32, #tpu.memory_space<vmem>>) offsets(%dma_start3A : memref<64xi32, #tpu.memory_space<vmem>>) semaphore(%arg15 : memref<!tpu.dma_semaphore, #tpu.memory_space<semaphore_mem>>)
        %dma_wait3A = tpu.memref_slice %arg9[%mul3A_147] : memref<2064xi32, #tpu.memory_space<vmem>> -> memref<64xi32, #tpu.memory_space<vmem>>
        %dma_wait3A_151 = arith.constant 0 : i32
        %dma_wait3A_152 = arith.constant 0 : i32
        %dma_wait3A_153 = tpu.memref_slice %arg3[%dma_wait3A_151, %dma_wait3A_152] : memref<32768x128xf32, #tpu.memory_space<hbm>> -> memref<32768x128xf32, #tpu.memory_space<hbm>>
        tpu.wait_indirect_dma semaphore(%arg15 : memref<!tpu.dma_semaphore, #tpu.memory_space<semaphore_mem>>) src(%dma_wait3A_153 : memref<32768x128xf32, #tpu.memory_space<hbm>>) dst(%arg13 : memref<64x128xf32, #tpu.memory_space<vmem>>)
        "tpu.region"() ({
          %run_scoped3A_155 = tpu.sem_alloc : memref<!tpu.dma_semaphore, #tpu.memory_space<semaphore_mem>>
          %dma_start3A_156 = arith.constant 0 : i32
          %dma_start3A_157 = tpu.memref_slice %arg12[%while3A_144, %dma_start3A_156] : memref<33x64xi32, #tpu.memory_space<vmem>> -> memref<1x64xi32, #tpu.memory_space<vmem>>
          %dma_start3A_158 = tpu.memref_squeeze %dma_start3A_157 : memref<1x64xi32, #tpu.memory_space<vmem>> -> memref<64xi32, #tpu.memory_space<vmem>>
          %dma_start3A_159 = arith.constant 0 : i32
          %dma_start3A_160 = arith.constant 0 : i32
          %dma_start3A_161 = tpu.memref_slice %arg14[%dma_start3A_159, %dma_start3A_160] : memref<13056x128xf32, #tpu.memory_space<vmem_shared>> -> memref<13056x128xf32, #tpu.memory_space<vmem_shared>>
          tpu.enqueue_indirect_dma source(%arg13 : memref<64x128xf32, #tpu.memory_space<vmem>>) target(%dma_start3A_161 : memref<13056x128xf32, #tpu.memory_space<vmem_shared>>) offsets(%dma_start3A_158 : memref<64xi32, #tpu.memory_space<vmem>>) semaphore(%run_scoped3A_155 : memref<!tpu.dma_semaphore, #tpu.memory_space<semaphore_mem>>) {add = true}
          %dma_wait3A_162 = arith.constant 0 : i32
          %dma_wait3A_163 = tpu.memref_slice %arg12[%while3A_144, %dma_wait3A_162] : memref<33x64xi32, #tpu.memory_space<vmem>> -> memref<1x64xi32, #tpu.memory_space<vmem>>
          %dma_wait3A_164 = tpu.memref_squeeze %dma_wait3A_163 : memref<1x64xi32, #tpu.memory_space<vmem>> -> memref<64xi32, #tpu.memory_space<vmem>>
          %dma_wait3A_165 = arith.constant 0 : i32
          %dma_wait3A_166 = arith.constant 0 : i32
          %dma_wait3A_167 = tpu.memref_slice %arg14[%dma_wait3A_165, %dma_wait3A_166] : memref<13056x128xf32, #tpu.memory_space<vmem_shared>> -> memref<13056x128xf32, #tpu.memory_space<vmem_shared>>
          tpu.wait_indirect_dma semaphore(%run_scoped3A_155 : memref<!tpu.dma_semaphore, #tpu.memory_space<semaphore_mem>>) src(%arg13 : memref<64x128xf32, #tpu.memory_space<vmem>>) dst(%dma_wait3A_167 : memref<13056x128xf32, #tpu.memory_space<vmem_shared>>)
          tpu.yield
        }) : () -> ()
        %while3A_154 = arith.constant 0 : i32
        scf.yield %while3A_154 : i32
      }
      %while3A_125 = arith.constant 1 : i32
      %while3A_126 = scf.for %while3A_144 = %while3A_122 to %while3A_118 step %while3A_125 iter_args(%while3A_145 = %while3A_124) -> (i32)  : i32 {
        %mul3A_146 = arith.constant 64 : i32
        %mul3A_147 = arith.muli %while3A_144, %mul3A_146 : i32
        %dma_start3A = tpu.memref_slice %arg9[%mul3A_147] : memref<2064xi32, #tpu.memory_space<vmem>> -> memref<64xi32, #tpu.memory_space<vmem>>
        %dma_start3A_148 = arith.constant 0 : i32
        %dma_start3A_149 = arith.constant 0 : i32
        %dma_start3A_150 = tpu.memref_slice %arg3[%dma_start3A_148, %dma_start3A_149] : memref<32768x128xf32, #tpu.memory_space<hbm>> -> memref<32768x128xf32, #tpu.memory_space<hbm>>
        tpu.enqueue_indirect_dma source(%dma_start3A_150 : memref<32768x128xf32, #tpu.memory_space<hbm>>) target(%arg13 : memref<64x128xf32, #tpu.memory_space<vmem>>) offsets(%dma_start3A : memref<64xi32, #tpu.memory_space<vmem>>) semaphore(%arg15 : memref<!tpu.dma_semaphore, #tpu.memory_space<semaphore_mem>>)
        %dma_wait3A = tpu.memref_slice %arg9[%mul3A_147] : memref<2064xi32, #tpu.memory_space<vmem>> -> memref<64xi32, #tpu.memory_space<vmem>>
        %dma_wait3A_151 = arith.constant 0 : i32
        %dma_wait3A_152 = arith.constant 0 : i32
        %dma_wait3A_153 = tpu.memref_slice %arg3[%dma_wait3A_151, %dma_wait3A_152] : memref<32768x128xf32, #tpu.memory_space<hbm>> -> memref<32768x128xf32, #tpu.memory_space<hbm>>
        tpu.wait_indirect_dma semaphore(%arg15 : memref<!tpu.dma_semaphore, #tpu.memory_space<semaphore_mem>>) src(%dma_wait3A_153 : memref<32768x128xf32, #tpu.memory_space<hbm>>) dst(%arg13 : memref<64x128xf32, #tpu.memory_space<vmem>>)
        "tpu.region"() ({
          %run_scoped3A_155 = tpu.sem_alloc : memref<!tpu.dma_semaphore, #tpu.memory_space<semaphore_mem>>
          %dma_start3A_156 = arith.constant 0 : i32
          %dma_start3A_157 = tpu.memref_slice %arg12[%while3A_144, %dma_start3A_156] : memref<33x64xi32, #tpu.memory_space<vmem>> -> memref<1x64xi32, #tpu.memory_space<vmem>>
          %dma_start3A_158 = tpu.memref_squeeze %dma_start3A_157 : memref<1x64xi32, #tpu.memory_space<vmem>> -> memref<64xi32, #tpu.memory_space<vmem>>
          %dma_start3A_159 = arith.constant 0 : i32
          %dma_start3A_160 = arith.constant 0 : i32
          %dma_start3A_161 = tpu.memref_slice %arg14[%dma_start3A_159, %dma_start3A_160] : memref<13056x128xf32, #tpu.memory_space<vmem_shared>> -> memref<13056x128xf32, #tpu.memory_space<vmem_shared>>
          tpu.enqueue_indirect_dma source(%arg13 : memref<64x128xf32, #tpu.memory_space<vmem>>) target(%dma_start3A_161 : memref<13056x128xf32, #tpu.memory_space<vmem_shared>>) offsets(%dma_start3A_158 : memref<64xi32, #tpu.memory_space<vmem>>) semaphore(%run_scoped3A_155 : memref<!tpu.dma_semaphore, #tpu.memory_space<semaphore_mem>>) {add = true}
          %dma_wait3A_162 = arith.constant 0 : i32
          %dma_wait3A_163 = tpu.memref_slice %arg12[%while3A_144, %dma_wait3A_162] : memref<33x64xi32, #tpu.memory_space<vmem>> -> memref<1x64xi32, #tpu.memory_space<vmem>>
          %dma_wait3A_164 = tpu.memref_squeeze %dma_wait3A_163 : memref<1x64xi32, #tpu.memory_space<vmem>> -> memref<64xi32, #tpu.memory_space<vmem>>
          %dma_wait3A_165 = arith.constant 0 : i32
          %dma_wait3A_166 = arith.constant 0 : i32
          %dma_wait3A_167 = tpu.memref_slice %arg14[%dma_wait3A_165, %dma_wait3A_166] : memref<13056x128xf32, #tpu.memory_space<vmem_shared>> -> memref<13056x128xf32, #tpu.memory_space<vmem_shared>>
          tpu.wait_indirect_dma semaphore(%run_scoped3A_155 : memref<!tpu.dma_semaphore, #tpu.memory_space<semaphore_mem>>) src(%arg13 : memref<64x128xf32, #tpu.memory_space<vmem>>) dst(%dma_wait3A_167 : memref<13056x128xf32, #tpu.memory_space<vmem_shared>>)
          tpu.yield
        }) : () -> ()
        %while3A_154 = arith.constant 0 : i32
        scf.yield %while3A_154 : i32
      }
      %barrier3A_127 = arith.constant 0 : index
      tpu.barrier barrier_id(%barrier3A_127)
      %scan3A_128 = arith.constant 0 : i32
      %scan3A_129 = arith.constant 0 : i32
      %scan3A_130 = arith.constant 128 : i32
      %scan3A_131 = arith.addi %scan3A_129, %scan3A_130 : i32
      %scan3A_132 = arith.constant 1 : i32
      %scan3A_133 = scf.for %scan3A_144 = %scan3A_129 to %scan3A_131 step %scan3A_132 iter_args(%scan3A_145 = %scan3A_128) -> (i32)  : i32 {
        %mul3A_146 = arith.constant 16 : i32
        %mul3A_147 = arith.muli %scan3A_144, %mul3A_146 : i32
        %get3A = arith.index_cast %mul3A_147 : i32 to index
        %get3A_148 = tpu.vector_load %arg6[%get3A] {strides = array<i32>} : memref<2048xi32, #tpu.memory_space<vmem>>, vector<16xi32>,
        %sub3A_149 = vector.broadcast %add3A : i32 to vector<16xi32>
        %sub3A_150 = arith.subi %get3A_148, %sub3A_149 : vector<16xi32>
        %ge3A = arith.constant 0 : i32
        %ge3A_151 = vector.broadcast %ge3A : i32 to vector<16xi32>
        %ge3A_152 = arith.cmpi sge, %sub3A_150, %ge3A_151 : vector<16xi32>
        %lt3A = arith.constant 13055 : i32
        %lt3A_153 = vector.broadcast %lt3A : i32 to vector<16xi32>
        %lt3A_154 = arith.cmpi slt, %sub3A_150, %lt3A_153 : vector<16xi32>
        %and3A_155 = arith.andi %ge3A_152, %lt3A_154 : vector<16xi1>
        %mul3A_156 = arith.constant 2048 : i32
        %mul3A_157 = arith.muli %arg1, %mul3A_156 : i32
        %mul3A_158 = arith.constant 16 : i32
        %mul3A_159 = arith.muli %scan3A_144, %mul3A_158 : i32
        %add3A_160 = arith.addi %mul3A_157, %mul3A_159 : i32
        %add3A_161 = vector.broadcast %add3A_160 : i32 to vector<16xi32>
        %add3A_162 = arith.addi %add3A_161, %iota3A : vector<16xi32>
        %swap3A = arith.index_cast %scan3A_145 : i32 to index
        %swap3A_163 = tpu.vector_load %arg10[%swap3A] masked %and3A_155 {strides = array<i32>} : memref<2064xi32, #tpu.memory_space<vmem>>, vector<16xi32>, vector<16xi1>
        tpu.vector_store %arg10[%swap3A], %sub3A_150 masked %and3A_155 {strides = array<i32>} : memref<2064xi32, #tpu.memory_space<vmem>>, vector<16xi32>, vector<16xi1>
        %swap3A_164 = arith.index_cast %scan3A_145 : i32 to index
        %swap3A_165 = tpu.vector_load %arg11[%swap3A_164] masked %and3A_155 {strides = array<i32>} : memref<2064xi32, #tpu.memory_space<vmem>>, vector<16xi32>, vector<16xi1>
        tpu.vector_store %arg11[%swap3A_164], %add3A_162 masked %and3A_155 {strides = array<i32>} : memref<2064xi32, #tpu.memory_space<vmem>>, vector<16xi32>, vector<16xi1>
        %convert_element_type3A_166 = arith.extui %and3A_155 : vector<16xi1> to vector<16xi32>
        %reduce_sum3A = arith.constant true
        %reduce_sum3A_167 = vector.broadcast %reduce_sum3A : i1 to vector<16xi1>
        %reduce_sum3A_168 = tpu.scan <sum>, %convert_element_type3A_166 masked %reduce_sum3A_167 : vector<16xi32>, vector<16xi1> -> vector<16xi32>
        %reduce_sum3A_169 = vector.extract %reduce_sum3A_168[15] : i32 from vector<16xi32>
        %add3A_170 = arith.addi %scan3A_145, %reduce_sum3A_169 : i32
        scf.yield %add3A_170 : i32
      }
      %scan3A_134 = arith.constant 128 : i32
      %gt3A = arith.constant 0 : i32
      %gt3A_135 = arith.cmpi sgt, %scan3A_133, %gt3A : i32
      %convert_element_type3A = arith.extui %gt3A_135 : i1 to i32
      %cond3A = arith.constant 0 : i32
      %cond3A_136 = arith.cmpi ne, %convert_element_type3A, %cond3A : i32
      scf.if %cond3A_136 {
        %mul3A_144 = arith.constant 0 : i32
        %mul3A_145 = vector.broadcast %mul3A_144 : i32 to vector<16xi32>
        %mul3A_146 = arith.muli %iota3A, %mul3A_145 : vector<16xi32>
        %add3A_147 = vector.broadcast %scan3A_133 : i32 to vector<16xi32>
        %add3A_148 = arith.addi %mul3A_146, %add3A_147 : vector<16xi32>
        %sub3A_149 = arith.constant 1 : i32
        %sub3A_150 = vector.broadcast %sub3A_149 : i32 to vector<16xi32>
        %sub3A_151 = arith.subi %add3A_148, %sub3A_150 : vector<16xi32>
        %gather3A = tpu.vector_load_idx %arg10[%sub3A_151] : memref<2064xi32, #tpu.memory_space<vmem>>[vector<16xi32>], vector<16xi32>,
        %mul3A_152 = arith.constant 0 : i32
        %mul3A_153 = vector.broadcast %mul3A_152 : i32 to vector<16xi32>
        %mul3A_154 = arith.muli %iota3A, %mul3A_153 : vector<16xi32>
        %add3A_155 = vector.broadcast %scan3A_133 : i32 to vector<16xi32>
        %add3A_156 = arith.addi %mul3A_154, %add3A_155 : vector<16xi32>
        %sub3A_157 = arith.constant 1 : i32
        %sub3A_158 = vector.broadcast %sub3A_157 : i32 to vector<16xi32>
        %sub3A_159 = arith.subi %add3A_156, %sub3A_158 : vector<16xi32>
        %gather3A_160 = tpu.vector_load_idx %arg11[%sub3A_159] : memref<2064xi32, #tpu.memory_space<vmem>>[vector<16xi32>], vector<16xi32>,
        %add3A_161 = arith.constant 64 : i32
        %add3A_162 = arith.addi %scan3A_133, %add3A_161 : i32
        %sub3A_163 = arith.constant 1 : i32
        %sub3A_164 = arith.subi %add3A_162, %sub3A_163 : i32
        %jit3A_165 = arith.constant 64 : i32
        %div3A_166 = arith.divsi %sub3A_164, %jit3A_165 : i32
        %sign3A_167 = arith.constant 0 : i32
        %sign3A_168 = arith.cmpi sgt, %sub3A_164, %sign3A_167 : i32
        %sign3A_169 = arith.extui %sign3A_168 : i1 to i32
        %sign3A_170 = arith.constant 0 : i32
        %sign3A_171 = arith.cmpi slt, %sub3A_164, %sign3A_170 : i32
        %sign3A_172 = arith.extui %sign3A_171 : i1 to i32
        %sign3A_173 = arith.subi %sign3A_169, %sign3A_172 : i32
        %sign3A_174 = arith.constant 0 : i32
        %sign3A_175 = arith.cmpi sgt, %jit3A_165, %sign3A_174 : i32
        %sign3A_176 = arith.extui %sign3A_175 : i1 to i32
        %sign3A_177 = arith.constant 0 : i32
        %sign3A_178 = arith.cmpi slt, %jit3A_165, %sign3A_177 : i32
        %sign3A_179 = arith.extui %sign3A_178 : i1 to i32
        %sign3A_180 = arith.subi %sign3A_176, %sign3A_179 : i32
        %ne3A_181 = arith.cmpi ne, %sign3A_173, %sign3A_180 : i32
        %rem3A_182 = arith.remsi %sub3A_164, %jit3A_165 : i32
        %ne3A_183 = arith.constant 0 : i32
        %ne3A_184 = arith.cmpi ne, %rem3A_182, %ne3A_183 : i32
        %and3A_185 = arith.andi %ne3A_181, %ne3A_184 : i1
        %sub3A_186 = arith.constant 1 : i32
        %sub3A_187 = arith.subi %div3A_166, %sub3A_186 : i32
        %select_n3A_188 = arith.select %and3A_185, %sub3A_187, %div3A_166 : i32
        %jit3A_189 = arith.constant 16 : i32
        %div3A_190 = arith.divsi %scan3A_133, %jit3A_189 : i32
        %sign3A_191 = arith.constant 0 : i32
        %sign3A_192 = arith.cmpi sgt, %scan3A_133, %sign3A_191 : i32
        %sign3A_193 = arith.extui %sign3A_192 : i1 to i32
        %sign3A_194 = arith.constant 0 : i32
        %sign3A_195 = arith.cmpi slt, %scan3A_133, %sign3A_194 : i32
        %sign3A_196 = arith.extui %sign3A_195 : i1 to i32
        %sign3A_197 = arith.subi %sign3A_193, %sign3A_196 : i32
        %sign3A_198 = arith.constant 0 : i32
        %sign3A_199 = arith.cmpi sgt, %jit3A_189, %sign3A_198 : i32
        %sign3A_200 = arith.extui %sign3A_199 : i1 to i32
        %sign3A_201 = arith.constant 0 : i32
        %sign3A_202 = arith.cmpi slt, %jit3A_189, %sign3A_201 : i32
        %sign3A_203 = arith.extui %sign3A_202 : i1 to i32
        %sign3A_204 = arith.subi %sign3A_200, %sign3A_203 : i32
        %ne3A_205 = arith.cmpi ne, %sign3A_197, %sign3A_204 : i32
        %rem3A_206 = arith.remsi %scan3A_133, %jit3A_189 : i32
        %ne3A_207 = arith.constant 0 : i32
        %ne3A_208 = arith.cmpi ne, %rem3A_206, %ne3A_207 : i32
        %and3A_209 = arith.andi %ne3A_205, %ne3A_208 : i1
        %sub3A_210 = arith.constant 1 : i32
        %sub3A_211 = arith.subi %div3A_190, %sub3A_210 : i32
        %select_n3A_212 = arith.select %and3A_209, %sub3A_211, %div3A_190 : i32
        %mul3A_213 = arith.constant 4 : i32
        %mul3A_214 = arith.muli %select_n3A_188, %mul3A_213 : i32
        %while3A_215 = arith.constant 0 : i32
        %while3A_216 = arith.subi %mul3A_214, %select_n3A_212 : i32
        %while3A_217 = arith.addi %select_n3A_212, %while3A_216 : i32
        %while3A_218 = arith.constant 1 : i32
        %while3A_219 = arith.divsi %while3A_216, %while3A_218 : i32
        %while3A_220 = arith.muli %while3A_219, %while3A_218 : i32
        %while3A_221 = arith.addi %select_n3A_212, %while3A_220 : i32
        %while3A_222 = arith.constant 1 : i32
        %while3A_223 = scf.for %while3A_252 = %select_n3A_212 to %while3A_221 step %while3A_222 iter_args(%while3A_253 = %while3A_215) -> (i32)  : i32 {
          %mul3A_254 = arith.constant 16 : i32
          %mul3A_255 = arith.muli %while3A_252, %mul3A_254 : i32
          %add3A_256 = vector.broadcast %mul3A_255 : i32 to vector<16xi32>
          %add3A_257 = arith.addi %add3A_256, %iota3A : vector<16xi32>
          %lt3A = vector.broadcast %scan3A_133 : i32 to vector<16xi32>
          %lt3A_258 = arith.cmpi slt, %add3A_257, %lt3A : vector<16xi32>
          %mul3A_259 = arith.constant 16 : i32
          %mul3A_260 = arith.muli %while3A_252, %mul3A_259 : i32
          %get3A = arith.index_cast %mul3A_260 : i32 to index
          %get3A_261 = tpu.vector_load %arg10[%get3A] {strides = array<i32>} : memref<2064xi32, #tpu.memory_space<vmem>>, vector<16xi32>,
          %select_n3A_262 = arith.select %lt3A_258, %get3A_261, %gather3A : vector<16xi1>, vector<16xi32>
          %mul3A_263 = arith.constant 16 : i32
          %mul3A_264 = arith.muli %while3A_252, %mul3A_263 : i32
          %swap3A = arith.index_cast %mul3A_264 : i32 to index
          %swap3A_265 = tpu.vector_load %arg10[%swap3A] {strides = array<i32>} : memref<2064xi32, #tpu.memory_space<vmem>>, vector<16xi32>,
          tpu.vector_store %arg10[%swap3A], %select_n3A_262 {strides = array<i32>} : memref<2064xi32, #tpu.memory_space<vmem>>, vector<16xi32>,
          %mul3A_266 = arith.constant 16 : i32
          %mul3A_267 = arith.muli %while3A_252, %mul3A_266 : i32
          %get3A_268 = arith.index_cast %mul3A_267 : i32 to index
          %get3A_269 = tpu.vector_load %arg11[%get3A_268] {strides = array<i32>} : memref<2064xi32, #tpu.memory_space<vmem>>, vector<16xi32>,
          %select_n3A_270 = arith.select %lt3A_258, %get3A_269, %gather3A_160 : vector<16xi1>, vector<16xi32>
          %mul3A_271 = arith.constant 16 : i32
          %mul3A_272 = arith.muli %while3A_252, %mul3A_271 : i32
          %swap3A_273 = arith.index_cast %mul3A_272 : i32 to index
          %swap3A_274 = tpu.vector_load %arg11[%swap3A_273] {strides = array<i32>} : memref<2064xi32, #tpu.memory_space<vmem>>, vector<16xi32>,
          tpu.vector_store %arg11[%swap3A_273], %select_n3A_270 {strides = array<i32>} : memref<2064xi32, #tpu.memory_space<vmem>>, vector<16xi32>,
          %while3A_275 = arith.constant 0 : i32
          scf.yield %while3A_275 : i32
        }
        %while3A_224 = arith.constant 1 : i32
        %while3A_225 = scf.for %while3A_252 = %while3A_221 to %while3A_217 step %while3A_224 iter_args(%while3A_253 = %while3A_223) -> (i32)  : i32 {
          %mul3A_254 = arith.constant 16 : i32
          %mul3A_255 = arith.muli %while3A_252, %mul3A_254 : i32
          %add3A_256 = vector.broadcast %mul3A_255 : i32 to vector<16xi32>
          %add3A_257 = arith.addi %add3A_256, %iota3A : vector<16xi32>
          %lt3A = vector.broadcast %scan3A_133 : i32 to vector<16xi32>
          %lt3A_258 = arith.cmpi slt, %add3A_257, %lt3A : vector<16xi32>
          %mul3A_259 = arith.constant 16 : i32
          %mul3A_260 = arith.muli %while3A_252, %mul3A_259 : i32
          %get3A = arith.index_cast %mul3A_260 : i32 to index
          %get3A_261 = tpu.vector_load %arg10[%get3A] {strides = array<i32>} : memref<2064xi32, #tpu.memory_space<vmem>>, vector<16xi32>,
          %select_n3A_262 = arith.select %lt3A_258, %get3A_261, %gather3A : vector<16xi1>, vector<16xi32>
          %mul3A_263 = arith.constant 16 : i32
          %mul3A_264 = arith.muli %while3A_252, %mul3A_263 : i32
          %swap3A = arith.index_cast %mul3A_264 : i32 to index
          %swap3A_265 = tpu.vector_load %arg10[%swap3A] {strides = array<i32>} : memref<2064xi32, #tpu.memory_space<vmem>>, vector<16xi32>,
          tpu.vector_store %arg10[%swap3A], %select_n3A_262 {strides = array<i32>} : memref<2064xi32, #tpu.memory_space<vmem>>, vector<16xi32>,
          %mul3A_266 = arith.constant 16 : i32
          %mul3A_267 = arith.muli %while3A_252, %mul3A_266 : i32
          %get3A_268 = arith.index_cast %mul3A_267 : i32 to index
          %get3A_269 = tpu.vector_load %arg11[%get3A_268] {strides = array<i32>} : memref<2064xi32, #tpu.memory_space<vmem>>, vector<16xi32>,
          %select_n3A_270 = arith.select %lt3A_258, %get3A_269, %gather3A_160 : vector<16xi1>, vector<16xi32>
          %mul3A_271 = arith.constant 16 : i32
          %mul3A_272 = arith.muli %while3A_252, %mul3A_271 : i32
          %swap3A_273 = arith.index_cast %mul3A_272 : i32 to index
          %swap3A_274 = tpu.vector_load %arg11[%swap3A_273] {strides = array<i32>} : memref<2064xi32, #tpu.memory_space<vmem>>, vector<16xi32>,
          tpu.vector_store %arg11[%swap3A_273], %select_n3A_270 {strides = array<i32>} : memref<2064xi32, #tpu.memory_space<vmem>>, vector<16xi32>,
          %while3A_275 = arith.constant 0 : i32
          scf.yield %while3A_275 : i32
        }
        %mul3A_226 = arith.constant 4 : i32
        %mul3A_227 = arith.muli %select_n3A_188, %mul3A_226 : i32
        %while3A_228 = arith.constant 0 : i32
        %while3A_229 = arith.constant 0 : i32
        %while3A_230 = arith.subi %mul3A_227, %while3A_228 : i32
        %while3A_231 = arith.addi %while3A_228, %while3A_230 : i32
        %while3A_232 = arith.constant 1 : i32
        %while3A_233 = arith.divsi %while3A_230, %while3A_232 : i32
        %while3A_234 = arith.muli %while3A_233, %while3A_232 : i32
        %while3A_235 = arith.addi %while3A_228, %while3A_234 : i32
        %while3A_236 = arith.constant 1 : i32
        %while3A_237 = scf.for %while3A_252 = %while3A_228 to %while3A_235 step %while3A_236 iter_args(%while3A_253 = %while3A_229) -> (i32)  : i32 {
          %mul3A_254 = arith.constant 16 : i32
          %mul3A_255 = arith.muli %while3A_252, %mul3A_254 : i32
          %get3A = arith.index_cast %mul3A_255 : i32 to index
          %get3A_256 = tpu.vector_load %arg11[%get3A] {strides = array<i32>} : memref<2064xi32, #tpu.memory_space<vmem>>, vector<16xi32>,
          %jit3A_257 = arith.constant 4 : i32
          %div3A_258 = arith.divsi %while3A_252, %jit3A_257 : i32
          %sign3A_259 = arith.constant 0 : i32
          %sign3A_260 = arith.cmpi sgt, %while3A_252, %sign3A_259 : i32
          %sign3A_261 = arith.extui %sign3A_260 : i1 to i32
          %sign3A_262 = arith.constant 0 : i32
          %sign3A_263 = arith.cmpi slt, %while3A_252, %sign3A_262 : i32
          %sign3A_264 = arith.extui %sign3A_263 : i1 to i32
          %sign3A_265 = arith.subi %sign3A_261, %sign3A_264 : i32
          %sign3A_266 = arith.constant 0 : i32
          %sign3A_267 = arith.cmpi sgt, %jit3A_257, %sign3A_266 : i32
          %sign3A_268 = arith.extui %sign3A_267 : i1 to i32
          %sign3A_269 = arith.constant 0 : i32
          %sign3A_270 = arith.cmpi slt, %jit3A_257, %sign3A_269 : i32
          %sign3A_271 = arith.extui %sign3A_270 : i1 to i32
          %sign3A_272 = arith.subi %sign3A_268, %sign3A_271 : i32
          %ne3A_273 = arith.cmpi ne, %sign3A_265, %sign3A_272 : i32
          %rem3A_274 = arith.remsi %while3A_252, %jit3A_257 : i32
          %ne3A_275 = arith.constant 0 : i32
          %ne3A_276 = arith.cmpi ne, %rem3A_274, %ne3A_275 : i32
          %and3A_277 = arith.andi %ne3A_273, %ne3A_276 : i1
          %sub3A_278 = arith.constant 1 : i32
          %sub3A_279 = arith.subi %div3A_258, %sub3A_278 : i32
          %select_n3A_280 = arith.select %and3A_277, %sub3A_279, %div3A_258 : i32
          %jit3A_281 = arith.constant 4 : i32
          %eq3A = arith.constant 0 : i32
          %eq3A_282 = arith.cmpi eq, %jit3A_281, %eq3A : i32
          %jit3A_283 = arith.constant 1 : i32
          %select_n3A_284 = arith.select %eq3A_282, %jit3A_283, %jit3A_281 : i32
          %rem3A_285 = arith.remsi %while3A_252, %select_n3A_284 : i32
          %ne3A_286 = arith.constant 0 : i32
          %ne3A_287 = arith.cmpi ne, %rem3A_285, %ne3A_286 : i32
          %lt3A = arith.constant 0 : i32
          %lt3A_288 = arith.cmpi slt, %rem3A_285, %lt3A : i32
          %lt3A_289 = arith.constant 0 : i32
          %lt3A_290 = arith.cmpi slt, %select_n3A_284, %lt3A_289 : i32
          %ne3A_291 = arith.xori %lt3A_288, %lt3A_290 : i1
          %and3A_292 = arith.andi %ne3A_291, %ne3A_287 : i1
          %add3A_293 = arith.addi %rem3A_285, %select_n3A_284 : i32
          %select_n3A_294 = arith.select %and3A_292, %add3A_293, %rem3A_285 : i32
          %mul3A_295 = arith.constant 16 : i32
          %mul3A_296 = arith.muli %select_n3A_294, %mul3A_295 : i32
          %swap3A = arith.index_cast %select_n3A_280 : i32 to index
          %swap3A_297 = arith.index_cast %mul3A_296 : i32 to index
          %swap3A_298 = tpu.vector_load %arg12[%swap3A, %swap3A_297] {strides = array<i32>} : memref<33x64xi32, #tpu.memory_space<vmem>>, vector<16xi32>,
          tpu.vector_store %arg12[%swap3A, %swap3A_297], %get3A_256 {strides = array<i32>} : memref<33x64xi32, #tpu.memory_space<vmem>>, vector<16xi32>,
          %while3A_299 = arith.constant 0 : i32
          scf.yield %while3A_299 : i32
        }
        %while3A_238 = arith.constant 1 : i32
        %while3A_239 = scf.for %while3A_252 = %while3A_235 to %while3A_231 step %while3A_238 iter_args(%while3A_253 = %while3A_237) -> (i32)  : i32 {
          %mul3A_254 = arith.constant 16 : i32
          %mul3A_255 = arith.muli %while3A_252, %mul3A_254 : i32
          %get3A = arith.index_cast %mul3A_255 : i32 to index
          %get3A_256 = tpu.vector_load %arg11[%get3A] {strides = array<i32>} : memref<2064xi32, #tpu.memory_space<vmem>>, vector<16xi32>,
          %jit3A_257 = arith.constant 4 : i32
          %div3A_258 = arith.divsi %while3A_252, %jit3A_257 : i32
          %sign3A_259 = arith.constant 0 : i32
          %sign3A_260 = arith.cmpi sgt, %while3A_252, %sign3A_259 : i32
          %sign3A_261 = arith.extui %sign3A_260 : i1 to i32
          %sign3A_262 = arith.constant 0 : i32
          %sign3A_263 = arith.cmpi slt, %while3A_252, %sign3A_262 : i32
          %sign3A_264 = arith.extui %sign3A_263 : i1 to i32
          %sign3A_265 = arith.subi %sign3A_261, %sign3A_264 : i32
          %sign3A_266 = arith.constant 0 : i32
          %sign3A_267 = arith.cmpi sgt, %jit3A_257, %sign3A_266 : i32
          %sign3A_268 = arith.extui %sign3A_267 : i1 to i32
          %sign3A_269 = arith.constant 0 : i32
          %sign3A_270 = arith.cmpi slt, %jit3A_257, %sign3A_269 : i32
          %sign3A_271 = arith.extui %sign3A_270 : i1 to i32
          %sign3A_272 = arith.subi %sign3A_268, %sign3A_271 : i32
          %ne3A_273 = arith.cmpi ne, %sign3A_265, %sign3A_272 : i32
          %rem3A_274 = arith.remsi %while3A_252, %jit3A_257 : i32
          %ne3A_275 = arith.constant 0 : i32
          %ne3A_276 = arith.cmpi ne, %rem3A_274, %ne3A_275 : i32
          %and3A_277 = arith.andi %ne3A_273, %ne3A_276 : i1
          %sub3A_278 = arith.constant 1 : i32
          %sub3A_279 = arith.subi %div3A_258, %sub3A_278 : i32
          %select_n3A_280 = arith.select %and3A_277, %sub3A_279, %div3A_258 : i32
          %jit3A_281 = arith.constant 4 : i32
          %eq3A = arith.constant 0 : i32
          %eq3A_282 = arith.cmpi eq, %jit3A_281, %eq3A : i32
          %jit3A_283 = arith.constant 1 : i32
          %select_n3A_284 = arith.select %eq3A_282, %jit3A_283, %jit3A_281 : i32
          %rem3A_285 = arith.remsi %while3A_252, %select_n3A_284 : i32
          %ne3A_286 = arith.constant 0 : i32
          %ne3A_287 = arith.cmpi ne, %rem3A_285, %ne3A_286 : i32
          %lt3A = arith.constant 0 : i32
          %lt3A_288 = arith.cmpi slt, %rem3A_285, %lt3A : i32
          %lt3A_289 = arith.constant 0 : i32
          %lt3A_290 = arith.cmpi slt, %select_n3A_284, %lt3A_289 : i32
          %ne3A_291 = arith.xori %lt3A_288, %lt3A_290 : i1
          %and3A_292 = arith.andi %ne3A_291, %ne3A_287 : i1
          %add3A_293 = arith.addi %rem3A_285, %select_n3A_284 : i32
          %select_n3A_294 = arith.select %and3A_292, %add3A_293, %rem3A_285 : i32
          %mul3A_295 = arith.constant 16 : i32
          %mul3A_296 = arith.muli %select_n3A_294, %mul3A_295 : i32
          %swap3A = arith.index_cast %select_n3A_280 : i32 to index
          %swap3A_297 = arith.index_cast %mul3A_296 : i32 to index
          %swap3A_298 = tpu.vector_load %arg12[%swap3A, %swap3A_297] {strides = array<i32>} : memref<33x64xi32, #tpu.memory_space<vmem>>, vector<16xi32>,
          tpu.vector_store %arg12[%swap3A, %swap3A_297], %get3A_256 {strides = array<i32>} : memref<33x64xi32, #tpu.memory_space<vmem>>, vector<16xi32>,
          %while3A_299 = arith.constant 0 : i32
          scf.yield %while3A_299 : i32
        }
        %while3A_240 = arith.constant 0 : i32
        %while3A_241 = arith.constant 0 : i32
        %while3A_242 = arith.subi %select_n3A_188, %while3A_240 : i32
        %while3A_243 = arith.addi %while3A_240, %while3A_242 : i32
        %while3A_244 = arith.constant 1 : i32
        %while3A_245 = arith.divsi %while3A_242, %while3A_244 : i32
        %while3A_246 = arith.muli %while3A_245, %while3A_244 : i32
        %while3A_247 = arith.addi %while3A_240, %while3A_246 : i32
        %while3A_248 = arith.constant 1 : i32
        %while3A_249 = scf.for %while3A_252 = %while3A_240 to %while3A_247 step %while3A_248 iter_args(%while3A_253 = %while3A_241) -> (i32)  : i32 {
          %mul3A_254 = arith.constant 64 : i32
          %mul3A_255 = arith.muli %while3A_252, %mul3A_254 : i32
          %dma_start3A = tpu.memref_slice %arg10[%mul3A_255] : memref<2064xi32, #tpu.memory_space<vmem>> -> memref<64xi32, #tpu.memory_space<vmem>>
          %dma_start3A_256 = arith.constant 0 : i32
          %dma_start3A_257 = arith.constant 0 : i32
          %dma_start3A_258 = tpu.memref_slice %arg14[%dma_start3A_256, %dma_start3A_257] : memref<13056x128xf32, #tpu.memory_space<vmem_shared>> -> memref<13056x128xf32, #tpu.memory_space<vmem_shared>>
          tpu.enqueue_indirect_dma source(%dma_start3A_258 : memref<13056x128xf32, #tpu.memory_space<vmem_shared>>) target(%arg13 : memref<64x128xf32, #tpu.memory_space<vmem>>) offsets(%dma_start3A : memref<64xi32, #tpu.memory_space<vmem>>) semaphore(%arg15 : memref<!tpu.dma_semaphore, #tpu.memory_space<semaphore_mem>>)
          %dma_wait3A = tpu.memref_slice %arg10[%mul3A_255] : memref<2064xi32, #tpu.memory_space<vmem>> -> memref<64xi32, #tpu.memory_space<vmem>>
          %dma_wait3A_259 = arith.constant 0 : i32
          %dma_wait3A_260 = arith.constant 0 : i32
          %dma_wait3A_261 = tpu.memref_slice %arg14[%dma_wait3A_259, %dma_wait3A_260] : memref<13056x128xf32, #tpu.memory_space<vmem_shared>> -> memref<13056x128xf32, #tpu.memory_space<vmem_shared>>
          tpu.wait_indirect_dma semaphore(%arg15 : memref<!tpu.dma_semaphore, #tpu.memory_space<semaphore_mem>>) src(%dma_wait3A_261 : memref<13056x128xf32, #tpu.memory_space<vmem_shared>>) dst(%arg13 : memref<64x128xf32, #tpu.memory_space<vmem>>)
          "tpu.region"() ({
            %run_scoped3A_263 = tpu.sem_alloc : memref<!tpu.dma_semaphore, #tpu.memory_space<semaphore_mem>>
            %dma_start3A_264 = arith.constant 0 : i32
            %dma_start3A_265 = tpu.memref_slice %arg12[%while3A_252, %dma_start3A_264] : memref<33x64xi32, #tpu.memory_space<vmem>> -> memref<1x64xi32, #tpu.memory_space<vmem>>
            %dma_start3A_266 = tpu.memref_squeeze %dma_start3A_265 : memref<1x64xi32, #tpu.memory_space<vmem>> -> memref<64xi32, #tpu.memory_space<vmem>>
            %dma_start3A_267 = arith.constant 0 : i32
            %dma_start3A_268 = arith.constant 0 : i32
            %dma_start3A_269 = tpu.memref_slice %arg4[%dma_start3A_267, %dma_start3A_268] : memref<32768x128xf32, #tpu.memory_space<hbm>> -> memref<32768x128xf32, #tpu.memory_space<hbm>>
            tpu.enqueue_indirect_dma source(%arg13 : memref<64x128xf32, #tpu.memory_space<vmem>>) target(%dma_start3A_269 : memref<32768x128xf32, #tpu.memory_space<hbm>>) offsets(%dma_start3A_266 : memref<64xi32, #tpu.memory_space<vmem>>) semaphore(%run_scoped3A_263 : memref<!tpu.dma_semaphore, #tpu.memory_space<semaphore_mem>>)
            %dma_wait3A_270 = arith.constant 0 : i32
            %dma_wait3A_271 = tpu.memref_slice %arg12[%while3A_252, %dma_wait3A_270] : memref<33x64xi32, #tpu.memory_space<vmem>> -> memref<1x64xi32, #tpu.memory_space<vmem>>
            %dma_wait3A_272 = tpu.memref_squeeze %dma_wait3A_271 : memref<1x64xi32, #tpu.memory_space<vmem>> -> memref<64xi32, #tpu.memory_space<vmem>>
            %dma_wait3A_273 = arith.constant 0 : i32
            %dma_wait3A_274 = arith.constant 0 : i32
            %dma_wait3A_275 = tpu.memref_slice %arg4[%dma_wait3A_273, %dma_wait3A_274] : memref<32768x128xf32, #tpu.memory_space<hbm>> -> memref<32768x128xf32, #tpu.memory_space<hbm>>
            tpu.wait_indirect_dma semaphore(%run_scoped3A_263 : memref<!tpu.dma_semaphore, #tpu.memory_space<semaphore_mem>>) src(%arg13 : memref<64x128xf32, #tpu.memory_space<vmem>>) dst(%dma_wait3A_275 : memref<32768x128xf32, #tpu.memory_space<hbm>>)
            tpu.yield
          }) : () -> ()
          %while3A_262 = arith.constant 0 : i32
          scf.yield %while3A_262 : i32
        }
        %while3A_250 = arith.constant 1 : i32
        %while3A_251 = scf.for %while3A_252 = %while3A_247 to %while3A_243 step %while3A_250 iter_args(%while3A_253 = %while3A_249) -> (i32)  : i32 {
          %mul3A_254 = arith.constant 64 : i32
          %mul3A_255 = arith.muli %while3A_252, %mul3A_254 : i32
          %dma_start3A = tpu.memref_slice %arg10[%mul3A_255] : memref<2064xi32, #tpu.memory_space<vmem>> -> memref<64xi32, #tpu.memory_space<vmem>>
          %dma_start3A_256 = arith.constant 0 : i32
          %dma_start3A_257 = arith.constant 0 : i32
          %dma_start3A_258 = tpu.memref_slice %arg14[%dma_start3A_256, %dma_start3A_257] : memref<13056x128xf32, #tpu.memory_space<vmem_shared>> -> memref<13056x128xf32, #tpu.memory_space<vmem_shared>>
          tpu.enqueue_indirect_dma source(%dma_start3A_258 : memref<13056x128xf32, #tpu.memory_space<vmem_shared>>) target(%arg13 : memref<64x128xf32, #tpu.memory_space<vmem>>) offsets(%dma_start3A : memref<64xi32, #tpu.memory_space<vmem>>) semaphore(%arg15 : memref<!tpu.dma_semaphore, #tpu.memory_space<semaphore_mem>>)
          %dma_wait3A = tpu.memref_slice %arg10[%mul3A_255] : memref<2064xi32, #tpu.memory_space<vmem>> -> memref<64xi32, #tpu.memory_space<vmem>>
          %dma_wait3A_259 = arith.constant 0 : i32
          %dma_wait3A_260 = arith.constant 0 : i32
          %dma_wait3A_261 = tpu.memref_slice %arg14[%dma_wait3A_259, %dma_wait3A_260] : memref<13056x128xf32, #tpu.memory_space<vmem_shared>> -> memref<13056x128xf32, #tpu.memory_space<vmem_shared>>
          tpu.wait_indirect_dma semaphore(%arg15 : memref<!tpu.dma_semaphore, #tpu.memory_space<semaphore_mem>>) src(%dma_wait3A_261 : memref<13056x128xf32, #tpu.memory_space<vmem_shared>>) dst(%arg13 : memref<64x128xf32, #tpu.memory_space<vmem>>)
          "tpu.region"() ({
            %run_scoped3A_263 = tpu.sem_alloc : memref<!tpu.dma_semaphore, #tpu.memory_space<semaphore_mem>>
            %dma_start3A_264 = arith.constant 0 : i32
            %dma_start3A_265 = tpu.memref_slice %arg12[%while3A_252, %dma_start3A_264] : memref<33x64xi32, #tpu.memory_space<vmem>> -> memref<1x64xi32, #tpu.memory_space<vmem>>
            %dma_start3A_266 = tpu.memref_squeeze %dma_start3A_265 : memref<1x64xi32, #tpu.memory_space<vmem>> -> memref<64xi32, #tpu.memory_space<vmem>>
            %dma_start3A_267 = arith.constant 0 : i32
            %dma_start3A_268 = arith.constant 0 : i32
            %dma_start3A_269 = tpu.memref_slice %arg4[%dma_start3A_267, %dma_start3A_268] : memref<32768x128xf32, #tpu.memory_space<hbm>> -> memref<32768x128xf32, #tpu.memory_space<hbm>>
            tpu.enqueue_indirect_dma source(%arg13 : memref<64x128xf32, #tpu.memory_space<vmem>>) target(%dma_start3A_269 : memref<32768x128xf32, #tpu.memory_space<hbm>>) offsets(%dma_start3A_266 : memref<64xi32, #tpu.memory_space<vmem>>) semaphore(%run_scoped3A_263 : memref<!tpu.dma_semaphore, #tpu.memory_space<semaphore_mem>>)
            %dma_wait3A_270 = arith.constant 0 : i32
            %dma_wait3A_271 = tpu.memref_slice %arg12[%while3A_252, %dma_wait3A_270] : memref<33x64xi32, #tpu.memory_space<vmem>> -> memref<1x64xi32, #tpu.memory_space<vmem>>
            %dma_wait3A_272 = tpu.memref_squeeze %dma_wait3A_271 : memref<1x64xi32, #tpu.memory_space<vmem>> -> memref<64xi32, #tpu.memory_space<vmem>>
            %dma_wait3A_273 = arith.constant 0 : i32
            %dma_wait3A_274 = arith.constant 0 : i32
            %dma_wait3A_275 = tpu.memref_slice %arg4[%dma_wait3A_273, %dma_wait3A_274] : memref<32768x128xf32, #tpu.memory_space<hbm>> -> memref<32768x128xf32, #tpu.memory_space<hbm>>
            tpu.wait_indirect_dma semaphore(%run_scoped3A_263 : memref<!tpu.dma_semaphore, #tpu.memory_space<semaphore_mem>>) src(%arg13 : memref<64x128xf32, #tpu.memory_space<vmem>>) dst(%dma_wait3A_275 : memref<32768x128xf32, #tpu.memory_space<hbm>>)
            tpu.yield
          }) : () -> ()
          %while3A_262 = arith.constant 0 : i32
          scf.yield %while3A_262 : i32
        }
      } else {
      }
      %gt3A_137 = arith.constant 0 : i32
      %gt3A_138 = arith.cmpi sgt, %scan3A_36, %gt3A_137 : i32
      %convert_element_type3A_139 = arith.extui %gt3A_138 : i1 to i32
      %cond3A_140 = arith.constant 0 : i32
      %cond3A_141 = arith.cmpi ne, %convert_element_type3A_139, %cond3A_140 : i32
      scf.if %cond3A_141 {
        %mul3A_144 = arith.constant 0 : i32
        %mul3A_145 = vector.broadcast %mul3A_144 : i32 to vector<16xi32>
        %mul3A_146 = arith.muli %iota3A, %mul3A_145 : vector<16xi32>
        %add3A_147 = vector.broadcast %scan3A_36 : i32 to vector<16xi32>
        %add3A_148 = arith.addi %mul3A_146, %add3A_147 : vector<16xi32>
        %sub3A_149 = arith.constant 1 : i32
        %sub3A_150 = vector.broadcast %sub3A_149 : i32 to vector<16xi32>
        %sub3A_151 = arith.subi %add3A_148, %sub3A_150 : vector<16xi32>
        %gather3A = tpu.vector_load_idx %arg8[%sub3A_151] : memref<2064xi32, #tpu.memory_space<vmem>>[vector<16xi32>], vector<16xi32>,
        %mul3A_152 = arith.constant 0 : i32
        %mul3A_153 = vector.broadcast %mul3A_152 : i32 to vector<16xi32>
        %mul3A_154 = arith.muli %iota3A, %mul3A_153 : vector<16xi32>
        %add3A_155 = vector.broadcast %scan3A_36 : i32 to vector<16xi32>
        %add3A_156 = arith.addi %mul3A_154, %add3A_155 : vector<16xi32>
        %sub3A_157 = arith.constant 1 : i32
        %sub3A_158 = vector.broadcast %sub3A_157 : i32 to vector<16xi32>
        %sub3A_159 = arith.subi %add3A_156, %sub3A_158 : vector<16xi32>
        %gather3A_160 = tpu.vector_load_idx %arg9[%sub3A_159] : memref<2064xi32, #tpu.memory_space<vmem>>[vector<16xi32>], vector<16xi32>,
        %add3A_161 = arith.constant 64 : i32
        %add3A_162 = arith.addi %scan3A_36, %add3A_161 : i32
        %sub3A_163 = arith.constant 1 : i32
        %sub3A_164 = arith.subi %add3A_162, %sub3A_163 : i32
        %jit3A_165 = arith.constant 64 : i32
        %div3A_166 = arith.divsi %sub3A_164, %jit3A_165 : i32
        %sign3A_167 = arith.constant 0 : i32
        %sign3A_168 = arith.cmpi sgt, %sub3A_164, %sign3A_167 : i32
        %sign3A_169 = arith.extui %sign3A_168 : i1 to i32
        %sign3A_170 = arith.constant 0 : i32
        %sign3A_171 = arith.cmpi slt, %sub3A_164, %sign3A_170 : i32
        %sign3A_172 = arith.extui %sign3A_171 : i1 to i32
        %sign3A_173 = arith.subi %sign3A_169, %sign3A_172 : i32
        %sign3A_174 = arith.constant 0 : i32
        %sign3A_175 = arith.cmpi sgt, %jit3A_165, %sign3A_174 : i32
        %sign3A_176 = arith.extui %sign3A_175 : i1 to i32
        %sign3A_177 = arith.constant 0 : i32
        %sign3A_178 = arith.cmpi slt, %jit3A_165, %sign3A_177 : i32
        %sign3A_179 = arith.extui %sign3A_178 : i1 to i32
        %sign3A_180 = arith.subi %sign3A_176, %sign3A_179 : i32
        %ne3A_181 = arith.cmpi ne, %sign3A_173, %sign3A_180 : i32
        %rem3A_182 = arith.remsi %sub3A_164, %jit3A_165 : i32
        %ne3A_183 = arith.constant 0 : i32
        %ne3A_184 = arith.cmpi ne, %rem3A_182, %ne3A_183 : i32
        %and3A_185 = arith.andi %ne3A_181, %ne3A_184 : i1
        %sub3A_186 = arith.constant 1 : i32
        %sub3A_187 = arith.subi %div3A_166, %sub3A_186 : i32
        %select_n3A_188 = arith.select %and3A_185, %sub3A_187, %div3A_166 : i32
        %jit3A_189 = arith.constant 16 : i32
        %div3A_190 = arith.divsi %scan3A_36, %jit3A_189 : i32
        %sign3A_191 = arith.constant 0 : i32
        %sign3A_192 = arith.cmpi sgt, %scan3A_36, %sign3A_191 : i32
        %sign3A_193 = arith.extui %sign3A_192 : i1 to i32
        %sign3A_194 = arith.constant 0 : i32
        %sign3A_195 = arith.cmpi slt, %scan3A_36, %sign3A_194 : i32
        %sign3A_196 = arith.extui %sign3A_195 : i1 to i32
        %sign3A_197 = arith.subi %sign3A_193, %sign3A_196 : i32
        %sign3A_198 = arith.constant 0 : i32
        %sign3A_199 = arith.cmpi sgt, %jit3A_189, %sign3A_198 : i32
        %sign3A_200 = arith.extui %sign3A_199 : i1 to i32
        %sign3A_201 = arith.constant 0 : i32
        %sign3A_202 = arith.cmpi slt, %jit3A_189, %sign3A_201 : i32
        %sign3A_203 = arith.extui %sign3A_202 : i1 to i32
        %sign3A_204 = arith.subi %sign3A_200, %sign3A_203 : i32
        %ne3A_205 = arith.cmpi ne, %sign3A_197, %sign3A_204 : i32
        %rem3A_206 = arith.remsi %scan3A_36, %jit3A_189 : i32
        %ne3A_207 = arith.constant 0 : i32
        %ne3A_208 = arith.cmpi ne, %rem3A_206, %ne3A_207 : i32
        %and3A_209 = arith.andi %ne3A_205, %ne3A_208 : i1
        %sub3A_210 = arith.constant 1 : i32
        %sub3A_211 = arith.subi %div3A_190, %sub3A_210 : i32
        %select_n3A_212 = arith.select %and3A_209, %sub3A_211, %div3A_190 : i32
        %mul3A_213 = arith.constant 4 : i32
        %mul3A_214 = arith.muli %select_n3A_188, %mul3A_213 : i32
        %while3A_215 = arith.constant 0 : i32
        %while3A_216 = arith.subi %mul3A_214, %select_n3A_212 : i32
        %while3A_217 = arith.addi %select_n3A_212, %while3A_216 : i32
        %while3A_218 = arith.constant 1 : i32
        %while3A_219 = arith.divsi %while3A_216, %while3A_218 : i32
        %while3A_220 = arith.muli %while3A_219, %while3A_218 : i32
        %while3A_221 = arith.addi %select_n3A_212, %while3A_220 : i32
        %while3A_222 = arith.constant 1 : i32
        %while3A_223 = scf.for %while3A_252 = %select_n3A_212 to %while3A_221 step %while3A_222 iter_args(%while3A_253 = %while3A_215) -> (i32)  : i32 {
          %mul3A_254 = arith.constant 16 : i32
          %mul3A_255 = arith.muli %while3A_252, %mul3A_254 : i32
          %add3A_256 = vector.broadcast %mul3A_255 : i32 to vector<16xi32>
          %add3A_257 = arith.addi %add3A_256, %iota3A : vector<16xi32>
          %lt3A = vector.broadcast %scan3A_36 : i32 to vector<16xi32>
          %lt3A_258 = arith.cmpi slt, %add3A_257, %lt3A : vector<16xi32>
          %mul3A_259 = arith.constant 16 : i32
          %mul3A_260 = arith.muli %while3A_252, %mul3A_259 : i32
          %get3A = arith.index_cast %mul3A_260 : i32 to index
          %get3A_261 = tpu.vector_load %arg8[%get3A] {strides = array<i32>} : memref<2064xi32, #tpu.memory_space<vmem>>, vector<16xi32>,
          %select_n3A_262 = arith.select %lt3A_258, %get3A_261, %gather3A : vector<16xi1>, vector<16xi32>
          %mul3A_263 = arith.constant 16 : i32
          %mul3A_264 = arith.muli %while3A_252, %mul3A_263 : i32
          %swap3A = arith.index_cast %mul3A_264 : i32 to index
          %swap3A_265 = tpu.vector_load %arg8[%swap3A] {strides = array<i32>} : memref<2064xi32, #tpu.memory_space<vmem>>, vector<16xi32>,
          tpu.vector_store %arg8[%swap3A], %select_n3A_262 {strides = array<i32>} : memref<2064xi32, #tpu.memory_space<vmem>>, vector<16xi32>,
          %mul3A_266 = arith.constant 16 : i32
          %mul3A_267 = arith.muli %while3A_252, %mul3A_266 : i32
          %get3A_268 = arith.index_cast %mul3A_267 : i32 to index
          %get3A_269 = tpu.vector_load %arg9[%get3A_268] {strides = array<i32>} : memref<2064xi32, #tpu.memory_space<vmem>>, vector<16xi32>,
          %select_n3A_270 = arith.select %lt3A_258, %get3A_269, %gather3A_160 : vector<16xi1>, vector<16xi32>
          %mul3A_271 = arith.constant 16 : i32
          %mul3A_272 = arith.muli %while3A_252, %mul3A_271 : i32
          %swap3A_273 = arith.index_cast %mul3A_272 : i32 to index
          %swap3A_274 = tpu.vector_load %arg9[%swap3A_273] {strides = array<i32>} : memref<2064xi32, #tpu.memory_space<vmem>>, vector<16xi32>,
          tpu.vector_store %arg9[%swap3A_273], %select_n3A_270 {strides = array<i32>} : memref<2064xi32, #tpu.memory_space<vmem>>, vector<16xi32>,
          %while3A_275 = arith.constant 0 : i32
          scf.yield %while3A_275 : i32
        }
        %while3A_224 = arith.constant 1 : i32
        %while3A_225 = scf.for %while3A_252 = %while3A_221 to %while3A_217 step %while3A_224 iter_args(%while3A_253 = %while3A_223) -> (i32)  : i32 {
          %mul3A_254 = arith.constant 16 : i32
          %mul3A_255 = arith.muli %while3A_252, %mul3A_254 : i32
          %add3A_256 = vector.broadcast %mul3A_255 : i32 to vector<16xi32>
          %add3A_257 = arith.addi %add3A_256, %iota3A : vector<16xi32>
          %lt3A = vector.broadcast %scan3A_36 : i32 to vector<16xi32>
          %lt3A_258 = arith.cmpi slt, %add3A_257, %lt3A : vector<16xi32>
          %mul3A_259 = arith.constant 16 : i32
          %mul3A_260 = arith.muli %while3A_252, %mul3A_259 : i32
          %get3A = arith.index_cast %mul3A_260 : i32 to index
          %get3A_261 = tpu.vector_load %arg8[%get3A] {strides = array<i32>} : memref<2064xi32, #tpu.memory_space<vmem>>, vector<16xi32>,
          %select_n3A_262 = arith.select %lt3A_258, %get3A_261, %gather3A : vector<16xi1>, vector<16xi32>
          %mul3A_263 = arith.constant 16 : i32
          %mul3A_264 = arith.muli %while3A_252, %mul3A_263 : i32
          %swap3A = arith.index_cast %mul3A_264 : i32 to index
          %swap3A_265 = tpu.vector_load %arg8[%swap3A] {strides = array<i32>} : memref<2064xi32, #tpu.memory_space<vmem>>, vector<16xi32>,
          tpu.vector_store %arg8[%swap3A], %select_n3A_262 {strides = array<i32>} : memref<2064xi32, #tpu.memory_space<vmem>>, vector<16xi32>,
          %mul3A_266 = arith.constant 16 : i32
          %mul3A_267 = arith.muli %while3A_252, %mul3A_266 : i32
          %get3A_268 = arith.index_cast %mul3A_267 : i32 to index
          %get3A_269 = tpu.vector_load %arg9[%get3A_268] {strides = array<i32>} : memref<2064xi32, #tpu.memory_space<vmem>>, vector<16xi32>,
          %select_n3A_270 = arith.select %lt3A_258, %get3A_269, %gather3A_160 : vector<16xi1>, vector<16xi32>
          %mul3A_271 = arith.constant 16 : i32
          %mul3A_272 = arith.muli %while3A_252, %mul3A_271 : i32
          %swap3A_273 = arith.index_cast %mul3A_272 : i32 to index
          %swap3A_274 = tpu.vector_load %arg9[%swap3A_273] {strides = array<i32>} : memref<2064xi32, #tpu.memory_space<vmem>>, vector<16xi32>,
          tpu.vector_store %arg9[%swap3A_273], %select_n3A_270 {strides = array<i32>} : memref<2064xi32, #tpu.memory_space<vmem>>, vector<16xi32>,
          %while3A_275 = arith.constant 0 : i32
          scf.yield %while3A_275 : i32
        }
        %mul3A_226 = arith.constant 4 : i32
        %mul3A_227 = arith.muli %select_n3A_188, %mul3A_226 : i32
        %while3A_228 = arith.constant 0 : i32
        %while3A_229 = arith.constant 0 : i32
        %while3A_230 = arith.subi %mul3A_227, %while3A_228 : i32
        %while3A_231 = arith.addi %while3A_228, %while3A_230 : i32
        %while3A_232 = arith.constant 1 : i32
        %while3A_233 = arith.divsi %while3A_230, %while3A_232 : i32
        %while3A_234 = arith.muli %while3A_233, %while3A_232 : i32
        %while3A_235 = arith.addi %while3A_228, %while3A_234 : i32
        %while3A_236 = arith.constant 1 : i32
        %while3A_237 = scf.for %while3A_252 = %while3A_228 to %while3A_235 step %while3A_236 iter_args(%while3A_253 = %while3A_229) -> (i32)  : i32 {
          %mul3A_254 = arith.constant 16 : i32
          %mul3A_255 = arith.muli %while3A_252, %mul3A_254 : i32
          %get3A = arith.index_cast %mul3A_255 : i32 to index
          %get3A_256 = tpu.vector_load %arg9[%get3A] {strides = array<i32>} : memref<2064xi32, #tpu.memory_space<vmem>>, vector<16xi32>,
          %jit3A_257 = arith.constant 4 : i32
          %div3A_258 = arith.divsi %while3A_252, %jit3A_257 : i32
          %sign3A_259 = arith.constant 0 : i32
          %sign3A_260 = arith.cmpi sgt, %while3A_252, %sign3A_259 : i32
          %sign3A_261 = arith.extui %sign3A_260 : i1 to i32
          %sign3A_262 = arith.constant 0 : i32
          %sign3A_263 = arith.cmpi slt, %while3A_252, %sign3A_262 : i32
          %sign3A_264 = arith.extui %sign3A_263 : i1 to i32
          %sign3A_265 = arith.subi %sign3A_261, %sign3A_264 : i32
          %sign3A_266 = arith.constant 0 : i32
          %sign3A_267 = arith.cmpi sgt, %jit3A_257, %sign3A_266 : i32
          %sign3A_268 = arith.extui %sign3A_267 : i1 to i32
          %sign3A_269 = arith.constant 0 : i32
          %sign3A_270 = arith.cmpi slt, %jit3A_257, %sign3A_269 : i32
          %sign3A_271 = arith.extui %sign3A_270 : i1 to i32
          %sign3A_272 = arith.subi %sign3A_268, %sign3A_271 : i32
          %ne3A_273 = arith.cmpi ne, %sign3A_265, %sign3A_272 : i32
          %rem3A_274 = arith.remsi %while3A_252, %jit3A_257 : i32
          %ne3A_275 = arith.constant 0 : i32
          %ne3A_276 = arith.cmpi ne, %rem3A_274, %ne3A_275 : i32
          %and3A_277 = arith.andi %ne3A_273, %ne3A_276 : i1
          %sub3A_278 = arith.constant 1 : i32
          %sub3A_279 = arith.subi %div3A_258, %sub3A_278 : i32
          %select_n3A_280 = arith.select %and3A_277, %sub3A_279, %div3A_258 : i32
          %jit3A_281 = arith.constant 4 : i32
          %eq3A = arith.constant 0 : i32
          %eq3A_282 = arith.cmpi eq, %jit3A_281, %eq3A : i32
          %jit3A_283 = arith.constant 1 : i32
          %select_n3A_284 = arith.select %eq3A_282, %jit3A_283, %jit3A_281 : i32
          %rem3A_285 = arith.remsi %while3A_252, %select_n3A_284 : i32
          %ne3A_286 = arith.constant 0 : i32
          %ne3A_287 = arith.cmpi ne, %rem3A_285, %ne3A_286 : i32
          %lt3A = arith.constant 0 : i32
          %lt3A_288 = arith.cmpi slt, %rem3A_285, %lt3A : i32
          %lt3A_289 = arith.constant 0 : i32
          %lt3A_290 = arith.cmpi slt, %select_n3A_284, %lt3A_289 : i32
          %ne3A_291 = arith.xori %lt3A_288, %lt3A_290 : i1
          %and3A_292 = arith.andi %ne3A_291, %ne3A_287 : i1
          %add3A_293 = arith.addi %rem3A_285, %select_n3A_284 : i32
          %select_n3A_294 = arith.select %and3A_292, %add3A_293, %rem3A_285 : i32
          %mul3A_295 = arith.constant 16 : i32
          %mul3A_296 = arith.muli %select_n3A_294, %mul3A_295 : i32
          %swap3A = arith.index_cast %select_n3A_280 : i32 to index
          %swap3A_297 = arith.index_cast %mul3A_296 : i32 to index
          %swap3A_298 = tpu.vector_load %arg12[%swap3A, %swap3A_297] {strides = array<i32>} : memref<33x64xi32, #tpu.memory_space<vmem>>, vector<16xi32>,
          tpu.vector_store %arg12[%swap3A, %swap3A_297], %get3A_256 {strides = array<i32>} : memref<33x64xi32, #tpu.memory_space<vmem>>, vector<16xi32>,
          %while3A_299 = arith.constant 0 : i32
          scf.yield %while3A_299 : i32
        }
        %while3A_238 = arith.constant 1 : i32
        %while3A_239 = scf.for %while3A_252 = %while3A_235 to %while3A_231 step %while3A_238 iter_args(%while3A_253 = %while3A_237) -> (i32)  : i32 {
          %mul3A_254 = arith.constant 16 : i32
          %mul3A_255 = arith.muli %while3A_252, %mul3A_254 : i32
          %get3A = arith.index_cast %mul3A_255 : i32 to index
          %get3A_256 = tpu.vector_load %arg9[%get3A] {strides = array<i32>} : memref<2064xi32, #tpu.memory_space<vmem>>, vector<16xi32>,
          %jit3A_257 = arith.constant 4 : i32
          %div3A_258 = arith.divsi %while3A_252, %jit3A_257 : i32
          %sign3A_259 = arith.constant 0 : i32
          %sign3A_260 = arith.cmpi sgt, %while3A_252, %sign3A_259 : i32
          %sign3A_261 = arith.extui %sign3A_260 : i1 to i32
          %sign3A_262 = arith.constant 0 : i32
          %sign3A_263 = arith.cmpi slt, %while3A_252, %sign3A_262 : i32
          %sign3A_264 = arith.extui %sign3A_263 : i1 to i32
          %sign3A_265 = arith.subi %sign3A_261, %sign3A_264 : i32
          %sign3A_266 = arith.constant 0 : i32
          %sign3A_267 = arith.cmpi sgt, %jit3A_257, %sign3A_266 : i32
          %sign3A_268 = arith.extui %sign3A_267 : i1 to i32
          %sign3A_269 = arith.constant 0 : i32
          %sign3A_270 = arith.cmpi slt, %jit3A_257, %sign3A_269 : i32
          %sign3A_271 = arith.extui %sign3A_270 : i1 to i32
          %sign3A_272 = arith.subi %sign3A_268, %sign3A_271 : i32
          %ne3A_273 = arith.cmpi ne, %sign3A_265, %sign3A_272 : i32
          %rem3A_274 = arith.remsi %while3A_252, %jit3A_257 : i32
          %ne3A_275 = arith.constant 0 : i32
          %ne3A_276 = arith.cmpi ne, %rem3A_274, %ne3A_275 : i32
          %and3A_277 = arith.andi %ne3A_273, %ne3A_276 : i1
          %sub3A_278 = arith.constant 1 : i32
          %sub3A_279 = arith.subi %div3A_258, %sub3A_278 : i32
          %select_n3A_280 = arith.select %and3A_277, %sub3A_279, %div3A_258 : i32
          %jit3A_281 = arith.constant 4 : i32
          %eq3A = arith.constant 0 : i32
          %eq3A_282 = arith.cmpi eq, %jit3A_281, %eq3A : i32
          %jit3A_283 = arith.constant 1 : i32
          %select_n3A_284 = arith.select %eq3A_282, %jit3A_283, %jit3A_281 : i32
          %rem3A_285 = arith.remsi %while3A_252, %select_n3A_284 : i32
          %ne3A_286 = arith.constant 0 : i32
          %ne3A_287 = arith.cmpi ne, %rem3A_285, %ne3A_286 : i32
          %lt3A = arith.constant 0 : i32
          %lt3A_288 = arith.cmpi slt, %rem3A_285, %lt3A : i32
          %lt3A_289 = arith.constant 0 : i32
          %lt3A_290 = arith.cmpi slt, %select_n3A_284, %lt3A_289 : i32
          %ne3A_291 = arith.xori %lt3A_288, %lt3A_290 : i1
          %and3A_292 = arith.andi %ne3A_291, %ne3A_287 : i1
          %add3A_293 = arith.addi %rem3A_285, %select_n3A_284 : i32
          %select_n3A_294 = arith.select %and3A_292, %add3A_293, %rem3A_285 : i32
          %mul3A_295 = arith.constant 16 : i32
          %mul3A_296 = arith.muli %select_n3A_294, %mul3A_295 : i32
          %swap3A = arith.index_cast %select_n3A_280 : i32 to index
          %swap3A_297 = arith.index_cast %mul3A_296 : i32 to index
          %swap3A_298 = tpu.vector_load %arg12[%swap3A, %swap3A_297] {strides = array<i32>} : memref<33x64xi32, #tpu.memory_space<vmem>>, vector<16xi32>,
          tpu.vector_store %arg12[%swap3A, %swap3A_297], %get3A_256 {strides = array<i32>} : memref<33x64xi32, #tpu.memory_space<vmem>>, vector<16xi32>,
          %while3A_299 = arith.constant 0 : i32
          scf.yield %while3A_299 : i32
        }
        %while3A_240 = arith.constant 0 : i32
        %while3A_241 = arith.constant 0 : i32
        %while3A_242 = arith.subi %select_n3A_188, %while3A_240 : i32
        %while3A_243 = arith.addi %while3A_240, %while3A_242 : i32
        %while3A_244 = arith.constant 1 : i32
        %while3A_245 = arith.divsi %while3A_242, %while3A_244 : i32
        %while3A_246 = arith.muli %while3A_245, %while3A_244 : i32
        %while3A_247 = arith.addi %while3A_240, %while3A_246 : i32
        %while3A_248 = arith.constant 1 : i32
        %while3A_249 = scf.for %while3A_252 = %while3A_240 to %while3A_247 step %while3A_248 iter_args(%while3A_253 = %while3A_241) -> (i32)  : i32 {
          %mul3A_254 = arith.constant 64 : i32
          %mul3A_255 = arith.muli %while3A_252, %mul3A_254 : i32
          %dma_start3A = tpu.memref_slice %arg8[%mul3A_255] : memref<2064xi32, #tpu.memory_space<vmem>> -> memref<64xi32, #tpu.memory_space<vmem>>
          %dma_start3A_256 = arith.constant 0 : i32
          %dma_start3A_257 = arith.constant 0 : i32
          %dma_start3A_258 = tpu.memref_slice %arg14[%dma_start3A_256, %dma_start3A_257] : memref<13056x128xf32, #tpu.memory_space<vmem_shared>> -> memref<13056x128xf32, #tpu.memory_space<vmem_shared>>
          tpu.enqueue_indirect_dma source(%dma_start3A_258 : memref<13056x128xf32, #tpu.memory_space<vmem_shared>>) target(%arg13 : memref<64x128xf32, #tpu.memory_space<vmem>>) offsets(%dma_start3A : memref<64xi32, #tpu.memory_space<vmem>>) semaphore(%arg15 : memref<!tpu.dma_semaphore, #tpu.memory_space<semaphore_mem>>)
          %dma_wait3A = tpu.memref_slice %arg8[%mul3A_255] : memref<2064xi32, #tpu.memory_space<vmem>> -> memref<64xi32, #tpu.memory_space<vmem>>
          %dma_wait3A_259 = arith.constant 0 : i32
          %dma_wait3A_260 = arith.constant 0 : i32
          %dma_wait3A_261 = tpu.memref_slice %arg14[%dma_wait3A_259, %dma_wait3A_260] : memref<13056x128xf32, #tpu.memory_space<vmem_shared>> -> memref<13056x128xf32, #tpu.memory_space<vmem_shared>>
          tpu.wait_indirect_dma semaphore(%arg15 : memref<!tpu.dma_semaphore, #tpu.memory_space<semaphore_mem>>) src(%dma_wait3A_261 : memref<13056x128xf32, #tpu.memory_space<vmem_shared>>) dst(%arg13 : memref<64x128xf32, #tpu.memory_space<vmem>>)
          "tpu.region"() ({
            %run_scoped3A_263 = tpu.sem_alloc : memref<!tpu.dma_semaphore, #tpu.memory_space<semaphore_mem>>
            %dma_start3A_264 = arith.constant 0 : i32
            %dma_start3A_265 = tpu.memref_slice %arg12[%while3A_252, %dma_start3A_264] : memref<33x64xi32, #tpu.memory_space<vmem>> -> memref<1x64xi32, #tpu.memory_space<vmem>>
            %dma_start3A_266 = tpu.memref_squeeze %dma_start3A_265 : memref<1x64xi32, #tpu.memory_space<vmem>> -> memref<64xi32, #tpu.memory_space<vmem>>
            %dma_start3A_267 = arith.constant 0 : i32
            %dma_start3A_268 = arith.constant 0 : i32
            %dma_start3A_269 = tpu.memref_slice %arg5[%dma_start3A_267, %dma_start3A_268] : memref<32768x128xf32, #tpu.memory_space<hbm>> -> memref<32768x128xf32, #tpu.memory_space<hbm>>
            tpu.enqueue_indirect_dma source(%arg13 : memref<64x128xf32, #tpu.memory_space<vmem>>) target(%dma_start3A_269 : memref<32768x128xf32, #tpu.memory_space<hbm>>) offsets(%dma_start3A_266 : memref<64xi32, #tpu.memory_space<vmem>>) semaphore(%run_scoped3A_263 : memref<!tpu.dma_semaphore, #tpu.memory_space<semaphore_mem>>)
            %dma_wait3A_270 = arith.constant 0 : i32
            %dma_wait3A_271 = tpu.memref_slice %arg12[%while3A_252, %dma_wait3A_270] : memref<33x64xi32, #tpu.memory_space<vmem>> -> memref<1x64xi32, #tpu.memory_space<vmem>>
            %dma_wait3A_272 = tpu.memref_squeeze %dma_wait3A_271 : memref<1x64xi32, #tpu.memory_space<vmem>> -> memref<64xi32, #tpu.memory_space<vmem>>
            %dma_wait3A_273 = arith.constant 0 : i32
            %dma_wait3A_274 = arith.constant 0 : i32
            %dma_wait3A_275 = tpu.memref_slice %arg5[%dma_wait3A_273, %dma_wait3A_274] : memref<32768x128xf32, #tpu.memory_space<hbm>> -> memref<32768x128xf32, #tpu.memory_space<hbm>>
            tpu.wait_indirect_dma semaphore(%run_scoped3A_263 : memref<!tpu.dma_semaphore, #tpu.memory_space<semaphore_mem>>) src(%arg13 : memref<64x128xf32, #tpu.memory_space<vmem>>) dst(%dma_wait3A_275 : memref<32768x128xf32, #tpu.memory_space<hbm>>)
            tpu.yield
          }) : () -> ()
          %while3A_262 = arith.constant 0 : i32
          scf.yield %while3A_262 : i32
        }
        %while3A_250 = arith.constant 1 : i32
        %while3A_251 = scf.for %while3A_252 = %while3A_247 to %while3A_243 step %while3A_250 iter_args(%while3A_253 = %while3A_249) -> (i32)  : i32 {
          %mul3A_254 = arith.constant 64 : i32
          %mul3A_255 = arith.muli %while3A_252, %mul3A_254 : i32
          %dma_start3A = tpu.memref_slice %arg8[%mul3A_255] : memref<2064xi32, #tpu.memory_space<vmem>> -> memref<64xi32, #tpu.memory_space<vmem>>
          %dma_start3A_256 = arith.constant 0 : i32
          %dma_start3A_257 = arith.constant 0 : i32
          %dma_start3A_258 = tpu.memref_slice %arg14[%dma_start3A_256, %dma_start3A_257] : memref<13056x128xf32, #tpu.memory_space<vmem_shared>> -> memref<13056x128xf32, #tpu.memory_space<vmem_shared>>
          tpu.enqueue_indirect_dma source(%dma_start3A_258 : memref<13056x128xf32, #tpu.memory_space<vmem_shared>>) target(%arg13 : memref<64x128xf32, #tpu.memory_space<vmem>>) offsets(%dma_start3A : memref<64xi32, #tpu.memory_space<vmem>>) semaphore(%arg15 : memref<!tpu.dma_semaphore, #tpu.memory_space<semaphore_mem>>)
          %dma_wait3A = tpu.memref_slice %arg8[%mul3A_255] : memref<2064xi32, #tpu.memory_space<vmem>> -> memref<64xi32, #tpu.memory_space<vmem>>
          %dma_wait3A_259 = arith.constant 0 : i32
          %dma_wait3A_260 = arith.constant 0 : i32
          %dma_wait3A_261 = tpu.memref_slice %arg14[%dma_wait3A_259, %dma_wait3A_260] : memref<13056x128xf32, #tpu.memory_space<vmem_shared>> -> memref<13056x128xf32, #tpu.memory_space<vmem_shared>>
          tpu.wait_indirect_dma semaphore(%arg15 : memref<!tpu.dma_semaphore, #tpu.memory_space<semaphore_mem>>) src(%dma_wait3A_261 : memref<13056x128xf32, #tpu.memory_space<vmem_shared>>) dst(%arg13 : memref<64x128xf32, #tpu.memory_space<vmem>>)
          "tpu.region"() ({
            %run_scoped3A_263 = tpu.sem_alloc : memref<!tpu.dma_semaphore, #tpu.memory_space<semaphore_mem>>
            %dma_start3A_264 = arith.constant 0 : i32
            %dma_start3A_265 = tpu.memref_slice %arg12[%while3A_252, %dma_start3A_264] : memref<33x64xi32, #tpu.memory_space<vmem>> -> memref<1x64xi32, #tpu.memory_space<vmem>>
            %dma_start3A_266 = tpu.memref_squeeze %dma_start3A_265 : memref<1x64xi32, #tpu.memory_space<vmem>> -> memref<64xi32, #tpu.memory_space<vmem>>
            %dma_start3A_267 = arith.constant 0 : i32
            %dma_start3A_268 = arith.constant 0 : i32
            %dma_start3A_269 = tpu.memref_slice %arg5[%dma_start3A_267, %dma_start3A_268] : memref<32768x128xf32, #tpu.memory_space<hbm>> -> memref<32768x128xf32, #tpu.memory_space<hbm>>
            tpu.enqueue_indirect_dma source(%arg13 : memref<64x128xf32, #tpu.memory_space<vmem>>) target(%dma_start3A_269 : memref<32768x128xf32, #tpu.memory_space<hbm>>) offsets(%dma_start3A_266 : memref<64xi32, #tpu.memory_space<vmem>>) semaphore(%run_scoped3A_263 : memref<!tpu.dma_semaphore, #tpu.memory_space<semaphore_mem>>)
            %dma_wait3A_270 = arith.constant 0 : i32
            %dma_wait3A_271 = tpu.memref_slice %arg12[%while3A_252, %dma_wait3A_270] : memref<33x64xi32, #tpu.memory_space<vmem>> -> memref<1x64xi32, #tpu.memory_space<vmem>>
            %dma_wait3A_272 = tpu.memref_squeeze %dma_wait3A_271 : memref<1x64xi32, #tpu.memory_space<vmem>> -> memref<64xi32, #tpu.memory_space<vmem>>
            %dma_wait3A_273 = arith.constant 0 : i32
            %dma_wait3A_274 = arith.constant 0 : i32
            %dma_wait3A_275 = tpu.memref_slice %arg5[%dma_wait3A_273, %dma_wait3A_274] : memref<32768x128xf32, #tpu.memory_space<hbm>> -> memref<32768x128xf32, #tpu.memory_space<hbm>>
            tpu.wait_indirect_dma semaphore(%run_scoped3A_263 : memref<!tpu.dma_semaphore, #tpu.memory_space<semaphore_mem>>) src(%arg13 : memref<64x128xf32, #tpu.memory_space<vmem>>) dst(%dma_wait3A_275 : memref<32768x128xf32, #tpu.memory_space<hbm>>)
            tpu.yield
          }) : () -> ()
          %while3A_262 = arith.constant 0 : i32
          scf.yield %while3A_262 : i32
        }
      } else {
      }
      %barrier3A_142 = arith.constant 0 : index
      tpu.barrier barrier_id(%barrier3A_142)
      %scan3A_143 = arith.constant 0 : i32
      scf.yield %scan3A_143 : i32
    }
    %scan3A_10 = arith.constant 4 : i32
    return
  }
}

#map = affine_map<(d0, d1) -> (0, 0)>
#map1 = affine_map<(d0, d1) -> (0)>
module attributes {stable_mosaic.version = 14 : i64} {
  func.func @_gather_body(%arg0: i32, %arg1: i32, %arg2: memref<100000x128xf32, #tpu.memory_space<hbm>>, %arg3: memref<2x32768xi32, #tpu.memory_space<hbm>>, %arg4: memref<100000xf32, #tpu.memory_space<hbm>>, %arg5: memref<32768x128xf32, #tpu.memory_space<hbm>>, %arg6: memref<32768x128xf32, #tpu.memory_space<hbm>>, %arg7: memref<32768xf32, #tpu.memory_space<hbm>>, %arg8: memref<1024xi32, #tpu.memory_space<vmem>>, %arg9: memref<512x128xf32, #tpu.memory_space<vmem>>, %arg10: memref<1024xf32, #tpu.memory_space<vmem>>, %arg11: memref<!tpu.dma_semaphore, #tpu.memory_space<semaphore_mem>>) attributes {dimension_semantics = [#tpu.dimension_semantics<core_parallel>, #tpu.dimension_semantics<subcore_parallel>], iteration_bounds = array<i64: 2, 16>, scalar_prefetch = 0 : i64, scratch_operands = 4 : i64, tpu.core_type = #tpu.core_type<sc_vector_subcore>, window_params = [{transform_indices = #map}, {transform_indices = #map}, {transform_indices = #map1}, {transform_indices = #map}, {transform_indices = #map}, {transform_indices = #map1}]} {
    %mul3A = arith.constant 2 : i32
    %mul3A_0 = arith.muli %arg1, %mul3A : i32
    %add3A = arith.addi %mul3A_0, %arg0 : i32
    %mul3A_1 = arith.constant 1024 : i32
    %mul3A_2 = arith.muli %add3A, %mul3A_1 : i32
    %run_scoped3A = arith.constant 0 : i32
    "tpu.region"() ({
      %run_scoped3A_54 = tpu.sem_alloc : memref<!tpu.dma_semaphore, #tpu.memory_space<semaphore_mem>>
      %dma_start3A_55 = tpu.memref_slice %arg3[%run_scoped3A, %mul3A_2] : memref<2x32768xi32, #tpu.memory_space<hbm>> -> memref<1x1024xi32, #tpu.memory_space<hbm>>
      %dma_start3A_56 = tpu.memref_squeeze %dma_start3A_55 : memref<1x1024xi32, #tpu.memory_space<hbm>> -> memref<1024xi32, #tpu.memory_space<hbm>>
      %dma_start3A_57 = tpu.memref_slice %arg3[%run_scoped3A, %mul3A_2] : memref<2x32768xi32, #tpu.memory_space<hbm>> -> memref<1x1024xi32, #tpu.memory_space<hbm>>
      %dma_start3A_58 = tpu.memref_squeeze %dma_start3A_57 : memref<1x1024xi32, #tpu.memory_space<hbm>> -> memref<1024xi32, #tpu.memory_space<hbm>>
      tpu.enqueue_dma source(%dma_start3A_58 : memref<1024xi32, #tpu.memory_space<hbm>>) target(%arg8 : memref<1024xi32, #tpu.memory_space<vmem>>) target_semaphore(%run_scoped3A_54 : memref<!tpu.dma_semaphore, #tpu.memory_space<semaphore_mem>>)
      %dma_wait3A_59 = tpu.memref_slice %arg3[%run_scoped3A, %mul3A_2] : memref<2x32768xi32, #tpu.memory_space<hbm>> -> memref<1x1024xi32, #tpu.memory_space<hbm>>
      %dma_wait3A_60 = tpu.memref_squeeze %dma_wait3A_59 : memref<1x1024xi32, #tpu.memory_space<hbm>> -> memref<1024xi32, #tpu.memory_space<hbm>>
      %dma_wait3A_61 = tpu.memref_slice %arg3[%run_scoped3A, %mul3A_2] : memref<2x32768xi32, #tpu.memory_space<hbm>> -> memref<1x1024xi32, #tpu.memory_space<hbm>>
      %dma_wait3A_62 = tpu.memref_squeeze %dma_wait3A_61 : memref<1x1024xi32, #tpu.memory_space<hbm>> -> memref<1024xi32, #tpu.memory_space<hbm>>
      tpu.wait_dma2 semaphore(%run_scoped3A_54 : memref<!tpu.dma_semaphore, #tpu.memory_space<semaphore_mem>>) src(%dma_wait3A_62 : memref<1024xi32, #tpu.memory_space<hbm>>) dst(%arg8 : memref<1024xi32, #tpu.memory_space<vmem>>)
      tpu.yield
    }) : () -> ()
    %dma_start3A = arith.constant 0 : i32
    %dma_start3A_3 = tpu.memref_slice %arg4[%dma_start3A] : memref<100000xf32, #tpu.memory_space<hbm>> -> memref<100000xf32, #tpu.memory_space<hbm>>
    tpu.enqueue_indirect_dma source(%dma_start3A_3 : memref<100000xf32, #tpu.memory_space<hbm>>) target(%arg10 : memref<1024xf32, #tpu.memory_space<vmem>>) offsets(%arg8 : memref<1024xi32, #tpu.memory_space<vmem>>) semaphore(%arg11 : memref<!tpu.dma_semaphore, #tpu.memory_space<semaphore_mem>>)
    %dma_wait3A = arith.constant 0 : i32
    %dma_wait3A_4 = tpu.memref_slice %arg4[%dma_wait3A] : memref<100000xf32, #tpu.memory_space<hbm>> -> memref<100000xf32, #tpu.memory_space<hbm>>
    tpu.wait_indirect_dma semaphore(%arg11 : memref<!tpu.dma_semaphore, #tpu.memory_space<semaphore_mem>>) src(%dma_wait3A_4 : memref<100000xf32, #tpu.memory_space<hbm>>) dst(%arg10 : memref<1024xf32, #tpu.memory_space<vmem>>)
    "tpu.region"() ({
      %run_scoped3A_54 = tpu.sem_alloc : memref<!tpu.dma_semaphore, #tpu.memory_space<semaphore_mem>>
      %dma_start3A_55 = tpu.memref_slice %arg7[%mul3A_2] : memref<32768xf32, #tpu.memory_space<hbm>> -> memref<1024xf32, #tpu.memory_space<hbm>>
      %dma_start3A_56 = tpu.memref_slice %arg7[%mul3A_2] : memref<32768xf32, #tpu.memory_space<hbm>> -> memref<1024xf32, #tpu.memory_space<hbm>>
      tpu.enqueue_dma source(%arg10 : memref<1024xf32, #tpu.memory_space<vmem>>) target(%dma_start3A_56 : memref<1024xf32, #tpu.memory_space<hbm>>) target_semaphore(%run_scoped3A_54 : memref<!tpu.dma_semaphore, #tpu.memory_space<semaphore_mem>>)
      %dma_wait3A_57 = tpu.memref_slice %arg7[%mul3A_2] : memref<32768xf32, #tpu.memory_space<hbm>> -> memref<1024xf32, #tpu.memory_space<hbm>>
      %dma_wait3A_58 = tpu.memref_slice %arg7[%mul3A_2] : memref<32768xf32, #tpu.memory_space<hbm>> -> memref<1024xf32, #tpu.memory_space<hbm>>
      tpu.wait_dma2 semaphore(%run_scoped3A_54 : memref<!tpu.dma_semaphore, #tpu.memory_space<semaphore_mem>>) src(%arg10 : memref<1024xf32, #tpu.memory_space<vmem>>) dst(%dma_wait3A_58 : memref<1024xf32, #tpu.memory_space<hbm>>)
      tpu.yield
    }) : () -> ()
    %dma_start3A_5 = arith.constant 0 : i32
    %dma_start3A_6 = tpu.memref_slice %arg8[%dma_start3A_5] : memref<1024xi32, #tpu.memory_space<vmem>> -> memref<512xi32, #tpu.memory_space<vmem>>
    %dma_start3A_7 = arith.constant 0 : i32
    %dma_start3A_8 = arith.constant 0 : i32
    %dma_start3A_9 = tpu.memref_slice %arg2[%dma_start3A_7, %dma_start3A_8] : memref<100000x128xf32, #tpu.memory_space<hbm>> -> memref<100000x128xf32, #tpu.memory_space<hbm>>
    tpu.enqueue_indirect_dma source(%dma_start3A_9 : memref<100000x128xf32, #tpu.memory_space<hbm>>) target(%arg9 : memref<512x128xf32, #tpu.memory_space<vmem>>) offsets(%dma_start3A_6 : memref<512xi32, #tpu.memory_space<vmem>>) semaphore(%arg11 : memref<!tpu.dma_semaphore, #tpu.memory_space<semaphore_mem>>)
    %dma_wait3A_10 = arith.constant 0 : i32
    %dma_wait3A_11 = tpu.memref_slice %arg8[%dma_wait3A_10] : memref<1024xi32, #tpu.memory_space<vmem>> -> memref<512xi32, #tpu.memory_space<vmem>>
    %dma_wait3A_12 = arith.constant 0 : i32
    %dma_wait3A_13 = arith.constant 0 : i32
    %dma_wait3A_14 = tpu.memref_slice %arg2[%dma_wait3A_12, %dma_wait3A_13] : memref<100000x128xf32, #tpu.memory_space<hbm>> -> memref<100000x128xf32, #tpu.memory_space<hbm>>
    tpu.wait_indirect_dma semaphore(%arg11 : memref<!tpu.dma_semaphore, #tpu.memory_space<semaphore_mem>>) src(%dma_wait3A_14 : memref<100000x128xf32, #tpu.memory_space<hbm>>) dst(%arg9 : memref<512x128xf32, #tpu.memory_space<vmem>>)
    %add3A_15 = arith.constant 0 : i32
    %add3A_16 = arith.addi %mul3A_2, %add3A_15 : i32
    "tpu.region"() ({
      %run_scoped3A_54 = tpu.sem_alloc : memref<!tpu.dma_semaphore, #tpu.memory_space<semaphore_mem>>
      %dma_start3A_55 = arith.constant 0 : i32
      %dma_start3A_56 = tpu.memref_slice %arg5[%add3A_16, %dma_start3A_55] : memref<32768x128xf32, #tpu.memory_space<hbm>> -> memref<512x128xf32, #tpu.memory_space<hbm>>
      %dma_start3A_57 = arith.constant 0 : i32
      %dma_start3A_58 = tpu.memref_slice %arg5[%add3A_16, %dma_start3A_57] : memref<32768x128xf32, #tpu.memory_space<hbm>> -> memref<512x128xf32, #tpu.memory_space<hbm>>
      tpu.enqueue_dma source(%arg9 : memref<512x128xf32, #tpu.memory_space<vmem>>) target(%dma_start3A_58 : memref<512x128xf32, #tpu.memory_space<hbm>>) target_semaphore(%run_scoped3A_54 : memref<!tpu.dma_semaphore, #tpu.memory_space<semaphore_mem>>)
      %dma_wait3A_59 = arith.constant 0 : i32
      %dma_wait3A_60 = tpu.memref_slice %arg5[%add3A_16, %dma_wait3A_59] : memref<32768x128xf32, #tpu.memory_space<hbm>> -> memref<512x128xf32, #tpu.memory_space<hbm>>
      %dma_wait3A_61 = arith.constant 0 : i32
      %dma_wait3A_62 = tpu.memref_slice %arg5[%add3A_16, %dma_wait3A_61] : memref<32768x128xf32, #tpu.memory_space<hbm>> -> memref<512x128xf32, #tpu.memory_space<hbm>>
      tpu.wait_dma2 semaphore(%run_scoped3A_54 : memref<!tpu.dma_semaphore, #tpu.memory_space<semaphore_mem>>) src(%arg9 : memref<512x128xf32, #tpu.memory_space<vmem>>) dst(%dma_wait3A_62 : memref<512x128xf32, #tpu.memory_space<hbm>>)
      tpu.yield
    }) : () -> ()
    %dma_start3A_17 = arith.constant 512 : i32
    %dma_start3A_18 = tpu.memref_slice %arg8[%dma_start3A_17] : memref<1024xi32, #tpu.memory_space<vmem>> -> memref<512xi32, #tpu.memory_space<vmem>>
    %dma_start3A_19 = arith.constant 0 : i32
    %dma_start3A_20 = arith.constant 0 : i32
    %dma_start3A_21 = tpu.memref_slice %arg2[%dma_start3A_19, %dma_start3A_20] : memref<100000x128xf32, #tpu.memory_space<hbm>> -> memref<100000x128xf32, #tpu.memory_space<hbm>>
    tpu.enqueue_indirect_dma source(%dma_start3A_21 : memref<100000x128xf32, #tpu.memory_space<hbm>>) target(%arg9 : memref<512x128xf32, #tpu.memory_space<vmem>>) offsets(%dma_start3A_18 : memref<512xi32, #tpu.memory_space<vmem>>) semaphore(%arg11 : memref<!tpu.dma_semaphore, #tpu.memory_space<semaphore_mem>>)
    %dma_wait3A_22 = arith.constant 512 : i32
    %dma_wait3A_23 = tpu.memref_slice %arg8[%dma_wait3A_22] : memref<1024xi32, #tpu.memory_space<vmem>> -> memref<512xi32, #tpu.memory_space<vmem>>
    %dma_wait3A_24 = arith.constant 0 : i32
    %dma_wait3A_25 = arith.constant 0 : i32
    %dma_wait3A_26 = tpu.memref_slice %arg2[%dma_wait3A_24, %dma_wait3A_25] : memref<100000x128xf32, #tpu.memory_space<hbm>> -> memref<100000x128xf32, #tpu.memory_space<hbm>>
    tpu.wait_indirect_dma semaphore(%arg11 : memref<!tpu.dma_semaphore, #tpu.memory_space<semaphore_mem>>) src(%dma_wait3A_26 : memref<100000x128xf32, #tpu.memory_space<hbm>>) dst(%arg9 : memref<512x128xf32, #tpu.memory_space<vmem>>)
    %add3A_27 = arith.constant 512 : i32
    %add3A_28 = arith.addi %mul3A_2, %add3A_27 : i32
    "tpu.region"() ({
      %run_scoped3A_54 = tpu.sem_alloc : memref<!tpu.dma_semaphore, #tpu.memory_space<semaphore_mem>>
      %dma_start3A_55 = arith.constant 0 : i32
      %dma_start3A_56 = tpu.memref_slice %arg5[%add3A_28, %dma_start3A_55] : memref<32768x128xf32, #tpu.memory_space<hbm>> -> memref<512x128xf32, #tpu.memory_space<hbm>>
      %dma_start3A_57 = arith.constant 0 : i32
      %dma_start3A_58 = tpu.memref_slice %arg5[%add3A_28, %dma_start3A_57] : memref<32768x128xf32, #tpu.memory_space<hbm>> -> memref<512x128xf32, #tpu.memory_space<hbm>>
      tpu.enqueue_dma source(%arg9 : memref<512x128xf32, #tpu.memory_space<vmem>>) target(%dma_start3A_58 : memref<512x128xf32, #tpu.memory_space<hbm>>) target_semaphore(%run_scoped3A_54 : memref<!tpu.dma_semaphore, #tpu.memory_space<semaphore_mem>>)
      %dma_wait3A_59 = arith.constant 0 : i32
      %dma_wait3A_60 = tpu.memref_slice %arg5[%add3A_28, %dma_wait3A_59] : memref<32768x128xf32, #tpu.memory_space<hbm>> -> memref<512x128xf32, #tpu.memory_space<hbm>>
      %dma_wait3A_61 = arith.constant 0 : i32
      %dma_wait3A_62 = tpu.memref_slice %arg5[%add3A_28, %dma_wait3A_61] : memref<32768x128xf32, #tpu.memory_space<hbm>> -> memref<512x128xf32, #tpu.memory_space<hbm>>
      tpu.wait_dma2 semaphore(%run_scoped3A_54 : memref<!tpu.dma_semaphore, #tpu.memory_space<semaphore_mem>>) src(%arg9 : memref<512x128xf32, #tpu.memory_space<vmem>>) dst(%dma_wait3A_62 : memref<512x128xf32, #tpu.memory_space<hbm>>)
      tpu.yield
    }) : () -> ()
    %run_scoped3A_29 = arith.constant 1 : i32
    "tpu.region"() ({
      %run_scoped3A_54 = tpu.sem_alloc : memref<!tpu.dma_semaphore, #tpu.memory_space<semaphore_mem>>
      %dma_start3A_55 = tpu.memref_slice %arg3[%run_scoped3A_29, %mul3A_2] : memref<2x32768xi32, #tpu.memory_space<hbm>> -> memref<1x1024xi32, #tpu.memory_space<hbm>>
      %dma_start3A_56 = tpu.memref_squeeze %dma_start3A_55 : memref<1x1024xi32, #tpu.memory_space<hbm>> -> memref<1024xi32, #tpu.memory_space<hbm>>
      %dma_start3A_57 = tpu.memref_slice %arg3[%run_scoped3A_29, %mul3A_2] : memref<2x32768xi32, #tpu.memory_space<hbm>> -> memref<1x1024xi32, #tpu.memory_space<hbm>>
      %dma_start3A_58 = tpu.memref_squeeze %dma_start3A_57 : memref<1x1024xi32, #tpu.memory_space<hbm>> -> memref<1024xi32, #tpu.memory_space<hbm>>
      tpu.enqueue_dma source(%dma_start3A_58 : memref<1024xi32, #tpu.memory_space<hbm>>) target(%arg8 : memref<1024xi32, #tpu.memory_space<vmem>>) target_semaphore(%run_scoped3A_54 : memref<!tpu.dma_semaphore, #tpu.memory_space<semaphore_mem>>)
      %dma_wait3A_59 = tpu.memref_slice %arg3[%run_scoped3A_29, %mul3A_2] : memref<2x32768xi32, #tpu.memory_space<hbm>> -> memref<1x1024xi32, #tpu.memory_space<hbm>>
      %dma_wait3A_60 = tpu.memref_squeeze %dma_wait3A_59 : memref<1x1024xi32, #tpu.memory_space<hbm>> -> memref<1024xi32, #tpu.memory_space<hbm>>
      %dma_wait3A_61 = tpu.memref_slice %arg3[%run_scoped3A_29, %mul3A_2] : memref<2x32768xi32, #tpu.memory_space<hbm>> -> memref<1x1024xi32, #tpu.memory_space<hbm>>
      %dma_wait3A_62 = tpu.memref_squeeze %dma_wait3A_61 : memref<1x1024xi32, #tpu.memory_space<hbm>> -> memref<1024xi32, #tpu.memory_space<hbm>>
      tpu.wait_dma2 semaphore(%run_scoped3A_54 : memref<!tpu.dma_semaphore, #tpu.memory_space<semaphore_mem>>) src(%dma_wait3A_62 : memref<1024xi32, #tpu.memory_space<hbm>>) dst(%arg8 : memref<1024xi32, #tpu.memory_space<vmem>>)
      tpu.yield
    }) : () -> ()
    %dma_start3A_30 = arith.constant 0 : i32
    %dma_start3A_31 = tpu.memref_slice %arg8[%dma_start3A_30] : memref<1024xi32, #tpu.memory_space<vmem>> -> memref<512xi32, #tpu.memory_space<vmem>>
    %dma_start3A_32 = arith.constant 0 : i32
    %dma_start3A_33 = arith.constant 0 : i32
    %dma_start3A_34 = tpu.memref_slice %arg2[%dma_start3A_32, %dma_start3A_33] : memref<100000x128xf32, #tpu.memory_space<hbm>> -> memref<100000x128xf32, #tpu.memory_space<hbm>>
    tpu.enqueue_indirect_dma source(%dma_start3A_34 : memref<100000x128xf32, #tpu.memory_space<hbm>>) target(%arg9 : memref<512x128xf32, #tpu.memory_space<vmem>>) offsets(%dma_start3A_31 : memref<512xi32, #tpu.memory_space<vmem>>) semaphore(%arg11 : memref<!tpu.dma_semaphore, #tpu.memory_space<semaphore_mem>>)
    %dma_wait3A_35 = arith.constant 0 : i32
    %dma_wait3A_36 = tpu.memref_slice %arg8[%dma_wait3A_35] : memref<1024xi32, #tpu.memory_space<vmem>> -> memref<512xi32, #tpu.memory_space<vmem>>
    %dma_wait3A_37 = arith.constant 0 : i32
    %dma_wait3A_38 = arith.constant 0 : i32
    %dma_wait3A_39 = tpu.memref_slice %arg2[%dma_wait3A_37, %dma_wait3A_38] : memref<100000x128xf32, #tpu.memory_space<hbm>> -> memref<100000x128xf32, #tpu.memory_space<hbm>>
    tpu.wait_indirect_dma semaphore(%arg11 : memref<!tpu.dma_semaphore, #tpu.memory_space<semaphore_mem>>) src(%dma_wait3A_39 : memref<100000x128xf32, #tpu.memory_space<hbm>>) dst(%arg9 : memref<512x128xf32, #tpu.memory_space<vmem>>)
    %add3A_40 = arith.constant 0 : i32
    %add3A_41 = arith.addi %mul3A_2, %add3A_40 : i32
    "tpu.region"() ({
      %run_scoped3A_54 = tpu.sem_alloc : memref<!tpu.dma_semaphore, #tpu.memory_space<semaphore_mem>>
      %dma_start3A_55 = arith.constant 0 : i32
      %dma_start3A_56 = tpu.memref_slice %arg6[%add3A_41, %dma_start3A_55] : memref<32768x128xf32, #tpu.memory_space<hbm>> -> memref<512x128xf32, #tpu.memory_space<hbm>>
      %dma_start3A_57 = arith.constant 0 : i32
      %dma_start3A_58 = tpu.memref_slice %arg6[%add3A_41, %dma_start3A_57] : memref<32768x128xf32, #tpu.memory_space<hbm>> -> memref<512x128xf32, #tpu.memory_space<hbm>>
      tpu.enqueue_dma source(%arg9 : memref<512x128xf32, #tpu.memory_space<vmem>>) target(%dma_start3A_58 : memref<512x128xf32, #tpu.memory_space<hbm>>) target_semaphore(%run_scoped3A_54 : memref<!tpu.dma_semaphore, #tpu.memory_space<semaphore_mem>>)
      %dma_wait3A_59 = arith.constant 0 : i32
      %dma_wait3A_60 = tpu.memref_slice %arg6[%add3A_41, %dma_wait3A_59] : memref<32768x128xf32, #tpu.memory_space<hbm>> -> memref<512x128xf32, #tpu.memory_space<hbm>>
      %dma_wait3A_61 = arith.constant 0 : i32
      %dma_wait3A_62 = tpu.memref_slice %arg6[%add3A_41, %dma_wait3A_61] : memref<32768x128xf32, #tpu.memory_space<hbm>> -> memref<512x128xf32, #tpu.memory_space<hbm>>
      tpu.wait_dma2 semaphore(%run_scoped3A_54 : memref<!tpu.dma_semaphore, #tpu.memory_space<semaphore_mem>>) src(%arg9 : memref<512x128xf32, #tpu.memory_space<vmem>>) dst(%dma_wait3A_62 : memref<512x128xf32, #tpu.memory_space<hbm>>)
      tpu.yield
    }) : () -> ()
    %dma_start3A_42 = arith.constant 512 : i32
    %dma_start3A_43 = tpu.memref_slice %arg8[%dma_start3A_42] : memref<1024xi32, #tpu.memory_space<vmem>> -> memref<512xi32, #tpu.memory_space<vmem>>
    %dma_start3A_44 = arith.constant 0 : i32
    %dma_start3A_45 = arith.constant 0 : i32
    %dma_start3A_46 = tpu.memref_slice %arg2[%dma_start3A_44, %dma_start3A_45] : memref<100000x128xf32, #tpu.memory_space<hbm>> -> memref<100000x128xf32, #tpu.memory_space<hbm>>
    tpu.enqueue_indirect_dma source(%dma_start3A_46 : memref<100000x128xf32, #tpu.memory_space<hbm>>) target(%arg9 : memref<512x128xf32, #tpu.memory_space<vmem>>) offsets(%dma_start3A_43 : memref<512xi32, #tpu.memory_space<vmem>>) semaphore(%arg11 : memref<!tpu.dma_semaphore, #tpu.memory_space<semaphore_mem>>)
    %dma_wait3A_47 = arith.constant 512 : i32
    %dma_wait3A_48 = tpu.memref_slice %arg8[%dma_wait3A_47] : memref<1024xi32, #tpu.memory_space<vmem>> -> memref<512xi32, #tpu.memory_space<vmem>>
    %dma_wait3A_49 = arith.constant 0 : i32
    %dma_wait3A_50 = arith.constant 0 : i32
    %dma_wait3A_51 = tpu.memref_slice %arg2[%dma_wait3A_49, %dma_wait3A_50] : memref<100000x128xf32, #tpu.memory_space<hbm>> -> memref<100000x128xf32, #tpu.memory_space<hbm>>
    tpu.wait_indirect_dma semaphore(%arg11 : memref<!tpu.dma_semaphore, #tpu.memory_space<semaphore_mem>>) src(%dma_wait3A_51 : memref<100000x128xf32, #tpu.memory_space<hbm>>) dst(%arg9 : memref<512x128xf32, #tpu.memory_space<vmem>>)
    %add3A_52 = arith.constant 512 : i32
    %add3A_53 = arith.addi %mul3A_2, %add3A_52 : i32
    "tpu.region"() ({
      %run_scoped3A_54 = tpu.sem_alloc : memref<!tpu.dma_semaphore, #tpu.memory_space<semaphore_mem>>
      %dma_start3A_55 = arith.constant 0 : i32
      %dma_start3A_56 = tpu.memref_slice %arg6[%add3A_53, %dma_start3A_55] : memref<32768x128xf32, #tpu.memory_space<hbm>> -> memref<512x128xf32, #tpu.memory_space<hbm>>
      %dma_start3A_57 = arith.constant 0 : i32
      %dma_start3A_58 = tpu.memref_slice %arg6[%add3A_53, %dma_start3A_57] : memref<32768x128xf32, #tpu.memory_space<hbm>> -> memref<512x128xf32, #tpu.memory_space<hbm>>
      tpu.enqueue_dma source(%arg9 : memref<512x128xf32, #tpu.memory_space<vmem>>) target(%dma_start3A_58 : memref<512x128xf32, #tpu.memory_space<hbm>>) target_semaphore(%run_scoped3A_54 : memref<!tpu.dma_semaphore, #tpu.memory_space<semaphore_mem>>)
      %dma_wait3A_59 = arith.constant 0 : i32
      %dma_wait3A_60 = tpu.memref_slice %arg6[%add3A_53, %dma_wait3A_59] : memref<32768x128xf32, #tpu.memory_space<hbm>> -> memref<512x128xf32, #tpu.memory_space<hbm>>
      %dma_wait3A_61 = arith.constant 0 : i32
      %dma_wait3A_62 = tpu.memref_slice %arg6[%add3A_53, %dma_wait3A_61] : memref<32768x128xf32, #tpu.memory_space<hbm>> -> memref<512x128xf32, #tpu.memory_space<hbm>>
      tpu.wait_dma2 semaphore(%run_scoped3A_54 : memref<!tpu.dma_semaphore, #tpu.memory_space<semaphore_mem>>) src(%arg9 : memref<512x128xf32, #tpu.memory_space<vmem>>) dst(%dma_wait3A_62 : memref<512x128xf32, #tpu.memory_space<hbm>>)
      tpu.yield
    }) : () -> ()
    return
  }
}

module attributes {stable_mosaic.version = 14 : i64} {
  func.func @_dense_body(%arg0: i32, %arg1: memref<2048x128xf32, #tpu.memory_space<vmem>>, %arg2: memref<2048x128xf32, #tpu.memory_space<vmem>>, %arg3: memref<2048x16xf32, #tpu.memory_space<vmem>>, %arg4: memref<2048x1xf32, #tpu.memory_space<vmem>>, %arg5: memref<2048x1xf32, #tpu.memory_space<vmem>>, %arg6: memref<1x32xf32, #tpu.memory_space<vmem>>, %arg7: memref<1x32xf32, #tpu.memory_space<vmem>>, %arg8: memref<176x128xf32, #tpu.memory_space<vmem>>, %arg9: memref<304x128xf32, #tpu.memory_space<vmem>>, %arg10: memref<2048x128xf32, #tpu.memory_space<vmem>>, %arg11: memref<2048x128xf32, #tpu.memory_space<vmem>>) attributes {dimension_semantics = [#tpu.dimension_semantics<arbitrary>], iteration_bounds = array<i64: 16>, scalar_prefetch = 0 : i64, scratch_operands = 0 : i64, tpu.core_type = #tpu.core_type<tc>, window_params = [{transform_indices = @transform_0, window_bounds = array<i64: 2048, 128>}, {transform_indices = @transform_1, window_bounds = array<i64: 2048, 128>}, {transform_indices = @transform_2, window_bounds = array<i64: 2048, 16>}, {transform_indices = @transform_3, window_bounds = array<i64: 2048, 1>}, {transform_indices = @transform_4, window_bounds = array<i64: 2048, 1>}, {pipeline_mode = #tpu.pipeline_mode<synchronous>, transform_indices = @transform_5, window_bounds = array<i64: 1, 32>}, {pipeline_mode = #tpu.pipeline_mode<synchronous>, transform_indices = @transform_6, window_bounds = array<i64: 1, 32>}, {pipeline_mode = #tpu.pipeline_mode<synchronous>, transform_indices = @transform_7, window_bounds = array<i64: 176, 128>}, {pipeline_mode = #tpu.pipeline_mode<synchronous>, transform_indices = @transform_8, window_bounds = array<i64: 304, 128>}, {transform_indices = @transform_9, window_bounds = array<i64: 2048, 128>}, {transform_indices = @transform_10, window_bounds = array<i64: 2048, 128>}]} {
    %get3A = arith.constant 0 : index
    %get3A_0 = arith.constant 0 : index
    %get3A_1 = vector.load %arg1[%get3A, %get3A_0] : memref<2048x128xf32, #tpu.memory_space<vmem>>, vector<2048x128xf32>
    %get3A_2 = arith.constant 0 : index
    %get3A_3 = arith.constant 0 : index
    %get3A_4 = vector.load %arg2[%get3A_2, %get3A_3] : memref<2048x128xf32, #tpu.memory_space<vmem>>, vector<2048x128xf32>
    %get3A_5 = arith.constant 0 : index
    %get3A_6 = arith.constant 0 : index
    %get3A_7 = vector.load %arg3[%get3A_5, %get3A_6] : memref<2048x16xf32, #tpu.memory_space<vmem>>, vector<2048x16xf32>
    %get3A_8 = arith.constant 0 : index
    %get3A_9 = arith.constant 0 : index
    %get3A_10 = vector.load %arg5[%get3A_8, %get3A_9] : memref<2048x1xf32, #tpu.memory_space<vmem>>, vector<2048x1xf32>
    %get3A_11 = arith.constant 0 : index
    %get3A_12 = arith.constant 0 : index
    %get3A_13 = vector.load %arg4[%get3A_11, %get3A_12] : memref<2048x1xf32, #tpu.memory_space<vmem>>, vector<2048x1xf32>
    %sub3A = arith.subf %get3A_10, %get3A_13 : vector<2048x1xf32>
    %get3A_14 = arith.constant 0 : index
    %get3A_15 = arith.constant 0 : index
    %get3A_16 = vector.load %arg6[%get3A_14, %get3A_15] : memref<1x32xf32, #tpu.memory_space<vmem>>, vector<1x32xf32>
    %get3A_17 = arith.constant 0 : index
    %get3A_18 = arith.constant 0 : index
    %get3A_19 = vector.load %arg7[%get3A_17, %get3A_18] : memref<1x32xf32, #tpu.memory_space<vmem>>, vector<1x32xf32>
    %mul3A = vector.broadcast %sub3A : vector<2048x1xf32> to vector<2048x32xf32>
    %mul3A_20 = vector.broadcast %get3A_16 : vector<1x32xf32> to vector<2048x32xf32>
    %mul3A_21 = arith.mulf %mul3A, %mul3A_20 : vector<2048x32xf32>
    %add3A = vector.broadcast %get3A_19 : vector<1x32xf32> to vector<2048x32xf32>
    %add3A_22 = arith.addf %mul3A_21, %add3A : vector<2048x32xf32>
    %cos3A = math.cos %add3A_22 : vector<2048x32xf32>
    %neg3A = arith.constant 0.000000e+00 : f32
    %neg3A_23 = vector.broadcast %neg3A : f32 to vector<2048x1xf32>
    %neg3A_24 = arith.subf %neg3A_23, %sub3A : vector<2048x1xf32>
    %mul3A_25 = vector.broadcast %neg3A_24 : vector<2048x1xf32> to vector<2048x32xf32>
    %mul3A_26 = vector.broadcast %get3A_16 : vector<1x32xf32> to vector<2048x32xf32>
    %mul3A_27 = arith.mulf %mul3A_25, %mul3A_26 : vector<2048x32xf32>
    %add3A_28 = vector.broadcast %get3A_19 : vector<1x32xf32> to vector<2048x32xf32>
    %add3A_29 = arith.addf %mul3A_27, %add3A_28 : vector<2048x32xf32>
    %cos3A_30 = math.cos %add3A_29 : vector<2048x32xf32>
    %concatenate3A = tpu.concatenate %get3A_1, %get3A_7, %cos3A in 1 : vector<2048x128xf32>, vector<2048x16xf32>, vector<2048x32xf32> -> vector<2048x176xf32>
    %get3A_31 = arith.constant 0 : index
    %get3A_32 = arith.constant 0 : index
    %get3A_33 = vector.load %arg8[%get3A_31, %get3A_32] : memref<176x128xf32, #tpu.memory_space<vmem>>, vector<176x128xf32>
    %dot_general3A = arith.constant dense<0.000000e+00> : vector<2048x128xf32>
    %dot_general3A_34 = tpu.matmul %concatenate3A, %get3A_33, %dot_general3A {dimension_numbers = #tpu.dot_dimension_numbers<[1], [0], [0], [1], [0, 0, 1, 1], [], []>, transpose_lhs_hint = false} : vector<2048x176xf32>, vector<176x128xf32>, vector<2048x128xf32> -> vector<2048x128xf32>
    %max3A = arith.constant 0.000000e+00 : f32
    %max3A_35 = vector.broadcast %max3A : f32 to vector<2048x128xf32>
    %max3A_36 = arith.maximumf %dot_general3A_34, %max3A_35 : vector<2048x128xf32>
    %swap3A = arith.constant 0 : index
    %swap3A_37 = arith.constant 0 : index
    %swap3A_38 = vector.load %arg10[%swap3A, %swap3A_37] : memref<2048x128xf32, #tpu.memory_space<vmem>>, vector<2048x128xf32>
    tpu.vector_store %arg10[%swap3A, %swap3A_37], %max3A_36 {strides = array<i32>} : memref<2048x128xf32, #tpu.memory_space<vmem>>, vector<2048x128xf32>,
    %concatenate3A_39 = tpu.concatenate %get3A_1, %get3A_4, %get3A_7, %cos3A_30 in 1 : vector<2048x128xf32>, vector<2048x128xf32>, vector<2048x16xf32>, vector<2048x32xf32> -> vector<2048x304xf32>
    %get3A_40 = arith.constant 0 : index
    %get3A_41 = arith.constant 0 : index
    %get3A_42 = vector.load %arg9[%get3A_40, %get3A_41] : memref<304x128xf32, #tpu.memory_space<vmem>>, vector<304x128xf32>
    %dot_general3A_43 = arith.constant dense<0.000000e+00> : vector<2048x128xf32>
    %dot_general3A_44 = tpu.matmul %concatenate3A_39, %get3A_42, %dot_general3A_43 {dimension_numbers = #tpu.dot_dimension_numbers<[1], [0], [0], [1], [0, 0, 1, 1], [], []>, transpose_lhs_hint = false} : vector<2048x304xf32>, vector<304x128xf32>, vector<2048x128xf32> -> vector<2048x128xf32>
    %tanh3A = math.tanh %dot_general3A_44 : vector<2048x128xf32>
    %swap3A_45 = arith.constant 0 : index
    %swap3A_46 = arith.constant 0 : index
    %swap3A_47 = vector.load %arg11[%swap3A_45, %swap3A_46] : memref<2048x128xf32, #tpu.memory_space<vmem>>, vector<2048x128xf32>
    tpu.vector_store %arg11[%swap3A_45, %swap3A_46], %tanh3A {strides = array<i32>} : memref<2048x128xf32, #tpu.memory_space<vmem>>, vector<2048x128xf32>,
    return
  }
  func.func @transform_0(%arg0: i32) -> (i32, i32) {
    %c0_i32 = arith.constant 0 : i32
    %c0_i32_0 = arith.constant 0 : i32
    return %arg0, %c0_i32 : i32, i32
  }
  func.func @transform_1(%arg0: i32) -> (i32, i32) {
    %c0_i32 = arith.constant 0 : i32
    %c0_i32_0 = arith.constant 0 : i32
    return %arg0, %c0_i32 : i32, i32
  }
  func.func @transform_2(%arg0: i32) -> (i32, i32) {
    %c0_i32 = arith.constant 0 : i32
    %c0_i32_0 = arith.constant 0 : i32
    return %arg0, %c0_i32 : i32, i32
  }
  func.func @transform_3(%arg0: i32) -> (i32, i32) {
    %c0_i32 = arith.constant 0 : i32
    %c0_i32_0 = arith.constant 0 : i32
    return %arg0, %c0_i32 : i32, i32
  }
  func.func @transform_4(%arg0: i32) -> (i32, i32) {
    %c0_i32 = arith.constant 0 : i32
    %c0_i32_0 = arith.constant 0 : i32
    return %arg0, %c0_i32 : i32, i32
  }
  func.func @transform_5(%arg0: i32) -> (i32, i32) {
    %c0_i32 = arith.constant 0 : i32
    %c0_i32_0 = arith.constant 0 : i32
    %c0_i32_1 = arith.constant 0 : i32
    return %c0_i32, %c0_i32_0 : i32, i32
  }
  func.func @transform_6(%arg0: i32) -> (i32, i32) {
    %c0_i32 = arith.constant 0 : i32
    %c0_i32_0 = arith.constant 0 : i32
    %c0_i32_1 = arith.constant 0 : i32
    return %c0_i32, %c0_i32_0 : i32, i32
  }
  func.func @transform_7(%arg0: i32) -> (i32, i32) {
    %c0_i32 = arith.constant 0 : i32
    %c0_i32_0 = arith.constant 0 : i32
    %c0_i32_1 = arith.constant 0 : i32
    return %c0_i32, %c0_i32_0 : i32, i32
  }
  func.func @transform_8(%arg0: i32) -> (i32, i32) {
    %c0_i32 = arith.constant 0 : i32
    %c0_i32_0 = arith.constant 0 : i32
    %c0_i32_1 = arith.constant 0 : i32
    return %c0_i32, %c0_i32_0 : i32, i32
  }
  func.func @transform_9(%arg0: i32) -> (i32, i32) {
    %c0_i32 = arith.constant 0 : i32
    %c0_i32_0 = arith.constant 0 : i32
    return %arg0, %c0_i32 : i32, i32
  }
  func.func @transform_10(%arg0: i32) -> (i32, i32) {
    %c0_i32 = arith.constant 0 : i32
    %c0_i32_0 = arith.constant 0 : i32
    return %arg0, %c0_i32 : i32, i32
  }
}

module attributes {stable_mosaic.version = 14 : i64} {
  func.func @_head_body(%arg0: i32, %arg1: memref<2048x128xf32, #tpu.memory_space<vmem>>, %arg2: memref<2048x128xf32, #tpu.memory_space<vmem>>, %arg3: memref<2048x128xf32, #tpu.memory_space<vmem>>, %arg4: memref<2048x128xf32, #tpu.memory_space<vmem>>, %arg5: memref<128x128xf32, #tpu.memory_space<vmem>>, %arg6: memref<2048x128xf32, #tpu.memory_space<vmem>>, %arg7: memref<2048x128xf32, #tpu.memory_space<vmem>>) attributes {dimension_semantics = [#tpu.dimension_semantics<arbitrary>], iteration_bounds = array<i64: 16>, scalar_prefetch = 0 : i64, scratch_operands = 0 : i64, tpu.core_type = #tpu.core_type<tc>, window_params = [{transform_indices = @transform_0, window_bounds = array<i64: 2048, 128>}, {transform_indices = @transform_1, window_bounds = array<i64: 2048, 128>}, {transform_indices = @transform_2, window_bounds = array<i64: 2048, 128>}, {transform_indices = @transform_3, window_bounds = array<i64: 2048, 128>}, {pipeline_mode = #tpu.pipeline_mode<synchronous>, transform_indices = @transform_4, window_bounds = array<i64: 128, 128>}, {transform_indices = @transform_5, window_bounds = array<i64: 2048, 128>}, {transform_indices = @transform_6, window_bounds = array<i64: 2048, 128>}]} {
    %get3A = arith.constant 0 : index
    %get3A_0 = arith.constant 0 : index
    %get3A_1 = vector.load %arg5[%get3A, %get3A_0] : memref<128x128xf32, #tpu.memory_space<vmem>>, vector<128x128xf32>
    %get3A_2 = arith.constant 0 : index
    %get3A_3 = arith.constant 0 : index
    %get3A_4 = vector.load %arg1[%get3A_2, %get3A_3] : memref<2048x128xf32, #tpu.memory_space<vmem>>, vector<2048x128xf32>
    %dot_general3A = arith.constant dense<0.000000e+00> : vector<2048x128xf32>
    %dot_general3A_5 = tpu.matmul %get3A_4, %get3A_1, %dot_general3A {dimension_numbers = #tpu.dot_dimension_numbers<[1], [0], [0], [1], [0, 0, 1, 1], [], []>, transpose_lhs_hint = false} : vector<2048x128xf32>, vector<128x128xf32>, vector<2048x128xf32> -> vector<2048x128xf32>
    %get3A_6 = arith.constant 0 : index
    %get3A_7 = arith.constant 0 : index
    %get3A_8 = vector.load %arg3[%get3A_6, %get3A_7] : memref<2048x128xf32, #tpu.memory_space<vmem>>, vector<2048x128xf32>
    %add3A = arith.addf %dot_general3A_5, %get3A_8 : vector<2048x128xf32>
    %max3A = arith.constant 0.000000e+00 : f32
    %max3A_9 = vector.broadcast %max3A : f32 to vector<2048x128xf32>
    %max3A_10 = arith.maximumf %add3A, %max3A_9 : vector<2048x128xf32>
    %swap3A = arith.constant 0 : index
    %swap3A_11 = arith.constant 0 : index
    %swap3A_12 = vector.load %arg6[%swap3A, %swap3A_11] : memref<2048x128xf32, #tpu.memory_space<vmem>>, vector<2048x128xf32>
    tpu.vector_store %arg6[%swap3A, %swap3A_11], %max3A_10 {strides = array<i32>} : memref<2048x128xf32, #tpu.memory_space<vmem>>, vector<2048x128xf32>,
    %get3A_13 = arith.constant 0 : index
    %get3A_14 = arith.constant 0 : index
    %get3A_15 = vector.load %arg2[%get3A_13, %get3A_14] : memref<2048x128xf32, #tpu.memory_space<vmem>>, vector<2048x128xf32>
    %dot_general3A_16 = arith.constant dense<0.000000e+00> : vector<2048x128xf32>
    %dot_general3A_17 = tpu.matmul %get3A_15, %get3A_1, %dot_general3A_16 {dimension_numbers = #tpu.dot_dimension_numbers<[1], [0], [0], [1], [0, 0, 1, 1], [], []>, transpose_lhs_hint = false} : vector<2048x128xf32>, vector<128x128xf32>, vector<2048x128xf32> -> vector<2048x128xf32>
    %get3A_18 = arith.constant 0 : index
    %get3A_19 = arith.constant 0 : index
    %get3A_20 = vector.load %arg4[%get3A_18, %get3A_19] : memref<2048x128xf32, #tpu.memory_space<vmem>>, vector<2048x128xf32>
    %add3A_21 = arith.addf %dot_general3A_17, %get3A_20 : vector<2048x128xf32>
    %max3A_22 = arith.constant 0.000000e+00 : f32
    %max3A_23 = vector.broadcast %max3A_22 : f32 to vector<2048x128xf32>
    %max3A_24 = arith.maximumf %add3A_21, %max3A_23 : vector<2048x128xf32>
    %swap3A_25 = arith.constant 0 : index
    %swap3A_26 = arith.constant 0 : index
    %swap3A_27 = vector.load %arg7[%swap3A_25, %swap3A_26] : memref<2048x128xf32, #tpu.memory_space<vmem>>, vector<2048x128xf32>
    tpu.vector_store %arg7[%swap3A_25, %swap3A_26], %max3A_24 {strides = array<i32>} : memref<2048x128xf32, #tpu.memory_space<vmem>>, vector<2048x128xf32>,
    return
  }
  func.func @transform_0(%arg0: i32) -> (i32, i32) {
    %c0_i32 = arith.constant 0 : i32
    %c0_i32_0 = arith.constant 0 : i32
    return %arg0, %c0_i32 : i32, i32
  }
  func.func @transform_1(%arg0: i32) -> (i32, i32) {
    %c0_i32 = arith.constant 0 : i32
    %c0_i32_0 = arith.constant 0 : i32
    return %arg0, %c0_i32 : i32, i32
  }
  func.func @transform_2(%arg0: i32) -> (i32, i32) {
    %c0_i32 = arith.constant 0 : i32
    %c0_i32_0 = arith.constant 0 : i32
    return %arg0, %c0_i32 : i32, i32
  }
  func.func @transform_3(%arg0: i32) -> (i32, i32) {
    %c0_i32 = arith.constant 0 : i32
    %c0_i32_0 = arith.constant 0 : i32
    return %arg0, %c0_i32 : i32, i32
  }
  func.func @transform_4(%arg0: i32) -> (i32, i32) {
    %c0_i32 = arith.constant 0 : i32
    %c0_i32_0 = arith.constant 0 : i32
    %c0_i32_1 = arith.constant 0 : i32
    return %c0_i32, %c0_i32_0 : i32, i32
  }
  func.func @transform_5(%arg0: i32) -> (i32, i32) {
    %c0_i32 = arith.constant 0 : i32
    %c0_i32_0 = arith.constant 0 : i32
    return %arg0, %c0_i32 : i32, i32
  }
  func.func @transform_6(%arg0: i32) -> (i32, i32) {
    %c0_i32 = arith.constant 0 : i32
    %c0_i32_0 = arith.constant 0 : i32
    return %arg0, %c0_i32 : i32, i32
  }
}

</mosaic_0001>

<sc_bundles>
// kernel: kernel.10.cloned.1.call-start
scs
__scs_entry_jumppad:
0x0: {  	(pc) =	sbr.rel $0x88, $3  }
0x1: {  	(tag) =	ssettag $0x0;
	lr =	simm.s32 $0x1  }
0x2: {  	[smem:$0x3F97] =	sst lr;
	_ =	strace $0xD0000000  }
0x3: {  	_ = 	snop  }
0x4: {  	_ = 	snop  }
0x5: {  	_ = 	snop  }
0x6: {  	_ = 	snop  }
0x7: {  	_ = 	snop  }
__scs_overlays_trampoline_lowered:
0x8: {  	[smem:$0x3FA6] =	sst s0  }
0x9: {  	[smem:$0x3FA7] =	sst s1  }
0xa: {  	[smem:$0x3FA8] =	sst s2  }
0xb: {  	[smem:$0x3FA9] =	sst s3  }
0xc: {  	[smem:$0x3FAA] =	sst s4  }
0xd: {  	[smem:$0x3FAB] =	sst s5  }
0xe: {  	[smem:$0x3FAC] =	sst s6  }
0xf: {  	[smem:$0x3FAD] =	sst s7  }
0x10: {  	[smem:$0x3FAE] =	sst s8  }
0x11: {  	[smem:$0x3FAF] =	sst s9;
	s0 =	simm.s32 @!p0 $0x0  }
0x12: {  	s1 =	sld [smem:$0x3F95];
	s0 =	simm.s32 @p0 $0x1  }
0x13: {  	[smem:$0x3FB0] =	sst s0;
	s0 =	simm.s32 @!p1 $0x0  }
0x14: {  	s2 =	sld [smem:$0x3F94];
	s0 =	simm.s32 @p1 $0x1  }
0x15: {  	[smem:$0x3FB1] =	sst s0;
	s0 =	simm.s32 @!p2 $0x0  }
0x16: {  	s3 =	sld [smem:$0x3FDB];
	s0 =	simm.s32 @p2 $0x1  }
0x17: {  	s4 =	simm.s32 $0x1BF5;
	[smem:$0x3FB3] =	sst s0  }
0x18: {  	s0 =	sld [smem:$0x3F96];
	_ =	swait.ge [sflag:s4], $0x0  }
0x19: {  	s7 =	sld [smem:$0x3F97]  }
0x1a: {  	s8 =	sadd.s32 $0xFFFFE003, lr  }
0x1b: {  	s9 =	sadd.s32 $0xFFFFFEF7, lr;
	s5 =	simm.s32 $0xFFFFFFFF;
	p2 =	slt.u32 s8, $0xFFFFF086  }
0x1c: {  	p1 =	slt.u32 s9, $0xF7A;
	s5 =	simm.s32 @!p2 $0x0  }
0x1d: {  	s5 =	simm.s32 @p1 $0x1;
	p0 =	seq.s32 s7, s2  }
0x1e: {  	s7 =	smul.u32 @!p0 $0xF7A, s2;
	p2 =	seq.s32 @!p0 s5, $0x0  }
0x1f: {  	s9 =	smul.u32 $0xF7A, s1;
	s8 =	simm.s32 @!p0 $0x1BF5;
	p2 =	por !p2, p0  }
0x20: {  	[sflag:s8] =	ssyncset.s32 @!p0 $0xFFFFF086;
	s6 =	sadd.s32 @!p0 s3, s7;
	s7 =	simm.s32 @!p0 $0x108  }
0x21: {  	s3 =	sadd.s32 s3, s9;
	s6 =	sadd.s32 @!p0 $0x88, s6;
	s7 =	simm.s32 @p2 $0x1082  }
0x22: {  	[simem:s7], [sflag:s8] =	dma.local @!p0 [hbm:s6], $0xF7A  }
0x23: {  	s9 =	sor.u32 $0xD0000000, s2;
	s6 =	simm.s32 $0x108;
	_ =	swait.ge @!p0 [sflag:s8], $0x0  }
0x24: {  	s3 =	sadd.s32 $0x88, s3;
	s6 =	simm.s32 @!p1 $0x1082;
	[sflag:s4] =	ssyncset.s32 $0xFFFFF086  }
0x25: {  	[simem:s6], [sflag:s4] =	dma.local [hbm:s3], $0xF7A  }
0x26: {  	[smem:$0x3F97] =	sst s1;
	(tag) =	ssettag s2;
	_ =	strace s9  }
0x27: {  	s1 =	sld [smem:$0x3FA7]  }
0x28: {  	s2 =	sld [smem:$0x3FA8]  }
0x29: {  	s4 =	sld [smem:$0x3FAA]  }
0x2a: {  	p0 =	seq.s32 s5, $0x0;
	s5 =	sld [smem:$0x3FAB]  }
0x2b: {  	s6 =	sld [smem:$0x3FAC]  }
0x2c: {  	s7 =	sld [smem:$0x3FAD]  }
0x2d: {  	s3 =	simm.s32 $0x108;
	s8 =	sld [smem:$0x3FAE]  }
0x2e: {  	s3 =	simm.s32 @!p0 $0x1082;
	s9 =	sld [smem:$0x3FAF]  }
0x2f: {  	lr =	sadd.s32 s0, s3;
	s0 =	sld [smem:$0x3FA6]  }
0x30: {  	s3 =	sld [smem:$0x3FA9]  }
0x31: {  	[smem:$0x3FB2] =	sst s10  }
0x32: {  	s10 =	sld [smem:$0x3FB0];
	_ =	sdelay $0x3  }
0x33: {  	p0 =	seq.s32 s10, $0x1;
	s10 =	sld [smem:$0x3FB2];
	_ =	sdelay $0x3  }
0x34: {  	[smem:$0x3FB2] =	sst s10  }
0x35: {  	s10 =	sld [smem:$0x3FB1];
	_ =	sdelay $0x3  }
0x36: {  	p1 =	seq.s32 s10, $0x1;
	s10 =	sld [smem:$0x3FB2];
	_ =	sdelay $0x3  }
0x37: {  	[smem:$0x3FB2] =	sst s10  }
0x38: {  	s10 =	sld [smem:$0x3FB3]  }
0x39: {  	_ = 	snop;
	(pc) =	sbr.ind lr, $3  }
0x3a: {  	_ = 	snop  }
0x3b: {  	_ = 	snop  }
0x3c: {  	p2 =	seq.s32 s10, $0x1;
	s10 =	sld [smem:$0x3FB2]  }
0x3d: {  	_ =	shalt  }
0x3e: {  	_ =	shalt  }
0x3f: {  	_ =	shalt  }
0x40: {  	_ =	shalt  }
0x41: {  	_ =	shalt  }
0x42: {  	_ =	shalt  }
0x43: {  	_ =	shalt  }
0x44: {  	_ =	shalt  }
0x45: {  	_ =	shalt  }
0x46: {  	_ =	shalt  }
0x47: {  	_ =	shalt  }
0x48: {  	_ =	shalt  }
0x49: {  	_ =	shalt  }
0x4a: {  	_ =	shalt  }
0x4b: {  	_ =	shalt  }
0x4c: {  	_ =	shalt  }
0x4d: {  	_ =	shalt  }
0x4e: {  	_ =	shalt  }
0x4f: {  	_ =	shalt  }
0x50: {  	_ =	shalt  }
0x51: {  	_ =	shalt  }
0x52: {  	_ =	shalt  }
0x53: {  	_ =	shalt  }
0x54: {  	_ =	shalt  }
0x55: {  	_ =	shalt  }
0x56: {  	_ =	shalt  }
0x57: {  	_ =	shalt  }
0x58: {  	_ =	shalt  }
0x59: {  	_ =	shalt  }
0x5a: {  	_ =	shalt  }
0x5b: {  	_ =	shalt  }
0x5c: {  	_ =	shalt  }
0x5d: {  	_ =	shalt  }
0x5e: {  	_ =	shalt  }
0x5f: {  	_ =	shalt  }
0x60: {  	_ =	shalt  }
0x61: {  	_ =	shalt  }
0x62: {  	_ =	shalt  }
0x63: {  	_ =	shalt  }
0x64: {  	_ =	shalt  }
0x65: {  	_ =	shalt  }
0x66: {  	_ =	shalt  }
0x67: {  	_ =	shalt  }
0x68: {  	_ =	shalt  }
0x69: {  	_ =	shalt  }
0x6a: {  	_ =	shalt  }
0x6b: {  	_ =	shalt  }
0x6c: {  	_ =	shalt  }
0x6d: {  	_ =	shalt  }
0x6e: {  	_ =	shalt  }
0x6f: {  	_ =	shalt  }
0x70: {  	_ =	shalt  }
0x71: {  	_ =	shalt  }
0x72: {  	_ =	shalt  }
0x73: {  	_ =	shalt  }
0x74: {  	_ =	shalt  }
0x75: {  	_ =	shalt  }
0x76: {  	_ =	shalt  }
0x77: {  	_ =	shalt  }
0x78: {  	_ =	shalt  }
0x79: {  	_ =	shalt  }
0x7a: {  	_ =	shalt  }
0x7b: {  	_ =	shalt  }
0x7c: {  	_ =	shalt  }
0x7d: {  	_ =	shalt  }
0x7e: {  	_ =	shalt  }
0x7f: {  	_ =	shalt  }
0x80: {  	_ =	shalt  }
0x81: {  	_ =	shalt  }
0x82: {  	_ =	shalt  }
0x83: {  	_ =	shalt  }
0x84: {  	_ =	shalt  }
0x85: {  	_ =	shalt  }
0x86: {  	_ =	shalt  }
0x87: {  	_ =	shalt  }
.Lfunc_end0:
.L_simem_size_0:
called_computation.1_lowered:
.L_overlay_start_0:
0x88: {  	s2 =	sld [smem:$0x3FD9]  }
0x89: {  	s3 =	sld [smem:$0x3FFE];
	_ =	sdelay $0x1  }
0x8a: {  	s1 =	srdreg.scid  }
0x8b: {  	s0 =	sand.u32 $0x1, s1  }
0x8c: {  	s14 =	sshll.u32 s0, $0xA;
	s2 =	sadd.s32 s3, s2  }
0x8d: {  	s2 =	sadd.s32 s2, s14  }
0x8e: {  	[smem:$0x3FBE] =	sst s2  }
0x8f: {  	_ = 	snop  }
0x90: {  	s2 =	sld [smem:$0x3FD0];
	_ =	sdelay $0x2  }
0x91: {  	s4 =	simm.s32 $0xB;
	s5 =	simm.s32 $0x10;
	s15 =	sld [smem:$0x3FC9]  }
0x92: {  	[smem:s5], [sflag:s4] =	dma.local [hbm:s2], $0x1  }
0x93: {  	_ =	swait.eq [sflag:s4], $0x1  }
0x94: {  	[sflag:s4] =	ssyncset.done $0x0  }
0x95: {  	[sflag:s4] =	ssyncadd.s32 $0xFFFFFFFF  }
0x96: {  	s16 =	sld [smem:$0x11];
	(tm) =	ssettm $0x1  }
0x97: {  	s17 =	sld [smem:$0x3FFB];
	_ =	sdelay $0x3  }
0x98: {  	_ =	strace s17  }
0x99: {  	s4 =	sld [smem:$0x3FFC];
	_ =	sdelay $0x3  }
0x9a: {  	_ =	strace s4  }
0x9b: {  	s4 =	sld [smem:$0x3FFD];
	_ =	sdelay $0x3  }
0x9c: {  	_ =	strace s4  }
0x9d: {  	_ =	strace $0x8FFFFFFF  }
0x9e: {  	s18 =	sld [smem:$0x3FDB];
	_ =	sdelay $0x1  }
0x9f: {  	s19 =	simm.s32 $_scs_section_size  }
0xa0: {  	s6 =	simm.s32 $_size__tile_overlayer_lowered;
	s7 =	simm.s32 $_tile_overlayer_lowered  }
0xa1: {  	s22 =	simm.s32 $0x1BFF;
	s21 =	sshll.u32 s7, $0x1;
	s4 =	sadd.s32 s19, s18  }
0xa2: {  	s8 =	simm.s32 $0x0;
	s20 =	sshll.u32 s6, $0x1;
	s6 =	sadd.s32 s21, s4  }
0xa3: {  	[timem:s8], [sflag:s22] =	dma.local [hbm:s6], s20  }
0xa4: {  	_ =	swait.ge [sflag:s22], s20  }
0xa5: {  	s5 =	ssub.s32 $0x0, s20;
	[sflag:s22] =	ssyncset.done $0x0  }
0xa6: {  	[sflag:s22] =	ssyncadd.s32 s5;
	_ =	sdelay $0x1  }
0xa7: {  	s23 =	simm.s32 $0x1B8B  }
0xa8: {  	_ =	swait.ge [sflag:s23], $0x1  }
0xa9: {  	[sflag:s23] =	ssyncset.done $0x0  }
0xaa: {  	s25 =	simm.s32 $0x1B8E;
	s24 =	sld [smem:$0x3FFE];
	[sflag:s23] =	ssyncadd.s32 $0xFFFFFFFF  }
0xab: {  	s26 =	simm.s32 $execute0_lowered;
	[smem:$0x3FD2] =	sst s25  }
0xac: {  	s6 =	sshll.u32 s26, $0x1;
	_ =	strace $0x80000049;
	[dreg:$0x1] =	wrdreg $0xFFFFFFFF  }
0xad: {  	s28 =	simm.s32 $_size_execute0_lowered;
	s4 =	sadd.s32 s4, s6;
	[dreg:$0x0] =	wrdreg $0x0  }
0xae: {  	s6 =	sshll.u32 s28, $0x1;
	[dreg:$0x2] =	wrdreg s4  }
0xaf: {  	[dreg:$0x3] =	wrdreg s6  }
0xb0: {  	[dreg:$0x4] =	wrdreg $0xC0  }
0xb1: {  	_ =	task [dreg:s8], $0x5FFFF  }
0xb2: {  	[dreg:$0x1] =	wrdreg $0xFFFFFFFF  }
0xb3: {  	[dreg:$0x0] =	wrdreg $0x60  }
0xb4: {  	[dreg:$0x2] =	wrdreg s15  }
0xb5: {  	[dreg:$0x3] =	wrdreg s16  }
0xb6: {  	[dreg:$0x4] =	wrdreg s24  }
0xb7: {  	[dreg:$0x5] =	wrdreg $0x66000  }
0xb8: {  	[dreg:$0x6] =	wrdreg $0x9  }
0xb9: {  	_ =	task.clear_ibuf [dreg:s8], $0x7FFFF;
	_ =	strace $0x90000049  }
0xba: {  	s29 =	simm.s32 $0x9;
	_ =	strace $0x8000004B  }
0xbb: {  	_ =	swait.ge [sflag:s29], $0x1  }
0xbc: {  	[sflag:s29] =	ssyncadd.s32 $0xFFFFFFFF  }
0xbd: {  	_ =	strace $0x9000004B  }
0xbe: {  	_ =	sfence  }
0xbf: {  	s30 =	sld [smem:$0x0];
	_ =	sdelay $0x2  }
0xc0: {  	s31 =	sshll.u32 s1, $0xD;
	s1 =	sshrl.u32 s1, $0x2  }
0xc1: {  	s3 =	sand.u32 $0x4000, s31;
	s1 =	sadd.s32 s1, s30  }
0xc2: {  	s0 =	sor.u32 s3, s0;
	s1 =	sshll.u32 s1, $0x11  }
0xc3: {  	s0 =	sor.u32 s1, s0  }
0xc4: {  	s0 =	sadd.s32 $0x8F2B, s0  }
0xc5: {  	[sflag:s0] =	ssyncadd.remote.s32 $0x1  }
0xc6: {  	_ =	sfence.sel $0xFFFF  }
0xc7: {  	[dreg:$0x0] =	wrdreg $0xFFFFFFFF;
	(pc) =	sbr.abs _section_cstart, $3  }
0xc8: {  	[dreg:$0x1] =	wrdreg $0xFFFFFFFF  }
0xc9: {  	_ =	task.clear_ibuf [dreg:s8], $0x2FFFF;
	_ =	strace $0x9FFFFFFF  }
0xca: {  	(tm) =	ssettm $0x7FFFFFFF  }
0xcb: {  	_ =	shalt  }
tec
execute0_lowered:
.L_overlay_start_1:
0x0: {  	(tag) =	ssettag $0x1  }
0x1: {  	s0 =	rddreg [dreg:$0x0]  }
0x2: {  	s1 =	rddreg [dreg:$0x1]  }
0x3: {  	s3 =	rddreg [dreg:$0x2]  }
0x4: {  	s2 =	rddreg [dreg:$0x3];
	s4 =	simm.s32 $0x0;
	s30 =	srdreg.scid  }
0x5: {  	s10 =	stileid.u32;
	[smem:$0x7FF] =	sst s4;
	s5 =	sadd.s32 $0x183C00, s3  }
0x6: {  	s4 =	sand.u32 $0x1, s30;
	s8 =	smul.u32 $0x66000, s10;
	s6 =	sadd.s32 $0x203C00, s3  }
0x7: {  	s9 =	sshll.u32 s10, $0x9;
	_ =	strace $0x8000004A;
	s7 =	ssub.s32 $0x2, s4  }
0x8: {  	s11 =	sadd.s32 s0, s9;
	s19 =	smul.u32 $0x32FF, s4;
	s0 =	simm.s32 $0x2  }
0x9: {  	s4 =	simm.s32 $0x4600;
	s9 =	simm.s32 $0x40;
	s31 =	sshrl.u32 s7, $0x1  }
0xa: {  	s12 =	sshrl.u32 s8, $0x2;
	s8 =	sshll.u32 s10, $0xB;
	[dreg:$0x5] =	wrdreg s11  }
0xb: {  	s3 =	ssub.s32 s7, s31;
	s7 =	sadd.s32 $0x10, s11;
	[dreg:$0x8] =	wrdreg s8  }
0xc: {  	s10 =	sadd.s32 s12, s2;
	s11 =	simm.s32 $0x0;
	[dreg:$0x6] =	wrdreg s7  }
0xd: {  	s13 =	smax.u32 s3, $0x1;
	s20 =	sadd.s32 $0x1800, s10;
	s21 =	sadd.s32 $0x3000, s10  }
0xe: {  	s22 =	sadd.s32 $0x4800, s10;
	s14 =	sadd.s32 $0xF000, s10;
	[dreg:$0x7] =	wrdreg s13  }
0xf: {  	s23 =	sadd.s32 $0x6000, s10;
	s15 =	sadd.s32 $0x10800, s10;
	[dreg:$0x9] =	wrdreg s14  }
0x10: {  	s24 =	sadd.s32 $0x7800, s10;
	s16 =	sadd.s32 $0x12000, s10;
	[dreg:$0xa] =	wrdreg s15  }
.Ltmp0:
0x11: {  	s17 =	sadd.s32 $0x13800, s10;
	[dreg:$0xb] =	wrdreg s16;
	(pc) =	sbr.rel .LBB2_1-.Ltmp0, $4  }
0x12: {  	s25 =	sadd.s32 $0x9000, s10;
	s18 =	sadd.s32 $0x15000, s10;
	[dreg:$0xc] =	wrdreg s17  }
0x13: {  	s26 =	sadd.s32 $0xA800, s10;
	s30 =	sadd.s32 $0x16800, s10;
	[dreg:$0xd] =	wrdreg s18  }
0x14: {  	s28 =	sadd.s32 $0xC000, s10;
	s31 =	sadd.s32 $0x18000, s10;
	[dreg:$0xe] =	wrdreg s30  }
0x15: {  	v0 =	vimm.f32 $0.0e+00;
	v1 =	vlaneseq.u32;
	v2 =	vimm.s32 $0x0;
	s29 =	sadd.s32 $0xD800, s10;
	s3 =	simm.s32 $0x1;
	[dreg:$0xf] =	wrdreg s31  }
.LBB2_41:
0x16: {  	s11 =	rddreg [dreg:$0x10]  }
0x17: {  	s7 =	rddreg [dreg:$0x7];
	s11 =	sadd.s32 $0x1, s11  }
0x18: {  	p0 =	sne.s32 s11, s7  }
.Ltmp1:
0x19: {  	_ = 	snop;
	(pc) =	sbr.rel @!p0 .LBB2_42-.Ltmp1, $1  }
0x1a: {  	_ =	sdelay $0x3  }
.LBB2_1:
0x1b: {  	[dreg:$0x10] =	wrdreg s11;
	s7 =	simm.s32 $0x0  }
0x1c: {  	s17 =	rddreg [dreg:$0x5];
	s12 =	simm.s32 $0x80;
	s13 =	simm.s32 $0x100  }
0x1d: {  	[tilespmem:s7], [sflag:$0x2] =	stream.strided.gather [hbm4b:s17+s12], $0x800, s13, s12, $0x38;
	[tilespmem:$0x1FE00] =	vst v63  }
0x1e: {  	_ =	swait.ge [sflag:s0], $0x800  }
0x1f: {  	s31 =	simm.s32 $0x800;
	[sflag:s0] =	ssyncset.done $0x0  }
.Ltmp2:
0x20: {  	s18 =	rddreg [dreg:$0x6];
	[sflag:s0] =	ssyncadd.s32 $0xFFFFF800;
	(pc) =	sbr.rel .LBB2_2-.Ltmp2, $4  }
0x21: {  	[tilespmem:s31], [sflag:$0x2] =	stream.strided.gather [hbm4b:s18+s12], $0x800, s13, s12, $0x38;
	[tilespmem:$0x1FE00] =	vst v63  }
0x22: {  	_ =	swait.ge [sflag:s0], $0x800  }
0x23: {  	[sflag:s0] =	ssyncset.done $0x0  }
0x24: {  	s30 =	simm.s32 $0x0;
	[sflag:s0] =	ssyncadd.s32 $0xFFFFF800  }
.LBB2_39:
0x25: {  	[sflag:s0] =	ssyncadd.s32 $0xFFFFE000  }
.LBB2_40:
0x26: {  	s30 =	sadd.s32 $0x1, s30  }
0x27: {  	p0 =	sne.s32 s30, $0x4  }
.Ltmp3:
0x28: {  	_ = 	snop;
	(pc) =	sbr.rel @!p0 .LBB2_41-.Ltmp3, $2  }
0x29: {  	_ =	sdelay $0x1  }
0x2a: {  	[bflag:$0x0] =	sbarrier.arrive $0xFFFF;
	_ =	sdelay $0x1  }
.LBB2_2:
0x2b: {  	s7 =	simm.s32 $0x0  }
0x2c: {  	s11 =	sand.u32 $0x7E00, s7  }
0x2d: {  	s12 =	sand.u32 $0x70, s7;
	s13 =	sshrl.u32 s11, $0x2  }
0x2e: {  	s11 =	simm.s32 $0x40;
	s12 =	sor.u32 s12, s13  }
.LBB2_3:
0x2f: {  	p0 =	sne.s32 s11, $0x7FC0  }
0x30: {  	[tilespmem:s12+$0x4600] =	vst v0;
	s7 =	sadd.s32 $0x10, s7;
	s12 =	smov.u32 s11;
	s11 =	sadd.s32 $0x40, s11  }
.Ltmp4:
0x31: {  	(pc) =	sbr.rel @p0 .LBB2_3-.Ltmp4, $4  }
0x32: {  	_ = 	snop  }
0x33: {  	s12 =	sand.u32 $0x7E00, s12  }
0x34: {  	s13 =	sand.u32 $0x70, s7;
	s12 =	sshrl.u32 s12, $0x2  }
0x35: {  	s12 =	sor.u32 s13, s12  }
0x36: {  	[tilespmem:s12+$0x4600] =	vst v0  }
0x37: {  	[spmem:s10] =	stream.linear.scatter [tilespmem:s4], [sflag:$0x2], $0x1800, $0x38;
	[tilespmem:$0x1FE00] =	vst v63  }
0x38: {  	_ =	swait.ge [sflag:s0], $0x1800  }
0x39: {  	[sflag:s0] =	ssyncset.done $0x0  }
0x3a: {  	[sflag:s0] =	ssyncadd.s32 $0xFFFFE800  }
0x3b: {  	[spmem:s20] =	stream.linear.scatter [tilespmem:s4], [sflag:$0x2], $0x1800, $0x38;
	[tilespmem:$0x1FE00] =	vst v63  }
0x3c: {  	_ =	swait.ge [sflag:s0], $0x1800  }
0x3d: {  	[sflag:s0] =	ssyncset.done $0x0  }
0x3e: {  	[sflag:s0] =	ssyncadd.s32 $0xFFFFE800  }
0x3f: {  	[spmem:s21] =	stream.linear.scatter [tilespmem:s4], [sflag:$0x2], $0x1800, $0x38;
	[tilespmem:$0x1FE00] =	vst v63  }
0x40: {  	_ =	swait.ge [sflag:s0], $0x1800  }
0x41: {  	[sflag:s0] =	ssyncset.done $0x0  }
0x42: {  	[sflag:s0] =	ssyncadd.s32 $0xFFFFE800  }
0x43: {  	[spmem:s22] =	stream.linear.scatter [tilespmem:s4], [sflag:$0x2], $0x1800, $0x38;
	[tilespmem:$0x1FE00] =	vst v63  }
0x44: {  	_ =	swait.ge [sflag:s0], $0x1800  }
0x45: {  	[sflag:s0] =	ssyncset.done $0x0  }
0x46: {  	[sflag:s0] =	ssyncadd.s32 $0xFFFFE800  }
0x47: {  	[spmem:s23] =	stream.linear.scatter [tilespmem:s4], [sflag:$0x2], $0x1800, $0x38;
	[tilespmem:$0x1FE00] =	vst v63  }
0x48: {  	_ =	swait.ge [sflag:s0], $0x1800  }
0x49: {  	[sflag:s0] =	ssyncset.done $0x0  }
0x4a: {  	[sflag:s0] =	ssyncadd.s32 $0xFFFFE800  }
0x4b: {  	[spmem:s24] =	stream.linear.scatter [tilespmem:s4], [sflag:$0x2], $0x1800, $0x38;
	[tilespmem:$0x1FE00] =	vst v63  }
0x4c: {  	_ =	swait.ge [sflag:s0], $0x1800  }
0x4d: {  	[sflag:s0] =	ssyncset.done $0x0  }
0x4e: {  	[sflag:s0] =	ssyncadd.s32 $0xFFFFE800  }
0x4f: {  	[spmem:s25] =	stream.linear.scatter [tilespmem:s4], [sflag:$0x2], $0x1800, $0x38;
	[tilespmem:$0x1FE00] =	vst v63  }
0x50: {  	_ =	swait.ge [sflag:s0], $0x1800  }
0x51: {  	[sflag:s0] =	ssyncset.done $0x0  }
0x52: {  	[sflag:s0] =	ssyncadd.s32 $0xFFFFE800  }
0x53: {  	[spmem:s26] =	stream.linear.scatter [tilespmem:s4], [sflag:$0x2], $0x1800, $0x38;
	[tilespmem:$0x1FE00] =	vst v63  }
0x54: {  	_ =	swait.ge [sflag:s0], $0x1800  }
0x55: {  	[sflag:s0] =	ssyncset.done $0x0  }
0x56: {  	[sflag:s0] =	ssyncadd.s32 $0xFFFFE800  }
0x57: {  	[spmem:s28] =	stream.linear.scatter [tilespmem:s4], [sflag:$0x2], $0x1800, $0x38;
	[tilespmem:$0x1FE00] =	vst v63  }
0x58: {  	_ =	swait.ge [sflag:s0], $0x1800  }
0x59: {  	[sflag:s0] =	ssyncset.done $0x0  }
0x5a: {  	[sflag:s0] =	ssyncadd.s32 $0xFFFFE800  }
0x5b: {  	[spmem:s29] =	stream.linear.scatter [tilespmem:s4], [sflag:$0x2], $0x1800, $0x38;
	[tilespmem:$0x1FE00] =	vst v63  }
0x5c: {  	_ =	swait.ge [sflag:s0], $0x1800  }
0x5d: {  	[sflag:s0] =	ssyncset.done $0x0  }
0x5e: {  	s7 =	rddreg [dreg:$0x9];
	[sflag:s0] =	ssyncadd.s32 $0xFFFFE800  }
0x5f: {  	[spmem:s7] =	stream.linear.scatter [tilespmem:s4], [sflag:$0x2], $0x1800, $0x38;
	[tilespmem:$0x1FE00] =	vst v63  }
0x60: {  	_ =	swait.ge [sflag:s0], $0x1800  }
0x61: {  	[sflag:s0] =	ssyncset.done $0x0  }
0x62: {  	s12 =	rddreg [dreg:$0xa];
	[sflag:s0] =	ssyncadd.s32 $0xFFFFE800  }
0x63: {  	[spmem:s12] =	stream.linear.scatter [tilespmem:s4], [sflag:$0x2], $0x1800, $0x38;
	[tilespmem:$0x1FE00] =	vst v63  }
0x64: {  	_ =	swait.ge [sflag:s0], $0x1800  }
0x65: {  	[sflag:s0] =	ssyncset.done $0x0  }
0x66: {  	s13 =	rddreg [dreg:$0xb];
	[sflag:s0] =	ssyncadd.s32 $0xFFFFE800  }
0x67: {  	[spmem:s13] =	stream.linear.scatter [tilespmem:s4], [sflag:$0x2], $0x1800, $0x38;
	[tilespmem:$0x1FE00] =	vst v63  }
0x68: {  	_ =	swait.ge [sflag:s0], $0x1800  }
0x69: {  	[sflag:s0] =	ssyncset.done $0x0  }
0x6a: {  	s14 =	rddreg [dreg:$0xc];
	[sflag:s0] =	ssyncadd.s32 $0xFFFFE800  }
0x6b: {  	[spmem:s14] =	stream.linear.scatter [tilespmem:s4], [sflag:$0x2], $0x1800, $0x38;
	[tilespmem:$0x1FE00] =	vst v63  }
0x6c: {  	_ =	swait.ge [sflag:s0], $0x1800  }
0x6d: {  	[sflag:s0] =	ssyncset.done $0x0  }
0x6e: {  	s15 =	rddreg [dreg:$0xd];
	[sflag:s0] =	ssyncadd.s32 $0xFFFFE800  }
0x6f: {  	[spmem:s15] =	stream.linear.scatter [tilespmem:s4], [sflag:$0x2], $0x1800, $0x38;
	[tilespmem:$0x1FE00] =	vst v63  }
0x70: {  	_ =	swait.ge [sflag:s0], $0x1800  }
0x71: {  	[sflag:s0] =	ssyncset.done $0x0  }
0x72: {  	s16 =	rddreg [dreg:$0xe];
	[sflag:s0] =	ssyncadd.s32 $0xFFFFE800  }
0x73: {  	[spmem:s16] =	stream.linear.scatter [tilespmem:s4], [sflag:$0x2], $0x1800, $0x38;
	[tilespmem:$0x1FE00] =	vst v63  }
0x74: {  	_ =	swait.ge [sflag:s0], $0x1800  }
0x75: {  	[sflag:s0] =	ssyncset.done $0x0  }
0x76: {  	s17 =	rddreg [dreg:$0xf];
	[sflag:s0] =	ssyncadd.s32 $0xFFFFE800  }
0x77: {  	[spmem:s17] =	stream.linear.scatter [tilespmem:s4], [sflag:$0x2], $0x1800, $0x38;
	[tilespmem:$0x1FE00] =	vst v63  }
0x78: {  	_ =	swait.ge [sflag:s0], $0x1800  }
0x79: {  	[sflag:s0] =	ssyncset.done $0x0  }
0x7a: {  	[sflag:s0] =	ssyncadd.s32 $0xFFFFE800  }
0x7b: {  	s18 =	simm.s32 $0x0;
	[bflag:$0x0] =	sbarrier.arrive $0xFFFF  }
0x7c: {  	v3 =	vld [tilespmem:s18+$0x800]  }
0x7d: {  	s31 =	smul.u32 $0x65FE, s30;
	_ =	sdelay $0x1  }
0x7e: {  	s7 =	sadd.s32 s19, s31  }
0x7f: {  	v4 =	vmov s7  }
0x80: {  	v3 =	vsub.s32 v3, v4  }
0x81: {  	vm0 =	vlt.u32 v3, $0x32FF  }
0x82: {  	v5 =	vsel vm0, $0x1, v2  }
0x83: {  	(xrf0) =	vadd.scan.msk.s32 $0xffff, v5;
	_ =	sdelay $0x5  }
0x84: {  	s11 =	simm.s32 $0x0;
	v6, _, _ =	vpop (xrf0)  }
0x85: {  	[tilespmem:s11+$0x1000] =	vst.msk vm0, v3;
	v5 =	vor.u32 s8, v1;
	(v2sf) =	vpush v6, $0xF  }
0x86: {  	s7 =	smov.u32 s8;
	s12 =	simm.s32 $0x80;
	s13 =	simm.s32 $0x10;
	[tilespmem:s11+$0x1880] =	vst.msk vm0, v5  }
.LBB2_5:
0x87: {  	p0 =	sne.s32 s12, $0x1FC0;
	v3 =	vld [tilespmem:s13+$0x800];
	_ =	sdelay $0x4  }
0x88: {  	v3 =	vsub.s32 v3, v4  }
0x89: {  	vm0 =	vlt.u32 v3, $0x32FF  }
0x8a: {  	v6 =	vsel vm0, $0x1, v2  }
0x8b: {  	(xrf0) =	vadd.scan.msk.s32 $0xffff, v6;
	_ =	sdelay $0x3  }
.Ltmp5:
0x8c: {  	(pc) =	sbr.rel @p0 .LBB2_5-.Ltmp5, $4  }
0x8d: {  	s13 =	spop (v2sf)  }
0x8e: {  	s7 =	sadd.s32 $0x10, s7;
	v6, _, _ =	vpop (xrf0);
	s11 =	sadd.s32 s11, s13  }
0x8f: {  	v7 =	vor.u32 s7, v1;
	[tilespmem:s11+$0x1000] =	vst.msk vm0, v3;
	(v2sf) =	vpush v6, $0xF  }
0x90: {  	s13 =	sshra.s32 s12, $0x2;
	s12 =	sadd.s32 $0x40, s12;
	[tilespmem:s11+$0x1880] =	vst.msk vm0, v7  }
0x91: {  	v3 =	vld [tilespmem:s13+$0x800];
	_ =	sdelay $0x4  }
0x92: {  	v3 =	vsub.s32 v3, v4  }
0x93: {  	vm0 =	vlt.u32 v3, $0x32FF  }
0x94: {  	v6 =	vsel vm0, $0x1, v2  }
0x95: {  	(xrf0) =	vadd.scan.msk.s32 $0xffff, v6;
	_ =	sdelay $0x5  }
0x96: {  	v6, _, _ =	vpop (xrf0)  }
0x97: {  	(v2sf) =	vpush v6, $0xF;
	_ =	sdelay $0xd  }
0x98: {  	s12 =	spop (v2sf)  }
0x99: {  	s13 =	sadd.s32 s11, s12;
	s17 =	spop (v2sf)  }
0x9a: {  	s12 =	sadd.s32 s13, s17  }
0x9b: {  	s11 =	sadd.s32 $0x3F, s12  }
0x9c: {  	s14 =	sshra.s32 s11, $0x1F  }
0x9d: {  	s15 =	sand.u32 $0x3F, s11;
	s14 =	sshrl.u32 s14, $0x1A  }
0x9e: {  	p0 =	slt.s32 s11, $0x1;
	p1 =	sne.s32 s15, $0x0;
	s14 =	sadd.s32 s14, s11  }
0x9f: {  	p0 =	por !p0, !p1;
	p1 =	sgt.s32 s12, $0x0;
	s11 =	simm.s32 $0x1  }
0xa0: {  	s17 =	sand.u32 $0xF, s12;
	s15 =	sshra.s32 s12, $0x1F;
	s11 =	simm.s32 @!p1 $0x0  }
0xa1: {  	s16 =	simm.s32 $0x1;
	p6 =	sne.s32 s17, $0x0;
	s11 =	sadd.s32 s11, s15  }
0xa2: {  	p0 =	por !p0, !p0;
	s18 =	sshra.s32 s14, $0x6;
	p5 =	sne.s32 s11, $0x1  }
0xa3: {  	s16 =	simm.s32 @!p0 $0x0;
	s15 =	sshrl.u32 s15, $0x1C;
	p0 =	por !p6, !p5  }
0xa4: {  	s14 =	sadd.s32 s15, s12;
	s15 =	simm.s32 $0x1;
	p0 =	por !p0, !p0  }
0xa5: {  	s31 =	ssub.s32 s18, s16;
	s17 =	sshra.s32 s14, $0x4;
	s15 =	simm.s32 @!p0 $0x0  }
0xa6: {  	s18 =	sadd.s32 $0x10, s7;
	s7 =	sshll.u32 s31, $0x2;
	s11 =	ssub.s32 s17, s15  }
0xa7: {  	p0 =	sge.s32 s11, s7  }
.Ltmp6:
0xa8: {  	_ = 	snop;
	(pc) =	sbr.rel @p0 .LBB2_10-.Ltmp6, $3  }
0xa9: {  	_ =	sdelay $0x1  }
0xaa: {  	[tilespmem:s13+$0x1000] =	vst.msk vm0, v3;
	v6 =	vor.u32 s18, v1  }
0xab: {  	v3 =	vmov s12;
	[tilespmem:s13+$0x1880] =	vst.msk vm0, v6  }
0xac: {  	s13 =	sshll.u32 s11, $0x6  }
0xad: {  	s13 =	sshra.s32 s13, $0x2  }
0xae: {  	s14 =	sadd.s32 $0x1000, s13  }
0xaf: {  	v6 =	vld [tilespmem:s14+$0x0];
	_ =	sdelay $0x1  }
0xb0: {  	s16 =	sshll.u32 s11, $0x4  }
0xb1: {  	v7 =	vor.u32 s16, v1  }
0xb2: {  	vm0 =	vlt.s32 v7, v3  }
0xb3: {  	v6 =	vnsel vm0, $0x32FF, v6  }
0xb4: {  	s15 =	sadd.s32 $0x1, s11;
	s13 =	sadd.s32 $0x1880, s13;
	[tilespmem:s14+$0x0] =	vst v6  }
0xb5: {  	p1 =	slt.s32 s15, s7;
	v6 =	vld [tilespmem:s13+$0x0]  }
.Ltmp7:
0xb6: {  	_ = 	snop;
	(pc) =	sbr.rel @!p1 .LBB2_9-.Ltmp7, $2  }
0xb7: {  	_ =	sdelay $0x2  }
0xb8: {  	s16 =	sadd.s32 $0x10, s16;
	v6 =	vnsel vm0, $0x0, v6  }
.LBB2_8:
0xb9: {  	s15 =	sadd.s32 $0x1, s15;
	[tilespmem:s13+$0x0] =	vst v6;
	s14 =	sadd.s32 $0x10, s14;
	s13 =	sadd.s32 $0x10, s13  }
0xba: {  	v6 =	vld [tilespmem:s14+$0x0];
	p1 =	slt.s32 s15, s7;
	_ =	sdelay $0x2  }
0xbb: {  	v7 =	vor.u32 s16, v1  }
0xbc: {  	vm0 =	vlt.s32 v7, v3  }
0xbd: {  	v6 =	vnsel vm0, $0x32FF, v6  }
0xbe: {  	[tilespmem:s14+$0x0] =	vst v6  }
0xbf: {  	v6 =	vld [tilespmem:s13+$0x0]  }
.Ltmp8:
0xc0: {  	(pc) =	sbr.rel @p1 .LBB2_8-.Ltmp8, $2  }
0xc1: {  	_ =	sdelay $0x2  }
0xc2: {  	s16 =	sadd.s32 $0x10, s16;
	v6 =	vnsel vm0, $0x0, v6  }
.LBB2_9:
0xc3: {  	[tilespmem:s13+$0x0] =	vst v6  }
.LBB2_10:
0xc4: {  	p1 =	sgt.s32 s31, $0x0  }
.Ltmp9:
0xc5: {  	_ = 	snop;
	(pc) =	sbr.rel @!p1 .LBB2_16-.Ltmp9, $1  }
0xc6: {  	_ =	sdelay $0x3  }
0xc7: {  	s14 =	simm.s32 $0x1000  }
0xc8: {  	p2 =	sne.s32 s7, $0x1;
	v6 =	vld [tilespmem:s14+$0x0]  }
.Ltmp10:
0xc9: {  	s13 =	simm.s32 $0x0;
	(pc) =	sbr.rel @!p2 .LBB2_13-.Ltmp10, $4  }
0xca: {  	s18 =	sand.u32 $0xFFFFFE00, s13  }
0xcb: {  	s15 =	sand.u32 $0x30, s13;
	s14 =	sshra.s32 s18, $0x2  }
0xcc: {  	s15 =	sor.u32 s15, s14  }
0xcd: {  	s16 =	simm.s32 $0x0;
	s14 =	sadd.s32 $0xFFFFFFFF, s7;
	[tilespmem:s15+$0x3200] =	vst v6;
	s15 =	simm.s32 $0x1010  }
.LBB2_12:
0xce: {  	v6 =	vld [tilespmem:s15+$0x0];
	p2 =	sne.s32 s14, $0x1;
	s14 =	sadd.s32 $0xFFFFFFFF, s14  }
.Ltmp11:
0xcf: {  	s13 =	sadd.s32 $0x80, s13;
	(pc) =	sbr.rel @p2 .LBB2_12-.Ltmp11, $4  }
0xd0: {  	s16 =	sadd.s32 $0x10, s16;
	s17 =	sand.u32 $0xFFFFFE00, s13  }
0xd1: {  	s18 =	sand.u32 $0x30, s16;
	s17 =	sshra.s32 s17, $0x2  }
0xd2: {  	s17 =	sor.u32 s18, s17  }
0xd3: {  	s15 =	sadd.s32 $0x10, s15;
	[tilespmem:s17+$0x3200] =	vst v6  }
.LBB2_13:
0xd4: {  	s13 =	simm.s32 $0x1880  }
0xd5: {  	[tilespmem:s4], [sflag:$0x1] =	stream.indirect.gather [hbm4b:s1+s9], $0x80, s13, s9, $0xb8;
	[tilespmem:$0x1FE00] =	vst v63  }
0xd6: {  	p2 =	sne.s32 s31, $0x1;
	_ =	swait.ge [sflag:s3], $0x2000  }
.Ltmp12:
0xd7: {  	[sflag:s3] =	ssyncset.done $0x0;
	(pc) =	sbr.rel @!p2 .LBB2_15-.Ltmp12, $4  }
0xd8: {  	s14 =	simm.s32 $0x3200;
	[sflag:s3] =	ssyncadd.s32 $0xFFFFE000  }
0xd9: {  	[spmem:s2] =	stream.indirect.scatter.add.f32 [tilespmem:s4], [sflag:$0x2], $0x80, s14, s9, $0xb8;
	[tilespmem:$0x1FE00] =	vst v63  }
0xda: {  	_ =	swait.ge [sflag:s0], $0x2000  }
0xdb: {  	s15 =	sadd.s32 $0xFFFFFFFF, s31;
	[sflag:s0] =	ssyncset.done $0x0  }
.LBB2_14:
0xdc: {  	[sflag:s0] =	ssyncadd.s32 $0xFFFFE000;
	s14 =	sadd.s32 $0x80, s14;
	s13 =	sadd.s32 $0x40, s13  }
0xdd: {  	[tilespmem:s4], [sflag:$0x1] =	stream.indirect.gather [hbm4b:s1+s9], $0x80, s13, s9, $0xb8;
	[tilespmem:$0x1FE00] =	vst v63  }
0xde: {  	p2 =	sne.s32 s15, $0x1;
	s15 =	sadd.s32 $0xFFFFFFFF, s15;
	_ =	swait.ge [sflag:s3], $0x2000  }
.Ltmp13:
0xdf: {  	[sflag:s3] =	ssyncset.done $0x0;
	(pc) =	sbr.rel @p2 .LBB2_14-.Ltmp13, $4  }
0xe0: {  	[sflag:s3] =	ssyncadd.s32 $0xFFFFE000  }
0xe1: {  	[spmem:s2] =	stream.indirect.scatter.add.f32 [tilespmem:s4], [sflag:$0x2], $0x80, s14, s9, $0xb8;
	[tilespmem:$0x1FE00] =	vst v63  }
0xe2: {  	_ =	swait.ge [sflag:s0], $0x2000  }
0xe3: {  	[sflag:s0] =	ssyncset.done $0x0  }
.LBB2_15:
0xe4: {  	[sflag:s0] =	ssyncadd.s32 $0xFFFFE000  }
.LBB2_16:
0xe5: {  	[bflag:$0x0] =	sbarrier.arrive $0xFFFF;
	s13 =	simm.s32 $0x0  }
0xe6: {  	v6 =	vld [tilespmem:s13+$0x0];
	_ =	sdelay $0x4  }
0xe7: {  	v6 =	vsub.s32 v6, v4  }
0xe8: {  	vm0 =	vlt.u32 v6, $0x32FF  }
0xe9: {  	v7 =	vsel vm0, $0x1, v2  }
0xea: {  	(xrf0) =	vadd.scan.msk.s32 $0xffff, v7;
	_ =	sdelay $0x5  }
0xeb: {  	s13 =	simm.s32 $0x0;
	v7, _, _ =	vpop (xrf0)  }
0xec: {  	[tilespmem:s13+$0x2100] =	vst.msk vm0, v6;
	(v2sf) =	vpush v7, $0xF  }
0xed: {  	s16 =	simm.s32 $0x10;
	s15 =	simm.s32 $0x80;
	s14 =	smov.u32 s8;
	[tilespmem:s13+$0x2980] =	vst.msk vm0, v5  }
.LBB2_17:
0xee: {  	p2 =	sne.s32 s15, $0x1FC0;
	v5 =	vld [tilespmem:s16+$0x0];
	_ =	sdelay $0x4  }
0xef: {  	v5 =	vsub.s32 v5, v4  }
0xf0: {  	vm0 =	vlt.u32 v5, $0x32FF  }
0xf1: {  	v6 =	vsel vm0, $0x1, v2  }
0xf2: {  	(xrf0) =	vadd.scan.msk.s32 $0xffff, v6;
	_ =	sdelay $0x3  }
.Ltmp14:
0xf3: {  	(pc) =	sbr.rel @p2 .LBB2_17-.Ltmp14, $4  }
0xf4: {  	s16 =	spop (v2sf)  }
0xf5: {  	s14 =	sadd.s32 $0x10, s14;
	v6, _, _ =	vpop (xrf0);
	s13 =	sadd.s32 s13, s16  }
0xf6: {  	v7 =	vor.u32 s14, v1;
	[tilespmem:s13+$0x2100] =	vst.msk vm0, v5;
	(v2sf) =	vpush v6, $0xF  }
0xf7: {  	s16 =	sshra.s32 s15, $0x2;
	s15 =	sadd.s32 $0x40, s15;
	[tilespmem:s13+$0x2980] =	vst.msk vm0, v7  }
0xf8: {  	v5 =	vld [tilespmem:s16+$0x0];
	_ =	sdelay $0x4  }
0xf9: {  	v4 =	vsub.s32 v5, v4  }
0xfa: {  	vm0 =	vlt.u32 v4, $0x32FF  }
0xfb: {  	v5 =	vsel vm0, $0x1, v2  }
0xfc: {  	(xrf0) =	vadd.scan.msk.s32 $0xffff, v5;
	_ =	sdelay $0x5  }
0xfd: {  	v5, _, _ =	vpop (xrf0)  }
0xfe: {  	(v2sf) =	vpush v5, $0xF;
	_ =	sdelay $0xd  }
0xff: {  	s15 =	spop (v2sf)  }
0x100: {  	s13 =	sadd.s32 s13, s15;
	s18 =	spop (v2sf)  }
0x101: {  	s15 =	sadd.s32 s13, s18  }
0x102: {  	p2 =	slt.s32 s15, $0x1  }
.Ltmp15:
0x103: {  	_ = 	snop;
	(pc) =	sbr.rel @p2 .LBB2_29-.Ltmp15, $4  }
0x104: {  	_ = 	snop  }
0x105: {  	s14 =	sadd.s32 $0x10, s14  }
0x106: {  	v5 =	vor.u32 s14, v1;
	[tilespmem:s13+$0x2100] =	vst.msk vm0, v4  }
0x107: {  	[tilespmem:s13+$0x2980] =	vst.msk vm0, v5  }
0x108: {  	s13 =	sadd.s32 $0x3F, s15  }
0x109: {  	s14 =	sand.u32 $0x3F, s13  }
0x10a: {  	s16 =	sshra.s32 s13, $0x1F;
	p2 =	slt.s32 s13, $0x0;
	p3 =	sne.s32 s14, $0x0  }
0x10b: {  	s18 =	sshrl.u32 s16, $0x1A;
	p2 =	por !p2, !p3  }
0x10c: {  	s14 =	simm.s32 $0x1;
	s13 =	sadd.s32 s18, s13;
	p2 =	por !p2, !p2  }
0x10d: {  	s13 =	sshra.s32 s13, $0x6;
	s14 =	simm.s32 @!p2 $0x0  }
0x10e: {  	s13 =	ssub.s32 s13, s14  }
0x10f: {  	s17 =	sshrl.u32 s15, $0x4;
	s14 =	sshll.u32 s13, $0x2  }
0x110: {  	p2 =	sle.s32 s14, s17  }
.Ltmp16:
0x111: {  	_ = 	snop;
	(pc) =	sbr.rel @p2 .LBB2_23-.Ltmp16, $1  }
0x112: {  	_ =	sdelay $0x3  }
0x113: {  	v4 =	vmov s15  }
0x114: {  	v6 =	vadd.s32 $0xFFFFFFFF, v4;
	_ =	sdelay $0x3  }
0x115: {  	s15 =	sshll.u32 s17, $0x6;
	s16 =	simm.s32 $0x2100  }
0x116: {  	s15 =	sshra.s32 s15, $0x2;
	v5 =	vld.idx.msk [tilespmem:v6+s16+$0x0], $0xffff;
	s16 =	simm.s32 $0x2980  }
0x117: {  	v6 =	vld.idx.msk [tilespmem:v6+s16+$0x0], $0xffff;
	s16 =	sadd.s32 $0x2100, s15  }
0x118: {  	v7 =	vld [tilespmem:s16+$0x0];
	_ =	sdelay $0x1  }
0x119: {  	s18 =	ssub.s32 s14, s17;
	s17 =	sshll.u32 s17, $0x4  }
0x11a: {  	v8 =	vor.u32 s17, v1  }
0x11b: {  	vm0 =	vlt.s32 v8, v4  }
0x11c: {  	v7 =	vsel vm0, v7, v5  }
0x11d: {  	s15 =	sadd.s32 $0x2980, s15;
	[tilespmem:s16+$0x0] =	vst v7  }
0x11e: {  	p2 =	seq.s32 s18, $0x1;
	v7 =	vld [tilespmem:s15+$0x0]  }
.Ltmp17:
0x11f: {  	_ = 	snop;
	(pc) =	sbr.rel @p2 .LBB2_22-.Ltmp17, $2  }
0x120: {  	_ =	sdelay $0x2  }
0x121: {  	s18 =	sadd.s32 $0xFFFFFFFF, s18;
	v7 =	vsel vm0, v7, v6  }
.LBB2_21:
0x122: {  	[tilespmem:s15+$0x0] =	vst v7;
	s16 =	sadd.s32 $0x10, s16;
	s15 =	sadd.s32 $0x10, s15;
	s17 =	sadd.s32 $0x10, s17  }
0x123: {  	p2 =	seq.s32 s18, $0x1;
	s18 =	sadd.s32 $0xFFFFFFFF, s18;
	v7 =	vld [tilespmem:s16+$0x0];
	_ =	sdelay $0x2  }
0x124: {  	v8 =	vor.u32 s17, v1  }
0x125: {  	vm0 =	vlt.s32 v8, v4  }
0x126: {  	v7 =	vsel vm0, v7, v5  }
0x127: {  	[tilespmem:s16+$0x0] =	vst v7  }
0x128: {  	v7 =	vld [tilespmem:s15+$0x0]  }
.Ltmp18:
0x129: {  	(pc) =	sbr.rel @!p2 .LBB2_21-.Ltmp18, $2  }
0x12a: {  	_ =	sdelay $0x2  }
0x12b: {  	v7 =	vsel vm0, v7, v6  }
.LBB2_22:
0x12c: {  	[tilespmem:s15+$0x0] =	vst v7  }
.LBB2_23:
0x12d: {  	p2 =	sgt.s32 s13, $0x0  }
.Ltmp19:
0x12e: {  	_ = 	snop;
	(pc) =	sbr.rel @!p2 .LBB2_29-.Ltmp19, $1  }
0x12f: {  	_ =	sdelay $0x3  }
0x130: {  	s16 =	simm.s32 $0x2980  }
0x131: {  	s15 =	simm.s32 $0x0;
	s8 =	smov.u32 s29;
	s29 =	smov.u32 s28  }
0x132: {  	s28 =	smov.u32 s26;
	s26 =	smov.u32 s25;
	s25 =	smov.u32 s24  }
0x133: {  	s24 =	smov.u32 s23;
	s23 =	smov.u32 s22;
	p2 =	sne.s32 s14, $0x1;
	v4 =	vld [tilespmem:s16+$0x0]  }
.Ltmp20:
0x134: {  	s22 =	smov.u32 s10;
	s10 =	smov.u32 s21;
	(pc) =	sbr.rel @!p2 .LBB2_26-.Ltmp20, $4  }
0x135: {  	s21 =	smov.u32 s20;
	s20 =	smov.u32 s19;
	s19 =	sand.u32 $0xFFFFFE00, s15  }
0x136: {  	s17 =	sand.u32 $0x30, s15;
	s16 =	sshra.s32 s19, $0x2  }
0x137: {  	s16 =	sor.u32 s17, s16  }
0x138: {  	s14 =	sadd.s32 $0xFFFFFFFF, s14;
	s17 =	simm.s32 $0x0;
	[tilespmem:s16+$0x3200] =	vst v4;
	s16 =	simm.s32 $0x2990  }
.LBB2_25:
0x139: {  	v4 =	vld [tilespmem:s16+$0x0];
	p2 =	sne.s32 s14, $0x1;
	s14 =	sadd.s32 $0xFFFFFFFF, s14  }
.Ltmp21:
0x13a: {  	s15 =	sadd.s32 $0x80, s15;
	(pc) =	sbr.rel @p2 .LBB2_25-.Ltmp21, $4  }
0x13b: {  	s17 =	sadd.s32 $0x10, s17;
	s18 =	sand.u32 $0xFFFFFE00, s15  }
0x13c: {  	s19 =	sand.u32 $0x30, s17;
	s18 =	sshra.s32 s18, $0x2  }
0x13d: {  	s18 =	sor.u32 s19, s18  }
0x13e: {  	s16 =	sadd.s32 $0x10, s16;
	[tilespmem:s18+$0x3200] =	vst v4  }
.LBB2_26:
0x13f: {  	s14 =	simm.s32 $0x2100  }
0x140: {  	[tilespmem:s4], [sflag:$0x1] =	stream.indirect.gather [spmem:s2], $0x80, s14, s9, $0xb8;
	[tilespmem:$0x1FE00] =	vst v63  }
0x141: {  	p2 =	sne.s32 s13, $0x1;
	_ =	swait.ge [sflag:s3], $0x2000  }
.Ltmp22:
0x142: {  	[sflag:s3] =	ssyncset.done $0x0;
	(pc) =	sbr.rel @!p2 .LBB2_28-.Ltmp22, $4  }
0x143: {  	s15 =	simm.s32 $0x3200;
	[sflag:s3] =	ssyncadd.s32 $0xFFFFE000  }
0x144: {  	[hbm4b:s5+s9] =	stream.indirect.scatter [tilespmem:s4], [sflag:$0x2], $0x80, s15, s9, $0xb8;
	[tilespmem:$0x1FE00] =	vst v63  }
0x145: {  	_ =	swait.ge [sflag:s0], $0x2000  }
0x146: {  	s13 =	sadd.s32 $0xFFFFFFFF, s13;
	[sflag:s0] =	ssyncset.done $0x0  }
.LBB2_27:
0x147: {  	[sflag:s0] =	ssyncadd.s32 $0xFFFFE000;
	s15 =	sadd.s32 $0x80, s15;
	s14 =	sadd.s32 $0x40, s14  }
0x148: {  	[tilespmem:s4], [sflag:$0x1] =	stream.indirect.gather [spmem:s2], $0x80, s14, s9, $0xb8;
	[tilespmem:$0x1FE00] =	vst v63  }
0x149: {  	p2 =	sne.s32 s13, $0x1;
	s13 =	sadd.s32 $0xFFFFFFFF, s13;
	_ =	swait.ge [sflag:s3], $0x2000  }
.Ltmp23:
0x14a: {  	[sflag:s3] =	ssyncset.done $0x0;
	(pc) =	sbr.rel @p2 .LBB2_27-.Ltmp23, $4  }
0x14b: {  	[sflag:s3] =	ssyncadd.s32 $0xFFFFE000  }
0x14c: {  	[hbm4b:s5+s9] =	stream.indirect.scatter [tilespmem:s4], [sflag:$0x2], $0x80, s15, s9, $0xb8;
	[tilespmem:$0x1FE00] =	vst v63  }
0x14d: {  	_ =	swait.ge [sflag:s0], $0x2000  }
0x14e: {  	[sflag:s0] =	ssyncset.done $0x0  }
.LBB2_28:
0x14f: {  	[sflag:s0] =	ssyncadd.s32 $0xFFFFE000  }
0x150: {  	s19 =	smov.u32 s20;
	s20 =	smov.u32 s21;
	s21 =	smov.u32 s10  }
0x151: {  	s10 =	smov.u32 s22;
	s22 =	smov.u32 s23;
	s23 =	smov.u32 s24  }
0x152: {  	s24 =	smov.u32 s25;
	s25 =	smov.u32 s26;
	s26 =	smov.u32 s28  }
0x153: {  	s28 =	smov.u32 s29;
	s29 =	smov.u32 s8;
	s8 =	rddreg [dreg:$0x8]  }
.LBB2_29:
0x154: {  	p2 =	slt.s32 s12, $0x1  }
.Ltmp24:
0x155: {  	_ = 	snop;
	(pc) =	sbr.rel @p2 .LBB2_40-.Ltmp24, $1  }
0x156: {  	_ =	sdelay $0x3  }
.Ltmp25:
0x157: {  	(pc) =	sbr.rel @p0 .LBB2_34-.Ltmp25, $1  }
0x158: {  	_ =	sdelay $0x3  }
0x159: {  	v5 =	vadd.s32 $0xFFFFFFFF, v3;
	_ =	sdelay $0x2  }
0x15a: {  	s12 =	sshll.u32 s11, $0x6  }
0x15b: {  	s13 =	simm.s32 $0x1000;
	s12 =	sshra.s32 s12, $0x2  }
0x15c: {  	v4 =	vld.idx.msk [tilespmem:v5+s13+$0x0], $0xffff;
	s13 =	sadd.s32 $0x1000, s12  }
0x15d: {  	v6 =	vld [tilespmem:s13+$0x0];
	_ =	sdelay $0x1  }
0x15e: {  	s14 =	sshll.u32 s11, $0x4  }
0x15f: {  	v7 =	vor.u32 s14, v1  }
0x160: {  	vm0 =	vlt.s32 v7, v3  }
0x161: {  	s18 =	simm.s32 $0x1880;
	v6 =	vsel vm0, v6, v4  }
0x162: {  	s11 =	sadd.s32 $0x1, s11;
	v5 =	vld.idx.msk [tilespmem:v5+s18+$0x0], $0xffff;
	s12 =	sadd.s32 $0x1880, s12;
	[tilespmem:s13+$0x0] =	vst v6  }
0x163: {  	p0 =	slt.s32 s11, s7;
	v6 =	vld [tilespmem:s12+$0x0]  }
.Ltmp26:
0x164: {  	_ = 	snop;
	(pc) =	sbr.rel @!p0 .LBB2_33-.Ltmp26, $2  }
0x165: {  	_ =	sdelay $0x2  }
0x166: {  	s14 =	sadd.s32 $0x10, s14;
	v6 =	vsel vm0, v6, v5  }
.LBB2_32:
0x167: {  	s11 =	sadd.s32 $0x1, s11;
	[tilespmem:s12+$0x0] =	vst v6;
	s13 =	sadd.s32 $0x10, s13;
	s12 =	sadd.s32 $0x10, s12  }
0x168: {  	v6 =	vld [tilespmem:s13+$0x0];
	p0 =	slt.s32 s11, s7;
	_ =	sdelay $0x2  }
0x169: {  	v7 =	vor.u32 s14, v1  }
0x16a: {  	vm0 =	vlt.s32 v7, v3  }
0x16b: {  	v6 =	vsel vm0, v6, v4  }
0x16c: {  	[tilespmem:s13+$0x0] =	vst v6  }
0x16d: {  	v6 =	vld [tilespmem:s12+$0x0]  }
.Ltmp27:
0x16e: {  	(pc) =	sbr.rel @p0 .LBB2_32-.Ltmp27, $2  }
0x16f: {  	_ =	sdelay $0x2  }
0x170: {  	s14 =	sadd.s32 $0x10, s14;
	v6 =	vsel vm0, v6, v5  }
.LBB2_33:
0x171: {  	[tilespmem:s12+$0x0] =	vst v6  }
.LBB2_34:
.Ltmp28:
0x172: {  	(pc) =	sbr.rel @!p1 .LBB2_40-.Ltmp28, $1  }
0x173: {  	_ =	sdelay $0x3  }
0x174: {  	s12 =	simm.s32 $0x1880  }
0x175: {  	p0 =	sne.s32 s7, $0x1;
	v3 =	vld [tilespmem:s12+$0x0]  }
.Ltmp29:
0x176: {  	s11 =	simm.s32 $0x0;
	(pc) =	sbr.rel @!p0 .LBB2_37-.Ltmp29, $4  }
0x177: {  	s18 =	sand.u32 $0xFFFFFE00, s11  }
0x178: {  	s13 =	sand.u32 $0x30, s11;
	s12 =	sshra.s32 s18, $0x2  }
0x179: {  	s12 =	sor.u32 s13, s12  }
0x17a: {  	s7 =	sadd.s32 $0xFFFFFFFF, s7;
	s13 =	simm.s32 $0x0;
	[tilespmem:s12+$0x3200] =	vst v3;
	s12 =	simm.s32 $0x1890  }
.LBB2_36:
0x17b: {  	v3 =	vld [tilespmem:s12+$0x0];
	p0 =	sne.s32 s7, $0x1;
	s7 =	sadd.s32 $0xFFFFFFFF, s7  }
.Ltmp30:
0x17c: {  	s11 =	sadd.s32 $0x80, s11;
	(pc) =	sbr.rel @p0 .LBB2_36-.Ltmp30, $4  }
0x17d: {  	s13 =	sadd.s32 $0x10, s13;
	s14 =	sand.u32 $0xFFFFFE00, s11  }
0x17e: {  	s15 =	sand.u32 $0x30, s13;
	s14 =	sshra.s32 s14, $0x2  }
0x17f: {  	s14 =	sor.u32 s15, s14  }
0x180: {  	s12 =	sadd.s32 $0x10, s12;
	[tilespmem:s14+$0x3200] =	vst v3  }
.LBB2_37:
0x181: {  	s7 =	simm.s32 $0x1000  }
0x182: {  	[tilespmem:s4], [sflag:$0x1] =	stream.indirect.gather [spmem:s2], $0x80, s7, s9, $0xb8;
	[tilespmem:$0x1FE00] =	vst v63  }
0x183: {  	p0 =	sne.s32 s31, $0x1;
	_ =	swait.ge [sflag:s3], $0x2000  }
.Ltmp31:
0x184: {  	[sflag:s3] =	ssyncset.done $0x0;
	(pc) =	sbr.rel @!p0 .LBB2_39-.Ltmp31, $4  }
0x185: {  	s11 =	simm.s32 $0x3200;
	[sflag:s3] =	ssyncadd.s32 $0xFFFFE000  }
0x186: {  	[hbm4b:s6+s9] =	stream.indirect.scatter [tilespmem:s4], [sflag:$0x2], $0x80, s11, s9, $0xb8;
	[tilespmem:$0x1FE00] =	vst v63  }
0x187: {  	_ =	swait.ge [sflag:s0], $0x2000  }
0x188: {  	s12 =	sadd.s32 $0xFFFFFFFF, s31;
	[sflag:s0] =	ssyncset.done $0x0  }
.LBB2_38:
0x189: {  	[sflag:s0] =	ssyncadd.s32 $0xFFFFE000;
	s11 =	sadd.s32 $0x80, s11;
	s7 =	sadd.s32 $0x40, s7  }
0x18a: {  	[tilespmem:s4], [sflag:$0x1] =	stream.indirect.gather [spmem:s2], $0x80, s7, s9, $0xb8;
	[tilespmem:$0x1FE00] =	vst v63  }
0x18b: {  	p0 =	sne.s32 s12, $0x1;
	s12 =	sadd.s32 $0xFFFFFFFF, s12;
	_ =	swait.ge [sflag:s3], $0x2000  }
.Ltmp32:
0x18c: {  	[sflag:s3] =	ssyncset.done $0x0;
	(pc) =	sbr.rel @p0 .LBB2_38-.Ltmp32, $4  }
0x18d: {  	[sflag:s3] =	ssyncadd.s32 $0xFFFFE000  }
0x18e: {  	[hbm4b:s6+s9] =	stream.indirect.scatter [tilespmem:s4], [sflag:$0x2], $0x80, s11, s9, $0xb8;
	[tilespmem:$0x1FE00] =	vst v63  }
0x18f: {  	_ =	swait.ge [sflag:s0], $0x2000  }
0x190: {  	[sflag:s0] =	ssyncset.done $0x0  }
.Ltmp33:
0x191: {  	_ = 	snop;
	(pc) =	sbr.rel .LBB2_39-.Ltmp33, $1  }
0x192: {  	_ =	sdelay $0x3  }
.LBB2_42:
0x193: {  	_ =	sfence.sel $0x180000  }
0x194: {  	[bflag:$0x0] =	sbarrier.arrive $0xFFFF  }
0x195: {  	_ =	strace $0x9000004A  }
0x196: {  	s0 =	stileid.u32;
	[bflag:$0x2] =	sbarrier.arrive $0xFFFF  }
0x197: {  	p0 =	sne.s32 s0, $0x0;
	s0 =	rddreg [dreg:$0x4]  }
0x198: {  	s0 =	sadd.s32 @!p0 $0x100000, s0  }
0x199: {  	[sflag:s0] =	ssyncadd.tile.s32 @!p0 $0x1;
	_ =	shalt  }
.Lfunc_end2:
_tile_overlayer_lowered:
.L_overlay_start_2:
0x19a: {  	(tag) =	ssettag $0x2  }
0x19b: {  	s0 =	rddreg [dreg:$0x0];
	s2 =	stileid.u32  }
0x19c: {  	s1 =	rddreg [dreg:$0x1];
	p0 =	sne.s32 s2, $0x0  }
0x19d: {  	s3 =	rddreg [dreg:$0x2];
	[bflag:$0x3] =	sbarrier.arrive $0xFFFF;
	s2 =	simm.s32 @!p0 $0x1C02  }
0x19e: {  	[timem:s3], [sflag:s2] =	dma.local @!p0 [hbm:s0], s1  }
0x19f: {  	s0 =	simm.s32 @!p0 $0x2  }
0x1a0: {  	_ =	swait.ge @!p0 [sflag:s0], s1  }
0x1a1: {  	s1 =	ssub.s32 @!p0 $0x0, s1;
	[sflag:s0] =	ssyncset.done @!p0 $0x0  }
0x1a2: {  	[sflag:s0] =	ssyncadd.s32 @!p0 s1  }
0x1a3: {  	[bflag:$0x3] =	sbarrier.arrive $0xFFFF  }
0x1a4: {  	_ =	shalt  }

// kernel: kernel.13.cloned.1.call-start
scs
__scs_entry_jumppad:
0x0: {  	(pc) =	sbr.rel $0x88, $3  }
0x1: {  	(tag) =	ssettag $0x0;
	lr =	simm.s32 $0x1  }
0x2: {  	[smem:$0x3F97] =	sst lr;
	_ =	strace $0xD0000000  }
0x3: {  	_ = 	snop  }
0x4: {  	_ = 	snop  }
0x5: {  	_ = 	snop  }
0x6: {  	_ = 	snop  }
0x7: {  	_ = 	snop  }
__scs_overlays_trampoline_lowered:
0x8: {  	[smem:$0x3FA6] =	sst s0  }
0x9: {  	[smem:$0x3FA7] =	sst s1  }
0xa: {  	[smem:$0x3FA8] =	sst s2  }
0xb: {  	[smem:$0x3FA9] =	sst s3  }
0xc: {  	[smem:$0x3FAA] =	sst s4  }
0xd: {  	[smem:$0x3FAB] =	sst s5  }
0xe: {  	[smem:$0x3FAC] =	sst s6  }
0xf: {  	[smem:$0x3FAD] =	sst s7  }
0x10: {  	[smem:$0x3FAE] =	sst s8  }
0x11: {  	[smem:$0x3FAF] =	sst s9;
	s0 =	simm.s32 @!p0 $0x0  }
0x12: {  	s1 =	sld [smem:$0x3F95];
	s0 =	simm.s32 @p0 $0x1  }
0x13: {  	[smem:$0x3FB0] =	sst s0;
	s0 =	simm.s32 @!p1 $0x0  }
0x14: {  	s2 =	sld [smem:$0x3F94];
	s0 =	simm.s32 @p1 $0x1  }
0x15: {  	[smem:$0x3FB1] =	sst s0;
	s0 =	simm.s32 @!p2 $0x0  }
0x16: {  	s3 =	sld [smem:$0x3FDB];
	s0 =	simm.s32 @p2 $0x1  }
0x17: {  	s4 =	simm.s32 $0x1BF5;
	[smem:$0x3FB3] =	sst s0  }
0x18: {  	s0 =	sld [smem:$0x3F96];
	_ =	swait.ge [sflag:s4], $0x0  }
0x19: {  	s7 =	sld [smem:$0x3F97]  }
0x1a: {  	s8 =	sadd.s32 $0xFFFFE003, lr  }
0x1b: {  	s9 =	sadd.s32 $0xFFFFFEF7, lr;
	s5 =	simm.s32 $0xFFFFFFFF;
	p2 =	slt.u32 s8, $0xFFFFF086  }
0x1c: {  	p1 =	slt.u32 s9, $0xF7A;
	s5 =	simm.s32 @!p2 $0x0  }
0x1d: {  	s5 =	simm.s32 @p1 $0x1;
	p0 =	seq.s32 s7, s2  }
0x1e: {  	s7 =	smul.u32 @!p0 $0xF7A, s2;
	p2 =	seq.s32 @!p0 s5, $0x0  }
0x1f: {  	s9 =	smul.u32 $0xF7A, s1;
	s8 =	simm.s32 @!p0 $0x1BF5;
	p2 =	por !p2, p0  }
0x20: {  	[sflag:s8] =	ssyncset.s32 @!p0 $0xFFFFF086;
	s6 =	sadd.s32 @!p0 s3, s7;
	s7 =	simm.s32 @!p0 $0x108  }
0x21: {  	s3 =	sadd.s32 s3, s9;
	s6 =	sadd.s32 @!p0 $0x88, s6;
	s7 =	simm.s32 @p2 $0x1082  }
0x22: {  	[simem:s7], [sflag:s8] =	dma.local @!p0 [hbm:s6], $0xF7A  }
0x23: {  	s9 =	sor.u32 $0xD0000000, s2;
	s6 =	simm.s32 $0x108;
	_ =	swait.ge @!p0 [sflag:s8], $0x0  }
0x24: {  	s3 =	sadd.s32 $0x88, s3;
	s6 =	simm.s32 @!p1 $0x1082;
	[sflag:s4] =	ssyncset.s32 $0xFFFFF086  }
0x25: {  	[simem:s6], [sflag:s4] =	dma.local [hbm:s3], $0xF7A  }
0x26: {  	[smem:$0x3F97] =	sst s1;
	(tag) =	ssettag s2;
	_ =	strace s9  }
0x27: {  	s1 =	sld [smem:$0x3FA7]  }
0x28: {  	s2 =	sld [smem:$0x3FA8]  }
0x29: {  	s4 =	sld [smem:$0x3FAA]  }
0x2a: {  	p0 =	seq.s32 s5, $0x0;
	s5 =	sld [smem:$0x3FAB]  }
0x2b: {  	s6 =	sld [smem:$0x3FAC]  }
0x2c: {  	s7 =	sld [smem:$0x3FAD]  }
0x2d: {  	s3 =	simm.s32 $0x108;
	s8 =	sld [smem:$0x3FAE]  }
0x2e: {  	s3 =	simm.s32 @!p0 $0x1082;
	s9 =	sld [smem:$0x3FAF]  }
0x2f: {  	lr =	sadd.s32 s0, s3;
	s0 =	sld [smem:$0x3FA6]  }
0x30: {  	s3 =	sld [smem:$0x3FA9]  }
0x31: {  	[smem:$0x3FB2] =	sst s10  }
0x32: {  	s10 =	sld [smem:$0x3FB0];
	_ =	sdelay $0x3  }
0x33: {  	p0 =	seq.s32 s10, $0x1;
	s10 =	sld [smem:$0x3FB2];
	_ =	sdelay $0x3  }
0x34: {  	[smem:$0x3FB2] =	sst s10  }
0x35: {  	s10 =	sld [smem:$0x3FB1];
	_ =	sdelay $0x3  }
0x36: {  	p1 =	seq.s32 s10, $0x1;
	s10 =	sld [smem:$0x3FB2];
	_ =	sdelay $0x3  }
0x37: {  	[smem:$0x3FB2] =	sst s10  }
0x38: {  	s10 =	sld [smem:$0x3FB3]  }
0x39: {  	_ = 	snop;
	(pc) =	sbr.ind lr, $3  }
0x3a: {  	_ = 	snop  }
0x3b: {  	_ = 	snop  }
0x3c: {  	p2 =	seq.s32 s10, $0x1;
	s10 =	sld [smem:$0x3FB2]  }
0x3d: {  	_ =	shalt  }
0x3e: {  	_ =	shalt  }
0x3f: {  	_ =	shalt  }
0x40: {  	_ =	shalt  }
0x41: {  	_ =	shalt  }
0x42: {  	_ =	shalt  }
0x43: {  	_ =	shalt  }
0x44: {  	_ =	shalt  }
0x45: {  	_ =	shalt  }
0x46: {  	_ =	shalt  }
0x47: {  	_ =	shalt  }
0x48: {  	_ =	shalt  }
0x49: {  	_ =	shalt  }
0x4a: {  	_ =	shalt  }
0x4b: {  	_ =	shalt  }
0x4c: {  	_ =	shalt  }
0x4d: {  	_ =	shalt  }
0x4e: {  	_ =	shalt  }
0x4f: {  	_ =	shalt  }
0x50: {  	_ =	shalt  }
0x51: {  	_ =	shalt  }
0x52: {  	_ =	shalt  }
0x53: {  	_ =	shalt  }
0x54: {  	_ =	shalt  }
0x55: {  	_ =	shalt  }
0x56: {  	_ =	shalt  }
0x57: {  	_ =	shalt  }
0x58: {  	_ =	shalt  }
0x59: {  	_ =	shalt  }
0x5a: {  	_ =	shalt  }
0x5b: {  	_ =	shalt  }
0x5c: {  	_ =	shalt  }
0x5d: {  	_ =	shalt  }
0x5e: {  	_ =	shalt  }
0x5f: {  	_ =	shalt  }
0x60: {  	_ =	shalt  }
0x61: {  	_ =	shalt  }
0x62: {  	_ =	shalt  }
0x63: {  	_ =	shalt  }
0x64: {  	_ =	shalt  }
0x65: {  	_ =	shalt  }
0x66: {  	_ =	shalt  }
0x67: {  	_ =	shalt  }
0x68: {  	_ =	shalt  }
0x69: {  	_ =	shalt  }
0x6a: {  	_ =	shalt  }
0x6b: {  	_ =	shalt  }
0x6c: {  	_ =	shalt  }
0x6d: {  	_ =	shalt  }
0x6e: {  	_ =	shalt  }
0x6f: {  	_ =	shalt  }
0x70: {  	_ =	shalt  }
0x71: {  	_ =	shalt  }
0x72: {  	_ =	shalt  }
0x73: {  	_ =	shalt  }
0x74: {  	_ =	shalt  }
0x75: {  	_ =	shalt  }
0x76: {  	_ =	shalt  }
0x77: {  	_ =	shalt  }
0x78: {  	_ =	shalt  }
0x79: {  	_ =	shalt  }
0x7a: {  	_ =	shalt  }
0x7b: {  	_ =	shalt  }
0x7c: {  	_ =	shalt  }
0x7d: {  	_ =	shalt  }
0x7e: {  	_ =	shalt  }
0x7f: {  	_ =	shalt  }
0x80: {  	_ =	shalt  }
0x81: {  	_ =	shalt  }
0x82: {  	_ =	shalt  }
0x83: {  	_ =	shalt  }
0x84: {  	_ =	shalt  }
0x85: {  	_ =	shalt  }
0x86: {  	_ =	shalt  }
0x87: {  	_ =	shalt  }
.Lfunc_end0:
.L_simem_size_0:
called_computation.2_lowered:
.L_overlay_start_0:
0x88: {  	s2 =	sld [smem:$0x3FD9]  }
0x89: {  	s3 =	sld [smem:$0x3FFE];
	_ =	sdelay $0x1  }
0x8a: {  	s1 =	srdreg.scid  }
0x8b: {  	s0 =	sand.u32 $0x1, s1  }
0x8c: {  	s15 =	sshll.u32 s0, $0xA;
	s2 =	sadd.s32 s3, s2  }
0x8d: {  	s2 =	sadd.s32 s2, s15  }
0x8e: {  	[smem:$0x3FBE] =	sst s2  }
0x8f: {  	_ = 	snop  }
0x90: {  	s2 =	sld [smem:$0x3FC9]  }
0x91: {  	s5 =	sld [smem:$0x3FD0]  }
0x92: {  	s16 =	sld [smem:$0x3FC8]  }
0x93: {  	s6 =	sld [smem:$0x3FC6]  }
0x94: {  	s8 =	simm.s32 $0xB;
	s7 =	simm.s32 $0x10;
	s4 =	sld [smem:$0x3FC5]  }
0x95: {  	[smem:s7], [sflag:s8] =	dma.local [hbm:s5], $0x1  }
0x96: {  	_ =	swait.eq [sflag:s8], $0x1  }
0x97: {  	[sflag:s8] =	ssyncset.done $0x0  }
0x98: {  	s17 =	sld [smem:$0x12];
	[sflag:s8] =	ssyncadd.s32 $0xFFFFFFFF  }
0x99: {  	s18 =	sld [smem:$0x13];
	(tm) =	ssettm $0x1  }
0x9a: {  	s19 =	sld [smem:$0x3FFB];
	_ =	sdelay $0x3  }
0x9b: {  	_ =	strace s19  }
0x9c: {  	s5 =	sld [smem:$0x3FFC];
	_ =	sdelay $0x3  }
0x9d: {  	_ =	strace s5  }
0x9e: {  	s5 =	sld [smem:$0x3FFD];
	_ =	sdelay $0x3  }
0x9f: {  	_ =	strace s5  }
0xa0: {  	_ =	strace $0x8FFFFFFF  }
0xa1: {  	s20 =	sld [smem:$0x3FDB];
	_ =	sdelay $0x1  }
0xa2: {  	s9 =	simm.s32 $_scs_section_size  }
0xa3: {  	s10 =	simm.s32 $_size__tile_overlayer_lowered;
	s11 =	simm.s32 $_tile_overlayer_lowered  }
0xa4: {  	s12 =	simm.s32 $0x1BFF;
	s21 =	sshll.u32 s11, $0x1;
	s9 =	sadd.s32 s9, s20  }
0xa5: {  	s22 =	simm.s32 $0x0;
	s10 =	sshll.u32 s10, $0x1;
	s11 =	sadd.s32 s21, s9  }
0xa6: {  	[timem:s22], [sflag:s12] =	dma.local [hbm:s11], s10  }
0xa7: {  	_ =	swait.ge [sflag:s12], s10  }
0xa8: {  	s10 =	ssub.s32 $0x0, s10;
	[sflag:s12] =	ssyncset.done $0x0  }
0xa9: {  	[sflag:s12] =	ssyncadd.s32 s10;
	_ =	sdelay $0x1  }
0xaa: {  	s23 =	simm.s32 $0x1B8B  }
0xab: {  	_ =	swait.ge [sflag:s23], $0x1  }
0xac: {  	[sflag:s23] =	ssyncset.done $0x0  }
0xad: {  	[sflag:s23] =	ssyncadd.s32 $0xFFFFFFFF  }
0xae: {  	s10 =	sld [smem:$0x0]  }
0xaf: {  	s11 =	sand.u32 $0xFFFFFFFE, s1  }
0xb0: {  	p0 =	sne.s32 s1, s11  }
0xb1: {  	s11 =	sshll.u32 @p0 s11, $0xE  }
0xb2: {  	s11 =	sadd.s32 @p0 $0x11B8D, s11;
	s12 =	sshll.u32 @p0 s10, $0x11  }
0xb3: {  	s11 =	sor.u32 @p0 s12, s11  }
0xb4: {  	[sflag:s11] =	ssyncadd.remote.s32 @p0 $0x1;
	_ =	sdelay $0x1  }
0xb5: {  	s11 =	simm.s32 @p0 $0x1B8D  }
0xb6: {  	_ =	swait.eq @p0 [sflag:s11], $0x1  }
0xb7: {  	[sflag:s11] =	ssyncadd.s32 @p0 $0xFFFFFFFF  }
0xb8: {  	s12 =	sshll.u32 @!p0 s1, $0xE  }
0xb9: {  	s12 =	sor.u32 @!p0 $0x4000, s12;
	s11 =	simm.s32 @!p0 $0x1B8D  }
0xba: {  	s10 =	sshll.u32 @!p0 s10, $0x11;
	s12 =	sadd.s32 @!p0 $0x11B8D, s12;
	_ =	swait.eq @!p0 [sflag:s11], $0x1  }
0xbb: {  	s10 =	sor.u32 @!p0 s10, s12;
	[sflag:s11] =	ssyncadd.s32 @!p0 $0xFFFFFFFF  }
0xbc: {  	s25 =	simm.s32 $0x1B8E;
	s24 =	sld [smem:$0x3FFE];
	[sflag:s10] =	ssyncadd.remote.s32 @!p0 $0x1  }
0xbd: {  	s26 =	simm.s32 $execute0_lowered;
	[smem:$0x3FD2] =	sst s25  }
0xbe: {  	s11 =	sshll.u32 s26, $0x1;
	_ =	strace $0x8000004C;
	[dreg:$0x1] =	wrdreg $0xFFFFFFFF  }
0xbf: {  	s28 =	simm.s32 $_size_execute0_lowered;
	s9 =	sadd.s32 s9, s11;
	[dreg:$0x0] =	wrdreg $0x0  }
0xc0: {  	s11 =	sshll.u32 s28, $0x1;
	[dreg:$0x2] =	wrdreg s9  }
0xc1: {  	[dreg:$0x3] =	wrdreg s11  }
0xc2: {  	[dreg:$0x4] =	wrdreg $0xC0  }
0xc3: {  	_ =	task [dreg:s22], $0x5FFFF  }
0xc4: {  	[dreg:$0x1] =	wrdreg $0xFFFFFFFF  }
0xc5: {  	[dreg:$0x0] =	wrdreg $0x60  }
0xc6: {  	[dreg:$0x2] =	wrdreg s6  }
0xc7: {  	[dreg:$0x3] =	wrdreg s2  }
0xc8: {  	[dreg:$0x4] =	wrdreg s16  }
0xc9: {  	[dreg:$0x5] =	wrdreg s4  }
0xca: {  	[dreg:$0x6] =	wrdreg s24  }
0xcb: {  	[dreg:$0x7] =	wrdreg s17  }
0xcc: {  	[dreg:$0x8] =	wrdreg s18  }
0xcd: {  	[dreg:$0x9] =	wrdreg $0xA  }
0xce: {  	_ =	task.clear_ibuf [dreg:s22], $0xAFFFF;
	_ =	strace $0x9000004C  }
0xcf: {  	s29 =	simm.s32 $0xA;
	_ =	strace $0x8000004E  }
0xd0: {  	_ =	swait.ge [sflag:s29], $0x1  }
0xd1: {  	[sflag:s29] =	ssyncadd.s32 $0xFFFFFFFF  }
0xd2: {  	_ =	strace $0x9000004E  }
0xd3: {  	_ =	sfence  }
0xd4: {  	s30 =	sld [smem:$0x0];
	_ =	sdelay $0x2  }
0xd5: {  	s31 =	sshll.u32 s1, $0xD;
	s1 =	sshrl.u32 s1, $0x2  }
0xd6: {  	s3 =	sand.u32 $0x4000, s31;
	s1 =	sadd.s32 s1, s30  }
0xd7: {  	s0 =	sor.u32 s3, s0;
	s1 =	sshll.u32 s1, $0x11  }
0xd8: {  	s0 =	sor.u32 s1, s0  }
0xd9: {  	s0 =	sadd.s32 $0x8F2B, s0  }
0xda: {  	[sflag:s0] =	ssyncadd.remote.s32 $0x1  }
0xdb: {  	_ =	sfence.sel $0xFFFF  }
0xdc: {  	[dreg:$0x0] =	wrdreg $0xFFFFFFFF;
	(pc) =	sbr.abs _section_cstart, $3  }
0xdd: {  	[dreg:$0x1] =	wrdreg $0xFFFFFFFF  }
0xde: {  	_ =	task.clear_ibuf [dreg:s22], $0x2FFFF;
	_ =	strace $0x9FFFFFFF  }
0xdf: {  	(tm) =	ssettm $0x7FFFFFFF  }
tec
execute0_lowered:
.L_overlay_start_1:
0x0: {  	(tag) =	ssettag $0x1  }
0x1: {  	s0 =	rddreg [dreg:$0x0]  }
0x2: {  	s1 =	rddreg [dreg:$0x1]  }
0x3: {  	s2 =	rddreg [dreg:$0x2]  }
0x4: {  	s3 =	rddreg [dreg:$0x3]  }
0x5: {  	s4 =	rddreg [dreg:$0x4]  }
0x6: {  	s5 =	rddreg [dreg:$0x5];
	s7 =	srdreg.scid  }
0x7: {  	s17 =	stileid.u32;
	s6 =	rddreg [dreg:$0x6];
	s28 =	simm.s32 $0x1  }
0x8: {  	s29 =	simm.s32 $0x1900;
	s30 =	simm.s32 $0x3;
	s31 =	simm.s32 $0x4F80  }
0x9: {  	s11 =	sand.u32 $0x1, s7;
	s8 =	sshll.u32 s17, $0x1;
	s16 =	smul.u32 $0xFFFFE700, s17  }
0xa: {  	s7 =	simm.s32 $0x0;
	s19 =	sadd.s32 $0x186800, s5;
	s22 =	smul.u32 $0x1900, s17  }
0xb: {  	s12 =	sor.u32 s11, s8;
	[smem:$0x7FF] =	sst s7;
	s25 =	smul.u32 $0xFFFFF380, s11  }
0xc: {  	s8 =	sadd.s32 $0x103C00, s4;
	s24 =	ssub.s32 $0x2, s11;
	s11 =	smul.u32 $0xC80, s11  }
0xd: {  	s21 =	sadd.s32 $0x3070, s6;
	s13 =	smul.u32 $0xC80, s12;
	_ =	strace $0x8000004D  }
0xe: {  	s14 =	smul.u32 $0xC800, s12;
	s10 =	sshrl.u32 s24, $0x1;
	[dreg:$0xc] =	wrdreg s19  }
0xf: {  	[dreg:$0xe] =	wrdreg s21;
	p0 =	seq.s32 s12, $0x1F;
	s4 =	ssub.s32 s24, s10  }
0x10: {  	s20 =	sadd.s32 s16, s25;
	s22 =	sadd.s32 s11, s22;
	s11 =	simm.s32 $0x11C00  }
0x11: {  	s9 =	ssub.s32 $0x186A0, s13;
	s14 =	sadd.s32 s0, s14;
	s26 =	sshrl.u32 s13, $0x3  }
0x12: {  	s24 =	smax.u32 s4, $0x1;
	s4 =	simm.s32 $0xCF80;
	s15 =	smin.u32 s9, $0xC80  }
0x13: {  	s9 =	smul.u32 $0x64000, s12;
	[dreg:$0x8] =	wrdreg s14;
	s18 =	sadd.s32 s3, s26  }
0x14: {  	s14 =	sadd.s32 s6, s26;
	s3 =	sadd.s32 $0x3070, s3;
	[dreg:$0xf] =	wrdreg s24  }
0x15: {  	s24 =	simm.s32 $0x80;
	s12 =	simm.s32 $0x0;
	[dreg:$0x9] =	wrdreg s18  }
0x16: {  	s10 =	sshrl.u32 s15, $0x7;
	[dreg:$0xa] =	wrdreg s14;
	s18 =	sadd.s32 $0x186800, s0  }
.Ltmp0:
0x17: {  	[dreg:$0xd] =	wrdreg s3;
	s3 =	sadd.s32 $0x186A0, s20;
	(pc) =	sbr.rel .LBB2_1-.Ltmp0, $4  }
0x18: {  	[dreg:$0xb] =	wrdreg s18;
	s3 =	smin.u32 s3, $0xC80;
	s23 =	sshrl.u32 s9, $0x3  }
0x19: {  	s18 =	sshrl.u32 s3, $0x7;
	s25 =	sadd.s32 s0, s23;
	s26 =	sadd.s32 s5, s23  }
0x1a: {  	v1 =	vimm.s32 $0xFFFFFFFF;
	s3 =	sadd.s32 $0x800, s25;
	[dreg:$0x11] =	wrdreg s26;
	s25 =	simm.s32 $0x100  }
0x1b: {  	v2 =	vlaneseq.u32;
	v3 =	vimm.s32 $0x0;
	v0 =	vmov s13;
	s26 =	simm.s32 $0x4;
	[dreg:$0x10] =	wrdreg s3;
	s3 =	simm.s32 $0x2  }
.LBB2_32:
0x1c: {  	[sflag:s26] =	ssyncadd.s32 $0xFFFFFF80  }
.LBB2_33:
0x1d: {  	s12 =	sadd.s32 $0x1, s12;
	s13 =	rddreg [dreg:$0xf]  }
0x1e: {  	p1 =	sne.s32 s12, s13  }
.Ltmp1:
0x1f: {  	_ = 	snop;
	(pc) =	sbr.rel @!p1 .LBB2_34-.Ltmp1, $1  }
0x20: {  	_ =	sdelay $0x3  }
.LBB2_1:
0x21: {  	s13 =	rddreg [dreg:$0x8];
	s14 =	simm.s32 $0x8F80  }
0x22: {  	[tilespmem:s14], [sflag:$0x2] =	stream.linear.gather [hbm4b:s13+s7], $0x4000, $0x38;
	[tilespmem:$0x11C80] =	vst v63  }
0x23: {  	s13 =	simm.s32 $0x40;
	s14 =	simm.s32 $0x0  }
.LBB2_2:
0x24: {  	p1 =	sne.s32 s13, $0x31C0;
	[tilespmem:s14+$0x1900] =	vst v1;
	s14 =	smov.u32 s13;
	s13 =	sadd.s32 $0x40, s13  }
.Ltmp2:
0x25: {  	(pc) =	sbr.rel @p1 .LBB2_2-.Ltmp2, $2  }
0x26: {  	_ =	sdelay $0x2  }
0x27: {  	s14 =	sshra.s32 s14, $0x2  }
.Ltmp3:
0x28: {  	(pc) =	sbr.rel .LBB2_4-.Ltmp3, $2  }
0x29: {  	_ =	sdelay $0x2  }
0x2a: {  	[tilespmem:s14+$0x1900] =	vst v1;
	s13 =	simm.s32 $0x0;
	s14 =	simm.s32 $0x0;
	s15 =	simm.s32 $0x0  }
.LBB2_8:
0x2b: {  	s19 =	simm.s32 $0x0;
	s23 =	simm.s32 $0x1080  }
.LBB2_12:
0x2c: {  	s19 =	sadd.s32 @p1 $0x10, s19  }
0x2d: {  	s17 =	smov.u32 @p1 s19  }
0x2e: {  	v6 =	vor.u32 s17, v2  }
0x2f: {  	vm0 =	vlt.s32 v6, v4  }
0x30: {  	(xrf1) =	vunique.msk.u32 vm0, v5;
	_ =	sdelay $0xd  }
0x31: {  	s17 =	sadd.s32 @p1 $0x10, s23;
	_, v4, vm1 =	vpop (xrf1)  }
0x32: {  	s16 =	smov.u32 @p1 s17;
	vm0 =	vmand vm0, vm1  }
0x33: {  	v4 =	vld [tilespmem:s16+$0x0];
	_ =	sdelay $0x4  }
0x34: {  	[tilespmem:v5+s29+$0x0] =	vst.idx.msk vm0, v4  }
.LBB2_13:
0x35: {  	s15 =	sadd.s32 $0x1, s15  }
0x36: {  	p1 =	sne.s32 s15, $0x10  }
.Ltmp4:
0x37: {  	_ = 	snop;
	(pc) =	sbr.rel @!p1 .LBB2_14-.Ltmp4, $2  }
0x38: {  	_ =	sdelay $0x2  }
0x39: {  	s14 =	sadd.s32 $0x800, s14  }
.LBB2_4:
0x3a: {  	s16 =	sshll.u32 s15, $0x9  }
0x3b: {  	s16 =	sadd.s32 s1, s16  }
0x3c: {  	[tilespmem:s13], [sflag:$0x4] =	stream.strided.gather [hbm4b:s16+s24], $0x800, s25, s24, $0x38;
	[tilespmem:$0x11C80] =	vst v63  }
0x3d: {  	_ =	swait.ge [sflag:s26], $0x800  }
0x3e: {  	[sflag:s26] =	ssyncset.done $0x0  }
0x3f: {  	s23 =	simm.s32 $0x0;
	[sflag:s26] =	ssyncadd.s32 $0xFFFFF800  }
0x40: {  	v4 =	vld [tilespmem:s23+$0x0];
	_ =	sdelay $0x4  }
0x41: {  	v4 =	vsub.s32 v4, v0  }
0x42: {  	vm0 =	vlt.u32 v4, $0xC80  }
0x43: {  	v5 =	vsel vm0, $0x1, v3  }
0x44: {  	(xrf0) =	vadd.scan.msk.s32 $0xffff, v5;
	_ =	sdelay $0x5  }
0x45: {  	v5, _, _ =	vpop (xrf0)  }
0x46: {  	v6 =	vor.u32 s14, v2;
	s20 =	simm.s32 $0x10;
	[tilespmem:s13+$0x800] =	vst.msk vm0, v4;
	(v2sf) =	vpush v5, $0xF  }
0x47: {  	s19 =	simm.s32 $0x80;
	s17 =	simm.s32 $0x0;
	s16 =	smov.u32 s14;
	[tilespmem:s13+$0x1080] =	vst.msk vm0, v6  }
.LBB2_5:
0x48: {  	p1 =	sne.s32 s19, $0x1FC0;
	v4 =	vld [tilespmem:s20+$0x0];
	_ =	sdelay $0x4  }
0x49: {  	v4 =	vsub.s32 v4, v0  }
0x4a: {  	vm0 =	vlt.u32 v4, $0xC80  }
0x4b: {  	v5 =	vsel vm0, $0x1, v3  }
0x4c: {  	(xrf0) =	vadd.scan.msk.s32 $0xffff, v5;
	_ =	sdelay $0x3  }
.Ltmp5:
0x4d: {  	(pc) =	sbr.rel @p1 .LBB2_5-.Ltmp5, $4  }
0x4e: {  	s20 =	spop (v2sf)  }
0x4f: {  	s16 =	sadd.s32 $0x10, s16;
	v5, _, _ =	vpop (xrf0);
	s17 =	sadd.s32 s17, s20  }
0x50: {  	v6 =	vor.u32 s16, v2;
	[tilespmem:s17+$0x800] =	vst.msk vm0, v4;
	(v2sf) =	vpush v5, $0xF  }
0x51: {  	s20 =	sshra.s32 s19, $0x2;
	s19 =	sadd.s32 $0x40, s19;
	[tilespmem:s17+$0x1080] =	vst.msk vm0, v6  }
0x52: {  	v4 =	vld [tilespmem:s20+$0x0];
	_ =	sdelay $0x4  }
0x53: {  	v4 =	vsub.s32 v4, v0  }
0x54: {  	vm0 =	vlt.u32 v4, $0xC80  }
0x55: {  	v5 =	vsel vm0, $0x1, v3  }
0x56: {  	(xrf0) =	vadd.scan.msk.s32 $0xffff, v5;
	_ =	sdelay $0x5  }
0x57: {  	v5, _, _ =	vpop (xrf0)  }
0x58: {  	(v2sf) =	vpush v5, $0xF;
	_ =	sdelay $0xd  }
0x59: {  	s19 =	spop (v2sf)  }
0x5a: {  	s20 =	sadd.s32 s17, s19;
	s21 =	spop (v2sf)  }
0x5b: {  	s17 =	sadd.s32 s20, s21  }
0x5c: {  	s19 =	sadd.s32 $0xF, s17  }
0x5d: {  	s21 =	sand.u32 $0xF, s19  }
0x5e: {  	s23 =	sshra.s32 s19, $0x1F;
	p2 =	slt.s32 s19, $0x1;
	p1 =	sne.s32 s21, $0x0  }
0x5f: {  	s21 =	sshrl.u32 s23, $0x1C;
	p1 =	por !p2, !p1  }
0x60: {  	s19 =	sadd.s32 s21, s19;
	s21 =	simm.s32 $0x1;
	p1 =	por !p1, !p1  }
0x61: {  	s19 =	sshra.s32 s19, $0x4;
	s21 =	simm.s32 @!p1 $0x0  }
0x62: {  	s19 =	ssub.s32 s19, s21  }
0x63: {  	p1 =	slt.s32 s19, $0x1  }
.Ltmp6:
0x64: {  	_ = 	snop;
	(pc) =	sbr.rel @p1 .LBB2_13-.Ltmp6, $4  }
0x65: {  	_ = 	snop  }
0x66: {  	s16 =	sadd.s32 $0x10, s16  }
0x67: {  	v5 =	vor.u32 s16, v2;
	[tilespmem:s20+$0x800] =	vst.msk vm0, v4  }
0x68: {  	[tilespmem:s20+$0x1080] =	vst.msk vm0, v5  }
0x69: {  	p2 =	sne.s32 s19, $0x1  }
.Ltmp7:
0x6a: {  	_ = 	snop;
	(pc) =	sbr.rel @!p2 .LBB2_8-.Ltmp7, $3  }
0x6b: {  	_ =	sdelay $0x1  }
0x6c: {  	s20 =	simm.s32 $0x800;
	s16 =	simm.s32 $0x1080  }
0x6d: {  	v4 =	vmov s17;
	s17 =	simm.s32 $0x0;
	s19 =	sadd.s32 $0xFFFFFFFF, s19;
	p1 =	por $0x0, $0x0;
	v5 =	vld [tilespmem:s20+$0x0]  }
0x6e: {  	_ =	sdelay $0x1  }
0x6f: {  	v6 =	vor.u32 s17, v2  }
0x70: {  	vm0 =	vlt.s32 v6, v4  }
0x71: {  	(xrf1) =	vunique.msk.u32 vm0, v5;
	_ =	sdelay $0xd  }
0x72: {  	_, v6, vm1 =	vpop (xrf1)  }
0x73: {  	vm0 =	vmand vm0, vm1  }
0x74: {  	v6 =	vld [tilespmem:s16+$0x0]  }
0x75: {  	p2 =	sne.s32 s19, $0x1  }
.Ltmp8:
0x76: {  	_ = 	snop;
	(pc) =	sbr.rel @!p2 .LBB2_10-.Ltmp8, $3  }
0x77: {  	_ =	sdelay $0x1  }
0x78: {  	s20 =	simm.s32 $0x810;
	s21 =	sadd.s32 $0xFFFFFFFF, s19;
	[tilespmem:v5+s29+$0x0] =	vst.idx.msk vm0, v6  }
0x79: {  	p1 =	por $0x1, $0x1;
	s19 =	simm.s32 $0x0;
	s23 =	simm.s32 $0x1080;
	v5 =	vld [tilespmem:s20+$0x0]  }
.LBB2_11:
0x7a: {  	p2 =	sne.s32 s21, $0x1  }
0x7b: {  	s19 =	sadd.s32 $0x10, s19  }
0x7c: {  	v6 =	vor.u32 s19, v2  }
0x7d: {  	vm0 =	vlt.s32 v6, v4  }
0x7e: {  	(xrf1) =	vunique.msk.u32 vm0, v5;
	_ =	sdelay $0xd  }
0x7f: {  	_, v6, vm1 =	vpop (xrf1)  }
0x80: {  	s23 =	sadd.s32 $0x10, s23;
	vm0 =	vmand vm0, vm1  }
0x81: {  	v6 =	vld [tilespmem:s23+$0x0];
	_ =	sdelay $0x1  }
.Ltmp9:
0x82: {  	(pc) =	sbr.rel @p2 .LBB2_11-.Ltmp9, $3  }
0x83: {  	_ =	sdelay $0x1  }
0x84: {  	s20 =	sadd.s32 $0x10, s20;
	[tilespmem:v5+s29+$0x0] =	vst.idx.msk vm0, v6  }
0x85: {  	s21 =	sadd.s32 $0xFFFFFFFF, s21;
	v5 =	vld [tilespmem:s20+$0x0]  }
.Ltmp10:
0x86: {  	_ = 	snop;
	(pc) =	sbr.rel .LBB2_12-.Ltmp10, $1  }
0x87: {  	_ =	sdelay $0x3  }
.LBB2_10:
.Ltmp11:
0x88: {  	(pc) =	sbr.rel .LBB2_12-.Ltmp11, $2  }
0x89: {  	_ =	sdelay $0x2  }
0x8a: {  	s19 =	simm.s32 $0x0;
	s23 =	simm.s32 $0x1080  }
.LBB2_14:
0x8b: {  	s13 =	simm.s32 $0x0  }
0x8c: {  	v4 =	vld [tilespmem:s13+$0x1900];
	_ =	sdelay $0x4  }
0x8d: {  	vm0 =	vgt.s32 v4, $0xFFFFFFFF  }
0x8e: {  	v5 =	vsel vm0, $0x1, v3  }
0x8f: {  	(xrf0) =	vadd.scan.msk.s32 $0xffff, v5;
	_ =	sdelay $0x5  }
0x90: {  	v6, _, _ =	vpop (xrf0)  }
0x91: {  	s14 =	simm.s32 $0x0;
	v5 =	vor.u32 s22, v2;
	(v2sf) =	vpush v6, $0xF  }
0x92: {  	[tilespmem:s14+$0x2580] =	vst.msk vm0, v5  }
0x93: {  	s16 =	simm.s32 $0x10;
	s15 =	simm.s32 $0x80;
	s13 =	smov.u32 s22;
	[tilespmem:s14+$0x3280] =	vst.msk vm0, v4  }
.LBB2_15:
0x94: {  	p1 =	sne.s32 s15, $0x31C0;
	v4 =	vld [tilespmem:s16+$0x1900];
	_ =	sdelay $0x4  }
0x95: {  	vm0 =	vgt.s32 v4, $0xFFFFFFFF  }
0x96: {  	v5 =	vsel vm0, $0x1, v3  }
0x97: {  	(xrf0) =	vadd.scan.msk.s32 $0xffff, v5;
	_ =	sdelay $0x4  }
.Ltmp12:
0x98: {  	s13 =	sadd.s32 $0x10, s13;
	s16 =	spop (v2sf);
	(pc) =	sbr.rel @p1 .LBB2_15-.Ltmp12, $4  }
0x99: {  	v5 =	vor.u32 s13, v2;
	v6, _, _ =	vpop (xrf0);
	s14 =	sadd.s32 s14, s16  }
0x9a: {  	[tilespmem:s14+$0x2580] =	vst.msk vm0, v5;
	(v2sf) =	vpush v6, $0xF  }
0x9b: {  	[tilespmem:s14+$0x3280] =	vst.msk vm0, v4  }
0x9c: {  	s16 =	sshra.s32 s15, $0x2;
	s15 =	sadd.s32 $0x40, s15  }
0x9d: {  	v4 =	vld [tilespmem:s16+$0x1900];
	_ =	sdelay $0x4  }
0x9e: {  	vm0 =	vgt.s32 v4, $0xFFFFFFFF  }
0x9f: {  	v5 =	vsel vm0, $0x1, v3  }
0xa0: {  	(xrf0) =	vadd.scan.msk.s32 $0xffff, v5;
	_ =	sdelay $0x5  }
0xa1: {  	v5, _, _ =	vpop (xrf0)  }
0xa2: {  	(v2sf) =	vpush v5, $0xF;
	_ =	sdelay $0xd  }
0xa3: {  	s15 =	spop (v2sf)  }
0xa4: {  	s14 =	sadd.s32 s14, s15;
	s19 =	spop (v2sf)  }
0xa5: {  	s15 =	sadd.s32 s14, s19  }
0xa6: {  	s20 =	sadd.s32 $0x7F, s15  }
0xa7: {  	s17 =	sand.u32 $0x7F, s20  }
0xa8: {  	p2 =	slt.s32 s20, $0x1;
	p1 =	sne.s32 s17, $0x0  }
0xa9: {  	p1 =	por !p2, !p1  }
0xaa: {  	s16 =	simm.s32 $0x1;
	p1 =	por !p1, !p1  }
0xab: {  	s16 =	simm.s32 @!p1 $0x0;
	p1 =	slt.s32 s15, $0x1  }
.Ltmp13:
0xac: {  	s21 =	sshra.s32 s20, $0x1F;
	(pc) =	sbr.rel @p1 .LBB2_25-.Ltmp13, $4  }
0xad: {  	s13 =	sadd.s32 $0x10, s13;
	s17 =	sshrl.u32 s21, $0x19  }
0xae: {  	v5 =	vor.u32 s13, v2;
	s23 =	sadd.s32 s17, s20  }
0xaf: {  	[tilespmem:s14+$0x2580] =	vst.msk vm0, v5;
	s13 =	sshra.s32 s23, $0x7  }
0xb0: {  	[tilespmem:s14+$0x3280] =	vst.msk vm0, v4;
	s13 =	ssub.s32 s13, s16  }
0xb1: {  	s17 =	sshrl.u32 s15, $0x4;
	s14 =	sshll.u32 s13, $0x3  }
0xb2: {  	p1 =	sle.s32 s14, s17  }
.Ltmp14:
0xb3: {  	_ = 	snop;
	(pc) =	sbr.rel @p1 .LBB2_21-.Ltmp14, $1  }
0xb4: {  	_ =	sdelay $0x3  }
0xb5: {  	s16 =	sshll.u32 s17, $0x6  }
0xb6: {  	s19 =	simm.s32 $0x2580;
	s20 =	sshra.s32 s16, $0x2  }
0xb7: {  	v4 =	vld.msk [tilespmem:s19+$0x0], $0xffff;
	s16 =	sadd.s32 $0x2580, s20  }
0xb8: {  	v7 =	vld [tilespmem:s16+$0x0];
	_ =	sdelay $0x1  }
0xb9: {  	s21 =	ssub.s32 s14, s17;
	s17 =	sshll.u32 s17, $0x4  }
0xba: {  	v6 =	vmov s15;
	v8 =	vor.u32 s17, v2  }
0xbb: {  	vm0 =	vlt.s32 v8, v6  }
0xbc: {  	s23 =	simm.s32 $0x3280;
	v7 =	vsel vm0, v7, v4  }
0xbd: {  	v5 =	vld.msk [tilespmem:s23+$0x0], $0xffff;
	s15 =	sadd.s32 $0x3280, s20;
	[tilespmem:s16+$0x0] =	vst v7  }
0xbe: {  	p1 =	seq.s32 s21, $0x1;
	v7 =	vld [tilespmem:s15+$0x0]  }
.Ltmp15:
0xbf: {  	_ = 	snop;
	(pc) =	sbr.rel @p1 .LBB2_20-.Ltmp15, $2  }
0xc0: {  	_ =	sdelay $0x2  }
0xc1: {  	s19 =	sadd.s32 $0xFFFFFFFF, s21;
	v7 =	vsel vm0, v7, v5  }
.LBB2_19:
0xc2: {  	[tilespmem:s15+$0x0] =	vst v7;
	s16 =	sadd.s32 $0x10, s16;
	s15 =	sadd.s32 $0x10, s15;
	s17 =	sadd.s32 $0x10, s17  }
0xc3: {  	p1 =	seq.s32 s19, $0x1;
	s19 =	sadd.s32 $0xFFFFFFFF, s19;
	v7 =	vld [tilespmem:s16+$0x0];
	_ =	sdelay $0x2  }
0xc4: {  	v8 =	vor.u32 s17, v2  }
0xc5: {  	vm0 =	vlt.s32 v8, v6  }
0xc6: {  	v7 =	vsel vm0, v7, v4  }
0xc7: {  	[tilespmem:s16+$0x0] =	vst v7  }
0xc8: {  	v7 =	vld [tilespmem:s15+$0x0]  }
.Ltmp16:
0xc9: {  	(pc) =	sbr.rel @!p1 .LBB2_19-.Ltmp16, $2  }
0xca: {  	_ =	sdelay $0x2  }
0xcb: {  	v7 =	vsel vm0, v7, v5  }
.LBB2_20:
0xcc: {  	[tilespmem:s15+$0x0] =	vst v7  }
.LBB2_21:
0xcd: {  	p1 =	sgt.s32 s13, $0x0  }
.Ltmp17:
0xce: {  	_ = 	snop;
	(pc) =	sbr.rel @!p1 .LBB2_25-.Ltmp17, $2  }
0xcf: {  	_ =	sdelay $0x2  }
0xd0: {  	s15 =	simm.s32 $0x0  }
0xd1: {  	s16 =	sshra.s32 s15, $0x2;
	p1 =	sne.s32 s14, $0x1  }
.Ltmp18:
0xd2: {  	v4 =	vld [tilespmem:s16+$0x2580];
	(pc) =	sbr.rel @!p1 .LBB2_24-.Ltmp18, $4  }
0xd3: {  	_ = 	snop  }
0xd4: {  	s17 =	sand.u32 $0xFFFFFE00, s15  }
0xd5: {  	s19 =	sand.u32 $0x70, s15;
	s17 =	sshra.s32 s17, $0x2  }
0xd6: {  	s14 =	sadd.s32 $0xFFFFFFFF, s14;
	s16 =	sadd.s32 $0x40, s15;
	s17 =	sor.u32 s19, s17  }
.LBB2_23:
0xd7: {  	s19 =	sshra.s32 s16, $0x2;
	p1 =	sne.s32 s14, $0x1;
	s14 =	sadd.s32 $0xFFFFFFFF, s14;
	[tilespmem:s17+$0x3F80] =	vst v4  }
.Ltmp19:
0xd8: {  	v4 =	vld [tilespmem:s19+$0x2580];
	(pc) =	sbr.rel @p1 .LBB2_23-.Ltmp19, $4  }
0xd9: {  	_ = 	snop  }
0xda: {  	s17 =	sand.u32 $0xFFFFFE00, s16;
	s15 =	sadd.s32 $0x10, s15  }
0xdb: {  	s19 =	sand.u32 $0x70, s15;
	s17 =	sshra.s32 s17, $0x2  }
0xdc: {  	s16 =	sadd.s32 $0x40, s16;
	s17 =	sor.u32 s19, s17  }
.LBB2_24:
0xdd: {  	[tilespmem:s17+$0x3F80] =	vst v4  }
.LBB2_25:
0xde: {  	s14 =	rddreg [dreg:$0x10]  }
0xdf: {  	[tilespmem:s4], [sflag:$0x2] =	stream.linear.gather [hbm4b:s14+s7], $0x4000, $0x38;
	[tilespmem:$0x11C80] =	vst v63  }
.Ltmp20:
0xe0: {  	_ =	swait.ge [sflag:s3], $0x4000;
	(pc) =	sbr.rel .LBB2_26-.Ltmp20, $4  }
0xe1: {  	[sflag:s3] =	ssyncset.done $0x0  }
0xe2: {  	s15 =	simm.s32 $0x8F80;
	s23 =	rddreg [dreg:$0x11];
	[sflag:s3] =	ssyncadd.s32 $0xFFFFC000  }
0xe3: {  	[hbm4b:s23+s7] =	stream.linear.scatter [tilespmem:s15], [sflag:$0x3], $0x4000, $0x38;
	[tilespmem:$0x11C80] =	vst v63  }
0xe4: {  	s15 =	simm.s32 $0x1  }
.LBB2_28:
0xe5: {  	p1 =	sne.s32 s14, s18  }
.Ltmp21:
0xe6: {  	_ = 	snop;
	(pc) =	sbr.rel @!p1 .LBB2_29-.Ltmp21, $2  }
0xe7: {  	_ =	sdelay $0x2  }
0xe8: {  	s15 =	smov.u32 s14  }
.LBB2_26:
0xe9: {  	s16 =	sand.u32 $0x1, s15  }
0xea: {  	p1 =	seq.s32 s16, $0x1  }
0xeb: {  	s14 =	sor.u32 @!p1 $0x1, s15  }
0xec: {  	p2 =	sge.u32 @!p1 s14, s10  }
0xed: {  	s17 =	simm.s32 @!p1 $0x3;
	p2 =	por p2, p1  }
0xee: {  	_ =	swait.ge @!p1 [sflag:s17], $0x4000;
	s19 =	sshll.u32 @!p2 s14, $0xE  }
0xef: {  	[sflag:s17] =	ssyncset.done @!p1 $0x0;
	s19 =	sadd.s32 @!p2 s9, s19  }
0xf0: {  	[sflag:s17] =	ssyncadd.s32 @!p1 $0xFFFFC000;
	s17 =	sshrl.u32 @!p2 s19, $0x3  }
0xf1: {  	s20 =	simm.s32 @!p2 $0xCF80;
	s19 =	simm.s32 @!p2 $0x0;
	s17 =	sadd.s32 @!p2 s0, s17  }
0xf2: {  	[tilespmem:s20], [sflag:$0x2] =	stream.linear.gather @!p2 [hbm4b:s17+s19], $0x4000, $0x38;
	[tilespmem:$0x11C80] =	vst v63  }
0xf3: {  	s17 =	simm.s32 @!p1 $0x2  }
0xf4: {  	s19 =	sshll.u32 @!p1 s15, $0xE;
	_ =	swait.ge @!p1 [sflag:s17], $0x4000  }
0xf5: {  	s19 =	sadd.s32 @!p1 s9, s19;
	[sflag:s17] =	ssyncset.done @!p1 $0x0  }
0xf6: {  	s20 =	simm.s32 @!p1 $0x8F80;
	[sflag:s17] =	ssyncadd.s32 @!p1 $0xFFFFC000;
	s17 =	sshrl.u32 @!p1 s19, $0x3  }
0xf7: {  	p2 =	seq.s32 @!p1 s16, $0x0;
	s19 =	simm.s32 @!p1 $0x0;
	s17 =	sadd.s32 @!p1 s5, s17  }
0xf8: {  	[hbm4b:s17+s19] =	stream.linear.scatter @!p1 [tilespmem:s20], [sflag:$0x3], $0x4000, $0x38;
	[tilespmem:$0x11C80] =	vst v63  }
0xf9: {  	p1 =	por p1, !p2  }
.Ltmp22:
0xfa: {  	_ = 	snop;
	(pc) =	sbr.rel @!p1 .LBB2_28-.Ltmp22, $1  }
0xfb: {  	_ =	sdelay $0x3  }
0xfc: {  	s14 =	sadd.s32 $0x1, s15  }
0xfd: {  	p1 =	sge.u32 s14, s10  }
0xfe: {  	_ =	swait.ge [sflag:s30], $0x4000;
	s16 =	sshll.u32 @!p1 s14, $0xE  }
0xff: {  	[sflag:s30] =	ssyncset.done $0x0;
	s16 =	sadd.s32 @!p1 s9, s16  }
0x100: {  	[sflag:s30] =	ssyncadd.s32 $0xFFFFC000;
	s16 =	sshrl.u32 @!p1 s16, $0x3  }
0x101: {  	s17 =	simm.s32 @!p1 $0x0;
	s19 =	simm.s32 @!p1 $0x8F80;
	s16 =	sadd.s32 @!p1 s0, s16  }
0x102: {  	[tilespmem:s19], [sflag:$0x2] =	stream.linear.gather @!p1 [hbm4b:s16+s17], $0x4000, $0x38;
	[tilespmem:$0x11C80] =	vst v63  }
.Ltmp23:
0x103: {  	s23 =	sshll.u32 s15, $0xE;
	(pc) =	sbr.rel .LBB2_28-.Ltmp23, $4  }
0x104: {  	s15 =	sadd.s32 s9, s23;
	_ =	swait.ge [sflag:s3], $0x4000  }
0x105: {  	s15 =	sshrl.u32 s15, $0x3;
	[sflag:s3] =	ssyncset.done $0x0  }
0x106: {  	s15 =	sadd.s32 s5, s15;
	[sflag:s3] =	ssyncadd.s32 $0xFFFFC000  }
0x107: {  	[hbm4b:s15+s7] =	stream.linear.scatter [tilespmem:s4], [sflag:$0x3], $0x4000, $0x38;
	[tilespmem:$0x11C80] =	vst v63  }
.LBB2_29:
0x108: {  	_ =	swait.ge [sflag:s30], $0x4000  }
0x109: {  	s14 =	simm.s32 @p0 $0x0;
	[sflag:s30] =	ssyncset.done $0x0  }
0x10a: {  	s15 =	simm.s32 @p0 $0x8F80;
	s16 =	rddreg [dreg:$0xb];
	[sflag:s30] =	ssyncadd.s32 $0xFFFFC000  }
0x10b: {  	[tilespmem:s15], [sflag:$0x4] =	stream.linear.gather @p0 [hbm4b:s16+s14], $0x1000, $0x38;
	[tilespmem:$0x11C80] =	vst v63  }
0x10c: {  	s16 =	simm.s32 @p0 $0x4  }
0x10d: {  	_ =	swait.ge @p0 [sflag:s16], $0x1000  }
0x10e: {  	[sflag:s16] =	ssyncset.done @p0 $0x0  }
0x10f: {  	s17 =	rddreg [dreg:$0xc];
	[sflag:s16] =	ssyncadd.s32 @p0 $0xFFFFF000  }
0x110: {  	[hbm4b:s17+s14] =	stream.linear.scatter @p0 [tilespmem:s15], [sflag:$0x4], $0x1000, $0x38;
	[tilespmem:$0x11C80] =	vst v63  }
0x111: {  	_ =	swait.ge @p0 [sflag:s16], $0x1000  }
0x112: {  	[sflag:s16] =	ssyncset.done @p0 $0x0  }
0x113: {  	s15 =	simm.s32 @p0 $0x10F80;
	s17 =	rddreg [dreg:$0xd];
	[sflag:s16] =	ssyncadd.s32 @p0 $0xFFFFF000  }
0x114: {  	[tilespmem:s15], [sflag:$0x4] =	stream.linear.gather @p0 [hbm4b:s17+s14], $0x320, $0x38;
	[tilespmem:$0x11C80] =	vst v63  }
0x115: {  	_ =	swait.ge @p0 [sflag:s16], $0x320  }
0x116: {  	[sflag:s16] =	ssyncset.done @p0 $0x0  }
0x117: {  	s17 =	rddreg [dreg:$0xe];
	[sflag:s16] =	ssyncadd.s32 @p0 $0xFFFFFCE0  }
0x118: {  	[hbm4b:s17+s14] =	stream.linear.scatter @p0 [tilespmem:s15], [sflag:$0x4], $0x320, $0x38;
	[tilespmem:$0x11C80] =	vst v63  }
0x119: {  	_ =	swait.ge @p0 [sflag:s16], $0x320  }
0x11a: {  	s14 =	simm.s32 @!p0 $0x0;
	[sflag:s16] =	ssyncset.done @p0 $0x0  }
0x11b: {  	s15 =	simm.s32 @!p0 $0x10F80;
	[sflag:s16] =	ssyncadd.s32 @p0 $0xFFFFFCE0;
	s16 =	rddreg [dreg:$0x9]  }
0x11c: {  	[tilespmem:s15], [sflag:$0x4] =	stream.linear.gather @!p0 [hbm4b:s16+s14], $0xC80, $0x38;
	[tilespmem:$0x11C80] =	vst v63  }
0x11d: {  	s16 =	simm.s32 @!p0 $0x4  }
0x11e: {  	_ =	swait.ge @!p0 [sflag:s16], $0xC80  }
0x11f: {  	p1 =	slt.s32 s13, $0x1;
	[sflag:s16] =	ssyncset.done @!p0 $0x0  }
.Ltmp24:
0x120: {  	s17 =	rddreg [dreg:$0xa];
	[sflag:s16] =	ssyncadd.s32 @!p0 $0xFFFFF380;
	(pc) =	sbr.rel @p1 .LBB2_33-.Ltmp24, $4  }
0x121: {  	[hbm4b:s17+s14] =	stream.linear.scatter @!p0 [tilespmem:s15], [sflag:$0x4], $0xC80, $0x38;
	[tilespmem:$0x11C80] =	vst v63  }
0x122: {  	_ =	swait.ge @!p0 [sflag:s16], $0xC80  }
0x123: {  	[sflag:s16] =	ssyncset.done @!p0 $0x0  }
0x124: {  	[sflag:s16] =	ssyncadd.s32 @!p0 $0xFFFFF380  }
0x125: {  	s14 =	simm.s32 $0x3280  }
0x126: {  	[tilespmem:s31], [sflag:$0x1] =	stream.indirect.gather [hbm4b:s8+s24], $0x80, s14, s24, $0xb8;
	[tilespmem:$0x11C80] =	vst v63  }
0x127: {  	_ =	swait.ge [sflag:s28], $0x4000  }
0x128: {  	[sflag:s28] =	ssyncset.done $0x0  }
0x129: {  	s15 =	simm.s32 $0x3F80;
	[sflag:s28] =	ssyncadd.s32 $0xFFFFC000  }
0x12a: {  	[hbm4b:s5+s24] =	stream.indirect.scatter [tilespmem:s31], [sflag:$0x4], $0x80, s15, s24, $0xb8;
	[tilespmem:$0x11C80] =	vst v63  }
0x12b: {  	_ =	swait.ge [sflag:s26], $0x4000  }
0x12c: {  	[sflag:s26] =	ssyncset.done $0x0  }
0x12d: {  	[sflag:s26] =	ssyncadd.s32 $0xFFFFC000  }
0x12e: {  	[tilespmem:s11], [sflag:$0x1] =	stream.indirect.gather [hbm4b:s2+s24], $0x1, s14, s24, $0xb8;
	[tilespmem:$0x11C80] =	vst v63  }
0x12f: {  	p1 =	sne.s32 s13, $0x1;
	_ =	swait.ge [sflag:s28], $0x80  }
.Ltmp25:
0x130: {  	[sflag:s28] =	ssyncset.done $0x0;
	(pc) =	sbr.rel @!p1 .LBB2_32-.Ltmp25, $4  }
0x131: {  	[sflag:s28] =	ssyncadd.s32 $0xFFFFFF80  }
0x132: {  	[hbm4b:s6+s24] =	stream.indirect.scatter [tilespmem:s11], [sflag:$0x4], $0x1, s15, s24, $0xb8;
	[tilespmem:$0x11C80] =	vst v63  }
0x133: {  	_ =	swait.ge [sflag:s26], $0x80  }
0x134: {  	s13 =	sadd.s32 $0xFFFFFFFF, s13;
	[sflag:s26] =	ssyncset.done $0x0  }
.LBB2_31:
0x135: {  	[sflag:s26] =	ssyncadd.s32 $0xFFFFFF80;
	s15 =	sadd.s32 $0x80, s15;
	s14 =	sadd.s32 $0x80, s14  }
0x136: {  	[tilespmem:s31], [sflag:$0x1] =	stream.indirect.gather [hbm4b:s8+s24], $0x80, s14, s24, $0xb8;
	[tilespmem:$0x11C80] =	vst v63  }
0x137: {  	p1 =	sne.s32 s13, $0x1;
	s13 =	sadd.s32 $0xFFFFFFFF, s13;
	_ =	swait.ge [sflag:s28], $0x4000  }
0x138: {  	[sflag:s28] =	ssyncset.done $0x0  }
0x139: {  	[sflag:s28] =	ssyncadd.s32 $0xFFFFC000  }
0x13a: {  	[hbm4b:s5+s24] =	stream.indirect.scatter [tilespmem:s31], [sflag:$0x4], $0x80, s15, s24, $0xb8;
	[tilespmem:$0x11C80] =	vst v63  }
0x13b: {  	_ =	swait.ge [sflag:s26], $0x4000  }
0x13c: {  	[sflag:s26] =	ssyncset.done $0x0  }
0x13d: {  	[sflag:s26] =	ssyncadd.s32 $0xFFFFC000  }
0x13e: {  	[tilespmem:s11], [sflag:$0x1] =	stream.indirect.gather [hbm4b:s2+s24], $0x1, s14, s24, $0xb8;
	[tilespmem:$0x11C80] =	vst v63  }
0x13f: {  	_ =	swait.ge [sflag:s28], $0x80  }
.Ltmp26:
0x140: {  	[sflag:s28] =	ssyncset.done $0x0;
	(pc) =	sbr.rel @p1 .LBB2_31-.Ltmp26, $4  }
0x141: {  	[sflag:s28] =	ssyncadd.s32 $0xFFFFFF80  }
0x142: {  	[hbm4b:s6+s24] =	stream.indirect.scatter [tilespmem:s11], [sflag:$0x4], $0x1, s15, s24, $0xb8;
	[tilespmem:$0x11C80] =	vst v63  }
0x143: {  	_ =	swait.ge [sflag:s26], $0x80  }
0x144: {  	[sflag:s26] =	ssyncset.done $0x0  }
.Ltmp27:
0x145: {  	_ = 	snop;
	(pc) =	sbr.rel .LBB2_32-.Ltmp27, $1  }
0x146: {  	_ =	sdelay $0x3  }
.LBB2_34:
0x147: {  	_ =	sfence.sel $0x180000  }
0x148: {  	[bflag:$0x0] =	sbarrier.arrive $0xFFFF  }
0x149: {  	_ =	strace $0x9000004D  }
0x14a: {  	s0 =	stileid.u32;
	[bflag:$0x2] =	sbarrier.arrive $0xFFFF  }
0x14b: {  	p0 =	sne.s32 s0, $0x0;
	s0 =	rddreg [dreg:$0x7]  }
0x14c: {  	s0 =	sadd.s32 @!p0 $0x100000, s0  }
0x14d: {  	[sflag:s0] =	ssyncadd.tile.s32 @!p0 $0x1;
	_ =	shalt  }
.Lfunc_end2:
_tile_overlayer_lowered:
.L_overlay_start_2:
0x14e: {  	(tag) =	ssettag $0x2  }
0x14f: {  	s0 =	rddreg [dreg:$0x0];
	s2 =	stileid.u32  }
0x150: {  	s1 =	rddreg [dreg:$0x1];
	p0 =	sne.s32 s2, $0x0  }
0x151: {  	s3 =	rddreg [dreg:$0x2];
	[bflag:$0x3] =	sbarrier.arrive $0xFFFF;
	s2 =	simm.s32 @!p0 $0x1C04  }
0x152: {  	[timem:s3], [sflag:s2] =	dma.local @!p0 [hbm:s0], s1  }
0x153: {  	s0 =	simm.s32 @!p0 $0x4  }
0x154: {  	_ =	swait.ge @!p0 [sflag:s0], s1  }
0x155: {  	s1 =	ssub.s32 @!p0 $0x0, s1;
	[sflag:s0] =	ssyncset.done @!p0 $0x0  }
0x156: {  	[sflag:s0] =	ssyncadd.s32 @!p0 s1  }
0x157: {  	[bflag:$0x3] =	sbarrier.arrive $0xFFFF  }
0x158: {  	_ =	shalt  }

// kernel: kernel.7.cloned.1.call-start
scs
__scs_entry_jumppad:
0x0: {  	(pc) =	sbr.rel $0x88, $3  }
0x1: {  	(tag) =	ssettag $0x0;
	lr =	simm.s32 $0x1  }
0x2: {  	[smem:$0x3F97] =	sst lr;
	_ =	strace $0xD0000000  }
0x3: {  	_ = 	snop  }
0x4: {  	_ = 	snop  }
0x5: {  	_ = 	snop  }
0x6: {  	_ = 	snop  }
0x7: {  	_ = 	snop  }
__scs_overlays_trampoline_lowered:
0x8: {  	[smem:$0x3FA6] =	sst s0  }
0x9: {  	[smem:$0x3FA7] =	sst s1  }
0xa: {  	[smem:$0x3FA8] =	sst s2  }
0xb: {  	[smem:$0x3FA9] =	sst s3  }
0xc: {  	[smem:$0x3FAA] =	sst s4  }
0xd: {  	[smem:$0x3FAB] =	sst s5  }
0xe: {  	[smem:$0x3FAC] =	sst s6  }
0xf: {  	[smem:$0x3FAD] =	sst s7  }
0x10: {  	[smem:$0x3FAE] =	sst s8  }
0x11: {  	[smem:$0x3FAF] =	sst s9;
	s0 =	simm.s32 @!p0 $0x0  }
0x12: {  	s1 =	sld [smem:$0x3F95];
	s0 =	simm.s32 @p0 $0x1  }
0x13: {  	[smem:$0x3FB0] =	sst s0;
	s0 =	simm.s32 @!p1 $0x0  }
0x14: {  	s2 =	sld [smem:$0x3F94];
	s0 =	simm.s32 @p1 $0x1  }
0x15: {  	[smem:$0x3FB1] =	sst s0;
	s0 =	simm.s32 @!p2 $0x0  }
0x16: {  	s3 =	sld [smem:$0x3FDB];
	s0 =	simm.s32 @p2 $0x1  }
0x17: {  	s4 =	simm.s32 $0x1BF5;
	[smem:$0x3FB3] =	sst s0  }
0x18: {  	s0 =	sld [smem:$0x3F96];
	_ =	swait.ge [sflag:s4], $0x0  }
0x19: {  	s7 =	sld [smem:$0x3F97]  }
0x1a: {  	s8 =	sadd.s32 $0xFFFFE003, lr  }
0x1b: {  	s9 =	sadd.s32 $0xFFFFFEF7, lr;
	s5 =	simm.s32 $0xFFFFFFFF;
	p2 =	slt.u32 s8, $0xFFFFF086  }
0x1c: {  	p1 =	slt.u32 s9, $0xF7A;
	s5 =	simm.s32 @!p2 $0x0  }
0x1d: {  	s5 =	simm.s32 @p1 $0x1;
	p0 =	seq.s32 s7, s2  }
0x1e: {  	s7 =	smul.u32 @!p0 $0xF7A, s2;
	p2 =	seq.s32 @!p0 s5, $0x0  }
0x1f: {  	s9 =	smul.u32 $0xF7A, s1;
	s8 =	simm.s32 @!p0 $0x1BF5;
	p2 =	por !p2, p0  }
0x20: {  	[sflag:s8] =	ssyncset.s32 @!p0 $0xFFFFF086;
	s6 =	sadd.s32 @!p0 s3, s7;
	s7 =	simm.s32 @!p0 $0x108  }
0x21: {  	s3 =	sadd.s32 s3, s9;
	s6 =	sadd.s32 @!p0 $0x88, s6;
	s7 =	simm.s32 @p2 $0x1082  }
0x22: {  	[simem:s7], [sflag:s8] =	dma.local @!p0 [hbm:s6], $0xF7A  }
0x23: {  	s9 =	sor.u32 $0xD0000000, s2;
	s6 =	simm.s32 $0x108;
	_ =	swait.ge @!p0 [sflag:s8], $0x0  }
0x24: {  	s3 =	sadd.s32 $0x88, s3;
	s6 =	simm.s32 @!p1 $0x1082;
	[sflag:s4] =	ssyncset.s32 $0xFFFFF086  }
0x25: {  	[simem:s6], [sflag:s4] =	dma.local [hbm:s3], $0xF7A  }
0x26: {  	[smem:$0x3F97] =	sst s1;
	(tag) =	ssettag s2;
	_ =	strace s9  }
0x27: {  	s1 =	sld [smem:$0x3FA7]  }
0x28: {  	s2 =	sld [smem:$0x3FA8]  }
0x29: {  	s4 =	sld [smem:$0x3FAA]  }
0x2a: {  	p0 =	seq.s32 s5, $0x0;
	s5 =	sld [smem:$0x3FAB]  }
0x2b: {  	s6 =	sld [smem:$0x3FAC]  }
0x2c: {  	s7 =	sld [smem:$0x3FAD]  }
0x2d: {  	s3 =	simm.s32 $0x108;
	s8 =	sld [smem:$0x3FAE]  }
0x2e: {  	s3 =	simm.s32 @!p0 $0x1082;
	s9 =	sld [smem:$0x3FAF]  }
0x2f: {  	lr =	sadd.s32 s0, s3;
	s0 =	sld [smem:$0x3FA6]  }
0x30: {  	s3 =	sld [smem:$0x3FA9]  }
0x31: {  	[smem:$0x3FB2] =	sst s10  }
0x32: {  	s10 =	sld [smem:$0x3FB0];
	_ =	sdelay $0x3  }
0x33: {  	p0 =	seq.s32 s10, $0x1;
	s10 =	sld [smem:$0x3FB2];
	_ =	sdelay $0x3  }
0x34: {  	[smem:$0x3FB2] =	sst s10  }
0x35: {  	s10 =	sld [smem:$0x3FB1];
	_ =	sdelay $0x3  }
0x36: {  	p1 =	seq.s32 s10, $0x1;
	s10 =	sld [smem:$0x3FB2];
	_ =	sdelay $0x3  }
0x37: {  	[smem:$0x3FB2] =	sst s10  }
0x38: {  	s10 =	sld [smem:$0x3FB3]  }
0x39: {  	_ = 	snop;
	(pc) =	sbr.ind lr, $3  }
0x3a: {  	_ = 	snop  }
0x3b: {  	_ = 	snop  }
0x3c: {  	p2 =	seq.s32 s10, $0x1;
	s10 =	sld [smem:$0x3FB2]  }
0x3d: {  	_ =	shalt  }
0x3e: {  	_ =	shalt  }
0x3f: {  	_ =	shalt  }
0x40: {  	_ =	shalt  }
0x41: {  	_ =	shalt  }
0x42: {  	_ =	shalt  }
0x43: {  	_ =	shalt  }
0x44: {  	_ =	shalt  }
0x45: {  	_ =	shalt  }
0x46: {  	_ =	shalt  }
0x47: {  	_ =	shalt  }
0x48: {  	_ =	shalt  }
0x49: {  	_ =	shalt  }
0x4a: {  	_ =	shalt  }
0x4b: {  	_ =	shalt  }
0x4c: {  	_ =	shalt  }
0x4d: {  	_ =	shalt  }
0x4e: {  	_ =	shalt  }
0x4f: {  	_ =	shalt  }
0x50: {  	_ =	shalt  }
0x51: {  	_ =	shalt  }
0x52: {  	_ =	shalt  }
0x53: {  	_ =	shalt  }
0x54: {  	_ =	shalt  }
0x55: {  	_ =	shalt  }
0x56: {  	_ =	shalt  }
0x57: {  	_ =	shalt  }
0x58: {  	_ =	shalt  }
0x59: {  	_ =	shalt  }
0x5a: {  	_ =	shalt  }
0x5b: {  	_ =	shalt  }
0x5c: {  	_ =	shalt  }
0x5d: {  	_ =	shalt  }
0x5e: {  	_ =	shalt  }
0x5f: {  	_ =	shalt  }
0x60: {  	_ =	shalt  }
0x61: {  	_ =	shalt  }
0x62: {  	_ =	shalt  }
0x63: {  	_ =	shalt  }
0x64: {  	_ =	shalt  }
0x65: {  	_ =	shalt  }
0x66: {  	_ =	shalt  }
0x67: {  	_ =	shalt  }
0x68: {  	_ =	shalt  }
0x69: {  	_ =	shalt  }
0x6a: {  	_ =	shalt  }
0x6b: {  	_ =	shalt  }
0x6c: {  	_ =	shalt  }
0x6d: {  	_ =	shalt  }
0x6e: {  	_ =	shalt  }
0x6f: {  	_ =	shalt  }
0x70: {  	_ =	shalt  }
0x71: {  	_ =	shalt  }
0x72: {  	_ =	shalt  }
0x73: {  	_ =	shalt  }
0x74: {  	_ =	shalt  }
0x75: {  	_ =	shalt  }
0x76: {  	_ =	shalt  }
0x77: {  	_ =	shalt  }
0x78: {  	_ =	shalt  }
0x79: {  	_ =	shalt  }
0x7a: {  	_ =	shalt  }
0x7b: {  	_ =	shalt  }
0x7c: {  	_ =	shalt  }
0x7d: {  	_ =	shalt  }
0x7e: {  	_ =	shalt  }
0x7f: {  	_ =	shalt  }
0x80: {  	_ =	shalt  }
0x81: {  	_ =	shalt  }
0x82: {  	_ =	shalt  }
0x83: {  	_ =	shalt  }
0x84: {  	_ =	shalt  }
0x85: {  	_ =	shalt  }
0x86: {  	_ =	shalt  }
0x87: {  	_ =	shalt  }
.Lfunc_end0:
.L_simem_size_0:
called_computation_lowered:
.L_overlay_start_0:
0x88: {  	s2 =	sld [smem:$0x3FD9]  }
0x89: {  	s3 =	sld [smem:$0x3FFE];
	_ =	sdelay $0x1  }
0x8a: {  	s1 =	srdreg.scid  }
0x8b: {  	s0 =	sand.u32 $0x1, s1  }
0x8c: {  	s14 =	sshll.u32 s0, $0xA;
	s2 =	sadd.s32 s3, s2  }
0x8d: {  	s2 =	sadd.s32 s2, s14  }
0x8e: {  	[smem:$0x3FBE] =	sst s2  }
0x8f: {  	_ = 	snop  }
0x90: {  	s2 =	sld [smem:$0x3FD0]  }
0x91: {  	s15 =	sld [smem:$0x3FC9]  }
0x92: {  	s4 =	sld [smem:$0x3FC6]  }
0x93: {  	s6 =	simm.s32 $0xB;
	s7 =	simm.s32 $0x10;
	s5 =	sld [smem:$0x3FC5]  }
0x94: {  	[smem:s7], [sflag:s6] =	dma.local [hbm:s2], $0x1  }
0x95: {  	_ =	swait.eq [sflag:s6], $0x1  }
0x96: {  	[sflag:s6] =	ssyncset.done $0x0  }
0x97: {  	[sflag:s6] =	ssyncadd.s32 $0xFFFFFFFF  }
0x98: {  	s16 =	sld [smem:$0x13];
	(tm) =	ssettm $0x1  }
0x99: {  	s17 =	sld [smem:$0x3FFB];
	_ =	sdelay $0x3  }
0x9a: {  	_ =	strace s17  }
0x9b: {  	s6 =	sld [smem:$0x3FFC];
	_ =	sdelay $0x3  }
0x9c: {  	_ =	strace s6  }
0x9d: {  	s6 =	sld [smem:$0x3FFD];
	_ =	sdelay $0x3  }
0x9e: {  	_ =	strace s6  }
0x9f: {  	_ =	strace $0x8FFFFFFF  }
0xa0: {  	s18 =	sld [smem:$0x3FDB];
	_ =	sdelay $0x1  }
0xa1: {  	s19 =	simm.s32 $_scs_section_size  }
0xa2: {  	s8 =	simm.s32 $_size__tile_overlayer_lowered;
	s9 =	simm.s32 $_tile_overlayer_lowered  }
0xa3: {  	s22 =	simm.s32 $0x1BFF;
	s21 =	sshll.u32 s9, $0x1;
	s6 =	sadd.s32 s19, s18  }
0xa4: {  	s10 =	simm.s32 $0x0;
	s20 =	sshll.u32 s8, $0x1;
	s8 =	sadd.s32 s21, s6  }
0xa5: {  	[timem:s10], [sflag:s22] =	dma.local [hbm:s8], s20  }
0xa6: {  	_ =	swait.ge [sflag:s22], s20  }
0xa7: {  	s7 =	ssub.s32 $0x0, s20;
	[sflag:s22] =	ssyncset.done $0x0  }
0xa8: {  	[sflag:s22] =	ssyncadd.s32 s7;
	_ =	sdelay $0x1  }
0xa9: {  	s23 =	simm.s32 $0x1B8B  }
0xaa: {  	_ =	swait.ge [sflag:s23], $0x1  }
0xab: {  	[sflag:s23] =	ssyncset.done $0x0  }
0xac: {  	s25 =	simm.s32 $0x1B8E;
	s24 =	sld [smem:$0x3FFE];
	[sflag:s23] =	ssyncadd.s32 $0xFFFFFFFF  }
0xad: {  	s26 =	simm.s32 $execute0_lowered;
	[smem:$0x3FD2] =	sst s25  }
0xae: {  	s8 =	sshll.u32 s26, $0x1;
	_ =	strace $0x80000046;
	[dreg:$0x1] =	wrdreg $0xFFFFFFFF  }
0xaf: {  	s28 =	simm.s32 $_size_execute0_lowered;
	s6 =	sadd.s32 s6, s8;
	[dreg:$0x0] =	wrdreg $0x0  }
0xb0: {  	s8 =	sshll.u32 s28, $0x1;
	[dreg:$0x2] =	wrdreg s6  }
0xb1: {  	[dreg:$0x3] =	wrdreg s8  }
0xb2: {  	[dreg:$0x4] =	wrdreg $0xC0  }
0xb3: {  	_ =	task [dreg:s10], $0x5FFFF  }
0xb4: {  	[dreg:$0x1] =	wrdreg $0xFFFFFFFF  }
0xb5: {  	[dreg:$0x0] =	wrdreg $0x60  }
0xb6: {  	[dreg:$0x2] =	wrdreg s4  }
0xb7: {  	[dreg:$0x3] =	wrdreg s15  }
0xb8: {  	[dreg:$0x4] =	wrdreg s5  }
0xb9: {  	[dreg:$0x5] =	wrdreg s24  }
0xba: {  	[dreg:$0x6] =	wrdreg s16  }
0xbb: {  	[dreg:$0x7] =	wrdreg $0x9  }
0xbc: {  	_ =	task.clear_ibuf [dreg:s10], $0x8FFFF;
	_ =	strace $0x90000046  }
0xbd: {  	s29 =	simm.s32 $0x9;
	_ =	strace $0x80000048  }
0xbe: {  	_ =	swait.ge [sflag:s29], $0x1  }
0xbf: {  	[sflag:s29] =	ssyncadd.s32 $0xFFFFFFFF  }
0xc0: {  	_ =	strace $0x90000048  }
0xc1: {  	_ =	sfence  }
0xc2: {  	s30 =	sld [smem:$0x0];
	_ =	sdelay $0x2  }
0xc3: {  	s31 =	sshll.u32 s1, $0xD;
	s1 =	sshrl.u32 s1, $0x2  }
0xc4: {  	s3 =	sand.u32 $0x4000, s31;
	s1 =	sadd.s32 s1, s30  }
0xc5: {  	s0 =	sor.u32 s3, s0;
	s1 =	sshll.u32 s1, $0x11  }
0xc6: {  	s0 =	sor.u32 s1, s0  }
0xc7: {  	s0 =	sadd.s32 $0x8F2B, s0  }
0xc8: {  	[sflag:s0] =	ssyncadd.remote.s32 $0x1  }
0xc9: {  	_ =	sfence.sel $0xFFFF  }
0xca: {  	[dreg:$0x0] =	wrdreg $0xFFFFFFFF;
	(pc) =	sbr.abs _section_cstart, $3  }
0xcb: {  	[dreg:$0x1] =	wrdreg $0xFFFFFFFF  }
0xcc: {  	_ =	task.clear_ibuf [dreg:s10], $0x2FFFF;
	_ =	strace $0x9FFFFFFF  }
0xcd: {  	(tm) =	ssettm $0x7FFFFFFF  }
tec
execute0_lowered:
.L_overlay_start_1:
0x0: {  	(tag) =	ssettag $0x1  }
0x1: {  	s1 =	rddreg [dreg:$0x0]  }
0x2: {  	s5 =	rddreg [dreg:$0x1]  }
0x3: {  	s2 =	rddreg [dreg:$0x2]  }
0x4: {  	s3 =	srdreg.scid;
	s17 =	rddreg [dreg:$0x3]  }
0x5: {  	s0 =	stileid.u32;
	s12 =	rddreg [dreg:$0x4];
	s18 =	sand.u32 $0x1, s3  }
0x6: {  	s4 =	simm.s32 $0x0;
	s6 =	sshll.u32 s0, $0xB;
	s7 =	sshll.u32 s18, $0xA  }
0x7: {  	s8 =	simm.s32 $0x100;
	[smem:$0x7FF] =	sst s4;
	s14 =	sor.u32 s7, s6  }
0x8: {  	s3 =	rddreg [dreg:$0x5];
	_ =	strace $0x80000047;
	s6 =	sshrl.u32 s14, $0x2  }
0x9: {  	s7 =	simm.s32 $0x2;
	s5 =	sadd.s32 s5, s6;
	s6 =	simm.s32 $0x80  }
0xa: {  	[tilespmem:s4], [sflag:$0x2] =	stream.strided.gather [hbm4b:s5+s6], $0x400, s8, s6, $0x38;
	[tilespmem:$0x10800] =	vst v63  }
0xb: {  	_ =	swait.ge [sflag:s7], $0x400  }
0xc: {  	s9 =	simm.s32 $0x400;
	[sflag:s7] =	ssyncset.done $0x0  }
0xd: {  	s10 =	simm.s32 $0x10400;
	s11 =	simm.s32 $0x1;
	[sflag:s7] =	ssyncadd.s32 $0xFFFFFC00  }
0xe: {  	[tilespmem:s10], [sflag:$0x1] =	stream.indirect.gather [hbm4b:s2+s9], $0x1, s4, s9, $0xb8;
	[tilespmem:$0x10800] =	vst v63  }
0xf: {  	_ =	swait.ge [sflag:s11], $0x400  }
0x10: {  	s13 =	sshrl.u32 s14, $0x3;
	[sflag:s11] =	ssyncset.done $0x0  }
0x11: {  	s12 =	sadd.s32 s12, s13;
	[sflag:s11] =	ssyncadd.s32 $0xFFFFFC00  }
0x12: {  	[hbm4b:s12+s4] =	stream.linear.scatter [tilespmem:s10], [sflag:$0x2], $0x400, $0x38;
	[tilespmem:$0x10800] =	vst v63  }
0x13: {  	_ =	swait.ge [sflag:s7], $0x400  }
0x14: {  	[sflag:s7] =	ssyncset.done $0x0  }
0x15: {  	s13 =	simm.s32 $0x200;
	[sflag:s7] =	ssyncadd.s32 $0xFFFFFC00  }
0x16: {  	[tilespmem:s9], [sflag:$0x1] =	stream.indirect.gather [hbm4b:s1+s13], $0x80, s4, s13, $0xb8;
	[tilespmem:$0x10800] =	vst v63  }
0x17: {  	_ =	swait.ge [sflag:s11], $0x10000  }
0x18: {  	s15 =	sadd.s32 $0x3C00, s17;
	s19 =	sshll.u32 s14, $0x4;
	[sflag:s11] =	ssyncset.done $0x0  }
0x19: {  	s14 =	sadd.s32 s15, s19;
	[sflag:s11] =	ssyncadd.s32 $0xFFFF0000  }
0x1a: {  	[hbm4b:s14+s4] =	stream.linear.scatter [tilespmem:s9], [sflag:$0x2], $0x10000, $0x38;
	[tilespmem:$0x10800] =	vst v63  }
0x1b: {  	_ =	swait.ge [sflag:s7], $0x10000  }
0x1c: {  	[sflag:s7] =	ssyncset.done $0x0  }
0x1d: {  	[sflag:s7] =	ssyncadd.s32 $0xFFFF0000  }
0x1e: {  	[tilespmem:s9], [sflag:$0x1] =	stream.indirect.gather [hbm4b:s1+s13], $0x80, s13, s13, $0xb8;
	[tilespmem:$0x10800] =	vst v63  }
0x1f: {  	_ =	swait.ge [sflag:s11], $0x10000  }
0x20: {  	s20 =	sor.u32 $0x2000, s19;
	[sflag:s11] =	ssyncset.done $0x0  }
0x21: {  	s15 =	sadd.s32 s15, s20;
	[sflag:s11] =	ssyncadd.s32 $0xFFFF0000  }
0x22: {  	[hbm4b:s15+s4] =	stream.linear.scatter [tilespmem:s9], [sflag:$0x2], $0x10000, $0x38;
	[tilespmem:$0x10800] =	vst v63  }
0x23: {  	_ =	swait.ge [sflag:s7], $0x10000  }
0x24: {  	[sflag:s7] =	ssyncset.done $0x0  }
0x25: {  	s16 =	sadd.s32 $0x10, s5;
	[sflag:s7] =	ssyncadd.s32 $0xFFFF0000  }
0x26: {  	[tilespmem:s4], [sflag:$0x2] =	stream.strided.gather [hbm4b:s16+s6], $0x400, s8, s6, $0x38;
	[tilespmem:$0x10800] =	vst v63  }
0x27: {  	_ =	swait.ge [sflag:s7], $0x400  }
0x28: {  	[sflag:s7] =	ssyncset.done $0x0  }
0x29: {  	[sflag:s7] =	ssyncadd.s32 $0xFFFFFC00  }
0x2a: {  	[tilespmem:s9], [sflag:$0x1] =	stream.indirect.gather [hbm4b:s1+s13], $0x80, s4, s13, $0xb8;
	[tilespmem:$0x10800] =	vst v63  }
0x2b: {  	_ =	swait.ge [sflag:s11], $0x10000  }
0x2c: {  	s21 =	sadd.s32 $0x83C00, s17;
	[sflag:s11] =	ssyncset.done $0x0  }
0x2d: {  	s18 =	ssub.s32 $0x2, s18;
	s17 =	sadd.s32 s21, s19;
	[sflag:s11] =	ssyncadd.s32 $0xFFFF0000  }
0x2e: {  	[hbm4b:s17+s4] =	stream.linear.scatter [tilespmem:s9], [sflag:$0x2], $0x10000, $0x38;
	[tilespmem:$0x10800] =	vst v63  }
0x2f: {  	s31 =	sshrl.u32 s18, $0x1;
	_ =	swait.ge [sflag:s7], $0x10000  }
0x30: {  	s19 =	ssub.s32 s18, s31;
	[sflag:s7] =	ssyncset.done $0x0  }
0x31: {  	s19 =	smax.u32 s19, $0x1;
	[sflag:s7] =	ssyncadd.s32 $0xFFFF0000  }
0x32: {  	[tilespmem:s9], [sflag:$0x1] =	stream.indirect.gather [hbm4b:s1+s13], $0x80, s13, s13, $0xb8;
	[tilespmem:$0x10800] =	vst v63  }
0x33: {  	p0 =	sne.s32 s19, $0x1;
	_ =	swait.ge [sflag:s11], $0x10000  }
.Ltmp0:
0x34: {  	[sflag:s11] =	ssyncset.done $0x0;
	(pc) =	sbr.rel @!p0 .LBB2_2-.Ltmp0, $4  }
0x35: {  	s18 =	sadd.s32 s21, s20;
	[sflag:s11] =	ssyncadd.s32 $0xFFFF0000  }
0x36: {  	[hbm4b:s18+s4] =	stream.linear.scatter [tilespmem:s9], [sflag:$0x2], $0x10000, $0x38;
	[tilespmem:$0x10800] =	vst v63  }
0x37: {  	_ =	swait.ge [sflag:s7], $0x10000  }
0x38: {  	s19 =	sadd.s32 $0xFFFFFFFF, s19;
	[sflag:s7] =	ssyncset.done $0x0  }
.LBB2_1:
0x39: {  	p0 =	sne.s32 s19, $0x1;
	s19 =	sadd.s32 $0xFFFFFFFF, s19;
	[sflag:s7] =	ssyncadd.s32 $0xFFFF0000  }
0x3a: {  	[tilespmem:s4], [sflag:$0x2] =	stream.strided.gather [hbm4b:s5+s6], $0x400, s8, s6, $0x38;
	[tilespmem:$0x10800] =	vst v63  }
0x3b: {  	_ =	swait.ge [sflag:s7], $0x400  }
0x3c: {  	[sflag:s7] =	ssyncset.done $0x0  }
0x3d: {  	[sflag:s7] =	ssyncadd.s32 $0xFFFFFC00  }
0x3e: {  	[tilespmem:s10], [sflag:$0x1] =	stream.indirect.gather [hbm4b:s2+s9], $0x1, s4, s9, $0xb8;
	[tilespmem:$0x10800] =	vst v63  }
0x3f: {  	_ =	swait.ge [sflag:s11], $0x400  }
0x40: {  	[sflag:s11] =	ssyncset.done $0x0  }
0x41: {  	[sflag:s11] =	ssyncadd.s32 $0xFFFFFC00  }
0x42: {  	[hbm4b:s12+s4] =	stream.linear.scatter [tilespmem:s10], [sflag:$0x2], $0x400, $0x38;
	[tilespmem:$0x10800] =	vst v63  }
0x43: {  	_ =	swait.ge [sflag:s7], $0x400  }
0x44: {  	[sflag:s7] =	ssyncset.done $0x0  }
0x45: {  	[sflag:s7] =	ssyncadd.s32 $0xFFFFFC00  }
0x46: {  	[tilespmem:s9], [sflag:$0x1] =	stream.indirect.gather [hbm4b:s1+s13], $0x80, s4, s13, $0xb8;
	[tilespmem:$0x10800] =	vst v63  }
0x47: {  	_ =	swait.ge [sflag:s11], $0x10000  }
0x48: {  	[sflag:s11] =	ssyncset.done $0x0  }
0x49: {  	[sflag:s11] =	ssyncadd.s32 $0xFFFF0000  }
0x4a: {  	[hbm4b:s14+s4] =	stream.linear.scatter [tilespmem:s9], [sflag:$0x2], $0x10000, $0x38;
	[tilespmem:$0x10800] =	vst v63  }
0x4b: {  	_ =	swait.ge [sflag:s7], $0x10000  }
0x4c: {  	[sflag:s7] =	ssyncset.done $0x0  }
0x4d: {  	[sflag:s7] =	ssyncadd.s32 $0xFFFF0000  }
0x4e: {  	[tilespmem:s9], [sflag:$0x1] =	stream.indirect.gather [hbm4b:s1+s13], $0x80, s13, s13, $0xb8;
	[tilespmem:$0x10800] =	vst v63  }
0x4f: {  	_ =	swait.ge [sflag:s11], $0x10000  }
0x50: {  	[sflag:s11] =	ssyncset.done $0x0  }
0x51: {  	[sflag:s11] =	ssyncadd.s32 $0xFFFF0000  }
0x52: {  	[hbm4b:s15+s4] =	stream.linear.scatter [tilespmem:s9], [sflag:$0x2], $0x10000, $0x38;
	[tilespmem:$0x10800] =	vst v63  }
0x53: {  	_ =	swait.ge [sflag:s7], $0x10000  }
0x54: {  	[sflag:s7] =	ssyncset.done $0x0  }
0x55: {  	[sflag:s7] =	ssyncadd.s32 $0xFFFF0000  }
0x56: {  	[tilespmem:s4], [sflag:$0x2] =	stream.strided.gather [hbm4b:s16+s6], $0x400, s8, s6, $0x38;
	[tilespmem:$0x10800] =	vst v63  }
0x57: {  	_ =	swait.ge [sflag:s7], $0x400  }
0x58: {  	[sflag:s7] =	ssyncset.done $0x0  }
0x59: {  	[sflag:s7] =	ssyncadd.s32 $0xFFFFFC00  }
0x5a: {  	[tilespmem:s9], [sflag:$0x1] =	stream.indirect.gather [hbm4b:s1+s13], $0x80, s4, s13, $0xb8;
	[tilespmem:$0x10800] =	vst v63  }
0x5b: {  	_ =	swait.ge [sflag:s11], $0x10000  }
0x5c: {  	[sflag:s11] =	ssyncset.done $0x0  }
0x5d: {  	[sflag:s11] =	ssyncadd.s32 $0xFFFF0000  }
0x5e: {  	[hbm4b:s17+s4] =	stream.linear.scatter [tilespmem:s9], [sflag:$0x2], $0x10000, $0x38;
	[tilespmem:$0x10800] =	vst v63  }
0x5f: {  	_ =	swait.ge [sflag:s7], $0x10000  }
0x60: {  	[sflag:s7] =	ssyncset.done $0x0  }
0x61: {  	[sflag:s7] =	ssyncadd.s32 $0xFFFF0000  }
0x62: {  	[tilespmem:s9], [sflag:$0x1] =	stream.indirect.gather [hbm4b:s1+s13], $0x80, s13, s13, $0xb8;
	[tilespmem:$0x10800] =	vst v63  }
0x63: {  	_ =	swait.ge [sflag:s11], $0x10000  }
.Ltmp1:
0x64: {  	[sflag:s11] =	ssyncset.done $0x0;
	(pc) =	sbr.rel @p0 .LBB2_1-.Ltmp1, $4  }
0x65: {  	[sflag:s11] =	ssyncadd.s32 $0xFFFF0000  }
0x66: {  	[hbm4b:s18+s4] =	stream.linear.scatter [tilespmem:s9], [sflag:$0x2], $0x10000, $0x38;
	[tilespmem:$0x10800] =	vst v63  }
0x67: {  	_ =	swait.ge [sflag:s7], $0x10000  }
0x68: {  	[sflag:s7] =	ssyncset.done $0x0  }
.LBB2_2:
0x69: {  	[sflag:s7] =	ssyncadd.s32 $0xFFFF0000  }
0x6a: {  	_ =	sfence.sel $0x180000  }
0x6b: {  	[bflag:$0x0] =	sbarrier.arrive $0xFFFF  }
0x6c: {  	p0 =	sne.s32 s0, $0x0;
	_ =	strace $0x90000047  }
0x6d: {  	s0 =	sadd.s32 @!p0 $0x100000, s3;
	[bflag:$0x2] =	sbarrier.arrive $0xFFFF  }
0x6e: {  	[sflag:s0] =	ssyncadd.tile.s32 @!p0 $0x1;
	_ =	shalt  }
.Lfunc_end2:
_tile_overlayer_lowered:
.L_overlay_start_2:
0x6f: {  	(tag) =	ssettag $0x2  }
0x70: {  	s0 =	rddreg [dreg:$0x0];
	s2 =	stileid.u32  }
0x71: {  	s1 =	rddreg [dreg:$0x1];
	p0 =	sne.s32 s2, $0x0  }
0x72: {  	s3 =	rddreg [dreg:$0x2];
	[bflag:$0x3] =	sbarrier.arrive $0xFFFF;
	s2 =	simm.s32 @!p0 $0x1C02  }
0x73: {  	[timem:s3], [sflag:s2] =	dma.local @!p0 [hbm:s0], s1  }
0x74: {  	s0 =	simm.s32 @!p0 $0x2  }
0x75: {  	_ =	swait.ge @!p0 [sflag:s0], s1  }
0x76: {  	s1 =	ssub.s32 @!p0 $0x0, s1;
	[sflag:s0] =	ssyncset.done @!p0 $0x0  }
0x77: {  	[sflag:s0] =	ssyncadd.s32 @!p0 s1  }
0x78: {  	[bflag:$0x3] =	sbarrier.arrive $0xFFFF  }
0x79: {  	_ =	shalt  }

</sc_bundles>
